<compile_context>
chip_gen: v7x
topology: tpu7x:2x2x1
jax: 0.10.2.dev20260603
libtpu: 0.0.44.dev20260713+nightly
codegen_flags: <defaults>
</compile_context>

<pallas_src>
import functools

import jax
import jax.numpy as jnp
from jax import lax
from jax.experimental import pallas as pl
from jax.experimental.pallas import tpu as pltpu
from jax.experimental.pallas import tpu_sc as plsc

N = 10000
E = 320000
D = 16

NC = 2
NS = 16
NW = NC * NS
CH = 128
K = 6
L = 3
NROWS = E // CH
NCH = 78
N_PAD = 10112
ZROWS = N_PAD // NS

_mesh = plsc.VectorSubcoreMesh(core_axis_name="c", subcore_axis_name="s")
_f32 = jnp.float32


def _wid():
    return lax.axis_index("s") * NC + lax.axis_index("c")


def _load_edges(ei3, d, dstv, w):
    r0 = NCH * w + jnp.minimum(w, 4)
    pltpu.sync_copy(ei3.at[d, pl.ds(r0, NCH)], dstv.at[pl.ds(0, NCH)])

    @pl.when(w < 4)
    def _():
        pltpu.sync_copy(ei3.at[d, pl.ds(r0 + NCH, 1)], dstv.at[pl.ds(NCH, 1)])


def _deg_body(ei3, ones, zeros, out, colv, onesv, acc, sem):
    c = lax.axis_index("c")
    s = lax.axis_index("s")
    w = _wid()
    pltpu.sync_copy(zeros.at[pl.ds(s * ZROWS, ZROWS)], acc.at[pl.ds(s * ZROWS, ZROWS)])
    _load_edges(ei3, 1, colv, w)
    pltpu.sync_copy(ones, onesv)
    plsc.subcore_barrier()
    _scatter_chunks(colv, onesv, acc, sem)

    @pl.when(w < 4)
    def _():
        pltpu.sync_copy(onesv, acc.at[colv.at[NCH]], add=True)

    plsc.subcore_barrier()
    pltpu.sync_copy(acc.at[pl.ds(s * ZROWS, ZROWS)],
                    out.at[pl.ds(c * N_PAD + s * ZROWS, ZROWS)])


def _scatter_chunks(colv, src, acc, sem):

    def chunk(blk, carry):
        j0 = blk * 6
        descs = [pltpu.async_copy(src, acc.at[colv.at[j0 + b]], sem, add=True)
                 for b in range(6)]
        for d in descs:
            d.wait()
        return carry

    lax.fori_loop(0, NCH // 6, chunk, 0)


def _layer_body(ei3, ytab, zeros, out, rowv, colv, buf,
                acc, stab, gsem, ssem):
    c = lax.axis_index("c")
    s = lax.axis_index("s")
    pltpu.sync_copy(zeros.at[pl.ds(s * ZROWS, ZROWS)], acc.at[pl.ds(s * ZROWS, ZROWS)])
    pltpu.sync_copy(ytab.at[pl.ds(s * ZROWS, ZROWS)], stab.at[pl.ds(s * ZROWS, ZROWS)])
    w = _wid()
    _load_edges(ei3, 0, rowv, w)
    _load_edges(ei3, 1, colv, w)
    plsc.subcore_barrier()
    ytab = stab

    def fire_gather(j, b):
        pltpu.async_copy(ytab.at[rowv.at[j]], buf.at[b], gsem.at[b])

    def wait_gather(j, b):
        pltpu.make_async_copy(ytab.at[rowv.at[j]], buf.at[b], gsem.at[b]).wait()

    def fire_scatter(j, b):
        pltpu.async_copy(buf.at[b], acc.at[colv.at[j]], ssem.at[b], add=True)

    def wait_scatter(j, b):
        pltpu.make_async_copy(buf.at[b], acc.at[colv.at[j]], ssem.at[b]).wait()

    def step(j, jmod):
        b = jmod % K
        wait_gather(j, b)
        fire_scatter(j, b)
        jn, bn = j + L, (jmod + L) % K
        if not isinstance(jn, int) or jn < NCH:
            if not isinstance(jn, int) or jn >= K:
                wait_scatter(jn - K, bn)
            fire_gather(jn, bn)

    for j in range(L):
        fire_gather(j, j % K)

    def outer(blk, carry):
        j0 = blk * K
        for b in range(K):
            step(j0 + b, b)
        return carry

    for b in range(K):
        step(b, b)
    lax.fori_loop(1, NCH // K - 1, outer, 0)
    for b in range(K):
        step(NCH - K + b, b)
    for b in range(K):
        wait_scatter(NCH - K + b, b)

    @pl.when(w < 4)
    def _():
        pltpu.sync_copy(ytab.at[rowv.at[NCH]], buf.at[0])
        pltpu.sync_copy(buf.at[0], acc.at[colv.at[NCH]], add=True)

    plsc.subcore_barrier()
    pltpu.sync_copy(acc.at[pl.ds(s * ZROWS, ZROWS)],
                    out.at[pl.ds(c * N_PAD + s * ZROWS, ZROWS)])


_deg_call = pl.kernel(
    _deg_body,
    out_type=jax.ShapeDtypeStruct((NC * N_PAD,), _f32),
    mesh=_mesh,
    compiler_params=pltpu.CompilerParams(use_tc_tiling_on_sc=False),
    scratch_types=[
        pltpu.VMEM((NCH + 1, CH), jnp.int32),
        pltpu.VMEM((CH,), _f32),
        pltpu.VMEM_SHARED((N_PAD,), _f32),
        pltpu.SemaphoreType.DMA,
    ],
)

_layer1d_call = pl.kernel(
    _layer_body,
    out_type=jax.ShapeDtypeStruct((NC * N_PAD,), _f32),
    mesh=_mesh,
    compiler_params=pltpu.CompilerParams(use_tc_tiling_on_sc=False),
    scratch_types=[
        pltpu.VMEM((NCH + 1, CH), jnp.int32),
        pltpu.VMEM((NCH + 1, CH), jnp.int32),
        pltpu.VMEM((K, CH), _f32),
        pltpu.VMEM_SHARED((N_PAD,), _f32),
        pltpu.VMEM_SHARED((N_PAD,), _f32),
        pltpu.SemaphoreType.DMA((K,)),
        pltpu.SemaphoreType.DMA((K,)),
    ],
)

_layer_call = pl.kernel(
    _layer_body,
    out_type=jax.ShapeDtypeStruct((NC * N_PAD, D), _f32),
    mesh=_mesh,
    compiler_params=pltpu.CompilerParams(use_tc_tiling_on_sc=False),
    scratch_types=[
        pltpu.VMEM((NCH + 1, CH), jnp.int32),
        pltpu.VMEM((NCH + 1, CH), jnp.int32),
        pltpu.VMEM((K, CH, D), _f32),
        pltpu.VMEM_SHARED((N_PAD, D), _f32),
        pltpu.VMEM_SHARED((N_PAD, D), _f32),
        pltpu.SemaphoreType.DMA((K,)),
        pltpu.SemaphoreType.DMA((K,)),
    ],
)


def _tca_body(x_ref, w1_ref, xw_ref):
    xw_ref[...] = jnp.dot(x_ref[...], w1_ref[...], preferred_element_type=_f32)


def _tcb_body(degs_ref, xw_ref, y_ref, dis_ref, dis1_ref):
    deg1 = degs_ref[0:N] + degs_ref[N_PAD:N_PAD + N] + 1.0
    dis1 = lax.rsqrt(deg1)
    dis = jnp.broadcast_to(dis1[:, None], (N, D))
    y_ref[0:N, :] = dis * xw_ref[...]
    y_ref[N:N_PAD, :] = jnp.zeros((N_PAD - N, D), _f32)
    dis_ref[...] = dis
    dis1_ref[...] = dis1


def _tc2_body(acc_ref, xw_ref, dis_ref, w2_ref, b1_ref, y2_ref, hw2_ref):
    a = acc_ref[0:N, :] + acc_ref[N_PAD:N_PAD + N, :]
    dis = dis_ref[...]
    h = dis * (a + dis * xw_ref[...]) + b1_ref[...]
    h = jnp.maximum(h, 0.0)
    hw2 = jnp.dot(h, w2_ref[...], preferred_element_type=_f32)[:, 0]
    dis1 = dis[:, 0]
    y2_ref[0:N] = dis1 * hw2
    y2_ref[N:N_PAD] = jnp.zeros((N_PAD - N,), _f32)
    hw2_ref[...] = hw2


def _tc3_body(acc_ref, hw2_ref, dis1_ref, b2_ref, out_ref):
    a = acc_ref[0:N] + acc_ref[N_PAD:N_PAD + N]
    dis1 = dis1_ref[...]
    out_ref[...] = dis1 * a + dis1 * dis1 * hw2_ref[...] + b2_ref[...]


_sds = jax.ShapeDtypeStruct

_tca_call = pl.pallas_call(
    _tca_body,
    out_shape=_sds((N, D), _f32),
)

_tcb_call = pl.pallas_call(
    _tcb_body,
    out_shape=(_sds((N_PAD, D), _f32), _sds((N, D), _f32), _sds((N,), _f32)),
)

_tc2_call = pl.pallas_call(
    _tc2_body,
    out_shape=(_sds((N_PAD,), _f32), _sds((N,), _f32)),
)

_tc3_call = pl.pallas_call(
    _tc3_body,
    out_shape=_sds((N,), _f32),
)


def kernel(x, edge_index, W1, b1, W2, b2):
    ei3 = edge_index.astype(jnp.int32).reshape(2, NROWS, CH)

    zeros = jnp.zeros((N_PAD, D), dtype=_f32)
    ones1 = jnp.ones((CH,), dtype=_f32)
    zeros1 = jnp.zeros((N_PAD,), dtype=_f32)

    degs = _deg_call(ei3, ones1, zeros1)
    xw1 = _tca_call(x, W1)
    y1p, dis, dis1 = _tcb_call(degs, xw1)
    acc1 = _layer_call(ei3, y1p, zeros)

    y2p, hw2 = _tc2_call(acc1, xw1, dis, W2, b1.reshape(1, D))
    acc2 = _layer1d_call(ei3, y2p, zeros1)

    out1 = _tc3_call(acc2, hw2, dis1, b2)
    return out1.reshape(N, 1)

# --- scband reference (transcript-rebuilt; emitter-appended) ---
"""Pipeline reference for scband-gcn-4836133175947 (READ-ONLY COPY).

The authoritative reference and input builder live on the scoring server;
editing this copy changes nothing except your own understanding.
"""

import jax, jax.numpy as jnp
import numpy as np

N_NODES = 10000
N_EDGES = 320000
D_IN = 128
D_HID = 16
D_OUT = 1


def gcn_conv(x, edge_index, W, b):
    # Faithful PyG GCNConv: linear transform, add self-loops, symmetric normalization,
    # scatter-add aggregation at target nodes, then bias.
    N = x.shape[0]
    loop = jnp.arange(N, dtype=edge_index.dtype)
    row = jnp.concatenate([edge_index[0], loop])  # source
    col = jnp.concatenate([edge_index[1], loop])  # target (aggregation)
    ones = jnp.ones(row.shape[0], dtype=x.dtype)
    deg = jax.ops.segment_sum(ones, col, num_segments=N)
    deg_inv_sqrt = jnp.where(deg > 0, deg ** -0.5, 0.0)
    norm = deg_inv_sqrt[row] * deg_inv_sqrt[col]
    xw = x @ W
    msgs = norm[:, None] * jnp.take(xw, row, axis=0)
    out = jax.ops.segment_sum(msgs, col, num_segments=N)
    return out + b


def setup_inputs(seed: int = 0) -> dict:
    key = jax.random.key(seed)
    kx, ke, kw1, kw2 = jax.random.split(key, 4)
    x = jax.random.normal(kx, (N_NODES, D_IN), dtype=jnp.float32)
    edge_index = jax.random.randint(ke, (2, N_EDGES), 0, N_NODES, dtype=jnp.int64)
    W1 = jax.random.normal(kw1, (D_IN, D_HID), dtype=jnp.float32) * (1.0 / np.sqrt(D_IN))
    b1 = jnp.zeros((D_HID,), dtype=jnp.float32)
    W2 = jax.random.normal(kw2, (D_HID, D_OUT), dtype=jnp.float32) * (1.0 / np.sqrt(D_HID))
    b2 = jnp.zeros((D_OUT,), dtype=jnp.float32)
    return {"x": x, "edge_index": edge_index, "W1": W1, "b1": b1, "W2": W2, "b2": b2}


def reference(x, edge_index, W1, b1, W2, b2):
    h = gcn_conv(x, edge_index, W1, b1)
    h = jax.nn.relu(h)
    out = gcn_conv(h, edge_index, W2, b2)
    return out

if __name__ == "__main__":
    import jax
    _d = setup_inputs()
    print(jax.jit(kernel)(*tuple(_d.values())))

</pallas_src>

<mosaic_0001>
#map = affine_map<(d0, d1) -> (0, 0, 0)>
#map1 = affine_map<(d0, d1) -> (0)>
module attributes {stable_mosaic.version = 14 : i64} {
  func.func @_deg_body(%arg0: i32, %arg1: i32, %arg2: memref<2x2500x128xi32, #tpu.memory_space<hbm>>, %arg3: memref<128xf32, #tpu.memory_space<hbm>>, %arg4: memref<10112xf32, #tpu.memory_space<hbm>>, %arg5: memref<20224xf32, #tpu.memory_space<hbm>>, %arg6: memref<79x128xi32, #tpu.memory_space<vmem>>, %arg7: memref<128xf32, #tpu.memory_space<vmem>>, %arg8: memref<10112xf32, #tpu.memory_space<vmem_shared>>, %arg9: memref<!tpu.dma_semaphore, #tpu.memory_space<semaphore_mem>>) attributes {dimension_semantics = [#tpu.dimension_semantics<core_parallel>, #tpu.dimension_semantics<subcore_parallel>], iteration_bounds = array<i64: 2, 16>, scalar_prefetch = 0 : i64, scratch_operands = 4 : i64, tpu.core_type = #tpu.core_type<sc_vector_subcore>, window_params = [{transform_indices = #map}, {transform_indices = #map1}, {transform_indices = #map1}, {transform_indices = #map1}]} {
    %mul3A = arith.constant 2 : i32
    %mul3A_0 = arith.muli %arg1, %mul3A : i32
    %add3A = arith.addi %mul3A_0, %arg0 : i32
    %mul3A_1 = arith.constant 632 : i32
    %mul3A_2 = arith.muli %arg1, %mul3A_1 : i32
    %mul3A_3 = arith.constant 632 : i32
    %mul3A_4 = arith.muli %arg1, %mul3A_3 : i32
    "tpu.region"() ({
      %run_scoped3A_29 = tpu.sem_alloc : memref<!tpu.dma_semaphore, #tpu.memory_space<semaphore_mem>>
      %dma_start3A = tpu.memref_slice %arg8[%mul3A_4] : memref<10112xf32, #tpu.memory_space<vmem_shared>> -> memref<632xf32, #tpu.memory_space<vmem_shared>>
      %dma_start3A_30 = tpu.memref_slice %arg4[%mul3A_2] : memref<10112xf32, #tpu.memory_space<hbm>> -> memref<632xf32, #tpu.memory_space<hbm>>
      tpu.enqueue_dma source(%dma_start3A_30 : memref<632xf32, #tpu.memory_space<hbm>>) target(%dma_start3A : memref<632xf32, #tpu.memory_space<vmem_shared>>) target_semaphore(%run_scoped3A_29 : memref<!tpu.dma_semaphore, #tpu.memory_space<semaphore_mem>>)
      %dma_wait3A = tpu.memref_slice %arg8[%mul3A_4] : memref<10112xf32, #tpu.memory_space<vmem_shared>> -> memref<632xf32, #tpu.memory_space<vmem_shared>>
      %dma_wait3A_31 = tpu.memref_slice %arg4[%mul3A_2] : memref<10112xf32, #tpu.memory_space<hbm>> -> memref<632xf32, #tpu.memory_space<hbm>>
      tpu.wait_dma2 semaphore(%run_scoped3A_29 : memref<!tpu.dma_semaphore, #tpu.memory_space<semaphore_mem>>) src(%dma_wait3A_31 : memref<632xf32, #tpu.memory_space<hbm>>) dst(%dma_wait3A : memref<632xf32, #tpu.memory_space<vmem_shared>>)
      tpu.yield
    }) : () -> ()
    %mul3A_5 = arith.constant 78 : i32
    %mul3A_6 = arith.muli %mul3A_5, %add3A : i32
    %min3A = arith.constant 4 : i32
    %min3A_7 = arith.minsi %add3A, %min3A : i32
    %add3A_8 = arith.addi %mul3A_6, %min3A_7 : i32
    %run_scoped3A = arith.constant 1 : i32
    "tpu.region"() ({
      %run_scoped3A_29 = tpu.sem_alloc : memref<!tpu.dma_semaphore, #tpu.memory_space<semaphore_mem>>
      %dma_start3A = arith.constant 0 : i32
      %dma_start3A_30 = arith.constant 0 : i32
      %dma_start3A_31 = tpu.memref_slice %arg6[%dma_start3A, %dma_start3A_30] : memref<79x128xi32, #tpu.memory_space<vmem>> -> memref<78x128xi32, #tpu.memory_space<vmem>>
      %dma_start3A_32 = arith.constant 0 : i32
      %dma_start3A_33 = tpu.memref_slice %arg2[%run_scoped3A, %add3A_8, %dma_start3A_32] : memref<2x2500x128xi32, #tpu.memory_space<hbm>> -> memref<1x78x128xi32, #tpu.memory_space<hbm>>
      %dma_start3A_34 = tpu.memref_squeeze %dma_start3A_33 : memref<1x78x128xi32, #tpu.memory_space<hbm>> -> memref<78x128xi32, #tpu.memory_space<hbm>>
      %dma_start3A_35 = arith.constant 0 : i32
      %dma_start3A_36 = arith.constant 0 : i32
      %dma_start3A_37 = tpu.memref_slice %arg6[%dma_start3A_35, %dma_start3A_36] : memref<79x128xi32, #tpu.memory_space<vmem>> -> memref<78x128xi32, #tpu.memory_space<vmem>>
      %dma_start3A_38 = arith.constant 0 : i32
      %dma_start3A_39 = tpu.memref_slice %arg2[%run_scoped3A, %add3A_8, %dma_start3A_38] : memref<2x2500x128xi32, #tpu.memory_space<hbm>> -> memref<1x78x128xi32, #tpu.memory_space<hbm>>
      %dma_start3A_40 = tpu.memref_squeeze %dma_start3A_39 : memref<1x78x128xi32, #tpu.memory_space<hbm>> -> memref<78x128xi32, #tpu.memory_space<hbm>>
      tpu.enqueue_dma source(%dma_start3A_40 : memref<78x128xi32, #tpu.memory_space<hbm>>) target(%dma_start3A_37 : memref<78x128xi32, #tpu.memory_space<vmem>>) target_semaphore(%run_scoped3A_29 : memref<!tpu.dma_semaphore, #tpu.memory_space<semaphore_mem>>)
      %dma_wait3A = arith.constant 0 : i32
      %dma_wait3A_41 = arith.constant 0 : i32
      %dma_wait3A_42 = tpu.memref_slice %arg6[%dma_wait3A, %dma_wait3A_41] : memref<79x128xi32, #tpu.memory_space<vmem>> -> memref<78x128xi32, #tpu.memory_space<vmem>>
      %dma_wait3A_43 = arith.constant 0 : i32
      %dma_wait3A_44 = tpu.memref_slice %arg2[%run_scoped3A, %add3A_8, %dma_wait3A_43] : memref<2x2500x128xi32, #tpu.memory_space<hbm>> -> memref<1x78x128xi32, #tpu.memory_space<hbm>>
      %dma_wait3A_45 = tpu.memref_squeeze %dma_wait3A_44 : memref<1x78x128xi32, #tpu.memory_space<hbm>> -> memref<78x128xi32, #tpu.memory_space<hbm>>
      %dma_wait3A_46 = arith.constant 0 : i32
      %dma_wait3A_47 = arith.constant 0 : i32
      %dma_wait3A_48 = tpu.memref_slice %arg6[%dma_wait3A_46, %dma_wait3A_47] : memref<79x128xi32, #tpu.memory_space<vmem>> -> memref<78x128xi32, #tpu.memory_space<vmem>>
      %dma_wait3A_49 = arith.constant 0 : i32
      %dma_wait3A_50 = tpu.memref_slice %arg2[%run_scoped3A, %add3A_8, %dma_wait3A_49] : memref<2x2500x128xi32, #tpu.memory_space<hbm>> -> memref<1x78x128xi32, #tpu.memory_space<hbm>>
      %dma_wait3A_51 = tpu.memref_squeeze %dma_wait3A_50 : memref<1x78x128xi32, #tpu.memory_space<hbm>> -> memref<78x128xi32, #tpu.memory_space<hbm>>
      tpu.wait_dma2 semaphore(%run_scoped3A_29 : memref<!tpu.dma_semaphore, #tpu.memory_space<semaphore_mem>>) src(%dma_wait3A_51 : memref<78x128xi32, #tpu.memory_space<hbm>>) dst(%dma_wait3A_48 : memref<78x128xi32, #tpu.memory_space<vmem>>)
      tpu.yield
    }) : () -> ()
    %lt3A = arith.constant 4 : i32
    %lt3A_9 = arith.cmpi slt, %add3A, %lt3A : i32
    %convert_element_type3A = arith.extui %lt3A_9 : i1 to i32
    %cond3A = arith.constant 0 : i32
    %cond3A_10 = arith.cmpi ne, %convert_element_type3A, %cond3A : i32
    scf.if %cond3A_10 {
      %add3A_29 = arith.constant 78 : i32
      %add3A_30 = arith.addi %add3A_8, %add3A_29 : i32
      %run_scoped3A_31 = arith.constant 1 : i32
      "tpu.region"() ({
        %run_scoped3A_32 = tpu.sem_alloc : memref<!tpu.dma_semaphore, #tpu.memory_space<semaphore_mem>>
        %dma_start3A = arith.constant 78 : i32
        %dma_start3A_33 = arith.constant 0 : i32
        %dma_start3A_34 = tpu.memref_slice %arg6[%dma_start3A, %dma_start3A_33] : memref<79x128xi32, #tpu.memory_space<vmem>> -> memref<1x128xi32, #tpu.memory_space<vmem>>
        %dma_start3A_35 = arith.constant 0 : i32
        %dma_start3A_36 = tpu.memref_slice %arg2[%run_scoped3A_31, %add3A_30, %dma_start3A_35] : memref<2x2500x128xi32, #tpu.memory_space<hbm>> -> memref<1x1x128xi32, #tpu.memory_space<hbm>>
        %dma_start3A_37 = tpu.memref_squeeze %dma_start3A_36 : memref<1x1x128xi32, #tpu.memory_space<hbm>> -> memref<1x128xi32, #tpu.memory_space<hbm>>
        %dma_start3A_38 = arith.constant 78 : i32
        %dma_start3A_39 = arith.constant 0 : i32
        %dma_start3A_40 = tpu.memref_slice %arg6[%dma_start3A_38, %dma_start3A_39] : memref<79x128xi32, #tpu.memory_space<vmem>> -> memref<1x128xi32, #tpu.memory_space<vmem>>
        %dma_start3A_41 = arith.constant 0 : i32
        %dma_start3A_42 = tpu.memref_slice %arg2[%run_scoped3A_31, %add3A_30, %dma_start3A_41] : memref<2x2500x128xi32, #tpu.memory_space<hbm>> -> memref<1x1x128xi32, #tpu.memory_space<hbm>>
        %dma_start3A_43 = tpu.memref_squeeze %dma_start3A_42 : memref<1x1x128xi32, #tpu.memory_space<hbm>> -> memref<1x128xi32, #tpu.memory_space<hbm>>
        tpu.enqueue_dma source(%dma_start3A_43 : memref<1x128xi32, #tpu.memory_space<hbm>>) target(%dma_start3A_40 : memref<1x128xi32, #tpu.memory_space<vmem>>) target_semaphore(%run_scoped3A_32 : memref<!tpu.dma_semaphore, #tpu.memory_space<semaphore_mem>>)
        %dma_wait3A = arith.constant 78 : i32
        %dma_wait3A_44 = arith.constant 0 : i32
        %dma_wait3A_45 = tpu.memref_slice %arg6[%dma_wait3A, %dma_wait3A_44] : memref<79x128xi32, #tpu.memory_space<vmem>> -> memref<1x128xi32, #tpu.memory_space<vmem>>
        %dma_wait3A_46 = arith.constant 0 : i32
        %dma_wait3A_47 = tpu.memref_slice %arg2[%run_scoped3A_31, %add3A_30, %dma_wait3A_46] : memref<2x2500x128xi32, #tpu.memory_space<hbm>> -> memref<1x1x128xi32, #tpu.memory_space<hbm>>
        %dma_wait3A_48 = tpu.memref_squeeze %dma_wait3A_47 : memref<1x1x128xi32, #tpu.memory_space<hbm>> -> memref<1x128xi32, #tpu.memory_space<hbm>>
        %dma_wait3A_49 = arith.constant 78 : i32
        %dma_wait3A_50 = arith.constant 0 : i32
        %dma_wait3A_51 = tpu.memref_slice %arg6[%dma_wait3A_49, %dma_wait3A_50] : memref<79x128xi32, #tpu.memory_space<vmem>> -> memref<1x128xi32, #tpu.memory_space<vmem>>
        %dma_wait3A_52 = arith.constant 0 : i32
        %dma_wait3A_53 = tpu.memref_slice %arg2[%run_scoped3A_31, %add3A_30, %dma_wait3A_52] : memref<2x2500x128xi32, #tpu.memory_space<hbm>> -> memref<1x1x128xi32, #tpu.memory_space<hbm>>
        %dma_wait3A_54 = tpu.memref_squeeze %dma_wait3A_53 : memref<1x1x128xi32, #tpu.memory_space<hbm>> -> memref<1x128xi32, #tpu.memory_space<hbm>>
        tpu.wait_dma2 semaphore(%run_scoped3A_32 : memref<!tpu.dma_semaphore, #tpu.memory_space<semaphore_mem>>) src(%dma_wait3A_54 : memref<1x128xi32, #tpu.memory_space<hbm>>) dst(%dma_wait3A_51 : memref<1x128xi32, #tpu.memory_space<vmem>>)
        tpu.yield
      }) : () -> ()
    } else {
    }
    "tpu.region"() ({
      %run_scoped3A_29 = tpu.sem_alloc : memref<!tpu.dma_semaphore, #tpu.memory_space<semaphore_mem>>
      tpu.enqueue_dma source(%arg3 : memref<128xf32, #tpu.memory_space<hbm>>) target(%arg7 : memref<128xf32, #tpu.memory_space<vmem>>) target_semaphore(%run_scoped3A_29 : memref<!tpu.dma_semaphore, #tpu.memory_space<semaphore_mem>>)
      tpu.wait_dma2 semaphore(%run_scoped3A_29 : memref<!tpu.dma_semaphore, #tpu.memory_space<semaphore_mem>>) src(%arg3 : memref<128xf32, #tpu.memory_space<hbm>>) dst(%arg7 : memref<128xf32, #tpu.memory_space<vmem>>)
      tpu.yield
    }) : () -> ()
    %barrier3A = arith.constant 0 : index
    tpu.barrier barrier_id(%barrier3A)
    %scan3A = arith.constant 0 : i32
    %scan3A_11 = arith.constant 0 : i32
    %scan3A_12 = arith.constant 13 : i32
    %scan3A_13 = arith.addi %scan3A_11, %scan3A_12 : i32
    %scan3A_14 = arith.constant 1 : i32
    scf.for %scan3A_29 = %scan3A_11 to %scan3A_13 step %scan3A_14  : i32 {
      %mul3A_30 = arith.constant 6 : i32
      %mul3A_31 = arith.muli %scan3A_29, %mul3A_30 : i32
      %add3A_32 = arith.constant 0 : i32
      %add3A_33 = arith.addi %mul3A_31, %add3A_32 : i32
      %dma_start3A = arith.constant 0 : i32
      %dma_start3A_34 = tpu.memref_slice %arg6[%add3A_33, %dma_start3A] : memref<79x128xi32, #tpu.memory_space<vmem>> -> memref<1x128xi32, #tpu.memory_space<vmem>>
      %dma_start3A_35 = tpu.memref_squeeze %dma_start3A_34 : memref<1x128xi32, #tpu.memory_space<vmem>> -> memref<128xi32, #tpu.memory_space<vmem>>
      %dma_start3A_36 = arith.constant 0 : i32
      %dma_start3A_37 = tpu.memref_slice %arg8[%dma_start3A_36] : memref<10112xf32, #tpu.memory_space<vmem_shared>> -> memref<10112xf32, #tpu.memory_space<vmem_shared>>
      tpu.enqueue_indirect_dma source(%arg7 : memref<128xf32, #tpu.memory_space<vmem>>) target(%dma_start3A_37 : memref<10112xf32, #tpu.memory_space<vmem_shared>>) offsets(%dma_start3A_35 : memref<128xi32, #tpu.memory_space<vmem>>) semaphore(%arg9 : memref<!tpu.dma_semaphore, #tpu.memory_space<semaphore_mem>>) {add = true}
      %add3A_38 = arith.constant 1 : i32
      %add3A_39 = arith.addi %mul3A_31, %add3A_38 : i32
      %dma_start3A_40 = arith.constant 0 : i32
      %dma_start3A_41 = tpu.memref_slice %arg6[%add3A_39, %dma_start3A_40] : memref<79x128xi32, #tpu.memory_space<vmem>> -> memref<1x128xi32, #tpu.memory_space<vmem>>
      %dma_start3A_42 = tpu.memref_squeeze %dma_start3A_41 : memref<1x128xi32, #tpu.memory_space<vmem>> -> memref<128xi32, #tpu.memory_space<vmem>>
      %dma_start3A_43 = arith.constant 0 : i32
      %dma_start3A_44 = tpu.memref_slice %arg8[%dma_start3A_43] : memref<10112xf32, #tpu.memory_space<vmem_shared>> -> memref<10112xf32, #tpu.memory_space<vmem_shared>>
      tpu.enqueue_indirect_dma source(%arg7 : memref<128xf32, #tpu.memory_space<vmem>>) target(%dma_start3A_44 : memref<10112xf32, #tpu.memory_space<vmem_shared>>) offsets(%dma_start3A_42 : memref<128xi32, #tpu.memory_space<vmem>>) semaphore(%arg9 : memref<!tpu.dma_semaphore, #tpu.memory_space<semaphore_mem>>) {add = true}
      %add3A_45 = arith.constant 2 : i32
      %add3A_46 = arith.addi %mul3A_31, %add3A_45 : i32
      %dma_start3A_47 = arith.constant 0 : i32
      %dma_start3A_48 = tpu.memref_slice %arg6[%add3A_46, %dma_start3A_47] : memref<79x128xi32, #tpu.memory_space<vmem>> -> memref<1x128xi32, #tpu.memory_space<vmem>>
      %dma_start3A_49 = tpu.memref_squeeze %dma_start3A_48 : memref<1x128xi32, #tpu.memory_space<vmem>> -> memref<128xi32, #tpu.memory_space<vmem>>
      %dma_start3A_50 = arith.constant 0 : i32
      %dma_start3A_51 = tpu.memref_slice %arg8[%dma_start3A_50] : memref<10112xf32, #tpu.memory_space<vmem_shared>> -> memref<10112xf32, #tpu.memory_space<vmem_shared>>
      tpu.enqueue_indirect_dma source(%arg7 : memref<128xf32, #tpu.memory_space<vmem>>) target(%dma_start3A_51 : memref<10112xf32, #tpu.memory_space<vmem_shared>>) offsets(%dma_start3A_49 : memref<128xi32, #tpu.memory_space<vmem>>) semaphore(%arg9 : memref<!tpu.dma_semaphore, #tpu.memory_space<semaphore_mem>>) {add = true}
      %add3A_52 = arith.constant 3 : i32
      %add3A_53 = arith.addi %mul3A_31, %add3A_52 : i32
      %dma_start3A_54 = arith.constant 0 : i32
      %dma_start3A_55 = tpu.memref_slice %arg6[%add3A_53, %dma_start3A_54] : memref<79x128xi32, #tpu.memory_space<vmem>> -> memref<1x128xi32, #tpu.memory_space<vmem>>
      %dma_start3A_56 = tpu.memref_squeeze %dma_start3A_55 : memref<1x128xi32, #tpu.memory_space<vmem>> -> memref<128xi32, #tpu.memory_space<vmem>>
      %dma_start3A_57 = arith.constant 0 : i32
      %dma_start3A_58 = tpu.memref_slice %arg8[%dma_start3A_57] : memref<10112xf32, #tpu.memory_space<vmem_shared>> -> memref<10112xf32, #tpu.memory_space<vmem_shared>>
      tpu.enqueue_indirect_dma source(%arg7 : memref<128xf32, #tpu.memory_space<vmem>>) target(%dma_start3A_58 : memref<10112xf32, #tpu.memory_space<vmem_shared>>) offsets(%dma_start3A_56 : memref<128xi32, #tpu.memory_space<vmem>>) semaphore(%arg9 : memref<!tpu.dma_semaphore, #tpu.memory_space<semaphore_mem>>) {add = true}
      %add3A_59 = arith.constant 4 : i32
      %add3A_60 = arith.addi %mul3A_31, %add3A_59 : i32
      %dma_start3A_61 = arith.constant 0 : i32
      %dma_start3A_62 = tpu.memref_slice %arg6[%add3A_60, %dma_start3A_61] : memref<79x128xi32, #tpu.memory_space<vmem>> -> memref<1x128xi32, #tpu.memory_space<vmem>>
      %dma_start3A_63 = tpu.memref_squeeze %dma_start3A_62 : memref<1x128xi32, #tpu.memory_space<vmem>> -> memref<128xi32, #tpu.memory_space<vmem>>
      %dma_start3A_64 = arith.constant 0 : i32
      %dma_start3A_65 = tpu.memref_slice %arg8[%dma_start3A_64] : memref<10112xf32, #tpu.memory_space<vmem_shared>> -> memref<10112xf32, #tpu.memory_space<vmem_shared>>
      tpu.enqueue_indirect_dma source(%arg7 : memref<128xf32, #tpu.memory_space<vmem>>) target(%dma_start3A_65 : memref<10112xf32, #tpu.memory_space<vmem_shared>>) offsets(%dma_start3A_63 : memref<128xi32, #tpu.memory_space<vmem>>) semaphore(%arg9 : memref<!tpu.dma_semaphore, #tpu.memory_space<semaphore_mem>>) {add = true}
      %add3A_66 = arith.constant 5 : i32
      %add3A_67 = arith.addi %mul3A_31, %add3A_66 : i32
      %dma_start3A_68 = arith.constant 0 : i32
      %dma_start3A_69 = tpu.memref_slice %arg6[%add3A_67, %dma_start3A_68] : memref<79x128xi32, #tpu.memory_space<vmem>> -> memref<1x128xi32, #tpu.memory_space<vmem>>
      %dma_start3A_70 = tpu.memref_squeeze %dma_start3A_69 : memref<1x128xi32, #tpu.memory_space<vmem>> -> memref<128xi32, #tpu.memory_space<vmem>>
      %dma_start3A_71 = arith.constant 0 : i32
      %dma_start3A_72 = tpu.memref_slice %arg8[%dma_start3A_71] : memref<10112xf32, #tpu.memory_space<vmem_shared>> -> memref<10112xf32, #tpu.memory_space<vmem_shared>>
      tpu.enqueue_indirect_dma source(%arg7 : memref<128xf32, #tpu.memory_space<vmem>>) target(%dma_start3A_72 : memref<10112xf32, #tpu.memory_space<vmem_shared>>) offsets(%dma_start3A_70 : memref<128xi32, #tpu.memory_space<vmem>>) semaphore(%arg9 : memref<!tpu.dma_semaphore, #tpu.memory_space<semaphore_mem>>) {add = true}
      %dma_wait3A = arith.constant 0 : i32
      %dma_wait3A_73 = tpu.memref_slice %arg6[%add3A_33, %dma_wait3A] : memref<79x128xi32, #tpu.memory_space<vmem>> -> memref<1x128xi32, #tpu.memory_space<vmem>>
      %dma_wait3A_74 = tpu.memref_squeeze %dma_wait3A_73 : memref<1x128xi32, #tpu.memory_space<vmem>> -> memref<128xi32, #tpu.memory_space<vmem>>
      %dma_wait3A_75 = arith.constant 0 : i32
      %dma_wait3A_76 = tpu.memref_slice %arg8[%dma_wait3A_75] : memref<10112xf32, #tpu.memory_space<vmem_shared>> -> memref<10112xf32, #tpu.memory_space<vmem_shared>>
      tpu.wait_indirect_dma semaphore(%arg9 : memref<!tpu.dma_semaphore, #tpu.memory_space<semaphore_mem>>) src(%arg7 : memref<128xf32, #tpu.memory_space<vmem>>) dst(%dma_wait3A_76 : memref<10112xf32, #tpu.memory_space<vmem_shared>>)
      %dma_wait3A_77 = arith.constant 0 : i32
      %dma_wait3A_78 = tpu.memref_slice %arg6[%add3A_39, %dma_wait3A_77] : memref<79x128xi32, #tpu.memory_space<vmem>> -> memref<1x128xi32, #tpu.memory_space<vmem>>
      %dma_wait3A_79 = tpu.memref_squeeze %dma_wait3A_78 : memref<1x128xi32, #tpu.memory_space<vmem>> -> memref<128xi32, #tpu.memory_space<vmem>>
      %dma_wait3A_80 = arith.constant 0 : i32
      %dma_wait3A_81 = tpu.memref_slice %arg8[%dma_wait3A_80] : memref<10112xf32, #tpu.memory_space<vmem_shared>> -> memref<10112xf32, #tpu.memory_space<vmem_shared>>
      tpu.wait_indirect_dma semaphore(%arg9 : memref<!tpu.dma_semaphore, #tpu.memory_space<semaphore_mem>>) src(%arg7 : memref<128xf32, #tpu.memory_space<vmem>>) dst(%dma_wait3A_81 : memref<10112xf32, #tpu.memory_space<vmem_shared>>)
      %dma_wait3A_82 = arith.constant 0 : i32
      %dma_wait3A_83 = tpu.memref_slice %arg6[%add3A_46, %dma_wait3A_82] : memref<79x128xi32, #tpu.memory_space<vmem>> -> memref<1x128xi32, #tpu.memory_space<vmem>>
      %dma_wait3A_84 = tpu.memref_squeeze %dma_wait3A_83 : memref<1x128xi32, #tpu.memory_space<vmem>> -> memref<128xi32, #tpu.memory_space<vmem>>
      %dma_wait3A_85 = arith.constant 0 : i32
      %dma_wait3A_86 = tpu.memref_slice %arg8[%dma_wait3A_85] : memref<10112xf32, #tpu.memory_space<vmem_shared>> -> memref<10112xf32, #tpu.memory_space<vmem_shared>>
      tpu.wait_indirect_dma semaphore(%arg9 : memref<!tpu.dma_semaphore, #tpu.memory_space<semaphore_mem>>) src(%arg7 : memref<128xf32, #tpu.memory_space<vmem>>) dst(%dma_wait3A_86 : memref<10112xf32, #tpu.memory_space<vmem_shared>>)
      %dma_wait3A_87 = arith.constant 0 : i32
      %dma_wait3A_88 = tpu.memref_slice %arg6[%add3A_53, %dma_wait3A_87] : memref<79x128xi32, #tpu.memory_space<vmem>> -> memref<1x128xi32, #tpu.memory_space<vmem>>
      %dma_wait3A_89 = tpu.memref_squeeze %dma_wait3A_88 : memref<1x128xi32, #tpu.memory_space<vmem>> -> memref<128xi32, #tpu.memory_space<vmem>>
      %dma_wait3A_90 = arith.constant 0 : i32
      %dma_wait3A_91 = tpu.memref_slice %arg8[%dma_wait3A_90] : memref<10112xf32, #tpu.memory_space<vmem_shared>> -> memref<10112xf32, #tpu.memory_space<vmem_shared>>
      tpu.wait_indirect_dma semaphore(%arg9 : memref<!tpu.dma_semaphore, #tpu.memory_space<semaphore_mem>>) src(%arg7 : memref<128xf32, #tpu.memory_space<vmem>>) dst(%dma_wait3A_91 : memref<10112xf32, #tpu.memory_space<vmem_shared>>)
      %dma_wait3A_92 = arith.constant 0 : i32
      %dma_wait3A_93 = tpu.memref_slice %arg6[%add3A_60, %dma_wait3A_92] : memref<79x128xi32, #tpu.memory_space<vmem>> -> memref<1x128xi32, #tpu.memory_space<vmem>>
      %dma_wait3A_94 = tpu.memref_squeeze %dma_wait3A_93 : memref<1x128xi32, #tpu.memory_space<vmem>> -> memref<128xi32, #tpu.memory_space<vmem>>
      %dma_wait3A_95 = arith.constant 0 : i32
      %dma_wait3A_96 = tpu.memref_slice %arg8[%dma_wait3A_95] : memref<10112xf32, #tpu.memory_space<vmem_shared>> -> memref<10112xf32, #tpu.memory_space<vmem_shared>>
      tpu.wait_indirect_dma semaphore(%arg9 : memref<!tpu.dma_semaphore, #tpu.memory_space<semaphore_mem>>) src(%arg7 : memref<128xf32, #tpu.memory_space<vmem>>) dst(%dma_wait3A_96 : memref<10112xf32, #tpu.memory_space<vmem_shared>>)
      %dma_wait3A_97 = arith.constant 0 : i32
      %dma_wait3A_98 = tpu.memref_slice %arg6[%add3A_67, %dma_wait3A_97] : memref<79x128xi32, #tpu.memory_space<vmem>> -> memref<1x128xi32, #tpu.memory_space<vmem>>
      %dma_wait3A_99 = tpu.memref_squeeze %dma_wait3A_98 : memref<1x128xi32, #tpu.memory_space<vmem>> -> memref<128xi32, #tpu.memory_space<vmem>>
      %dma_wait3A_100 = arith.constant 0 : i32
      %dma_wait3A_101 = tpu.memref_slice %arg8[%dma_wait3A_100] : memref<10112xf32, #tpu.memory_space<vmem_shared>> -> memref<10112xf32, #tpu.memory_space<vmem_shared>>
      tpu.wait_indirect_dma semaphore(%arg9 : memref<!tpu.dma_semaphore, #tpu.memory_space<semaphore_mem>>) src(%arg7 : memref<128xf32, #tpu.memory_space<vmem>>) dst(%dma_wait3A_101 : memref<10112xf32, #tpu.memory_space<vmem_shared>>)
    }
    %scan3A_15 = arith.constant 13 : i32
    %lt3A_16 = arith.constant 4 : i32
    %lt3A_17 = arith.cmpi slt, %add3A, %lt3A_16 : i32
    %convert_element_type3A_18 = arith.extui %lt3A_17 : i1 to i32
    %cond3A_19 = arith.constant 0 : i32
    %cond3A_20 = arith.cmpi ne, %convert_element_type3A_18, %cond3A_19 : i32
    scf.if %cond3A_20 {
      %run_scoped3A_29 = arith.constant 78 : i32
      "tpu.region"() ({
        %run_scoped3A_30 = tpu.sem_alloc : memref<!tpu.dma_semaphore, #tpu.memory_space<semaphore_mem>>
        %dma_start3A = arith.constant 0 : i32
        %dma_start3A_31 = tpu.memref_slice %arg6[%run_scoped3A_29, %dma_start3A] : memref<79x128xi32, #tpu.memory_space<vmem>> -> memref<1x128xi32, #tpu.memory_space<vmem>>
        %dma_start3A_32 = tpu.memref_squeeze %dma_start3A_31 : memref<1x128xi32, #tpu.memory_space<vmem>> -> memref<128xi32, #tpu.memory_space<vmem>>
        %dma_start3A_33 = arith.constant 0 : i32
        %dma_start3A_34 = tpu.memref_slice %arg8[%dma_start3A_33] : memref<10112xf32, #tpu.memory_space<vmem_shared>> -> memref<10112xf32, #tpu.memory_space<vmem_shared>>
        tpu.enqueue_indirect_dma source(%arg7 : memref<128xf32, #tpu.memory_space<vmem>>) target(%dma_start3A_34 : memref<10112xf32, #tpu.memory_space<vmem_shared>>) offsets(%dma_start3A_32 : memref<128xi32, #tpu.memory_space<vmem>>) semaphore(%run_scoped3A_30 : memref<!tpu.dma_semaphore, #tpu.memory_space<semaphore_mem>>) {add = true}
        %dma_wait3A = arith.constant 0 : i32
        %dma_wait3A_35 = tpu.memref_slice %arg6[%run_scoped3A_29, %dma_wait3A] : memref<79x128xi32, #tpu.memory_space<vmem>> -> memref<1x128xi32, #tpu.memory_space<vmem>>
        %dma_wait3A_36 = tpu.memref_squeeze %dma_wait3A_35 : memref<1x128xi32, #tpu.memory_space<vmem>> -> memref<128xi32, #tpu.memory_space<vmem>>
        %dma_wait3A_37 = arith.constant 0 : i32
        %dma_wait3A_38 = tpu.memref_slice %arg8[%dma_wait3A_37] : memref<10112xf32, #tpu.memory_space<vmem_shared>> -> memref<10112xf32, #tpu.memory_space<vmem_shared>>
        tpu.wait_indirect_dma semaphore(%run_scoped3A_30 : memref<!tpu.dma_semaphore, #tpu.memory_space<semaphore_mem>>) src(%arg7 : memref<128xf32, #tpu.memory_space<vmem>>) dst(%dma_wait3A_38 : memref<10112xf32, #tpu.memory_space<vmem_shared>>)
        tpu.yield
      }) : () -> ()
    } else {
    }
    %barrier3A_21 = arith.constant 0 : index
    tpu.barrier barrier_id(%barrier3A_21)
    %mul3A_22 = arith.constant 632 : i32
    %mul3A_23 = arith.muli %arg1, %mul3A_22 : i32
    %mul3A_24 = arith.constant 10112 : i32
    %mul3A_25 = arith.muli %arg0, %mul3A_24 : i32
    %mul3A_26 = arith.constant 632 : i32
    %mul3A_27 = arith.muli %arg1, %mul3A_26 : i32
    %add3A_28 = arith.addi %mul3A_25, %mul3A_27 : i32
    "tpu.region"() ({
      %run_scoped3A_29 = tpu.sem_alloc : memref<!tpu.dma_semaphore, #tpu.memory_space<semaphore_mem>>
      %dma_start3A = tpu.memref_slice %arg5[%add3A_28] : memref<20224xf32, #tpu.memory_space<hbm>> -> memref<632xf32, #tpu.memory_space<hbm>>
      %dma_start3A_30 = tpu.memref_slice %arg8[%mul3A_23] : memref<10112xf32, #tpu.memory_space<vmem_shared>> -> memref<632xf32, #tpu.memory_space<vmem_shared>>
      tpu.enqueue_dma source(%dma_start3A_30 : memref<632xf32, #tpu.memory_space<vmem_shared>>) target(%dma_start3A : memref<632xf32, #tpu.memory_space<hbm>>) target_semaphore(%run_scoped3A_29 : memref<!tpu.dma_semaphore, #tpu.memory_space<semaphore_mem>>)
      %dma_wait3A = tpu.memref_slice %arg5[%add3A_28] : memref<20224xf32, #tpu.memory_space<hbm>> -> memref<632xf32, #tpu.memory_space<hbm>>
      %dma_wait3A_31 = tpu.memref_slice %arg8[%mul3A_23] : memref<10112xf32, #tpu.memory_space<vmem_shared>> -> memref<632xf32, #tpu.memory_space<vmem_shared>>
      tpu.wait_dma2 semaphore(%run_scoped3A_29 : memref<!tpu.dma_semaphore, #tpu.memory_space<semaphore_mem>>) src(%dma_wait3A_31 : memref<632xf32, #tpu.memory_space<vmem_shared>>) dst(%dma_wait3A : memref<632xf32, #tpu.memory_space<hbm>>)
      tpu.yield
    }) : () -> ()
    return
  }
}

#map = affine_map<(d0, d1) -> (0, 0, 0)>
#map1 = affine_map<(d0, d1) -> (0, 0)>
module attributes {stable_mosaic.version = 14 : i64} {
  func.func @_layer_body(%arg0: i32, %arg1: i32, %arg2: memref<2x2500x128xi32, #tpu.memory_space<hbm>>, %arg3: memref<10112x16xf32, #tpu.memory_space<hbm>>, %arg4: memref<10112x16xf32, #tpu.memory_space<hbm>>, %arg5: memref<20224x16xf32, #tpu.memory_space<hbm>>, %arg6: memref<79x128xi32, #tpu.memory_space<vmem>>, %arg7: memref<79x128xi32, #tpu.memory_space<vmem>>, %arg8: memref<6x128x16xf32, #tpu.memory_space<vmem>>, %arg9: memref<10112x16xf32, #tpu.memory_space<vmem_shared>>, %arg10: memref<10112x16xf32, #tpu.memory_space<vmem_shared>>, %arg11: memref<6x!tpu.dma_semaphore, #tpu.memory_space<semaphore_mem>>, %arg12: memref<6x!tpu.dma_semaphore, #tpu.memory_space<semaphore_mem>>) attributes {dimension_semantics = [#tpu.dimension_semantics<core_parallel>, #tpu.dimension_semantics<subcore_parallel>], iteration_bounds = array<i64: 2, 16>, scalar_prefetch = 0 : i64, scratch_operands = 7 : i64, tpu.core_type = #tpu.core_type<sc_vector_subcore>, window_params = [{transform_indices = #map}, {transform_indices = #map1}, {transform_indices = #map1}, {transform_indices = #map1}]} {
    %mul3A = arith.constant 632 : i32
    %mul3A_0 = arith.muli %arg1, %mul3A : i32
    %mul3A_1 = arith.constant 632 : i32
    %mul3A_2 = arith.muli %arg1, %mul3A_1 : i32
    "tpu.region"() ({
      %run_scoped3A_762 = tpu.sem_alloc : memref<!tpu.dma_semaphore, #tpu.memory_space<semaphore_mem>>
      %dma_start3A_763 = arith.constant 0 : i32
      %dma_start3A_764 = tpu.memref_slice %arg9[%mul3A_2, %dma_start3A_763] : memref<10112x16xf32, #tpu.memory_space<vmem_shared>> -> memref<632x16xf32, #tpu.memory_space<vmem_shared>>
      %dma_start3A_765 = arith.constant 0 : i32
      %dma_start3A_766 = tpu.memref_slice %arg4[%mul3A_0, %dma_start3A_765] : memref<10112x16xf32, #tpu.memory_space<hbm>> -> memref<632x16xf32, #tpu.memory_space<hbm>>
      tpu.enqueue_dma source(%dma_start3A_766 : memref<632x16xf32, #tpu.memory_space<hbm>>) target(%dma_start3A_764 : memref<632x16xf32, #tpu.memory_space<vmem_shared>>) target_semaphore(%run_scoped3A_762 : memref<!tpu.dma_semaphore, #tpu.memory_space<semaphore_mem>>)
      %dma_wait3A_767 = arith.constant 0 : i32
      %dma_wait3A_768 = tpu.memref_slice %arg9[%mul3A_2, %dma_wait3A_767] : memref<10112x16xf32, #tpu.memory_space<vmem_shared>> -> memref<632x16xf32, #tpu.memory_space<vmem_shared>>
      %dma_wait3A_769 = arith.constant 0 : i32
      %dma_wait3A_770 = tpu.memref_slice %arg4[%mul3A_0, %dma_wait3A_769] : memref<10112x16xf32, #tpu.memory_space<hbm>> -> memref<632x16xf32, #tpu.memory_space<hbm>>
      tpu.wait_dma2 semaphore(%run_scoped3A_762 : memref<!tpu.dma_semaphore, #tpu.memory_space<semaphore_mem>>) src(%dma_wait3A_770 : memref<632x16xf32, #tpu.memory_space<hbm>>) dst(%dma_wait3A_768 : memref<632x16xf32, #tpu.memory_space<vmem_shared>>)
      tpu.yield
    }) : () -> ()
    %mul3A_3 = arith.constant 632 : i32
    %mul3A_4 = arith.muli %arg1, %mul3A_3 : i32
    %mul3A_5 = arith.constant 632 : i32
    %mul3A_6 = arith.muli %arg1, %mul3A_5 : i32
    "tpu.region"() ({
      %run_scoped3A_762 = tpu.sem_alloc : memref<!tpu.dma_semaphore, #tpu.memory_space<semaphore_mem>>
      %dma_start3A_763 = arith.constant 0 : i32
      %dma_start3A_764 = tpu.memref_slice %arg10[%mul3A_6, %dma_start3A_763] : memref<10112x16xf32, #tpu.memory_space<vmem_shared>> -> memref<632x16xf32, #tpu.memory_space<vmem_shared>>
      %dma_start3A_765 = arith.constant 0 : i32
      %dma_start3A_766 = tpu.memref_slice %arg3[%mul3A_4, %dma_start3A_765] : memref<10112x16xf32, #tpu.memory_space<hbm>> -> memref<632x16xf32, #tpu.memory_space<hbm>>
      tpu.enqueue_dma source(%dma_start3A_766 : memref<632x16xf32, #tpu.memory_space<hbm>>) target(%dma_start3A_764 : memref<632x16xf32, #tpu.memory_space<vmem_shared>>) target_semaphore(%run_scoped3A_762 : memref<!tpu.dma_semaphore, #tpu.memory_space<semaphore_mem>>)
      %dma_wait3A_767 = arith.constant 0 : i32
      %dma_wait3A_768 = tpu.memref_slice %arg10[%mul3A_6, %dma_wait3A_767] : memref<10112x16xf32, #tpu.memory_space<vmem_shared>> -> memref<632x16xf32, #tpu.memory_space<vmem_shared>>
      %dma_wait3A_769 = arith.constant 0 : i32
      %dma_wait3A_770 = tpu.memref_slice %arg3[%mul3A_4, %dma_wait3A_769] : memref<10112x16xf32, #tpu.memory_space<hbm>> -> memref<632x16xf32, #tpu.memory_space<hbm>>
      tpu.wait_dma2 semaphore(%run_scoped3A_762 : memref<!tpu.dma_semaphore, #tpu.memory_space<semaphore_mem>>) src(%dma_wait3A_770 : memref<632x16xf32, #tpu.memory_space<hbm>>) dst(%dma_wait3A_768 : memref<632x16xf32, #tpu.memory_space<vmem_shared>>)
      tpu.yield
    }) : () -> ()
    %mul3A_7 = arith.constant 2 : i32
    %mul3A_8 = arith.muli %arg1, %mul3A_7 : i32
    %add3A = arith.addi %mul3A_8, %arg0 : i32
    %mul3A_9 = arith.constant 78 : i32
    %mul3A_10 = arith.muli %mul3A_9, %add3A : i32
    %min3A = arith.constant 4 : i32
    %min3A_11 = arith.minsi %add3A, %min3A : i32
    %add3A_12 = arith.addi %mul3A_10, %min3A_11 : i32
    %run_scoped3A = arith.constant 0 : i32
    "tpu.region"() ({
      %run_scoped3A_762 = tpu.sem_alloc : memref<!tpu.dma_semaphore, #tpu.memory_space<semaphore_mem>>
      %dma_start3A_763 = arith.constant 0 : i32
      %dma_start3A_764 = arith.constant 0 : i32
      %dma_start3A_765 = tpu.memref_slice %arg6[%dma_start3A_763, %dma_start3A_764] : memref<79x128xi32, #tpu.memory_space<vmem>> -> memref<78x128xi32, #tpu.memory_space<vmem>>
      %dma_start3A_766 = arith.constant 0 : i32
      %dma_start3A_767 = tpu.memref_slice %arg2[%run_scoped3A, %add3A_12, %dma_start3A_766] : memref<2x2500x128xi32, #tpu.memory_space<hbm>> -> memref<1x78x128xi32, #tpu.memory_space<hbm>>
      %dma_start3A_768 = tpu.memref_squeeze %dma_start3A_767 : memref<1x78x128xi32, #tpu.memory_space<hbm>> -> memref<78x128xi32, #tpu.memory_space<hbm>>
      %dma_start3A_769 = arith.constant 0 : i32
      %dma_start3A_770 = arith.constant 0 : i32
      %dma_start3A_771 = tpu.memref_slice %arg6[%dma_start3A_769, %dma_start3A_770] : memref<79x128xi32, #tpu.memory_space<vmem>> -> memref<78x128xi32, #tpu.memory_space<vmem>>
      %dma_start3A_772 = arith.constant 0 : i32
      %dma_start3A_773 = tpu.memref_slice %arg2[%run_scoped3A, %add3A_12, %dma_start3A_772] : memref<2x2500x128xi32, #tpu.memory_space<hbm>> -> memref<1x78x128xi32, #tpu.memory_space<hbm>>
      %dma_start3A_774 = tpu.memref_squeeze %dma_start3A_773 : memref<1x78x128xi32, #tpu.memory_space<hbm>> -> memref<78x128xi32, #tpu.memory_space<hbm>>
      tpu.enqueue_dma source(%dma_start3A_774 : memref<78x128xi32, #tpu.memory_space<hbm>>) target(%dma_start3A_771 : memref<78x128xi32, #tpu.memory_space<vmem>>) target_semaphore(%run_scoped3A_762 : memref<!tpu.dma_semaphore, #tpu.memory_space<semaphore_mem>>)
      %dma_wait3A_775 = arith.constant 0 : i32
      %dma_wait3A_776 = arith.constant 0 : i32
      %dma_wait3A_777 = tpu.memref_slice %arg6[%dma_wait3A_775, %dma_wait3A_776] : memref<79x128xi32, #tpu.memory_space<vmem>> -> memref<78x128xi32, #tpu.memory_space<vmem>>
      %dma_wait3A_778 = arith.constant 0 : i32
      %dma_wait3A_779 = tpu.memref_slice %arg2[%run_scoped3A, %add3A_12, %dma_wait3A_778] : memref<2x2500x128xi32, #tpu.memory_space<hbm>> -> memref<1x78x128xi32, #tpu.memory_space<hbm>>
      %dma_wait3A_780 = tpu.memref_squeeze %dma_wait3A_779 : memref<1x78x128xi32, #tpu.memory_space<hbm>> -> memref<78x128xi32, #tpu.memory_space<hbm>>
      %dma_wait3A_781 = arith.constant 0 : i32
      %dma_wait3A_782 = arith.constant 0 : i32
      %dma_wait3A_783 = tpu.memref_slice %arg6[%dma_wait3A_781, %dma_wait3A_782] : memref<79x128xi32, #tpu.memory_space<vmem>> -> memref<78x128xi32, #tpu.memory_space<vmem>>
      %dma_wait3A_784 = arith.constant 0 : i32
      %dma_wait3A_785 = tpu.memref_slice %arg2[%run_scoped3A, %add3A_12, %dma_wait3A_784] : memref<2x2500x128xi32, #tpu.memory_space<hbm>> -> memref<1x78x128xi32, #tpu.memory_space<hbm>>
      %dma_wait3A_786 = tpu.memref_squeeze %dma_wait3A_785 : memref<1x78x128xi32, #tpu.memory_space<hbm>> -> memref<78x128xi32, #tpu.memory_space<hbm>>
      tpu.wait_dma2 semaphore(%run_scoped3A_762 : memref<!tpu.dma_semaphore, #tpu.memory_space<semaphore_mem>>) src(%dma_wait3A_786 : memref<78x128xi32, #tpu.memory_space<hbm>>) dst(%dma_wait3A_783 : memref<78x128xi32, #tpu.memory_space<vmem>>)
      tpu.yield
    }) : () -> ()
    %lt3A = arith.constant 4 : i32
    %lt3A_13 = arith.cmpi slt, %add3A, %lt3A : i32
    %convert_element_type3A = arith.extui %lt3A_13 : i1 to i32
    %cond3A = arith.constant 0 : i32
    %cond3A_14 = arith.cmpi ne, %convert_element_type3A, %cond3A : i32
    scf.if %cond3A_14 {
      %add3A_762 = arith.constant 78 : i32
      %add3A_763 = arith.addi %add3A_12, %add3A_762 : i32
      %run_scoped3A_764 = arith.constant 0 : i32
      "tpu.region"() ({
        %run_scoped3A_765 = tpu.sem_alloc : memref<!tpu.dma_semaphore, #tpu.memory_space<semaphore_mem>>
        %dma_start3A_766 = arith.constant 78 : i32
        %dma_start3A_767 = arith.constant 0 : i32
        %dma_start3A_768 = tpu.memref_slice %arg6[%dma_start3A_766, %dma_start3A_767] : memref<79x128xi32, #tpu.memory_space<vmem>> -> memref<1x128xi32, #tpu.memory_space<vmem>>
        %dma_start3A_769 = arith.constant 0 : i32
        %dma_start3A_770 = tpu.memref_slice %arg2[%run_scoped3A_764, %add3A_763, %dma_start3A_769] : memref<2x2500x128xi32, #tpu.memory_space<hbm>> -> memref<1x1x128xi32, #tpu.memory_space<hbm>>
        %dma_start3A_771 = tpu.memref_squeeze %dma_start3A_770 : memref<1x1x128xi32, #tpu.memory_space<hbm>> -> memref<1x128xi32, #tpu.memory_space<hbm>>
        %dma_start3A_772 = arith.constant 78 : i32
        %dma_start3A_773 = arith.constant 0 : i32
        %dma_start3A_774 = tpu.memref_slice %arg6[%dma_start3A_772, %dma_start3A_773] : memref<79x128xi32, #tpu.memory_space<vmem>> -> memref<1x128xi32, #tpu.memory_space<vmem>>
        %dma_start3A_775 = arith.constant 0 : i32
        %dma_start3A_776 = tpu.memref_slice %arg2[%run_scoped3A_764, %add3A_763, %dma_start3A_775] : memref<2x2500x128xi32, #tpu.memory_space<hbm>> -> memref<1x1x128xi32, #tpu.memory_space<hbm>>
        %dma_start3A_777 = tpu.memref_squeeze %dma_start3A_776 : memref<1x1x128xi32, #tpu.memory_space<hbm>> -> memref<1x128xi32, #tpu.memory_space<hbm>>
        tpu.enqueue_dma source(%dma_start3A_777 : memref<1x128xi32, #tpu.memory_space<hbm>>) target(%dma_start3A_774 : memref<1x128xi32, #tpu.memory_space<vmem>>) target_semaphore(%run_scoped3A_765 : memref<!tpu.dma_semaphore, #tpu.memory_space<semaphore_mem>>)
        %dma_wait3A_778 = arith.constant 78 : i32
        %dma_wait3A_779 = arith.constant 0 : i32
        %dma_wait3A_780 = tpu.memref_slice %arg6[%dma_wait3A_778, %dma_wait3A_779] : memref<79x128xi32, #tpu.memory_space<vmem>> -> memref<1x128xi32, #tpu.memory_space<vmem>>
        %dma_wait3A_781 = arith.constant 0 : i32
        %dma_wait3A_782 = tpu.memref_slice %arg2[%run_scoped3A_764, %add3A_763, %dma_wait3A_781] : memref<2x2500x128xi32, #tpu.memory_space<hbm>> -> memref<1x1x128xi32, #tpu.memory_space<hbm>>
        %dma_wait3A_783 = tpu.memref_squeeze %dma_wait3A_782 : memref<1x1x128xi32, #tpu.memory_space<hbm>> -> memref<1x128xi32, #tpu.memory_space<hbm>>
        %dma_wait3A_784 = arith.constant 78 : i32
        %dma_wait3A_785 = arith.constant 0 : i32
        %dma_wait3A_786 = tpu.memref_slice %arg6[%dma_wait3A_784, %dma_wait3A_785] : memref<79x128xi32, #tpu.memory_space<vmem>> -> memref<1x128xi32, #tpu.memory_space<vmem>>
        %dma_wait3A_787 = arith.constant 0 : i32
        %dma_wait3A_788 = tpu.memref_slice %arg2[%run_scoped3A_764, %add3A_763, %dma_wait3A_787] : memref<2x2500x128xi32, #tpu.memory_space<hbm>> -> memref<1x1x128xi32, #tpu.memory_space<hbm>>
        %dma_wait3A_789 = tpu.memref_squeeze %dma_wait3A_788 : memref<1x1x128xi32, #tpu.memory_space<hbm>> -> memref<1x128xi32, #tpu.memory_space<hbm>>
        tpu.wait_dma2 semaphore(%run_scoped3A_765 : memref<!tpu.dma_semaphore, #tpu.memory_space<semaphore_mem>>) src(%dma_wait3A_789 : memref<1x128xi32, #tpu.memory_space<hbm>>) dst(%dma_wait3A_786 : memref<1x128xi32, #tpu.memory_space<vmem>>)
        tpu.yield
      }) : () -> ()
    } else {
    }
    %mul3A_15 = arith.constant 78 : i32
    %mul3A_16 = arith.muli %mul3A_15, %add3A : i32
    %min3A_17 = arith.constant 4 : i32
    %min3A_18 = arith.minsi %add3A, %min3A_17 : i32
    %add3A_19 = arith.addi %mul3A_16, %min3A_18 : i32
    %run_scoped3A_20 = arith.constant 1 : i32
    "tpu.region"() ({
      %run_scoped3A_762 = tpu.sem_alloc : memref<!tpu.dma_semaphore, #tpu.memory_space<semaphore_mem>>
      %dma_start3A_763 = arith.constant 0 : i32
      %dma_start3A_764 = arith.constant 0 : i32
      %dma_start3A_765 = tpu.memref_slice %arg7[%dma_start3A_763, %dma_start3A_764] : memref<79x128xi32, #tpu.memory_space<vmem>> -> memref<78x128xi32, #tpu.memory_space<vmem>>
      %dma_start3A_766 = arith.constant 0 : i32
      %dma_start3A_767 = tpu.memref_slice %arg2[%run_scoped3A_20, %add3A_19, %dma_start3A_766] : memref<2x2500x128xi32, #tpu.memory_space<hbm>> -> memref<1x78x128xi32, #tpu.memory_space<hbm>>
      %dma_start3A_768 = tpu.memref_squeeze %dma_start3A_767 : memref<1x78x128xi32, #tpu.memory_space<hbm>> -> memref<78x128xi32, #tpu.memory_space<hbm>>
      %dma_start3A_769 = arith.constant 0 : i32
      %dma_start3A_770 = arith.constant 0 : i32
      %dma_start3A_771 = tpu.memref_slice %arg7[%dma_start3A_769, %dma_start3A_770] : memref<79x128xi32, #tpu.memory_space<vmem>> -> memref<78x128xi32, #tpu.memory_space<vmem>>
      %dma_start3A_772 = arith.constant 0 : i32
      %dma_start3A_773 = tpu.memref_slice %arg2[%run_scoped3A_20, %add3A_19, %dma_start3A_772] : memref<2x2500x128xi32, #tpu.memory_space<hbm>> -> memref<1x78x128xi32, #tpu.memory_space<hbm>>
      %dma_start3A_774 = tpu.memref_squeeze %dma_start3A_773 : memref<1x78x128xi32, #tpu.memory_space<hbm>> -> memref<78x128xi32, #tpu.memory_space<hbm>>
      tpu.enqueue_dma source(%dma_start3A_774 : memref<78x128xi32, #tpu.memory_space<hbm>>) target(%dma_start3A_771 : memref<78x128xi32, #tpu.memory_space<vmem>>) target_semaphore(%run_scoped3A_762 : memref<!tpu.dma_semaphore, #tpu.memory_space<semaphore_mem>>)
      %dma_wait3A_775 = arith.constant 0 : i32
      %dma_wait3A_776 = arith.constant 0 : i32
      %dma_wait3A_777 = tpu.memref_slice %arg7[%dma_wait3A_775, %dma_wait3A_776] : memref<79x128xi32, #tpu.memory_space<vmem>> -> memref<78x128xi32, #tpu.memory_space<vmem>>
      %dma_wait3A_778 = arith.constant 0 : i32
      %dma_wait3A_779 = tpu.memref_slice %arg2[%run_scoped3A_20, %add3A_19, %dma_wait3A_778] : memref<2x2500x128xi32, #tpu.memory_space<hbm>> -> memref<1x78x128xi32, #tpu.memory_space<hbm>>
      %dma_wait3A_780 = tpu.memref_squeeze %dma_wait3A_779 : memref<1x78x128xi32, #tpu.memory_space<hbm>> -> memref<78x128xi32, #tpu.memory_space<hbm>>
      %dma_wait3A_781 = arith.constant 0 : i32
      %dma_wait3A_782 = arith.constant 0 : i32
      %dma_wait3A_783 = tpu.memref_slice %arg7[%dma_wait3A_781, %dma_wait3A_782] : memref<79x128xi32, #tpu.memory_space<vmem>> -> memref<78x128xi32, #tpu.memory_space<vmem>>
      %dma_wait3A_784 = arith.constant 0 : i32
      %dma_wait3A_785 = tpu.memref_slice %arg2[%run_scoped3A_20, %add3A_19, %dma_wait3A_784] : memref<2x2500x128xi32, #tpu.memory_space<hbm>> -> memref<1x78x128xi32, #tpu.memory_space<hbm>>
      %dma_wait3A_786 = tpu.memref_squeeze %dma_wait3A_785 : memref<1x78x128xi32, #tpu.memory_space<hbm>> -> memref<78x128xi32, #tpu.memory_space<hbm>>
      tpu.wait_dma2 semaphore(%run_scoped3A_762 : memref<!tpu.dma_semaphore, #tpu.memory_space<semaphore_mem>>) src(%dma_wait3A_786 : memref<78x128xi32, #tpu.memory_space<hbm>>) dst(%dma_wait3A_783 : memref<78x128xi32, #tpu.memory_space<vmem>>)
      tpu.yield
    }) : () -> ()
    %lt3A_21 = arith.constant 4 : i32
    %lt3A_22 = arith.cmpi slt, %add3A, %lt3A_21 : i32
    %convert_element_type3A_23 = arith.extui %lt3A_22 : i1 to i32
    %cond3A_24 = arith.constant 0 : i32
    %cond3A_25 = arith.cmpi ne, %convert_element_type3A_23, %cond3A_24 : i32
    scf.if %cond3A_25 {
      %add3A_762 = arith.constant 78 : i32
      %add3A_763 = arith.addi %add3A_19, %add3A_762 : i32
      %run_scoped3A_764 = arith.constant 1 : i32
      "tpu.region"() ({
        %run_scoped3A_765 = tpu.sem_alloc : memref<!tpu.dma_semaphore, #tpu.memory_space<semaphore_mem>>
        %dma_start3A_766 = arith.constant 78 : i32
        %dma_start3A_767 = arith.constant 0 : i32
        %dma_start3A_768 = tpu.memref_slice %arg7[%dma_start3A_766, %dma_start3A_767] : memref<79x128xi32, #tpu.memory_space<vmem>> -> memref<1x128xi32, #tpu.memory_space<vmem>>
        %dma_start3A_769 = arith.constant 0 : i32
        %dma_start3A_770 = tpu.memref_slice %arg2[%run_scoped3A_764, %add3A_763, %dma_start3A_769] : memref<2x2500x128xi32, #tpu.memory_space<hbm>> -> memref<1x1x128xi32, #tpu.memory_space<hbm>>
        %dma_start3A_771 = tpu.memref_squeeze %dma_start3A_770 : memref<1x1x128xi32, #tpu.memory_space<hbm>> -> memref<1x128xi32, #tpu.memory_space<hbm>>
        %dma_start3A_772 = arith.constant 78 : i32
        %dma_start3A_773 = arith.constant 0 : i32
        %dma_start3A_774 = tpu.memref_slice %arg7[%dma_start3A_772, %dma_start3A_773] : memref<79x128xi32, #tpu.memory_space<vmem>> -> memref<1x128xi32, #tpu.memory_space<vmem>>
        %dma_start3A_775 = arith.constant 0 : i32
        %dma_start3A_776 = tpu.memref_slice %arg2[%run_scoped3A_764, %add3A_763, %dma_start3A_775] : memref<2x2500x128xi32, #tpu.memory_space<hbm>> -> memref<1x1x128xi32, #tpu.memory_space<hbm>>
        %dma_start3A_777 = tpu.memref_squeeze %dma_start3A_776 : memref<1x1x128xi32, #tpu.memory_space<hbm>> -> memref<1x128xi32, #tpu.memory_space<hbm>>
        tpu.enqueue_dma source(%dma_start3A_777 : memref<1x128xi32, #tpu.memory_space<hbm>>) target(%dma_start3A_774 : memref<1x128xi32, #tpu.memory_space<vmem>>) target_semaphore(%run_scoped3A_765 : memref<!tpu.dma_semaphore, #tpu.memory_space<semaphore_mem>>)
        %dma_wait3A_778 = arith.constant 78 : i32
        %dma_wait3A_779 = arith.constant 0 : i32
        %dma_wait3A_780 = tpu.memref_slice %arg7[%dma_wait3A_778, %dma_wait3A_779] : memref<79x128xi32, #tpu.memory_space<vmem>> -> memref<1x128xi32, #tpu.memory_space<vmem>>
        %dma_wait3A_781 = arith.constant 0 : i32
        %dma_wait3A_782 = tpu.memref_slice %arg2[%run_scoped3A_764, %add3A_763, %dma_wait3A_781] : memref<2x2500x128xi32, #tpu.memory_space<hbm>> -> memref<1x1x128xi32, #tpu.memory_space<hbm>>
        %dma_wait3A_783 = tpu.memref_squeeze %dma_wait3A_782 : memref<1x1x128xi32, #tpu.memory_space<hbm>> -> memref<1x128xi32, #tpu.memory_space<hbm>>
        %dma_wait3A_784 = arith.constant 78 : i32
        %dma_wait3A_785 = arith.constant 0 : i32
        %dma_wait3A_786 = tpu.memref_slice %arg7[%dma_wait3A_784, %dma_wait3A_785] : memref<79x128xi32, #tpu.memory_space<vmem>> -> memref<1x128xi32, #tpu.memory_space<vmem>>
        %dma_wait3A_787 = arith.constant 0 : i32
        %dma_wait3A_788 = tpu.memref_slice %arg2[%run_scoped3A_764, %add3A_763, %dma_wait3A_787] : memref<2x2500x128xi32, #tpu.memory_space<hbm>> -> memref<1x1x128xi32, #tpu.memory_space<hbm>>
        %dma_wait3A_789 = tpu.memref_squeeze %dma_wait3A_788 : memref<1x1x128xi32, #tpu.memory_space<hbm>> -> memref<1x128xi32, #tpu.memory_space<hbm>>
        tpu.wait_dma2 semaphore(%run_scoped3A_765 : memref<!tpu.dma_semaphore, #tpu.memory_space<semaphore_mem>>) src(%dma_wait3A_789 : memref<1x128xi32, #tpu.memory_space<hbm>>) dst(%dma_wait3A_786 : memref<1x128xi32, #tpu.memory_space<vmem>>)
        tpu.yield
      }) : () -> ()
    } else {
    }
    %barrier3A = arith.constant 0 : index
    tpu.barrier barrier_id(%barrier3A)
    %dma_start3A = arith.constant 0 : i32
    %dma_start3A_26 = arith.constant 0 : i32
    %dma_start3A_27 = arith.constant 0 : i32
    %dma_start3A_28 = arith.constant 0 : i32
    %dma_start3A_29 = arith.constant 0 : i32
    %dma_start3A_30 = tpu.memref_slice %arg8[%dma_start3A_26, %dma_start3A_28, %dma_start3A_29] : memref<6x128x16xf32, #tpu.memory_space<vmem>> -> memref<1x128x16xf32, #tpu.memory_space<vmem>>
    %dma_start3A_31 = tpu.memref_squeeze %dma_start3A_30 : memref<1x128x16xf32, #tpu.memory_space<vmem>> -> memref<128x16xf32, #tpu.memory_space<vmem>>
    %dma_start3A_32 = arith.constant 0 : i32
    %dma_start3A_33 = tpu.memref_slice %arg6[%dma_start3A, %dma_start3A_32] : memref<79x128xi32, #tpu.memory_space<vmem>> -> memref<1x128xi32, #tpu.memory_space<vmem>>
    %dma_start3A_34 = tpu.memref_squeeze %dma_start3A_33 : memref<1x128xi32, #tpu.memory_space<vmem>> -> memref<128xi32, #tpu.memory_space<vmem>>
    %dma_start3A_35 = arith.constant 0 : i32
    %dma_start3A_36 = arith.constant 0 : i32
    %dma_start3A_37 = tpu.memref_slice %arg10[%dma_start3A_35, %dma_start3A_36] : memref<10112x16xf32, #tpu.memory_space<vmem_shared>> -> memref<10112x16xf32, #tpu.memory_space<vmem_shared>>
    %dma_start3A_38 = tpu.memref_slice %arg11[%dma_start3A_27] : memref<6x!tpu.dma_semaphore, #tpu.memory_space<semaphore_mem>> -> memref<1x!tpu.dma_semaphore, #tpu.memory_space<semaphore_mem>>
    %dma_start3A_39 = tpu.memref_squeeze %dma_start3A_38 : memref<1x!tpu.dma_semaphore, #tpu.memory_space<semaphore_mem>> -> memref<!tpu.dma_semaphore, #tpu.memory_space<semaphore_mem>>
    tpu.enqueue_indirect_dma source(%dma_start3A_37 : memref<10112x16xf32, #tpu.memory_space<vmem_shared>>) target(%dma_start3A_31 : memref<128x16xf32, #tpu.memory_space<vmem>>) offsets(%dma_start3A_34 : memref<128xi32, #tpu.memory_space<vmem>>) semaphore(%dma_start3A_39 : memref<!tpu.dma_semaphore, #tpu.memory_space<semaphore_mem>>)
    %dma_start3A_40 = arith.constant 1 : i32
    %dma_start3A_41 = arith.constant 1 : i32
    %dma_start3A_42 = arith.constant 1 : i32
    %dma_start3A_43 = arith.constant 0 : i32
    %dma_start3A_44 = arith.constant 0 : i32
    %dma_start3A_45 = tpu.memref_slice %arg8[%dma_start3A_41, %dma_start3A_43, %dma_start3A_44] : memref<6x128x16xf32, #tpu.memory_space<vmem>> -> memref<1x128x16xf32, #tpu.memory_space<vmem>>
    %dma_start3A_46 = tpu.memref_squeeze %dma_start3A_45 : memref<1x128x16xf32, #tpu.memory_space<vmem>> -> memref<128x16xf32, #tpu.memory_space<vmem>>
    %dma_start3A_47 = arith.constant 0 : i32
    %dma_start3A_48 = tpu.memref_slice %arg6[%dma_start3A_40, %dma_start3A_47] : memref<79x128xi32, #tpu.memory_space<vmem>> -> memref<1x128xi32, #tpu.memory_space<vmem>>
    %dma_start3A_49 = tpu.memref_squeeze %dma_start3A_48 : memref<1x128xi32, #tpu.memory_space<vmem>> -> memref<128xi32, #tpu.memory_space<vmem>>
    %dma_start3A_50 = arith.constant 0 : i32
    %dma_start3A_51 = arith.constant 0 : i32
    %dma_start3A_52 = tpu.memref_slice %arg10[%dma_start3A_50, %dma_start3A_51] : memref<10112x16xf32, #tpu.memory_space<vmem_shared>> -> memref<10112x16xf32, #tpu.memory_space<vmem_shared>>
    %dma_start3A_53 = tpu.memref_slice %arg11[%dma_start3A_42] : memref<6x!tpu.dma_semaphore, #tpu.memory_space<semaphore_mem>> -> memref<1x!tpu.dma_semaphore, #tpu.memory_space<semaphore_mem>>
    %dma_start3A_54 = tpu.memref_squeeze %dma_start3A_53 : memref<1x!tpu.dma_semaphore, #tpu.memory_space<semaphore_mem>> -> memref<!tpu.dma_semaphore, #tpu.memory_space<semaphore_mem>>
    tpu.enqueue_indirect_dma source(%dma_start3A_52 : memref<10112x16xf32, #tpu.memory_space<vmem_shared>>) target(%dma_start3A_46 : memref<128x16xf32, #tpu.memory_space<vmem>>) offsets(%dma_start3A_49 : memref<128xi32, #tpu.memory_space<vmem>>) semaphore(%dma_start3A_54 : memref<!tpu.dma_semaphore, #tpu.memory_space<semaphore_mem>>)
    %dma_start3A_55 = arith.constant 2 : i32
    %dma_start3A_56 = arith.constant 2 : i32
    %dma_start3A_57 = arith.constant 2 : i32
    %dma_start3A_58 = arith.constant 0 : i32
    %dma_start3A_59 = arith.constant 0 : i32
    %dma_start3A_60 = tpu.memref_slice %arg8[%dma_start3A_56, %dma_start3A_58, %dma_start3A_59] : memref<6x128x16xf32, #tpu.memory_space<vmem>> -> memref<1x128x16xf32, #tpu.memory_space<vmem>>
    %dma_start3A_61 = tpu.memref_squeeze %dma_start3A_60 : memref<1x128x16xf32, #tpu.memory_space<vmem>> -> memref<128x16xf32, #tpu.memory_space<vmem>>
    %dma_start3A_62 = arith.constant 0 : i32
    %dma_start3A_63 = tpu.memref_slice %arg6[%dma_start3A_55, %dma_start3A_62] : memref<79x128xi32, #tpu.memory_space<vmem>> -> memref<1x128xi32, #tpu.memory_space<vmem>>
    %dma_start3A_64 = tpu.memref_squeeze %dma_start3A_63 : memref<1x128xi32, #tpu.memory_space<vmem>> -> memref<128xi32, #tpu.memory_space<vmem>>
    %dma_start3A_65 = arith.constant 0 : i32
    %dma_start3A_66 = arith.constant 0 : i32
    %dma_start3A_67 = tpu.memref_slice %arg10[%dma_start3A_65, %dma_start3A_66] : memref<10112x16xf32, #tpu.memory_space<vmem_shared>> -> memref<10112x16xf32, #tpu.memory_space<vmem_shared>>
    %dma_start3A_68 = tpu.memref_slice %arg11[%dma_start3A_57] : memref<6x!tpu.dma_semaphore, #tpu.memory_space<semaphore_mem>> -> memref<1x!tpu.dma_semaphore, #tpu.memory_space<semaphore_mem>>
    %dma_start3A_69 = tpu.memref_squeeze %dma_start3A_68 : memref<1x!tpu.dma_semaphore, #tpu.memory_space<semaphore_mem>> -> memref<!tpu.dma_semaphore, #tpu.memory_space<semaphore_mem>>
    tpu.enqueue_indirect_dma source(%dma_start3A_67 : memref<10112x16xf32, #tpu.memory_space<vmem_shared>>) target(%dma_start3A_61 : memref<128x16xf32, #tpu.memory_space<vmem>>) offsets(%dma_start3A_64 : memref<128xi32, #tpu.memory_space<vmem>>) semaphore(%dma_start3A_69 : memref<!tpu.dma_semaphore, #tpu.memory_space<semaphore_mem>>)
    %dma_wait3A = arith.constant 0 : i32
    %dma_wait3A_70 = arith.constant 0 : i32
    %dma_wait3A_71 = arith.constant 0 : i32
    %dma_wait3A_72 = arith.constant 0 : i32
    %dma_wait3A_73 = arith.constant 0 : i32
    %dma_wait3A_74 = tpu.memref_slice %arg8[%dma_wait3A_70, %dma_wait3A_72, %dma_wait3A_73] : memref<6x128x16xf32, #tpu.memory_space<vmem>> -> memref<1x128x16xf32, #tpu.memory_space<vmem>>
    %dma_wait3A_75 = tpu.memref_squeeze %dma_wait3A_74 : memref<1x128x16xf32, #tpu.memory_space<vmem>> -> memref<128x16xf32, #tpu.memory_space<vmem>>
    %dma_wait3A_76 = arith.constant 0 : i32
    %dma_wait3A_77 = tpu.memref_slice %arg6[%dma_wait3A, %dma_wait3A_76] : memref<79x128xi32, #tpu.memory_space<vmem>> -> memref<1x128xi32, #tpu.memory_space<vmem>>
    %dma_wait3A_78 = tpu.memref_squeeze %dma_wait3A_77 : memref<1x128xi32, #tpu.memory_space<vmem>> -> memref<128xi32, #tpu.memory_space<vmem>>
    %dma_wait3A_79 = arith.constant 0 : i32
    %dma_wait3A_80 = arith.constant 0 : i32
    %dma_wait3A_81 = tpu.memref_slice %arg10[%dma_wait3A_79, %dma_wait3A_80] : memref<10112x16xf32, #tpu.memory_space<vmem_shared>> -> memref<10112x16xf32, #tpu.memory_space<vmem_shared>>
    %dma_wait3A_82 = tpu.memref_slice %arg11[%dma_wait3A_71] : memref<6x!tpu.dma_semaphore, #tpu.memory_space<semaphore_mem>> -> memref<1x!tpu.dma_semaphore, #tpu.memory_space<semaphore_mem>>
    %dma_wait3A_83 = tpu.memref_squeeze %dma_wait3A_82 : memref<1x!tpu.dma_semaphore, #tpu.memory_space<semaphore_mem>> -> memref<!tpu.dma_semaphore, #tpu.memory_space<semaphore_mem>>
    tpu.wait_indirect_dma semaphore(%dma_wait3A_83 : memref<!tpu.dma_semaphore, #tpu.memory_space<semaphore_mem>>) src(%dma_wait3A_81 : memref<10112x16xf32, #tpu.memory_space<vmem_shared>>) dst(%dma_wait3A_75 : memref<128x16xf32, #tpu.memory_space<vmem>>)
    %dma_start3A_84 = arith.constant 0 : i32
    %dma_start3A_85 = arith.constant 0 : i32
    %dma_start3A_86 = arith.constant 0 : i32
    %dma_start3A_87 = arith.constant 0 : i32
    %dma_start3A_88 = arith.constant 0 : i32
    %dma_start3A_89 = tpu.memref_slice %arg8[%dma_start3A_84, %dma_start3A_87, %dma_start3A_88] : memref<6x128x16xf32, #tpu.memory_space<vmem>> -> memref<1x128x16xf32, #tpu.memory_space<vmem>>
    %dma_start3A_90 = tpu.memref_squeeze %dma_start3A_89 : memref<1x128x16xf32, #tpu.memory_space<vmem>> -> memref<128x16xf32, #tpu.memory_space<vmem>>
    %dma_start3A_91 = arith.constant 0 : i32
    %dma_start3A_92 = tpu.memref_slice %arg7[%dma_start3A_85, %dma_start3A_91] : memref<79x128xi32, #tpu.memory_space<vmem>> -> memref<1x128xi32, #tpu.memory_space<vmem>>
    %dma_start3A_93 = tpu.memref_squeeze %dma_start3A_92 : memref<1x128xi32, #tpu.memory_space<vmem>> -> memref<128xi32, #tpu.memory_space<vmem>>
    %dma_start3A_94 = arith.constant 0 : i32
    %dma_start3A_95 = arith.constant 0 : i32
    %dma_start3A_96 = tpu.memref_slice %arg9[%dma_start3A_94, %dma_start3A_95] : memref<10112x16xf32, #tpu.memory_space<vmem_shared>> -> memref<10112x16xf32, #tpu.memory_space<vmem_shared>>
    %dma_start3A_97 = tpu.memref_slice %arg12[%dma_start3A_86] : memref<6x!tpu.dma_semaphore, #tpu.memory_space<semaphore_mem>> -> memref<1x!tpu.dma_semaphore, #tpu.memory_space<semaphore_mem>>
    %dma_start3A_98 = tpu.memref_squeeze %dma_start3A_97 : memref<1x!tpu.dma_semaphore, #tpu.memory_space<semaphore_mem>> -> memref<!tpu.dma_semaphore, #tpu.memory_space<semaphore_mem>>
    tpu.enqueue_indirect_dma source(%dma_start3A_90 : memref<128x16xf32, #tpu.memory_space<vmem>>) target(%dma_start3A_96 : memref<10112x16xf32, #tpu.memory_space<vmem_shared>>) offsets(%dma_start3A_93 : memref<128xi32, #tpu.memory_space<vmem>>) semaphore(%dma_start3A_98 : memref<!tpu.dma_semaphore, #tpu.memory_space<semaphore_mem>>) {add = true}
    %dma_start3A_99 = arith.constant 3 : i32
    %dma_start3A_100 = arith.constant 3 : i32
    %dma_start3A_101 = arith.constant 3 : i32
    %dma_start3A_102 = arith.constant 0 : i32
    %dma_start3A_103 = arith.constant 0 : i32
    %dma_start3A_104 = tpu.memref_slice %arg8[%dma_start3A_100, %dma_start3A_102, %dma_start3A_103] : memref<6x128x16xf32, #tpu.memory_space<vmem>> -> memref<1x128x16xf32, #tpu.memory_space<vmem>>
    %dma_start3A_105 = tpu.memref_squeeze %dma_start3A_104 : memref<1x128x16xf32, #tpu.memory_space<vmem>> -> memref<128x16xf32, #tpu.memory_space<vmem>>
    %dma_start3A_106 = arith.constant 0 : i32
    %dma_start3A_107 = tpu.memref_slice %arg6[%dma_start3A_99, %dma_start3A_106] : memref<79x128xi32, #tpu.memory_space<vmem>> -> memref<1x128xi32, #tpu.memory_space<vmem>>
    %dma_start3A_108 = tpu.memref_squeeze %dma_start3A_107 : memref<1x128xi32, #tpu.memory_space<vmem>> -> memref<128xi32, #tpu.memory_space<vmem>>
    %dma_start3A_109 = arith.constant 0 : i32
    %dma_start3A_110 = arith.constant 0 : i32
    %dma_start3A_111 = tpu.memref_slice %arg10[%dma_start3A_109, %dma_start3A_110] : memref<10112x16xf32, #tpu.memory_space<vmem_shared>> -> memref<10112x16xf32, #tpu.memory_space<vmem_shared>>
    %dma_start3A_112 = tpu.memref_slice %arg11[%dma_start3A_101] : memref<6x!tpu.dma_semaphore, #tpu.memory_space<semaphore_mem>> -> memref<1x!tpu.dma_semaphore, #tpu.memory_space<semaphore_mem>>
    %dma_start3A_113 = tpu.memref_squeeze %dma_start3A_112 : memref<1x!tpu.dma_semaphore, #tpu.memory_space<semaphore_mem>> -> memref<!tpu.dma_semaphore, #tpu.memory_space<semaphore_mem>>
    tpu.enqueue_indirect_dma source(%dma_start3A_111 : memref<10112x16xf32, #tpu.memory_space<vmem_shared>>) target(%dma_start3A_105 : memref<128x16xf32, #tpu.memory_space<vmem>>) offsets(%dma_start3A_108 : memref<128xi32, #tpu.memory_space<vmem>>) semaphore(%dma_start3A_113 : memref<!tpu.dma_semaphore, #tpu.memory_space<semaphore_mem>>)
    %dma_wait3A_114 = arith.constant 1 : i32
    %dma_wait3A_115 = arith.constant 1 : i32
    %dma_wait3A_116 = arith.constant 1 : i32
    %dma_wait3A_117 = arith.constant 0 : i32
    %dma_wait3A_118 = arith.constant 0 : i32
    %dma_wait3A_119 = tpu.memref_slice %arg8[%dma_wait3A_115, %dma_wait3A_117, %dma_wait3A_118] : memref<6x128x16xf32, #tpu.memory_space<vmem>> -> memref<1x128x16xf32, #tpu.memory_space<vmem>>
    %dma_wait3A_120 = tpu.memref_squeeze %dma_wait3A_119 : memref<1x128x16xf32, #tpu.memory_space<vmem>> -> memref<128x16xf32, #tpu.memory_space<vmem>>
    %dma_wait3A_121 = arith.constant 0 : i32
    %dma_wait3A_122 = tpu.memref_slice %arg6[%dma_wait3A_114, %dma_wait3A_121] : memref<79x128xi32, #tpu.memory_space<vmem>> -> memref<1x128xi32, #tpu.memory_space<vmem>>
    %dma_wait3A_123 = tpu.memref_squeeze %dma_wait3A_122 : memref<1x128xi32, #tpu.memory_space<vmem>> -> memref<128xi32, #tpu.memory_space<vmem>>
    %dma_wait3A_124 = arith.constant 0 : i32
    %dma_wait3A_125 = arith.constant 0 : i32
    %dma_wait3A_126 = tpu.memref_slice %arg10[%dma_wait3A_124, %dma_wait3A_125] : memref<10112x16xf32, #tpu.memory_space<vmem_shared>> -> memref<10112x16xf32, #tpu.memory_space<vmem_shared>>
    %dma_wait3A_127 = tpu.memref_slice %arg11[%dma_wait3A_116] : memref<6x!tpu.dma_semaphore, #tpu.memory_space<semaphore_mem>> -> memref<1x!tpu.dma_semaphore, #tpu.memory_space<semaphore_mem>>
    %dma_wait3A_128 = tpu.memref_squeeze %dma_wait3A_127 : memref<1x!tpu.dma_semaphore, #tpu.memory_space<semaphore_mem>> -> memref<!tpu.dma_semaphore, #tpu.memory_space<semaphore_mem>>
    tpu.wait_indirect_dma semaphore(%dma_wait3A_128 : memref<!tpu.dma_semaphore, #tpu.memory_space<semaphore_mem>>) src(%dma_wait3A_126 : memref<10112x16xf32, #tpu.memory_space<vmem_shared>>) dst(%dma_wait3A_120 : memref<128x16xf32, #tpu.memory_space<vmem>>)
    %dma_start3A_129 = arith.constant 1 : i32
    %dma_start3A_130 = arith.constant 1 : i32
    %dma_start3A_131 = arith.constant 1 : i32
    %dma_start3A_132 = arith.constant 0 : i32
    %dma_start3A_133 = arith.constant 0 : i32
    %dma_start3A_134 = tpu.memref_slice %arg8[%dma_start3A_129, %dma_start3A_132, %dma_start3A_133] : memref<6x128x16xf32, #tpu.memory_space<vmem>> -> memref<1x128x16xf32, #tpu.memory_space<vmem>>
    %dma_start3A_135 = tpu.memref_squeeze %dma_start3A_134 : memref<1x128x16xf32, #tpu.memory_space<vmem>> -> memref<128x16xf32, #tpu.memory_space<vmem>>
    %dma_start3A_136 = arith.constant 0 : i32
    %dma_start3A_137 = tpu.memref_slice %arg7[%dma_start3A_130, %dma_start3A_136] : memref<79x128xi32, #tpu.memory_space<vmem>> -> memref<1x128xi32, #tpu.memory_space<vmem>>
    %dma_start3A_138 = tpu.memref_squeeze %dma_start3A_137 : memref<1x128xi32, #tpu.memory_space<vmem>> -> memref<128xi32, #tpu.memory_space<vmem>>
    %dma_start3A_139 = arith.constant 0 : i32
    %dma_start3A_140 = arith.constant 0 : i32
    %dma_start3A_141 = tpu.memref_slice %arg9[%dma_start3A_139, %dma_start3A_140] : memref<10112x16xf32, #tpu.memory_space<vmem_shared>> -> memref<10112x16xf32, #tpu.memory_space<vmem_shared>>
    %dma_start3A_142 = tpu.memref_slice %arg12[%dma_start3A_131] : memref<6x!tpu.dma_semaphore, #tpu.memory_space<semaphore_mem>> -> memref<1x!tpu.dma_semaphore, #tpu.memory_space<semaphore_mem>>
    %dma_start3A_143 = tpu.memref_squeeze %dma_start3A_142 : memref<1x!tpu.dma_semaphore, #tpu.memory_space<semaphore_mem>> -> memref<!tpu.dma_semaphore, #tpu.memory_space<semaphore_mem>>
    tpu.enqueue_indirect_dma source(%dma_start3A_135 : memref<128x16xf32, #tpu.memory_space<vmem>>) target(%dma_start3A_141 : memref<10112x16xf32, #tpu.memory_space<vmem_shared>>) offsets(%dma_start3A_138 : memref<128xi32, #tpu.memory_space<vmem>>) semaphore(%dma_start3A_143 : memref<!tpu.dma_semaphore, #tpu.memory_space<semaphore_mem>>) {add = true}
    %dma_start3A_144 = arith.constant 4 : i32
    %dma_start3A_145 = arith.constant 4 : i32
    %dma_start3A_146 = arith.constant 4 : i32
    %dma_start3A_147 = arith.constant 0 : i32
    %dma_start3A_148 = arith.constant 0 : i32
    %dma_start3A_149 = tpu.memref_slice %arg8[%dma_start3A_145, %dma_start3A_147, %dma_start3A_148] : memref<6x128x16xf32, #tpu.memory_space<vmem>> -> memref<1x128x16xf32, #tpu.memory_space<vmem>>
    %dma_start3A_150 = tpu.memref_squeeze %dma_start3A_149 : memref<1x128x16xf32, #tpu.memory_space<vmem>> -> memref<128x16xf32, #tpu.memory_space<vmem>>
    %dma_start3A_151 = arith.constant 0 : i32
    %dma_start3A_152 = tpu.memref_slice %arg6[%dma_start3A_144, %dma_start3A_151] : memref<79x128xi32, #tpu.memory_space<vmem>> -> memref<1x128xi32, #tpu.memory_space<vmem>>
    %dma_start3A_153 = tpu.memref_squeeze %dma_start3A_152 : memref<1x128xi32, #tpu.memory_space<vmem>> -> memref<128xi32, #tpu.memory_space<vmem>>
    %dma_start3A_154 = arith.constant 0 : i32
    %dma_start3A_155 = arith.constant 0 : i32
    %dma_start3A_156 = tpu.memref_slice %arg10[%dma_start3A_154, %dma_start3A_155] : memref<10112x16xf32, #tpu.memory_space<vmem_shared>> -> memref<10112x16xf32, #tpu.memory_space<vmem_shared>>
    %dma_start3A_157 = tpu.memref_slice %arg11[%dma_start3A_146] : memref<6x!tpu.dma_semaphore, #tpu.memory_space<semaphore_mem>> -> memref<1x!tpu.dma_semaphore, #tpu.memory_space<semaphore_mem>>
    %dma_start3A_158 = tpu.memref_squeeze %dma_start3A_157 : memref<1x!tpu.dma_semaphore, #tpu.memory_space<semaphore_mem>> -> memref<!tpu.dma_semaphore, #tpu.memory_space<semaphore_mem>>
    tpu.enqueue_indirect_dma source(%dma_start3A_156 : memref<10112x16xf32, #tpu.memory_space<vmem_shared>>) target(%dma_start3A_150 : memref<128x16xf32, #tpu.memory_space<vmem>>) offsets(%dma_start3A_153 : memref<128xi32, #tpu.memory_space<vmem>>) semaphore(%dma_start3A_158 : memref<!tpu.dma_semaphore, #tpu.memory_space<semaphore_mem>>)
    %dma_wait3A_159 = arith.constant 2 : i32
    %dma_wait3A_160 = arith.constant 2 : i32
    %dma_wait3A_161 = arith.constant 2 : i32
    %dma_wait3A_162 = arith.constant 0 : i32
    %dma_wait3A_163 = arith.constant 0 : i32
    %dma_wait3A_164 = tpu.memref_slice %arg8[%dma_wait3A_160, %dma_wait3A_162, %dma_wait3A_163] : memref<6x128x16xf32, #tpu.memory_space<vmem>> -> memref<1x128x16xf32, #tpu.memory_space<vmem>>
    %dma_wait3A_165 = tpu.memref_squeeze %dma_wait3A_164 : memref<1x128x16xf32, #tpu.memory_space<vmem>> -> memref<128x16xf32, #tpu.memory_space<vmem>>
    %dma_wait3A_166 = arith.constant 0 : i32
    %dma_wait3A_167 = tpu.memref_slice %arg6[%dma_wait3A_159, %dma_wait3A_166] : memref<79x128xi32, #tpu.memory_space<vmem>> -> memref<1x128xi32, #tpu.memory_space<vmem>>
    %dma_wait3A_168 = tpu.memref_squeeze %dma_wait3A_167 : memref<1x128xi32, #tpu.memory_space<vmem>> -> memref<128xi32, #tpu.memory_space<vmem>>
    %dma_wait3A_169 = arith.constant 0 : i32
    %dma_wait3A_170 = arith.constant 0 : i32
    %dma_wait3A_171 = tpu.memref_slice %arg10[%dma_wait3A_169, %dma_wait3A_170] : memref<10112x16xf32, #tpu.memory_space<vmem_shared>> -> memref<10112x16xf32, #tpu.memory_space<vmem_shared>>
    %dma_wait3A_172 = tpu.memref_slice %arg11[%dma_wait3A_161] : memref<6x!tpu.dma_semaphore, #tpu.memory_space<semaphore_mem>> -> memref<1x!tpu.dma_semaphore, #tpu.memory_space<semaphore_mem>>
    %dma_wait3A_173 = tpu.memref_squeeze %dma_wait3A_172 : memref<1x!tpu.dma_semaphore, #tpu.memory_space<semaphore_mem>> -> memref<!tpu.dma_semaphore, #tpu.memory_space<semaphore_mem>>
    tpu.wait_indirect_dma semaphore(%dma_wait3A_173 : memref<!tpu.dma_semaphore, #tpu.memory_space<semaphore_mem>>) src(%dma_wait3A_171 : memref<10112x16xf32, #tpu.memory_space<vmem_shared>>) dst(%dma_wait3A_165 : memref<128x16xf32, #tpu.memory_space<vmem>>)
    %dma_start3A_174 = arith.constant 2 : i32
    %dma_start3A_175 = arith.constant 2 : i32
    %dma_start3A_176 = arith.constant 2 : i32
    %dma_start3A_177 = arith.constant 0 : i32
    %dma_start3A_178 = arith.constant 0 : i32
    %dma_start3A_179 = tpu.memref_slice %arg8[%dma_start3A_174, %dma_start3A_177, %dma_start3A_178] : memref<6x128x16xf32, #tpu.memory_space<vmem>> -> memref<1x128x16xf32, #tpu.memory_space<vmem>>
    %dma_start3A_180 = tpu.memref_squeeze %dma_start3A_179 : memref<1x128x16xf32, #tpu.memory_space<vmem>> -> memref<128x16xf32, #tpu.memory_space<vmem>>
    %dma_start3A_181 = arith.constant 0 : i32
    %dma_start3A_182 = tpu.memref_slice %arg7[%dma_start3A_175, %dma_start3A_181] : memref<79x128xi32, #tpu.memory_space<vmem>> -> memref<1x128xi32, #tpu.memory_space<vmem>>
    %dma_start3A_183 = tpu.memref_squeeze %dma_start3A_182 : memref<1x128xi32, #tpu.memory_space<vmem>> -> memref<128xi32, #tpu.memory_space<vmem>>
    %dma_start3A_184 = arith.constant 0 : i32
    %dma_start3A_185 = arith.constant 0 : i32
    %dma_start3A_186 = tpu.memref_slice %arg9[%dma_start3A_184, %dma_start3A_185] : memref<10112x16xf32, #tpu.memory_space<vmem_shared>> -> memref<10112x16xf32, #tpu.memory_space<vmem_shared>>
    %dma_start3A_187 = tpu.memref_slice %arg12[%dma_start3A_176] : memref<6x!tpu.dma_semaphore, #tpu.memory_space<semaphore_mem>> -> memref<1x!tpu.dma_semaphore, #tpu.memory_space<semaphore_mem>>
    %dma_start3A_188 = tpu.memref_squeeze %dma_start3A_187 : memref<1x!tpu.dma_semaphore, #tpu.memory_space<semaphore_mem>> -> memref<!tpu.dma_semaphore, #tpu.memory_space<semaphore_mem>>
    tpu.enqueue_indirect_dma source(%dma_start3A_180 : memref<128x16xf32, #tpu.memory_space<vmem>>) target(%dma_start3A_186 : memref<10112x16xf32, #tpu.memory_space<vmem_shared>>) offsets(%dma_start3A_183 : memref<128xi32, #tpu.memory_space<vmem>>) semaphore(%dma_start3A_188 : memref<!tpu.dma_semaphore, #tpu.memory_space<semaphore_mem>>) {add = true}
    %dma_start3A_189 = arith.constant 5 : i32
    %dma_start3A_190 = arith.constant 5 : i32
    %dma_start3A_191 = arith.constant 5 : i32
    %dma_start3A_192 = arith.constant 0 : i32
    %dma_start3A_193 = arith.constant 0 : i32
    %dma_start3A_194 = tpu.memref_slice %arg8[%dma_start3A_190, %dma_start3A_192, %dma_start3A_193] : memref<6x128x16xf32, #tpu.memory_space<vmem>> -> memref<1x128x16xf32, #tpu.memory_space<vmem>>
    %dma_start3A_195 = tpu.memref_squeeze %dma_start3A_194 : memref<1x128x16xf32, #tpu.memory_space<vmem>> -> memref<128x16xf32, #tpu.memory_space<vmem>>
    %dma_start3A_196 = arith.constant 0 : i32
    %dma_start3A_197 = tpu.memref_slice %arg6[%dma_start3A_189, %dma_start3A_196] : memref<79x128xi32, #tpu.memory_space<vmem>> -> memref<1x128xi32, #tpu.memory_space<vmem>>
    %dma_start3A_198 = tpu.memref_squeeze %dma_start3A_197 : memref<1x128xi32, #tpu.memory_space<vmem>> -> memref<128xi32, #tpu.memory_space<vmem>>
    %dma_start3A_199 = arith.constant 0 : i32
    %dma_start3A_200 = arith.constant 0 : i32
    %dma_start3A_201 = tpu.memref_slice %arg10[%dma_start3A_199, %dma_start3A_200] : memref<10112x16xf32, #tpu.memory_space<vmem_shared>> -> memref<10112x16xf32, #tpu.memory_space<vmem_shared>>
    %dma_start3A_202 = tpu.memref_slice %arg11[%dma_start3A_191] : memref<6x!tpu.dma_semaphore, #tpu.memory_space<semaphore_mem>> -> memref<1x!tpu.dma_semaphore, #tpu.memory_space<semaphore_mem>>
    %dma_start3A_203 = tpu.memref_squeeze %dma_start3A_202 : memref<1x!tpu.dma_semaphore, #tpu.memory_space<semaphore_mem>> -> memref<!tpu.dma_semaphore, #tpu.memory_space<semaphore_mem>>
    tpu.enqueue_indirect_dma source(%dma_start3A_201 : memref<10112x16xf32, #tpu.memory_space<vmem_shared>>) target(%dma_start3A_195 : memref<128x16xf32, #tpu.memory_space<vmem>>) offsets(%dma_start3A_198 : memref<128xi32, #tpu.memory_space<vmem>>) semaphore(%dma_start3A_203 : memref<!tpu.dma_semaphore, #tpu.memory_space<semaphore_mem>>)
    %dma_wait3A_204 = arith.constant 3 : i32
    %dma_wait3A_205 = arith.constant 3 : i32
    %dma_wait3A_206 = arith.constant 3 : i32
    %dma_wait3A_207 = arith.constant 0 : i32
    %dma_wait3A_208 = arith.constant 0 : i32
    %dma_wait3A_209 = tpu.memref_slice %arg8[%dma_wait3A_205, %dma_wait3A_207, %dma_wait3A_208] : memref<6x128x16xf32, #tpu.memory_space<vmem>> -> memref<1x128x16xf32, #tpu.memory_space<vmem>>
    %dma_wait3A_210 = tpu.memref_squeeze %dma_wait3A_209 : memref<1x128x16xf32, #tpu.memory_space<vmem>> -> memref<128x16xf32, #tpu.memory_space<vmem>>
    %dma_wait3A_211 = arith.constant 0 : i32
    %dma_wait3A_212 = tpu.memref_slice %arg6[%dma_wait3A_204, %dma_wait3A_211] : memref<79x128xi32, #tpu.memory_space<vmem>> -> memref<1x128xi32, #tpu.memory_space<vmem>>
    %dma_wait3A_213 = tpu.memref_squeeze %dma_wait3A_212 : memref<1x128xi32, #tpu.memory_space<vmem>> -> memref<128xi32, #tpu.memory_space<vmem>>
    %dma_wait3A_214 = arith.constant 0 : i32
    %dma_wait3A_215 = arith.constant 0 : i32
    %dma_wait3A_216 = tpu.memref_slice %arg10[%dma_wait3A_214, %dma_wait3A_215] : memref<10112x16xf32, #tpu.memory_space<vmem_shared>> -> memref<10112x16xf32, #tpu.memory_space<vmem_shared>>
    %dma_wait3A_217 = tpu.memref_slice %arg11[%dma_wait3A_206] : memref<6x!tpu.dma_semaphore, #tpu.memory_space<semaphore_mem>> -> memref<1x!tpu.dma_semaphore, #tpu.memory_space<semaphore_mem>>
    %dma_wait3A_218 = tpu.memref_squeeze %dma_wait3A_217 : memref<1x!tpu.dma_semaphore, #tpu.memory_space<semaphore_mem>> -> memref<!tpu.dma_semaphore, #tpu.memory_space<semaphore_mem>>
    tpu.wait_indirect_dma semaphore(%dma_wait3A_218 : memref<!tpu.dma_semaphore, #tpu.memory_space<semaphore_mem>>) src(%dma_wait3A_216 : memref<10112x16xf32, #tpu.memory_space<vmem_shared>>) dst(%dma_wait3A_210 : memref<128x16xf32, #tpu.memory_space<vmem>>)
    %dma_start3A_219 = arith.constant 3 : i32
    %dma_start3A_220 = arith.constant 3 : i32
    %dma_start3A_221 = arith.constant 3 : i32
    %dma_start3A_222 = arith.constant 0 : i32
    %dma_start3A_223 = arith.constant 0 : i32
    %dma_start3A_224 = tpu.memref_slice %arg8[%dma_start3A_219, %dma_start3A_222, %dma_start3A_223] : memref<6x128x16xf32, #tpu.memory_space<vmem>> -> memref<1x128x16xf32, #tpu.memory_space<vmem>>
    %dma_start3A_225 = tpu.memref_squeeze %dma_start3A_224 : memref<1x128x16xf32, #tpu.memory_space<vmem>> -> memref<128x16xf32, #tpu.memory_space<vmem>>
    %dma_start3A_226 = arith.constant 0 : i32
    %dma_start3A_227 = tpu.memref_slice %arg7[%dma_start3A_220, %dma_start3A_226] : memref<79x128xi32, #tpu.memory_space<vmem>> -> memref<1x128xi32, #tpu.memory_space<vmem>>
    %dma_start3A_228 = tpu.memref_squeeze %dma_start3A_227 : memref<1x128xi32, #tpu.memory_space<vmem>> -> memref<128xi32, #tpu.memory_space<vmem>>
    %dma_start3A_229 = arith.constant 0 : i32
    %dma_start3A_230 = arith.constant 0 : i32
    %dma_start3A_231 = tpu.memref_slice %arg9[%dma_start3A_229, %dma_start3A_230] : memref<10112x16xf32, #tpu.memory_space<vmem_shared>> -> memref<10112x16xf32, #tpu.memory_space<vmem_shared>>
    %dma_start3A_232 = tpu.memref_slice %arg12[%dma_start3A_221] : memref<6x!tpu.dma_semaphore, #tpu.memory_space<semaphore_mem>> -> memref<1x!tpu.dma_semaphore, #tpu.memory_space<semaphore_mem>>
    %dma_start3A_233 = tpu.memref_squeeze %dma_start3A_232 : memref<1x!tpu.dma_semaphore, #tpu.memory_space<semaphore_mem>> -> memref<!tpu.dma_semaphore, #tpu.memory_space<semaphore_mem>>
    tpu.enqueue_indirect_dma source(%dma_start3A_225 : memref<128x16xf32, #tpu.memory_space<vmem>>) target(%dma_start3A_231 : memref<10112x16xf32, #tpu.memory_space<vmem_shared>>) offsets(%dma_start3A_228 : memref<128xi32, #tpu.memory_space<vmem>>) semaphore(%dma_start3A_233 : memref<!tpu.dma_semaphore, #tpu.memory_space<semaphore_mem>>) {add = true}
    %dma_wait3A_234 = arith.constant 0 : i32
    %dma_wait3A_235 = arith.constant 0 : i32
    %dma_wait3A_236 = arith.constant 0 : i32
    %dma_wait3A_237 = arith.constant 0 : i32
    %dma_wait3A_238 = arith.constant 0 : i32
    %dma_wait3A_239 = tpu.memref_slice %arg8[%dma_wait3A_234, %dma_wait3A_237, %dma_wait3A_238] : memref<6x128x16xf32, #tpu.memory_space<vmem>> -> memref<1x128x16xf32, #tpu.memory_space<vmem>>
    %dma_wait3A_240 = tpu.memref_squeeze %dma_wait3A_239 : memref<1x128x16xf32, #tpu.memory_space<vmem>> -> memref<128x16xf32, #tpu.memory_space<vmem>>
    %dma_wait3A_241 = arith.constant 0 : i32
    %dma_wait3A_242 = tpu.memref_slice %arg7[%dma_wait3A_235, %dma_wait3A_241] : memref<79x128xi32, #tpu.memory_space<vmem>> -> memref<1x128xi32, #tpu.memory_space<vmem>>
    %dma_wait3A_243 = tpu.memref_squeeze %dma_wait3A_242 : memref<1x128xi32, #tpu.memory_space<vmem>> -> memref<128xi32, #tpu.memory_space<vmem>>
    %dma_wait3A_244 = arith.constant 0 : i32
    %dma_wait3A_245 = arith.constant 0 : i32
    %dma_wait3A_246 = tpu.memref_slice %arg9[%dma_wait3A_244, %dma_wait3A_245] : memref<10112x16xf32, #tpu.memory_space<vmem_shared>> -> memref<10112x16xf32, #tpu.memory_space<vmem_shared>>
    %dma_wait3A_247 = tpu.memref_slice %arg12[%dma_wait3A_236] : memref<6x!tpu.dma_semaphore, #tpu.memory_space<semaphore_mem>> -> memref<1x!tpu.dma_semaphore, #tpu.memory_space<semaphore_mem>>
    %dma_wait3A_248 = tpu.memref_squeeze %dma_wait3A_247 : memref<1x!tpu.dma_semaphore, #tpu.memory_space<semaphore_mem>> -> memref<!tpu.dma_semaphore, #tpu.memory_space<semaphore_mem>>
    tpu.wait_indirect_dma semaphore(%dma_wait3A_248 : memref<!tpu.dma_semaphore, #tpu.memory_space<semaphore_mem>>) src(%dma_wait3A_240 : memref<128x16xf32, #tpu.memory_space<vmem>>) dst(%dma_wait3A_246 : memref<10112x16xf32, #tpu.memory_space<vmem_shared>>)
    %dma_start3A_249 = arith.constant 6 : i32
    %dma_start3A_250 = arith.constant 0 : i32
    %dma_start3A_251 = arith.constant 0 : i32
    %dma_start3A_252 = arith.constant 0 : i32
    %dma_start3A_253 = arith.constant 0 : i32
    %dma_start3A_254 = tpu.memref_slice %arg8[%dma_start3A_250, %dma_start3A_252, %dma_start3A_253] : memref<6x128x16xf32, #tpu.memory_space<vmem>> -> memref<1x128x16xf32, #tpu.memory_space<vmem>>
    %dma_start3A_255 = tpu.memref_squeeze %dma_start3A_254 : memref<1x128x16xf32, #tpu.memory_space<vmem>> -> memref<128x16xf32, #tpu.memory_space<vmem>>
    %dma_start3A_256 = arith.constant 0 : i32
    %dma_start3A_257 = tpu.memref_slice %arg6[%dma_start3A_249, %dma_start3A_256] : memref<79x128xi32, #tpu.memory_space<vmem>> -> memref<1x128xi32, #tpu.memory_space<vmem>>
    %dma_start3A_258 = tpu.memref_squeeze %dma_start3A_257 : memref<1x128xi32, #tpu.memory_space<vmem>> -> memref<128xi32, #tpu.memory_space<vmem>>
    %dma_start3A_259 = arith.constant 0 : i32
    %dma_start3A_260 = arith.constant 0 : i32
    %dma_start3A_261 = tpu.memref_slice %arg10[%dma_start3A_259, %dma_start3A_260] : memref<10112x16xf32, #tpu.memory_space<vmem_shared>> -> memref<10112x16xf32, #tpu.memory_space<vmem_shared>>
    %dma_start3A_262 = tpu.memref_slice %arg11[%dma_start3A_251] : memref<6x!tpu.dma_semaphore, #tpu.memory_space<semaphore_mem>> -> memref<1x!tpu.dma_semaphore, #tpu.memory_space<semaphore_mem>>
    %dma_start3A_263 = tpu.memref_squeeze %dma_start3A_262 : memref<1x!tpu.dma_semaphore, #tpu.memory_space<semaphore_mem>> -> memref<!tpu.dma_semaphore, #tpu.memory_space<semaphore_mem>>
    tpu.enqueue_indirect_dma source(%dma_start3A_261 : memref<10112x16xf32, #tpu.memory_space<vmem_shared>>) target(%dma_start3A_255 : memref<128x16xf32, #tpu.memory_space<vmem>>) offsets(%dma_start3A_258 : memref<128xi32, #tpu.memory_space<vmem>>) semaphore(%dma_start3A_263 : memref<!tpu.dma_semaphore, #tpu.memory_space<semaphore_mem>>)
    %dma_wait3A_264 = arith.constant 4 : i32
    %dma_wait3A_265 = arith.constant 4 : i32
    %dma_wait3A_266 = arith.constant 4 : i32
    %dma_wait3A_267 = arith.constant 0 : i32
    %dma_wait3A_268 = arith.constant 0 : i32
    %dma_wait3A_269 = tpu.memref_slice %arg8[%dma_wait3A_265, %dma_wait3A_267, %dma_wait3A_268] : memref<6x128x16xf32, #tpu.memory_space<vmem>> -> memref<1x128x16xf32, #tpu.memory_space<vmem>>
    %dma_wait3A_270 = tpu.memref_squeeze %dma_wait3A_269 : memref<1x128x16xf32, #tpu.memory_space<vmem>> -> memref<128x16xf32, #tpu.memory_space<vmem>>
    %dma_wait3A_271 = arith.constant 0 : i32
    %dma_wait3A_272 = tpu.memref_slice %arg6[%dma_wait3A_264, %dma_wait3A_271] : memref<79x128xi32, #tpu.memory_space<vmem>> -> memref<1x128xi32, #tpu.memory_space<vmem>>
    %dma_wait3A_273 = tpu.memref_squeeze %dma_wait3A_272 : memref<1x128xi32, #tpu.memory_space<vmem>> -> memref<128xi32, #tpu.memory_space<vmem>>
    %dma_wait3A_274 = arith.constant 0 : i32
    %dma_wait3A_275 = arith.constant 0 : i32
    %dma_wait3A_276 = tpu.memref_slice %arg10[%dma_wait3A_274, %dma_wait3A_275] : memref<10112x16xf32, #tpu.memory_space<vmem_shared>> -> memref<10112x16xf32, #tpu.memory_space<vmem_shared>>
    %dma_wait3A_277 = tpu.memref_slice %arg11[%dma_wait3A_266] : memref<6x!tpu.dma_semaphore, #tpu.memory_space<semaphore_mem>> -> memref<1x!tpu.dma_semaphore, #tpu.memory_space<semaphore_mem>>
    %dma_wait3A_278 = tpu.memref_squeeze %dma_wait3A_277 : memref<1x!tpu.dma_semaphore, #tpu.memory_space<semaphore_mem>> -> memref<!tpu.dma_semaphore, #tpu.memory_space<semaphore_mem>>
    tpu.wait_indirect_dma semaphore(%dma_wait3A_278 : memref<!tpu.dma_semaphore, #tpu.memory_space<semaphore_mem>>) src(%dma_wait3A_276 : memref<10112x16xf32, #tpu.memory_space<vmem_shared>>) dst(%dma_wait3A_270 : memref<128x16xf32, #tpu.memory_space<vmem>>)
    %dma_start3A_279 = arith.constant 4 : i32
    %dma_start3A_280 = arith.constant 4 : i32
    %dma_start3A_281 = arith.constant 4 : i32
    %dma_start3A_282 = arith.constant 0 : i32
    %dma_start3A_283 = arith.constant 0 : i32
    %dma_start3A_284 = tpu.memref_slice %arg8[%dma_start3A_279, %dma_start3A_282, %dma_start3A_283] : memref<6x128x16xf32, #tpu.memory_space<vmem>> -> memref<1x128x16xf32, #tpu.memory_space<vmem>>
    %dma_start3A_285 = tpu.memref_squeeze %dma_start3A_284 : memref<1x128x16xf32, #tpu.memory_space<vmem>> -> memref<128x16xf32, #tpu.memory_space<vmem>>
    %dma_start3A_286 = arith.constant 0 : i32
    %dma_start3A_287 = tpu.memref_slice %arg7[%dma_start3A_280, %dma_start3A_286] : memref<79x128xi32, #tpu.memory_space<vmem>> -> memref<1x128xi32, #tpu.memory_space<vmem>>
    %dma_start3A_288 = tpu.memref_squeeze %dma_start3A_287 : memref<1x128xi32, #tpu.memory_space<vmem>> -> memref<128xi32, #tpu.memory_space<vmem>>
    %dma_start3A_289 = arith.constant 0 : i32
    %dma_start3A_290 = arith.constant 0 : i32
    %dma_start3A_291 = tpu.memref_slice %arg9[%dma_start3A_289, %dma_start3A_290] : memref<10112x16xf32, #tpu.memory_space<vmem_shared>> -> memref<10112x16xf32, #tpu.memory_space<vmem_shared>>
    %dma_start3A_292 = tpu.memref_slice %arg12[%dma_start3A_281] : memref<6x!tpu.dma_semaphore, #tpu.memory_space<semaphore_mem>> -> memref<1x!tpu.dma_semaphore, #tpu.memory_space<semaphore_mem>>
    %dma_start3A_293 = tpu.memref_squeeze %dma_start3A_292 : memref<1x!tpu.dma_semaphore, #tpu.memory_space<semaphore_mem>> -> memref<!tpu.dma_semaphore, #tpu.memory_space<semaphore_mem>>
    tpu.enqueue_indirect_dma source(%dma_start3A_285 : memref<128x16xf32, #tpu.memory_space<vmem>>) target(%dma_start3A_291 : memref<10112x16xf32, #tpu.memory_space<vmem_shared>>) offsets(%dma_start3A_288 : memref<128xi32, #tpu.memory_space<vmem>>) semaphore(%dma_start3A_293 : memref<!tpu.dma_semaphore, #tpu.memory_space<semaphore_mem>>) {add = true}
    %dma_wait3A_294 = arith.constant 1 : i32
    %dma_wait3A_295 = arith.constant 1 : i32
    %dma_wait3A_296 = arith.constant 1 : i32
    %dma_wait3A_297 = arith.constant 0 : i32
    %dma_wait3A_298 = arith.constant 0 : i32
    %dma_wait3A_299 = tpu.memref_slice %arg8[%dma_wait3A_294, %dma_wait3A_297, %dma_wait3A_298] : memref<6x128x16xf32, #tpu.memory_space<vmem>> -> memref<1x128x16xf32, #tpu.memory_space<vmem>>
    %dma_wait3A_300 = tpu.memref_squeeze %dma_wait3A_299 : memref<1x128x16xf32, #tpu.memory_space<vmem>> -> memref<128x16xf32, #tpu.memory_space<vmem>>
    %dma_wait3A_301 = arith.constant 0 : i32
    %dma_wait3A_302 = tpu.memref_slice %arg7[%dma_wait3A_295, %dma_wait3A_301] : memref<79x128xi32, #tpu.memory_space<vmem>> -> memref<1x128xi32, #tpu.memory_space<vmem>>
    %dma_wait3A_303 = tpu.memref_squeeze %dma_wait3A_302 : memref<1x128xi32, #tpu.memory_space<vmem>> -> memref<128xi32, #tpu.memory_space<vmem>>
    %dma_wait3A_304 = arith.constant 0 : i32
    %dma_wait3A_305 = arith.constant 0 : i32
    %dma_wait3A_306 = tpu.memref_slice %arg9[%dma_wait3A_304, %dma_wait3A_305] : memref<10112x16xf32, #tpu.memory_space<vmem_shared>> -> memref<10112x16xf32, #tpu.memory_space<vmem_shared>>
    %dma_wait3A_307 = tpu.memref_slice %arg12[%dma_wait3A_296] : memref<6x!tpu.dma_semaphore, #tpu.memory_space<semaphore_mem>> -> memref<1x!tpu.dma_semaphore, #tpu.memory_space<semaphore_mem>>
    %dma_wait3A_308 = tpu.memref_squeeze %dma_wait3A_307 : memref<1x!tpu.dma_semaphore, #tpu.memory_space<semaphore_mem>> -> memref<!tpu.dma_semaphore, #tpu.memory_space<semaphore_mem>>
    tpu.wait_indirect_dma semaphore(%dma_wait3A_308 : memref<!tpu.dma_semaphore, #tpu.memory_space<semaphore_mem>>) src(%dma_wait3A_300 : memref<128x16xf32, #tpu.memory_space<vmem>>) dst(%dma_wait3A_306 : memref<10112x16xf32, #tpu.memory_space<vmem_shared>>)
    %dma_start3A_309 = arith.constant 7 : i32
    %dma_start3A_310 = arith.constant 1 : i32
    %dma_start3A_311 = arith.constant 1 : i32
    %dma_start3A_312 = arith.constant 0 : i32
    %dma_start3A_313 = arith.constant 0 : i32
    %dma_start3A_314 = tpu.memref_slice %arg8[%dma_start3A_310, %dma_start3A_312, %dma_start3A_313] : memref<6x128x16xf32, #tpu.memory_space<vmem>> -> memref<1x128x16xf32, #tpu.memory_space<vmem>>
    %dma_start3A_315 = tpu.memref_squeeze %dma_start3A_314 : memref<1x128x16xf32, #tpu.memory_space<vmem>> -> memref<128x16xf32, #tpu.memory_space<vmem>>
    %dma_start3A_316 = arith.constant 0 : i32
    %dma_start3A_317 = tpu.memref_slice %arg6[%dma_start3A_309, %dma_start3A_316] : memref<79x128xi32, #tpu.memory_space<vmem>> -> memref<1x128xi32, #tpu.memory_space<vmem>>
    %dma_start3A_318 = tpu.memref_squeeze %dma_start3A_317 : memref<1x128xi32, #tpu.memory_space<vmem>> -> memref<128xi32, #tpu.memory_space<vmem>>
    %dma_start3A_319 = arith.constant 0 : i32
    %dma_start3A_320 = arith.constant 0 : i32
    %dma_start3A_321 = tpu.memref_slice %arg10[%dma_start3A_319, %dma_start3A_320] : memref<10112x16xf32, #tpu.memory_space<vmem_shared>> -> memref<10112x16xf32, #tpu.memory_space<vmem_shared>>
    %dma_start3A_322 = tpu.memref_slice %arg11[%dma_start3A_311] : memref<6x!tpu.dma_semaphore, #tpu.memory_space<semaphore_mem>> -> memref<1x!tpu.dma_semaphore, #tpu.memory_space<semaphore_mem>>
    %dma_start3A_323 = tpu.memref_squeeze %dma_start3A_322 : memref<1x!tpu.dma_semaphore, #tpu.memory_space<semaphore_mem>> -> memref<!tpu.dma_semaphore, #tpu.memory_space<semaphore_mem>>
    tpu.enqueue_indirect_dma source(%dma_start3A_321 : memref<10112x16xf32, #tpu.memory_space<vmem_shared>>) target(%dma_start3A_315 : memref<128x16xf32, #tpu.memory_space<vmem>>) offsets(%dma_start3A_318 : memref<128xi32, #tpu.memory_space<vmem>>) semaphore(%dma_start3A_323 : memref<!tpu.dma_semaphore, #tpu.memory_space<semaphore_mem>>)
    %dma_wait3A_324 = arith.constant 5 : i32
    %dma_wait3A_325 = arith.constant 5 : i32
    %dma_wait3A_326 = arith.constant 5 : i32
    %dma_wait3A_327 = arith.constant 0 : i32
    %dma_wait3A_328 = arith.constant 0 : i32
    %dma_wait3A_329 = tpu.memref_slice %arg8[%dma_wait3A_325, %dma_wait3A_327, %dma_wait3A_328] : memref<6x128x16xf32, #tpu.memory_space<vmem>> -> memref<1x128x16xf32, #tpu.memory_space<vmem>>
    %dma_wait3A_330 = tpu.memref_squeeze %dma_wait3A_329 : memref<1x128x16xf32, #tpu.memory_space<vmem>> -> memref<128x16xf32, #tpu.memory_space<vmem>>
    %dma_wait3A_331 = arith.constant 0 : i32
    %dma_wait3A_332 = tpu.memref_slice %arg6[%dma_wait3A_324, %dma_wait3A_331] : memref<79x128xi32, #tpu.memory_space<vmem>> -> memref<1x128xi32, #tpu.memory_space<vmem>>
    %dma_wait3A_333 = tpu.memref_squeeze %dma_wait3A_332 : memref<1x128xi32, #tpu.memory_space<vmem>> -> memref<128xi32, #tpu.memory_space<vmem>>
    %dma_wait3A_334 = arith.constant 0 : i32
    %dma_wait3A_335 = arith.constant 0 : i32
    %dma_wait3A_336 = tpu.memref_slice %arg10[%dma_wait3A_334, %dma_wait3A_335] : memref<10112x16xf32, #tpu.memory_space<vmem_shared>> -> memref<10112x16xf32, #tpu.memory_space<vmem_shared>>
    %dma_wait3A_337 = tpu.memref_slice %arg11[%dma_wait3A_326] : memref<6x!tpu.dma_semaphore, #tpu.memory_space<semaphore_mem>> -> memref<1x!tpu.dma_semaphore, #tpu.memory_space<semaphore_mem>>
    %dma_wait3A_338 = tpu.memref_squeeze %dma_wait3A_337 : memref<1x!tpu.dma_semaphore, #tpu.memory_space<semaphore_mem>> -> memref<!tpu.dma_semaphore, #tpu.memory_space<semaphore_mem>>
    tpu.wait_indirect_dma semaphore(%dma_wait3A_338 : memref<!tpu.dma_semaphore, #tpu.memory_space<semaphore_mem>>) src(%dma_wait3A_336 : memref<10112x16xf32, #tpu.memory_space<vmem_shared>>) dst(%dma_wait3A_330 : memref<128x16xf32, #tpu.memory_space<vmem>>)
    %dma_start3A_339 = arith.constant 5 : i32
    %dma_start3A_340 = arith.constant 5 : i32
    %dma_start3A_341 = arith.constant 5 : i32
    %dma_start3A_342 = arith.constant 0 : i32
    %dma_start3A_343 = arith.constant 0 : i32
    %dma_start3A_344 = tpu.memref_slice %arg8[%dma_start3A_339, %dma_start3A_342, %dma_start3A_343] : memref<6x128x16xf32, #tpu.memory_space<vmem>> -> memref<1x128x16xf32, #tpu.memory_space<vmem>>
    %dma_start3A_345 = tpu.memref_squeeze %dma_start3A_344 : memref<1x128x16xf32, #tpu.memory_space<vmem>> -> memref<128x16xf32, #tpu.memory_space<vmem>>
    %dma_start3A_346 = arith.constant 0 : i32
    %dma_start3A_347 = tpu.memref_slice %arg7[%dma_start3A_340, %dma_start3A_346] : memref<79x128xi32, #tpu.memory_space<vmem>> -> memref<1x128xi32, #tpu.memory_space<vmem>>
    %dma_start3A_348 = tpu.memref_squeeze %dma_start3A_347 : memref<1x128xi32, #tpu.memory_space<vmem>> -> memref<128xi32, #tpu.memory_space<vmem>>
    %dma_start3A_349 = arith.constant 0 : i32
    %dma_start3A_350 = arith.constant 0 : i32
    %dma_start3A_351 = tpu.memref_slice %arg9[%dma_start3A_349, %dma_start3A_350] : memref<10112x16xf32, #tpu.memory_space<vmem_shared>> -> memref<10112x16xf32, #tpu.memory_space<vmem_shared>>
    %dma_start3A_352 = tpu.memref_slice %arg12[%dma_start3A_341] : memref<6x!tpu.dma_semaphore, #tpu.memory_space<semaphore_mem>> -> memref<1x!tpu.dma_semaphore, #tpu.memory_space<semaphore_mem>>
    %dma_start3A_353 = tpu.memref_squeeze %dma_start3A_352 : memref<1x!tpu.dma_semaphore, #tpu.memory_space<semaphore_mem>> -> memref<!tpu.dma_semaphore, #tpu.memory_space<semaphore_mem>>
    tpu.enqueue_indirect_dma source(%dma_start3A_345 : memref<128x16xf32, #tpu.memory_space<vmem>>) target(%dma_start3A_351 : memref<10112x16xf32, #tpu.memory_space<vmem_shared>>) offsets(%dma_start3A_348 : memref<128xi32, #tpu.memory_space<vmem>>) semaphore(%dma_start3A_353 : memref<!tpu.dma_semaphore, #tpu.memory_space<semaphore_mem>>) {add = true}
    %dma_wait3A_354 = arith.constant 2 : i32
    %dma_wait3A_355 = arith.constant 2 : i32
    %dma_wait3A_356 = arith.constant 2 : i32
    %dma_wait3A_357 = arith.constant 0 : i32
    %dma_wait3A_358 = arith.constant 0 : i32
    %dma_wait3A_359 = tpu.memref_slice %arg8[%dma_wait3A_354, %dma_wait3A_357, %dma_wait3A_358] : memref<6x128x16xf32, #tpu.memory_space<vmem>> -> memref<1x128x16xf32, #tpu.memory_space<vmem>>
    %dma_wait3A_360 = tpu.memref_squeeze %dma_wait3A_359 : memref<1x128x16xf32, #tpu.memory_space<vmem>> -> memref<128x16xf32, #tpu.memory_space<vmem>>
    %dma_wait3A_361 = arith.constant 0 : i32
    %dma_wait3A_362 = tpu.memref_slice %arg7[%dma_wait3A_355, %dma_wait3A_361] : memref<79x128xi32, #tpu.memory_space<vmem>> -> memref<1x128xi32, #tpu.memory_space<vmem>>
    %dma_wait3A_363 = tpu.memref_squeeze %dma_wait3A_362 : memref<1x128xi32, #tpu.memory_space<vmem>> -> memref<128xi32, #tpu.memory_space<vmem>>
    %dma_wait3A_364 = arith.constant 0 : i32
    %dma_wait3A_365 = arith.constant 0 : i32
    %dma_wait3A_366 = tpu.memref_slice %arg9[%dma_wait3A_364, %dma_wait3A_365] : memref<10112x16xf32, #tpu.memory_space<vmem_shared>> -> memref<10112x16xf32, #tpu.memory_space<vmem_shared>>
    %dma_wait3A_367 = tpu.memref_slice %arg12[%dma_wait3A_356] : memref<6x!tpu.dma_semaphore, #tpu.memory_space<semaphore_mem>> -> memref<1x!tpu.dma_semaphore, #tpu.memory_space<semaphore_mem>>
    %dma_wait3A_368 = tpu.memref_squeeze %dma_wait3A_367 : memref<1x!tpu.dma_semaphore, #tpu.memory_space<semaphore_mem>> -> memref<!tpu.dma_semaphore, #tpu.memory_space<semaphore_mem>>
    tpu.wait_indirect_dma semaphore(%dma_wait3A_368 : memref<!tpu.dma_semaphore, #tpu.memory_space<semaphore_mem>>) src(%dma_wait3A_360 : memref<128x16xf32, #tpu.memory_space<vmem>>) dst(%dma_wait3A_366 : memref<10112x16xf32, #tpu.memory_space<vmem_shared>>)
    %dma_start3A_369 = arith.constant 8 : i32
    %dma_start3A_370 = arith.constant 2 : i32
    %dma_start3A_371 = arith.constant 2 : i32
    %dma_start3A_372 = arith.constant 0 : i32
    %dma_start3A_373 = arith.constant 0 : i32
    %dma_start3A_374 = tpu.memref_slice %arg8[%dma_start3A_370, %dma_start3A_372, %dma_start3A_373] : memref<6x128x16xf32, #tpu.memory_space<vmem>> -> memref<1x128x16xf32, #tpu.memory_space<vmem>>
    %dma_start3A_375 = tpu.memref_squeeze %dma_start3A_374 : memref<1x128x16xf32, #tpu.memory_space<vmem>> -> memref<128x16xf32, #tpu.memory_space<vmem>>
    %dma_start3A_376 = arith.constant 0 : i32
    %dma_start3A_377 = tpu.memref_slice %arg6[%dma_start3A_369, %dma_start3A_376] : memref<79x128xi32, #tpu.memory_space<vmem>> -> memref<1x128xi32, #tpu.memory_space<vmem>>
    %dma_start3A_378 = tpu.memref_squeeze %dma_start3A_377 : memref<1x128xi32, #tpu.memory_space<vmem>> -> memref<128xi32, #tpu.memory_space<vmem>>
    %dma_start3A_379 = arith.constant 0 : i32
    %dma_start3A_380 = arith.constant 0 : i32
    %dma_start3A_381 = tpu.memref_slice %arg10[%dma_start3A_379, %dma_start3A_380] : memref<10112x16xf32, #tpu.memory_space<vmem_shared>> -> memref<10112x16xf32, #tpu.memory_space<vmem_shared>>
    %dma_start3A_382 = tpu.memref_slice %arg11[%dma_start3A_371] : memref<6x!tpu.dma_semaphore, #tpu.memory_space<semaphore_mem>> -> memref<1x!tpu.dma_semaphore, #tpu.memory_space<semaphore_mem>>
    %dma_start3A_383 = tpu.memref_squeeze %dma_start3A_382 : memref<1x!tpu.dma_semaphore, #tpu.memory_space<semaphore_mem>> -> memref<!tpu.dma_semaphore, #tpu.memory_space<semaphore_mem>>
    tpu.enqueue_indirect_dma source(%dma_start3A_381 : memref<10112x16xf32, #tpu.memory_space<vmem_shared>>) target(%dma_start3A_375 : memref<128x16xf32, #tpu.memory_space<vmem>>) offsets(%dma_start3A_378 : memref<128xi32, #tpu.memory_space<vmem>>) semaphore(%dma_start3A_383 : memref<!tpu.dma_semaphore, #tpu.memory_space<semaphore_mem>>)
    %scan3A = arith.constant 0 : i32
    %scan3A_384 = arith.constant 1 : i32
    %scan3A_385 = arith.constant 11 : i32
    %scan3A_386 = arith.addi %scan3A_384, %scan3A_385 : i32
    %scan3A_387 = arith.constant 1 : i32
    scf.for %scan3A_762 = %scan3A_384 to %scan3A_386 step %scan3A_387  : i32 {
      %mul3A_763 = arith.constant 6 : i32
      %mul3A_764 = arith.muli %scan3A_762, %mul3A_763 : i32
      %add3A_765 = arith.constant 0 : i32
      %add3A_766 = arith.addi %mul3A_764, %add3A_765 : i32
      %dma_wait3A_767 = arith.constant 0 : i32
      %dma_wait3A_768 = arith.constant 0 : i32
      %dma_wait3A_769 = arith.constant 0 : i32
      %dma_wait3A_770 = arith.constant 0 : i32
      %dma_wait3A_771 = tpu.memref_slice %arg8[%dma_wait3A_767, %dma_wait3A_769, %dma_wait3A_770] : memref<6x128x16xf32, #tpu.memory_space<vmem>> -> memref<1x128x16xf32, #tpu.memory_space<vmem>>
      %dma_wait3A_772 = tpu.memref_squeeze %dma_wait3A_771 : memref<1x128x16xf32, #tpu.memory_space<vmem>> -> memref<128x16xf32, #tpu.memory_space<vmem>>
      %dma_wait3A_773 = arith.constant 0 : i32
      %dma_wait3A_774 = tpu.memref_slice %arg6[%add3A_766, %dma_wait3A_773] : memref<79x128xi32, #tpu.memory_space<vmem>> -> memref<1x128xi32, #tpu.memory_space<vmem>>
      %dma_wait3A_775 = tpu.memref_squeeze %dma_wait3A_774 : memref<1x128xi32, #tpu.memory_space<vmem>> -> memref<128xi32, #tpu.memory_space<vmem>>
      %dma_wait3A_776 = arith.constant 0 : i32
      %dma_wait3A_777 = arith.constant 0 : i32
      %dma_wait3A_778 = tpu.memref_slice %arg10[%dma_wait3A_776, %dma_wait3A_777] : memref<10112x16xf32, #tpu.memory_space<vmem_shared>> -> memref<10112x16xf32, #tpu.memory_space<vmem_shared>>
      %dma_wait3A_779 = tpu.memref_slice %arg11[%dma_wait3A_768] : memref<6x!tpu.dma_semaphore, #tpu.memory_space<semaphore_mem>> -> memref<1x!tpu.dma_semaphore, #tpu.memory_space<semaphore_mem>>
      %dma_wait3A_780 = tpu.memref_squeeze %dma_wait3A_779 : memref<1x!tpu.dma_semaphore, #tpu.memory_space<semaphore_mem>> -> memref<!tpu.dma_semaphore, #tpu.memory_space<semaphore_mem>>
      tpu.wait_indirect_dma semaphore(%dma_wait3A_780 : memref<!tpu.dma_semaphore, #tpu.memory_space<semaphore_mem>>) src(%dma_wait3A_778 : memref<10112x16xf32, #tpu.memory_space<vmem_shared>>) dst(%dma_wait3A_772 : memref<128x16xf32, #tpu.memory_space<vmem>>)
      %dma_start3A_781 = arith.constant 0 : i32
      %dma_start3A_782 = arith.constant 0 : i32
      %dma_start3A_783 = arith.constant 0 : i32
      %dma_start3A_784 = arith.constant 0 : i32
      %dma_start3A_785 = tpu.memref_slice %arg8[%dma_start3A_781, %dma_start3A_783, %dma_start3A_784] : memref<6x128x16xf32, #tpu.memory_space<vmem>> -> memref<1x128x16xf32, #tpu.memory_space<vmem>>
      %dma_start3A_786 = tpu.memref_squeeze %dma_start3A_785 : memref<1x128x16xf32, #tpu.memory_space<vmem>> -> memref<128x16xf32, #tpu.memory_space<vmem>>
      %dma_start3A_787 = arith.constant 0 : i32
      %dma_start3A_788 = tpu.memref_slice %arg7[%add3A_766, %dma_start3A_787] : memref<79x128xi32, #tpu.memory_space<vmem>> -> memref<1x128xi32, #tpu.memory_space<vmem>>
      %dma_start3A_789 = tpu.memref_squeeze %dma_start3A_788 : memref<1x128xi32, #tpu.memory_space<vmem>> -> memref<128xi32, #tpu.memory_space<vmem>>
      %dma_start3A_790 = arith.constant 0 : i32
      %dma_start3A_791 = arith.constant 0 : i32
      %dma_start3A_792 = tpu.memref_slice %arg9[%dma_start3A_790, %dma_start3A_791] : memref<10112x16xf32, #tpu.memory_space<vmem_shared>> -> memref<10112x16xf32, #tpu.memory_space<vmem_shared>>
      %dma_start3A_793 = tpu.memref_slice %arg12[%dma_start3A_782] : memref<6x!tpu.dma_semaphore, #tpu.memory_space<semaphore_mem>> -> memref<1x!tpu.dma_semaphore, #tpu.memory_space<semaphore_mem>>
      %dma_start3A_794 = tpu.memref_squeeze %dma_start3A_793 : memref<1x!tpu.dma_semaphore, #tpu.memory_space<semaphore_mem>> -> memref<!tpu.dma_semaphore, #tpu.memory_space<semaphore_mem>>
      tpu.enqueue_indirect_dma source(%dma_start3A_786 : memref<128x16xf32, #tpu.memory_space<vmem>>) target(%dma_start3A_792 : memref<10112x16xf32, #tpu.memory_space<vmem_shared>>) offsets(%dma_start3A_789 : memref<128xi32, #tpu.memory_space<vmem>>) semaphore(%dma_start3A_794 : memref<!tpu.dma_semaphore, #tpu.memory_space<semaphore_mem>>) {add = true}
      %add3A_795 = arith.constant 3 : i32
      %add3A_796 = arith.addi %add3A_766, %add3A_795 : i32
      %sub3A = arith.constant 6 : i32
      %sub3A_797 = arith.subi %add3A_796, %sub3A : i32
      %dma_wait3A_798 = arith.constant 3 : i32
      %dma_wait3A_799 = arith.constant 3 : i32
      %dma_wait3A_800 = arith.constant 0 : i32
      %dma_wait3A_801 = arith.constant 0 : i32
      %dma_wait3A_802 = tpu.memref_slice %arg8[%dma_wait3A_798, %dma_wait3A_800, %dma_wait3A_801] : memref<6x128x16xf32, #tpu.memory_space<vmem>> -> memref<1x128x16xf32, #tpu.memory_space<vmem>>
      %dma_wait3A_803 = tpu.memref_squeeze %dma_wait3A_802 : memref<1x128x16xf32, #tpu.memory_space<vmem>> -> memref<128x16xf32, #tpu.memory_space<vmem>>
      %dma_wait3A_804 = arith.constant 0 : i32
      %dma_wait3A_805 = tpu.memref_slice %arg7[%sub3A_797, %dma_wait3A_804] : memref<79x128xi32, #tpu.memory_space<vmem>> -> memref<1x128xi32, #tpu.memory_space<vmem>>
      %dma_wait3A_806 = tpu.memref_squeeze %dma_wait3A_805 : memref<1x128xi32, #tpu.memory_space<vmem>> -> memref<128xi32, #tpu.memory_space<vmem>>
      %dma_wait3A_807 = arith.constant 0 : i32
      %dma_wait3A_808 = arith.constant 0 : i32
      %dma_wait3A_809 = tpu.memref_slice %arg9[%dma_wait3A_807, %dma_wait3A_808] : memref<10112x16xf32, #tpu.memory_space<vmem_shared>> -> memref<10112x16xf32, #tpu.memory_space<vmem_shared>>
      %dma_wait3A_810 = tpu.memref_slice %arg12[%dma_wait3A_799] : memref<6x!tpu.dma_semaphore, #tpu.memory_space<semaphore_mem>> -> memref<1x!tpu.dma_semaphore, #tpu.memory_space<semaphore_mem>>
      %dma_wait3A_811 = tpu.memref_squeeze %dma_wait3A_810 : memref<1x!tpu.dma_semaphore, #tpu.memory_space<semaphore_mem>> -> memref<!tpu.dma_semaphore, #tpu.memory_space<semaphore_mem>>
      tpu.wait_indirect_dma semaphore(%dma_wait3A_811 : memref<!tpu.dma_semaphore, #tpu.memory_space<semaphore_mem>>) src(%dma_wait3A_803 : memref<128x16xf32, #tpu.memory_space<vmem>>) dst(%dma_wait3A_809 : memref<10112x16xf32, #tpu.memory_space<vmem_shared>>)
      %dma_start3A_812 = arith.constant 3 : i32
      %dma_start3A_813 = arith.constant 3 : i32
      %dma_start3A_814 = arith.constant 0 : i32
      %dma_start3A_815 = arith.constant 0 : i32
      %dma_start3A_816 = tpu.memref_slice %arg8[%dma_start3A_812, %dma_start3A_814, %dma_start3A_815] : memref<6x128x16xf32, #tpu.memory_space<vmem>> -> memref<1x128x16xf32, #tpu.memory_space<vmem>>
      %dma_start3A_817 = tpu.memref_squeeze %dma_start3A_816 : memref<1x128x16xf32, #tpu.memory_space<vmem>> -> memref<128x16xf32, #tpu.memory_space<vmem>>
      %dma_start3A_818 = arith.constant 0 : i32
      %dma_start3A_819 = tpu.memref_slice %arg6[%add3A_796, %dma_start3A_818] : memref<79x128xi32, #tpu.memory_space<vmem>> -> memref<1x128xi32, #tpu.memory_space<vmem>>
      %dma_start3A_820 = tpu.memref_squeeze %dma_start3A_819 : memref<1x128xi32, #tpu.memory_space<vmem>> -> memref<128xi32, #tpu.memory_space<vmem>>
      %dma_start3A_821 = arith.constant 0 : i32
      %dma_start3A_822 = arith.constant 0 : i32
      %dma_start3A_823 = tpu.memref_slice %arg10[%dma_start3A_821, %dma_start3A_822] : memref<10112x16xf32, #tpu.memory_space<vmem_shared>> -> memref<10112x16xf32, #tpu.memory_space<vmem_shared>>
      %dma_start3A_824 = tpu.memref_slice %arg11[%dma_start3A_813] : memref<6x!tpu.dma_semaphore, #tpu.memory_space<semaphore_mem>> -> memref<1x!tpu.dma_semaphore, #tpu.memory_space<semaphore_mem>>
      %dma_start3A_825 = tpu.memref_squeeze %dma_start3A_824 : memref<1x!tpu.dma_semaphore, #tpu.memory_space<semaphore_mem>> -> memref<!tpu.dma_semaphore, #tpu.memory_space<semaphore_mem>>
      tpu.enqueue_indirect_dma source(%dma_start3A_823 : memref<10112x16xf32, #tpu.memory_space<vmem_shared>>) target(%dma_start3A_817 : memref<128x16xf32, #tpu.memory_space<vmem>>) offsets(%dma_start3A_820 : memref<128xi32, #tpu.memory_space<vmem>>) semaphore(%dma_start3A_825 : memref<!tpu.dma_semaphore, #tpu.memory_space<semaphore_mem>>)
      %add3A_826 = arith.constant 1 : i32
      %add3A_827 = arith.addi %mul3A_764, %add3A_826 : i32
      %dma_wait3A_828 = arith.constant 1 : i32
      %dma_wait3A_829 = arith.constant 1 : i32
      %dma_wait3A_830 = arith.constant 0 : i32
      %dma_wait3A_831 = arith.constant 0 : i32
      %dma_wait3A_832 = tpu.memref_slice %arg8[%dma_wait3A_828, %dma_wait3A_830, %dma_wait3A_831] : memref<6x128x16xf32, #tpu.memory_space<vmem>> -> memref<1x128x16xf32, #tpu.memory_space<vmem>>
      %dma_wait3A_833 = tpu.memref_squeeze %dma_wait3A_832 : memref<1x128x16xf32, #tpu.memory_space<vmem>> -> memref<128x16xf32, #tpu.memory_space<vmem>>
      %dma_wait3A_834 = arith.constant 0 : i32
      %dma_wait3A_835 = tpu.memref_slice %arg6[%add3A_827, %dma_wait3A_834] : memref<79x128xi32, #tpu.memory_space<vmem>> -> memref<1x128xi32, #tpu.memory_space<vmem>>
      %dma_wait3A_836 = tpu.memref_squeeze %dma_wait3A_835 : memref<1x128xi32, #tpu.memory_space<vmem>> -> memref<128xi32, #tpu.memory_space<vmem>>
      %dma_wait3A_837 = arith.constant 0 : i32
      %dma_wait3A_838 = arith.constant 0 : i32
      %dma_wait3A_839 = tpu.memref_slice %arg10[%dma_wait3A_837, %dma_wait3A_838] : memref<10112x16xf32, #tpu.memory_space<vmem_shared>> -> memref<10112x16xf32, #tpu.memory_space<vmem_shared>>
      %dma_wait3A_840 = tpu.memref_slice %arg11[%dma_wait3A_829] : memref<6x!tpu.dma_semaphore, #tpu.memory_space<semaphore_mem>> -> memref<1x!tpu.dma_semaphore, #tpu.memory_space<semaphore_mem>>
      %dma_wait3A_841 = tpu.memref_squeeze %dma_wait3A_840 : memref<1x!tpu.dma_semaphore, #tpu.memory_space<semaphore_mem>> -> memref<!tpu.dma_semaphore, #tpu.memory_space<semaphore_mem>>
      tpu.wait_indirect_dma semaphore(%dma_wait3A_841 : memref<!tpu.dma_semaphore, #tpu.memory_space<semaphore_mem>>) src(%dma_wait3A_839 : memref<10112x16xf32, #tpu.memory_space<vmem_shared>>) dst(%dma_wait3A_833 : memref<128x16xf32, #tpu.memory_space<vmem>>)
      %dma_start3A_842 = arith.constant 1 : i32
      %dma_start3A_843 = arith.constant 1 : i32
      %dma_start3A_844 = arith.constant 0 : i32
      %dma_start3A_845 = arith.constant 0 : i32
      %dma_start3A_846 = tpu.memref_slice %arg8[%dma_start3A_842, %dma_start3A_844, %dma_start3A_845] : memref<6x128x16xf32, #tpu.memory_space<vmem>> -> memref<1x128x16xf32, #tpu.memory_space<vmem>>
      %dma_start3A_847 = tpu.memref_squeeze %dma_start3A_846 : memref<1x128x16xf32, #tpu.memory_space<vmem>> -> memref<128x16xf32, #tpu.memory_space<vmem>>
      %dma_start3A_848 = arith.constant 0 : i32
      %dma_start3A_849 = tpu.memref_slice %arg7[%add3A_827, %dma_start3A_848] : memref<79x128xi32, #tpu.memory_space<vmem>> -> memref<1x128xi32, #tpu.memory_space<vmem>>
      %dma_start3A_850 = tpu.memref_squeeze %dma_start3A_849 : memref<1x128xi32, #tpu.memory_space<vmem>> -> memref<128xi32, #tpu.memory_space<vmem>>
      %dma_start3A_851 = arith.constant 0 : i32
      %dma_start3A_852 = arith.constant 0 : i32
      %dma_start3A_853 = tpu.memref_slice %arg9[%dma_start3A_851, %dma_start3A_852] : memref<10112x16xf32, #tpu.memory_space<vmem_shared>> -> memref<10112x16xf32, #tpu.memory_space<vmem_shared>>
      %dma_start3A_854 = tpu.memref_slice %arg12[%dma_start3A_843] : memref<6x!tpu.dma_semaphore, #tpu.memory_space<semaphore_mem>> -> memref<1x!tpu.dma_semaphore, #tpu.memory_space<semaphore_mem>>
      %dma_start3A_855 = tpu.memref_squeeze %dma_start3A_854 : memref<1x!tpu.dma_semaphore, #tpu.memory_space<semaphore_mem>> -> memref<!tpu.dma_semaphore, #tpu.memory_space<semaphore_mem>>
      tpu.enqueue_indirect_dma source(%dma_start3A_847 : memref<128x16xf32, #tpu.memory_space<vmem>>) target(%dma_start3A_853 : memref<10112x16xf32, #tpu.memory_space<vmem_shared>>) offsets(%dma_start3A_850 : memref<128xi32, #tpu.memory_space<vmem>>) semaphore(%dma_start3A_855 : memref<!tpu.dma_semaphore, #tpu.memory_space<semaphore_mem>>) {add = true}
      %add3A_856 = arith.constant 3 : i32
      %add3A_857 = arith.addi %add3A_827, %add3A_856 : i32
      %sub3A_858 = arith.constant 6 : i32
      %sub3A_859 = arith.subi %add3A_857, %sub3A_858 : i32
      %dma_wait3A_860 = arith.constant 4 : i32
      %dma_wait3A_861 = arith.constant 4 : i32
      %dma_wait3A_862 = arith.constant 0 : i32
      %dma_wait3A_863 = arith.constant 0 : i32
      %dma_wait3A_864 = tpu.memref_slice %arg8[%dma_wait3A_860, %dma_wait3A_862, %dma_wait3A_863] : memref<6x128x16xf32, #tpu.memory_space<vmem>> -> memref<1x128x16xf32, #tpu.memory_space<vmem>>
      %dma_wait3A_865 = tpu.memref_squeeze %dma_wait3A_864 : memref<1x128x16xf32, #tpu.memory_space<vmem>> -> memref<128x16xf32, #tpu.memory_space<vmem>>
      %dma_wait3A_866 = arith.constant 0 : i32
      %dma_wait3A_867 = tpu.memref_slice %arg7[%sub3A_859, %dma_wait3A_866] : memref<79x128xi32, #tpu.memory_space<vmem>> -> memref<1x128xi32, #tpu.memory_space<vmem>>
      %dma_wait3A_868 = tpu.memref_squeeze %dma_wait3A_867 : memref<1x128xi32, #tpu.memory_space<vmem>> -> memref<128xi32, #tpu.memory_space<vmem>>
      %dma_wait3A_869 = arith.constant 0 : i32
      %dma_wait3A_870 = arith.constant 0 : i32
      %dma_wait3A_871 = tpu.memref_slice %arg9[%dma_wait3A_869, %dma_wait3A_870] : memref<10112x16xf32, #tpu.memory_space<vmem_shared>> -> memref<10112x16xf32, #tpu.memory_space<vmem_shared>>
      %dma_wait3A_872 = tpu.memref_slice %arg12[%dma_wait3A_861] : memref<6x!tpu.dma_semaphore, #tpu.memory_space<semaphore_mem>> -> memref<1x!tpu.dma_semaphore, #tpu.memory_space<semaphore_mem>>
      %dma_wait3A_873 = tpu.memref_squeeze %dma_wait3A_872 : memref<1x!tpu.dma_semaphore, #tpu.memory_space<semaphore_mem>> -> memref<!tpu.dma_semaphore, #tpu.memory_space<semaphore_mem>>
      tpu.wait_indirect_dma semaphore(%dma_wait3A_873 : memref<!tpu.dma_semaphore, #tpu.memory_space<semaphore_mem>>) src(%dma_wait3A_865 : memref<128x16xf32, #tpu.memory_space<vmem>>) dst(%dma_wait3A_871 : memref<10112x16xf32, #tpu.memory_space<vmem_shared>>)
      %dma_start3A_874 = arith.constant 4 : i32
      %dma_start3A_875 = arith.constant 4 : i32
      %dma_start3A_876 = arith.constant 0 : i32
      %dma_start3A_877 = arith.constant 0 : i32
      %dma_start3A_878 = tpu.memref_slice %arg8[%dma_start3A_874, %dma_start3A_876, %dma_start3A_877] : memref<6x128x16xf32, #tpu.memory_space<vmem>> -> memref<1x128x16xf32, #tpu.memory_space<vmem>>
      %dma_start3A_879 = tpu.memref_squeeze %dma_start3A_878 : memref<1x128x16xf32, #tpu.memory_space<vmem>> -> memref<128x16xf32, #tpu.memory_space<vmem>>
      %dma_start3A_880 = arith.constant 0 : i32
      %dma_start3A_881 = tpu.memref_slice %arg6[%add3A_857, %dma_start3A_880] : memref<79x128xi32, #tpu.memory_space<vmem>> -> memref<1x128xi32, #tpu.memory_space<vmem>>
      %dma_start3A_882 = tpu.memref_squeeze %dma_start3A_881 : memref<1x128xi32, #tpu.memory_space<vmem>> -> memref<128xi32, #tpu.memory_space<vmem>>
      %dma_start3A_883 = arith.constant 0 : i32
      %dma_start3A_884 = arith.constant 0 : i32
      %dma_start3A_885 = tpu.memref_slice %arg10[%dma_start3A_883, %dma_start3A_884] : memref<10112x16xf32, #tpu.memory_space<vmem_shared>> -> memref<10112x16xf32, #tpu.memory_space<vmem_shared>>
      %dma_start3A_886 = tpu.memref_slice %arg11[%dma_start3A_875] : memref<6x!tpu.dma_semaphore, #tpu.memory_space<semaphore_mem>> -> memref<1x!tpu.dma_semaphore, #tpu.memory_space<semaphore_mem>>
      %dma_start3A_887 = tpu.memref_squeeze %dma_start3A_886 : memref<1x!tpu.dma_semaphore, #tpu.memory_space<semaphore_mem>> -> memref<!tpu.dma_semaphore, #tpu.memory_space<semaphore_mem>>
      tpu.enqueue_indirect_dma source(%dma_start3A_885 : memref<10112x16xf32, #tpu.memory_space<vmem_shared>>) target(%dma_start3A_879 : memref<128x16xf32, #tpu.memory_space<vmem>>) offsets(%dma_start3A_882 : memref<128xi32, #tpu.memory_space<vmem>>) semaphore(%dma_start3A_887 : memref<!tpu.dma_semaphore, #tpu.memory_space<semaphore_mem>>)
      %add3A_888 = arith.constant 2 : i32
      %add3A_889 = arith.addi %mul3A_764, %add3A_888 : i32
      %dma_wait3A_890 = arith.constant 2 : i32
      %dma_wait3A_891 = arith.constant 2 : i32
      %dma_wait3A_892 = arith.constant 0 : i32
      %dma_wait3A_893 = arith.constant 0 : i32
      %dma_wait3A_894 = tpu.memref_slice %arg8[%dma_wait3A_890, %dma_wait3A_892, %dma_wait3A_893] : memref<6x128x16xf32, #tpu.memory_space<vmem>> -> memref<1x128x16xf32, #tpu.memory_space<vmem>>
      %dma_wait3A_895 = tpu.memref_squeeze %dma_wait3A_894 : memref<1x128x16xf32, #tpu.memory_space<vmem>> -> memref<128x16xf32, #tpu.memory_space<vmem>>
      %dma_wait3A_896 = arith.constant 0 : i32
      %dma_wait3A_897 = tpu.memref_slice %arg6[%add3A_889, %dma_wait3A_896] : memref<79x128xi32, #tpu.memory_space<vmem>> -> memref<1x128xi32, #tpu.memory_space<vmem>>
      %dma_wait3A_898 = tpu.memref_squeeze %dma_wait3A_897 : memref<1x128xi32, #tpu.memory_space<vmem>> -> memref<128xi32, #tpu.memory_space<vmem>>
      %dma_wait3A_899 = arith.constant 0 : i32
      %dma_wait3A_900 = arith.constant 0 : i32
      %dma_wait3A_901 = tpu.memref_slice %arg10[%dma_wait3A_899, %dma_wait3A_900] : memref<10112x16xf32, #tpu.memory_space<vmem_shared>> -> memref<10112x16xf32, #tpu.memory_space<vmem_shared>>
      %dma_wait3A_902 = tpu.memref_slice %arg11[%dma_wait3A_891] : memref<6x!tpu.dma_semaphore, #tpu.memory_space<semaphore_mem>> -> memref<1x!tpu.dma_semaphore, #tpu.memory_space<semaphore_mem>>
      %dma_wait3A_903 = tpu.memref_squeeze %dma_wait3A_902 : memref<1x!tpu.dma_semaphore, #tpu.memory_space<semaphore_mem>> -> memref<!tpu.dma_semaphore, #tpu.memory_space<semaphore_mem>>
      tpu.wait_indirect_dma semaphore(%dma_wait3A_903 : memref<!tpu.dma_semaphore, #tpu.memory_space<semaphore_mem>>) src(%dma_wait3A_901 : memref<10112x16xf32, #tpu.memory_space<vmem_shared>>) dst(%dma_wait3A_895 : memref<128x16xf32, #tpu.memory_space<vmem>>)
      %dma_start3A_904 = arith.constant 2 : i32
      %dma_start3A_905 = arith.constant 2 : i32
      %dma_start3A_906 = arith.constant 0 : i32
      %dma_start3A_907 = arith.constant 0 : i32
      %dma_start3A_908 = tpu.memref_slice %arg8[%dma_start3A_904, %dma_start3A_906, %dma_start3A_907] : memref<6x128x16xf32, #tpu.memory_space<vmem>> -> memref<1x128x16xf32, #tpu.memory_space<vmem>>
      %dma_start3A_909 = tpu.memref_squeeze %dma_start3A_908 : memref<1x128x16xf32, #tpu.memory_space<vmem>> -> memref<128x16xf32, #tpu.memory_space<vmem>>
      %dma_start3A_910 = arith.constant 0 : i32
      %dma_start3A_911 = tpu.memref_slice %arg7[%add3A_889, %dma_start3A_910] : memref<79x128xi32, #tpu.memory_space<vmem>> -> memref<1x128xi32, #tpu.memory_space<vmem>>
      %dma_start3A_912 = tpu.memref_squeeze %dma_start3A_911 : memref<1x128xi32, #tpu.memory_space<vmem>> -> memref<128xi32, #tpu.memory_space<vmem>>
      %dma_start3A_913 = arith.constant 0 : i32
      %dma_start3A_914 = arith.constant 0 : i32
      %dma_start3A_915 = tpu.memref_slice %arg9[%dma_start3A_913, %dma_start3A_914] : memref<10112x16xf32, #tpu.memory_space<vmem_shared>> -> memref<10112x16xf32, #tpu.memory_space<vmem_shared>>
      %dma_start3A_916 = tpu.memref_slice %arg12[%dma_start3A_905] : memref<6x!tpu.dma_semaphore, #tpu.memory_space<semaphore_mem>> -> memref<1x!tpu.dma_semaphore, #tpu.memory_space<semaphore_mem>>
      %dma_start3A_917 = tpu.memref_squeeze %dma_start3A_916 : memref<1x!tpu.dma_semaphore, #tpu.memory_space<semaphore_mem>> -> memref<!tpu.dma_semaphore, #tpu.memory_space<semaphore_mem>>
      tpu.enqueue_indirect_dma source(%dma_start3A_909 : memref<128x16xf32, #tpu.memory_space<vmem>>) target(%dma_start3A_915 : memref<10112x16xf32, #tpu.memory_space<vmem_shared>>) offsets(%dma_start3A_912 : memref<128xi32, #tpu.memory_space<vmem>>) semaphore(%dma_start3A_917 : memref<!tpu.dma_semaphore, #tpu.memory_space<semaphore_mem>>) {add = true}
      %add3A_918 = arith.constant 3 : i32
      %add3A_919 = arith.addi %add3A_889, %add3A_918 : i32
      %sub3A_920 = arith.constant 6 : i32
      %sub3A_921 = arith.subi %add3A_919, %sub3A_920 : i32
      %dma_wait3A_922 = arith.constant 5 : i32
      %dma_wait3A_923 = arith.constant 5 : i32
      %dma_wait3A_924 = arith.constant 0 : i32
      %dma_wait3A_925 = arith.constant 0 : i32
      %dma_wait3A_926 = tpu.memref_slice %arg8[%dma_wait3A_922, %dma_wait3A_924, %dma_wait3A_925] : memref<6x128x16xf32, #tpu.memory_space<vmem>> -> memref<1x128x16xf32, #tpu.memory_space<vmem>>
      %dma_wait3A_927 = tpu.memref_squeeze %dma_wait3A_926 : memref<1x128x16xf32, #tpu.memory_space<vmem>> -> memref<128x16xf32, #tpu.memory_space<vmem>>
      %dma_wait3A_928 = arith.constant 0 : i32
      %dma_wait3A_929 = tpu.memref_slice %arg7[%sub3A_921, %dma_wait3A_928] : memref<79x128xi32, #tpu.memory_space<vmem>> -> memref<1x128xi32, #tpu.memory_space<vmem>>
      %dma_wait3A_930 = tpu.memref_squeeze %dma_wait3A_929 : memref<1x128xi32, #tpu.memory_space<vmem>> -> memref<128xi32, #tpu.memory_space<vmem>>
      %dma_wait3A_931 = arith.constant 0 : i32
      %dma_wait3A_932 = arith.constant 0 : i32
      %dma_wait3A_933 = tpu.memref_slice %arg9[%dma_wait3A_931, %dma_wait3A_932] : memref<10112x16xf32, #tpu.memory_space<vmem_shared>> -> memref<10112x16xf32, #tpu.memory_space<vmem_shared>>
      %dma_wait3A_934 = tpu.memref_slice %arg12[%dma_wait3A_923] : memref<6x!tpu.dma_semaphore, #tpu.memory_space<semaphore_mem>> -> memref<1x!tpu.dma_semaphore, #tpu.memory_space<semaphore_mem>>
      %dma_wait3A_935 = tpu.memref_squeeze %dma_wait3A_934 : memref<1x!tpu.dma_semaphore, #tpu.memory_space<semaphore_mem>> -> memref<!tpu.dma_semaphore, #tpu.memory_space<semaphore_mem>>
      tpu.wait_indirect_dma semaphore(%dma_wait3A_935 : memref<!tpu.dma_semaphore, #tpu.memory_space<semaphore_mem>>) src(%dma_wait3A_927 : memref<128x16xf32, #tpu.memory_space<vmem>>) dst(%dma_wait3A_933 : memref<10112x16xf32, #tpu.memory_space<vmem_shared>>)
      %dma_start3A_936 = arith.constant 5 : i32
      %dma_start3A_937 = arith.constant 5 : i32
      %dma_start3A_938 = arith.constant 0 : i32
      %dma_start3A_939 = arith.constant 0 : i32
      %dma_start3A_940 = tpu.memref_slice %arg8[%dma_start3A_936, %dma_start3A_938, %dma_start3A_939] : memref<6x128x16xf32, #tpu.memory_space<vmem>> -> memref<1x128x16xf32, #tpu.memory_space<vmem>>
      %dma_start3A_941 = tpu.memref_squeeze %dma_start3A_940 : memref<1x128x16xf32, #tpu.memory_space<vmem>> -> memref<128x16xf32, #tpu.memory_space<vmem>>
      %dma_start3A_942 = arith.constant 0 : i32
      %dma_start3A_943 = tpu.memref_slice %arg6[%add3A_919, %dma_start3A_942] : memref<79x128xi32, #tpu.memory_space<vmem>> -> memref<1x128xi32, #tpu.memory_space<vmem>>
      %dma_start3A_944 = tpu.memref_squeeze %dma_start3A_943 : memref<1x128xi32, #tpu.memory_space<vmem>> -> memref<128xi32, #tpu.memory_space<vmem>>
      %dma_start3A_945 = arith.constant 0 : i32
      %dma_start3A_946 = arith.constant 0 : i32
      %dma_start3A_947 = tpu.memref_slice %arg10[%dma_start3A_945, %dma_start3A_946] : memref<10112x16xf32, #tpu.memory_space<vmem_shared>> -> memref<10112x16xf32, #tpu.memory_space<vmem_shared>>
      %dma_start3A_948 = tpu.memref_slice %arg11[%dma_start3A_937] : memref<6x!tpu.dma_semaphore, #tpu.memory_space<semaphore_mem>> -> memref<1x!tpu.dma_semaphore, #tpu.memory_space<semaphore_mem>>
      %dma_start3A_949 = tpu.memref_squeeze %dma_start3A_948 : memref<1x!tpu.dma_semaphore, #tpu.memory_space<semaphore_mem>> -> memref<!tpu.dma_semaphore, #tpu.memory_space<semaphore_mem>>
      tpu.enqueue_indirect_dma source(%dma_start3A_947 : memref<10112x16xf32, #tpu.memory_space<vmem_shared>>) target(%dma_start3A_941 : memref<128x16xf32, #tpu.memory_space<vmem>>) offsets(%dma_start3A_944 : memref<128xi32, #tpu.memory_space<vmem>>) semaphore(%dma_start3A_949 : memref<!tpu.dma_semaphore, #tpu.memory_space<semaphore_mem>>)
      %add3A_950 = arith.constant 3 : i32
      %add3A_951 = arith.addi %mul3A_764, %add3A_950 : i32
      %dma_wait3A_952 = arith.constant 3 : i32
      %dma_wait3A_953 = arith.constant 3 : i32
      %dma_wait3A_954 = arith.constant 0 : i32
      %dma_wait3A_955 = arith.constant 0 : i32
      %dma_wait3A_956 = tpu.memref_slice %arg8[%dma_wait3A_952, %dma_wait3A_954, %dma_wait3A_955] : memref<6x128x16xf32, #tpu.memory_space<vmem>> -> memref<1x128x16xf32, #tpu.memory_space<vmem>>
      %dma_wait3A_957 = tpu.memref_squeeze %dma_wait3A_956 : memref<1x128x16xf32, #tpu.memory_space<vmem>> -> memref<128x16xf32, #tpu.memory_space<vmem>>
      %dma_wait3A_958 = arith.constant 0 : i32
      %dma_wait3A_959 = tpu.memref_slice %arg6[%add3A_951, %dma_wait3A_958] : memref<79x128xi32, #tpu.memory_space<vmem>> -> memref<1x128xi32, #tpu.memory_space<vmem>>
      %dma_wait3A_960 = tpu.memref_squeeze %dma_wait3A_959 : memref<1x128xi32, #tpu.memory_space<vmem>> -> memref<128xi32, #tpu.memory_space<vmem>>
      %dma_wait3A_961 = arith.constant 0 : i32
      %dma_wait3A_962 = arith.constant 0 : i32
      %dma_wait3A_963 = tpu.memref_slice %arg10[%dma_wait3A_961, %dma_wait3A_962] : memref<10112x16xf32, #tpu.memory_space<vmem_shared>> -> memref<10112x16xf32, #tpu.memory_space<vmem_shared>>
      %dma_wait3A_964 = tpu.memref_slice %arg11[%dma_wait3A_953] : memref<6x!tpu.dma_semaphore, #tpu.memory_space<semaphore_mem>> -> memref<1x!tpu.dma_semaphore, #tpu.memory_space<semaphore_mem>>
      %dma_wait3A_965 = tpu.memref_squeeze %dma_wait3A_964 : memref<1x!tpu.dma_semaphore, #tpu.memory_space<semaphore_mem>> -> memref<!tpu.dma_semaphore, #tpu.memory_space<semaphore_mem>>
      tpu.wait_indirect_dma semaphore(%dma_wait3A_965 : memref<!tpu.dma_semaphore, #tpu.memory_space<semaphore_mem>>) src(%dma_wait3A_963 : memref<10112x16xf32, #tpu.memory_space<vmem_shared>>) dst(%dma_wait3A_957 : memref<128x16xf32, #tpu.memory_space<vmem>>)
      %dma_start3A_966 = arith.constant 3 : i32
      %dma_start3A_967 = arith.constant 3 : i32
      %dma_start3A_968 = arith.constant 0 : i32
      %dma_start3A_969 = arith.constant 0 : i32
      %dma_start3A_970 = tpu.memref_slice %arg8[%dma_start3A_966, %dma_start3A_968, %dma_start3A_969] : memref<6x128x16xf32, #tpu.memory_space<vmem>> -> memref<1x128x16xf32, #tpu.memory_space<vmem>>
      %dma_start3A_971 = tpu.memref_squeeze %dma_start3A_970 : memref<1x128x16xf32, #tpu.memory_space<vmem>> -> memref<128x16xf32, #tpu.memory_space<vmem>>
      %dma_start3A_972 = arith.constant 0 : i32
      %dma_start3A_973 = tpu.memref_slice %arg7[%add3A_951, %dma_start3A_972] : memref<79x128xi32, #tpu.memory_space<vmem>> -> memref<1x128xi32, #tpu.memory_space<vmem>>
      %dma_start3A_974 = tpu.memref_squeeze %dma_start3A_973 : memref<1x128xi32, #tpu.memory_space<vmem>> -> memref<128xi32, #tpu.memory_space<vmem>>
      %dma_start3A_975 = arith.constant 0 : i32
      %dma_start3A_976 = arith.constant 0 : i32
      %dma_start3A_977 = tpu.memref_slice %arg9[%dma_start3A_975, %dma_start3A_976] : memref<10112x16xf32, #tpu.memory_space<vmem_shared>> -> memref<10112x16xf32, #tpu.memory_space<vmem_shared>>
      %dma_start3A_978 = tpu.memref_slice %arg12[%dma_start3A_967] : memref<6x!tpu.dma_semaphore, #tpu.memory_space<semaphore_mem>> -> memref<1x!tpu.dma_semaphore, #tpu.memory_space<semaphore_mem>>
      %dma_start3A_979 = tpu.memref_squeeze %dma_start3A_978 : memref<1x!tpu.dma_semaphore, #tpu.memory_space<semaphore_mem>> -> memref<!tpu.dma_semaphore, #tpu.memory_space<semaphore_mem>>
      tpu.enqueue_indirect_dma source(%dma_start3A_971 : memref<128x16xf32, #tpu.memory_space<vmem>>) target(%dma_start3A_977 : memref<10112x16xf32, #tpu.memory_space<vmem_shared>>) offsets(%dma_start3A_974 : memref<128xi32, #tpu.memory_space<vmem>>) semaphore(%dma_start3A_979 : memref<!tpu.dma_semaphore, #tpu.memory_space<semaphore_mem>>) {add = true}
      %add3A_980 = arith.constant 3 : i32
      %add3A_981 = arith.addi %add3A_951, %add3A_980 : i32
      %sub3A_982 = arith.constant 6 : i32
      %sub3A_983 = arith.subi %add3A_981, %sub3A_982 : i32
      %dma_wait3A_984 = arith.constant 0 : i32
      %dma_wait3A_985 = arith.constant 0 : i32
      %dma_wait3A_986 = arith.constant 0 : i32
      %dma_wait3A_987 = arith.constant 0 : i32
      %dma_wait3A_988 = tpu.memref_slice %arg8[%dma_wait3A_984, %dma_wait3A_986, %dma_wait3A_987] : memref<6x128x16xf32, #tpu.memory_space<vmem>> -> memref<1x128x16xf32, #tpu.memory_space<vmem>>
      %dma_wait3A_989 = tpu.memref_squeeze %dma_wait3A_988 : memref<1x128x16xf32, #tpu.memory_space<vmem>> -> memref<128x16xf32, #tpu.memory_space<vmem>>
      %dma_wait3A_990 = arith.constant 0 : i32
      %dma_wait3A_991 = tpu.memref_slice %arg7[%sub3A_983, %dma_wait3A_990] : memref<79x128xi32, #tpu.memory_space<vmem>> -> memref<1x128xi32, #tpu.memory_space<vmem>>
      %dma_wait3A_992 = tpu.memref_squeeze %dma_wait3A_991 : memref<1x128xi32, #tpu.memory_space<vmem>> -> memref<128xi32, #tpu.memory_space<vmem>>
      %dma_wait3A_993 = arith.constant 0 : i32
      %dma_wait3A_994 = arith.constant 0 : i32
      %dma_wait3A_995 = tpu.memref_slice %arg9[%dma_wait3A_993, %dma_wait3A_994] : memref<10112x16xf32, #tpu.memory_space<vmem_shared>> -> memref<10112x16xf32, #tpu.memory_space<vmem_shared>>
      %dma_wait3A_996 = tpu.memref_slice %arg12[%dma_wait3A_985] : memref<6x!tpu.dma_semaphore, #tpu.memory_space<semaphore_mem>> -> memref<1x!tpu.dma_semaphore, #tpu.memory_space<semaphore_mem>>
      %dma_wait3A_997 = tpu.memref_squeeze %dma_wait3A_996 : memref<1x!tpu.dma_semaphore, #tpu.memory_space<semaphore_mem>> -> memref<!tpu.dma_semaphore, #tpu.memory_space<semaphore_mem>>
      tpu.wait_indirect_dma semaphore(%dma_wait3A_997 : memref<!tpu.dma_semaphore, #tpu.memory_space<semaphore_mem>>) src(%dma_wait3A_989 : memref<128x16xf32, #tpu.memory_space<vmem>>) dst(%dma_wait3A_995 : memref<10112x16xf32, #tpu.memory_space<vmem_shared>>)
      %dma_start3A_998 = arith.constant 0 : i32
      %dma_start3A_999 = arith.constant 0 : i32
      %dma_start3A_1000 = arith.constant 0 : i32
      %dma_start3A_1001 = arith.constant 0 : i32
      %dma_start3A_1002 = tpu.memref_slice %arg8[%dma_start3A_998, %dma_start3A_1000, %dma_start3A_1001] : memref<6x128x16xf32, #tpu.memory_space<vmem>> -> memref<1x128x16xf32, #tpu.memory_space<vmem>>
      %dma_start3A_1003 = tpu.memref_squeeze %dma_start3A_1002 : memref<1x128x16xf32, #tpu.memory_space<vmem>> -> memref<128x16xf32, #tpu.memory_space<vmem>>
      %dma_start3A_1004 = arith.constant 0 : i32
      %dma_start3A_1005 = tpu.memref_slice %arg6[%add3A_981, %dma_start3A_1004] : memref<79x128xi32, #tpu.memory_space<vmem>> -> memref<1x128xi32, #tpu.memory_space<vmem>>
      %dma_start3A_1006 = tpu.memref_squeeze %dma_start3A_1005 : memref<1x128xi32, #tpu.memory_space<vmem>> -> memref<128xi32, #tpu.memory_space<vmem>>
      %dma_start3A_1007 = arith.constant 0 : i32
      %dma_start3A_1008 = arith.constant 0 : i32
      %dma_start3A_1009 = tpu.memref_slice %arg10[%dma_start3A_1007, %dma_start3A_1008] : memref<10112x16xf32, #tpu.memory_space<vmem_shared>> -> memref<10112x16xf32, #tpu.memory_space<vmem_shared>>
      %dma_start3A_1010 = tpu.memref_slice %arg11[%dma_start3A_999] : memref<6x!tpu.dma_semaphore, #tpu.memory_space<semaphore_mem>> -> memref<1x!tpu.dma_semaphore, #tpu.memory_space<semaphore_mem>>
      %dma_start3A_1011 = tpu.memref_squeeze %dma_start3A_1010 : memref<1x!tpu.dma_semaphore, #tpu.memory_space<semaphore_mem>> -> memref<!tpu.dma_semaphore, #tpu.memory_space<semaphore_mem>>
      tpu.enqueue_indirect_dma source(%dma_start3A_1009 : memref<10112x16xf32, #tpu.memory_space<vmem_shared>>) target(%dma_start3A_1003 : memref<128x16xf32, #tpu.memory_space<vmem>>) offsets(%dma_start3A_1006 : memref<128xi32, #tpu.memory_space<vmem>>) semaphore(%dma_start3A_1011 : memref<!tpu.dma_semaphore, #tpu.memory_space<semaphore_mem>>)
      %add3A_1012 = arith.constant 4 : i32
      %add3A_1013 = arith.addi %mul3A_764, %add3A_1012 : i32
      %dma_wait3A_1014 = arith.constant 4 : i32
      %dma_wait3A_1015 = arith.constant 4 : i32
      %dma_wait3A_1016 = arith.constant 0 : i32
      %dma_wait3A_1017 = arith.constant 0 : i32
      %dma_wait3A_1018 = tpu.memref_slice %arg8[%dma_wait3A_1014, %dma_wait3A_1016, %dma_wait3A_1017] : memref<6x128x16xf32, #tpu.memory_space<vmem>> -> memref<1x128x16xf32, #tpu.memory_space<vmem>>
      %dma_wait3A_1019 = tpu.memref_squeeze %dma_wait3A_1018 : memref<1x128x16xf32, #tpu.memory_space<vmem>> -> memref<128x16xf32, #tpu.memory_space<vmem>>
      %dma_wait3A_1020 = arith.constant 0 : i32
      %dma_wait3A_1021 = tpu.memref_slice %arg6[%add3A_1013, %dma_wait3A_1020] : memref<79x128xi32, #tpu.memory_space<vmem>> -> memref<1x128xi32, #tpu.memory_space<vmem>>
      %dma_wait3A_1022 = tpu.memref_squeeze %dma_wait3A_1021 : memref<1x128xi32, #tpu.memory_space<vmem>> -> memref<128xi32, #tpu.memory_space<vmem>>
      %dma_wait3A_1023 = arith.constant 0 : i32
      %dma_wait3A_1024 = arith.constant 0 : i32
      %dma_wait3A_1025 = tpu.memref_slice %arg10[%dma_wait3A_1023, %dma_wait3A_1024] : memref<10112x16xf32, #tpu.memory_space<vmem_shared>> -> memref<10112x16xf32, #tpu.memory_space<vmem_shared>>
      %dma_wait3A_1026 = tpu.memref_slice %arg11[%dma_wait3A_1015] : memref<6x!tpu.dma_semaphore, #tpu.memory_space<semaphore_mem>> -> memref<1x!tpu.dma_semaphore, #tpu.memory_space<semaphore_mem>>
      %dma_wait3A_1027 = tpu.memref_squeeze %dma_wait3A_1026 : memref<1x!tpu.dma_semaphore, #tpu.memory_space<semaphore_mem>> -> memref<!tpu.dma_semaphore, #tpu.memory_space<semaphore_mem>>
      tpu.wait_indirect_dma semaphore(%dma_wait3A_1027 : memref<!tpu.dma_semaphore, #tpu.memory_space<semaphore_mem>>) src(%dma_wait3A_1025 : memref<10112x16xf32, #tpu.memory_space<vmem_shared>>) dst(%dma_wait3A_1019 : memref<128x16xf32, #tpu.memory_space<vmem>>)
      %dma_start3A_1028 = arith.constant 4 : i32
      %dma_start3A_1029 = arith.constant 4 : i32
      %dma_start3A_1030 = arith.constant 0 : i32
      %dma_start3A_1031 = arith.constant 0 : i32
      %dma_start3A_1032 = tpu.memref_slice %arg8[%dma_start3A_1028, %dma_start3A_1030, %dma_start3A_1031] : memref<6x128x16xf32, #tpu.memory_space<vmem>> -> memref<1x128x16xf32, #tpu.memory_space<vmem>>
      %dma_start3A_1033 = tpu.memref_squeeze %dma_start3A_1032 : memref<1x128x16xf32, #tpu.memory_space<vmem>> -> memref<128x16xf32, #tpu.memory_space<vmem>>
      %dma_start3A_1034 = arith.constant 0 : i32
      %dma_start3A_1035 = tpu.memref_slice %arg7[%add3A_1013, %dma_start3A_1034] : memref<79x128xi32, #tpu.memory_space<vmem>> -> memref<1x128xi32, #tpu.memory_space<vmem>>
      %dma_start3A_1036 = tpu.memref_squeeze %dma_start3A_1035 : memref<1x128xi32, #tpu.memory_space<vmem>> -> memref<128xi32, #tpu.memory_space<vmem>>
      %dma_start3A_1037 = arith.constant 0 : i32
      %dma_start3A_1038 = arith.constant 0 : i32
      %dma_start3A_1039 = tpu.memref_slice %arg9[%dma_start3A_1037, %dma_start3A_1038] : memref<10112x16xf32, #tpu.memory_space<vmem_shared>> -> memref<10112x16xf32, #tpu.memory_space<vmem_shared>>
      %dma_start3A_1040 = tpu.memref_slice %arg12[%dma_start3A_1029] : memref<6x!tpu.dma_semaphore, #tpu.memory_space<semaphore_mem>> -> memref<1x!tpu.dma_semaphore, #tpu.memory_space<semaphore_mem>>
      %dma_start3A_1041 = tpu.memref_squeeze %dma_start3A_1040 : memref<1x!tpu.dma_semaphore, #tpu.memory_space<semaphore_mem>> -> memref<!tpu.dma_semaphore, #tpu.memory_space<semaphore_mem>>
      tpu.enqueue_indirect_dma source(%dma_start3A_1033 : memref<128x16xf32, #tpu.memory_space<vmem>>) target(%dma_start3A_1039 : memref<10112x16xf32, #tpu.memory_space<vmem_shared>>) offsets(%dma_start3A_1036 : memref<128xi32, #tpu.memory_space<vmem>>) semaphore(%dma_start3A_1041 : memref<!tpu.dma_semaphore, #tpu.memory_space<semaphore_mem>>) {add = true}
      %add3A_1042 = arith.constant 3 : i32
      %add3A_1043 = arith.addi %add3A_1013, %add3A_1042 : i32
      %sub3A_1044 = arith.constant 6 : i32
      %sub3A_1045 = arith.subi %add3A_1043, %sub3A_1044 : i32
      %dma_wait3A_1046 = arith.constant 1 : i32
      %dma_wait3A_1047 = arith.constant 1 : i32
      %dma_wait3A_1048 = arith.constant 0 : i32
      %dma_wait3A_1049 = arith.constant 0 : i32
      %dma_wait3A_1050 = tpu.memref_slice %arg8[%dma_wait3A_1046, %dma_wait3A_1048, %dma_wait3A_1049] : memref<6x128x16xf32, #tpu.memory_space<vmem>> -> memref<1x128x16xf32, #tpu.memory_space<vmem>>
      %dma_wait3A_1051 = tpu.memref_squeeze %dma_wait3A_1050 : memref<1x128x16xf32, #tpu.memory_space<vmem>> -> memref<128x16xf32, #tpu.memory_space<vmem>>
      %dma_wait3A_1052 = arith.constant 0 : i32
      %dma_wait3A_1053 = tpu.memref_slice %arg7[%sub3A_1045, %dma_wait3A_1052] : memref<79x128xi32, #tpu.memory_space<vmem>> -> memref<1x128xi32, #tpu.memory_space<vmem>>
      %dma_wait3A_1054 = tpu.memref_squeeze %dma_wait3A_1053 : memref<1x128xi32, #tpu.memory_space<vmem>> -> memref<128xi32, #tpu.memory_space<vmem>>
      %dma_wait3A_1055 = arith.constant 0 : i32
      %dma_wait3A_1056 = arith.constant 0 : i32
      %dma_wait3A_1057 = tpu.memref_slice %arg9[%dma_wait3A_1055, %dma_wait3A_1056] : memref<10112x16xf32, #tpu.memory_space<vmem_shared>> -> memref<10112x16xf32, #tpu.memory_space<vmem_shared>>
      %dma_wait3A_1058 = tpu.memref_slice %arg12[%dma_wait3A_1047] : memref<6x!tpu.dma_semaphore, #tpu.memory_space<semaphore_mem>> -> memref<1x!tpu.dma_semaphore, #tpu.memory_space<semaphore_mem>>
      %dma_wait3A_1059 = tpu.memref_squeeze %dma_wait3A_1058 : memref<1x!tpu.dma_semaphore, #tpu.memory_space<semaphore_mem>> -> memref<!tpu.dma_semaphore, #tpu.memory_space<semaphore_mem>>
      tpu.wait_indirect_dma semaphore(%dma_wait3A_1059 : memref<!tpu.dma_semaphore, #tpu.memory_space<semaphore_mem>>) src(%dma_wait3A_1051 : memref<128x16xf32, #tpu.memory_space<vmem>>) dst(%dma_wait3A_1057 : memref<10112x16xf32, #tpu.memory_space<vmem_shared>>)
      %dma_start3A_1060 = arith.constant 1 : i32
      %dma_start3A_1061 = arith.constant 1 : i32
      %dma_start3A_1062 = arith.constant 0 : i32
      %dma_start3A_1063 = arith.constant 0 : i32
      %dma_start3A_1064 = tpu.memref_slice %arg8[%dma_start3A_1060, %dma_start3A_1062, %dma_start3A_1063] : memref<6x128x16xf32, #tpu.memory_space<vmem>> -> memref<1x128x16xf32, #tpu.memory_space<vmem>>
      %dma_start3A_1065 = tpu.memref_squeeze %dma_start3A_1064 : memref<1x128x16xf32, #tpu.memory_space<vmem>> -> memref<128x16xf32, #tpu.memory_space<vmem>>
      %dma_start3A_1066 = arith.constant 0 : i32
      %dma_start3A_1067 = tpu.memref_slice %arg6[%add3A_1043, %dma_start3A_1066] : memref<79x128xi32, #tpu.memory_space<vmem>> -> memref<1x128xi32, #tpu.memory_space<vmem>>
      %dma_start3A_1068 = tpu.memref_squeeze %dma_start3A_1067 : memref<1x128xi32, #tpu.memory_space<vmem>> -> memref<128xi32, #tpu.memory_space<vmem>>
      %dma_start3A_1069 = arith.constant 0 : i32
      %dma_start3A_1070 = arith.constant 0 : i32
      %dma_start3A_1071 = tpu.memref_slice %arg10[%dma_start3A_1069, %dma_start3A_1070] : memref<10112x16xf32, #tpu.memory_space<vmem_shared>> -> memref<10112x16xf32, #tpu.memory_space<vmem_shared>>
      %dma_start3A_1072 = tpu.memref_slice %arg11[%dma_start3A_1061] : memref<6x!tpu.dma_semaphore, #tpu.memory_space<semaphore_mem>> -> memref<1x!tpu.dma_semaphore, #tpu.memory_space<semaphore_mem>>
      %dma_start3A_1073 = tpu.memref_squeeze %dma_start3A_1072 : memref<1x!tpu.dma_semaphore, #tpu.memory_space<semaphore_mem>> -> memref<!tpu.dma_semaphore, #tpu.memory_space<semaphore_mem>>
      tpu.enqueue_indirect_dma source(%dma_start3A_1071 : memref<10112x16xf32, #tpu.memory_space<vmem_shared>>) target(%dma_start3A_1065 : memref<128x16xf32, #tpu.memory_space<vmem>>) offsets(%dma_start3A_1068 : memref<128xi32, #tpu.memory_space<vmem>>) semaphore(%dma_start3A_1073 : memref<!tpu.dma_semaphore, #tpu.memory_space<semaphore_mem>>)
      %add3A_1074 = arith.constant 5 : i32
      %add3A_1075 = arith.addi %mul3A_764, %add3A_1074 : i32
      %dma_wait3A_1076 = arith.constant 5 : i32
      %dma_wait3A_1077 = arith.constant 5 : i32
      %dma_wait3A_1078 = arith.constant 0 : i32
      %dma_wait3A_1079 = arith.constant 0 : i32
      %dma_wait3A_1080 = tpu.memref_slice %arg8[%dma_wait3A_1076, %dma_wait3A_1078, %dma_wait3A_1079] : memref<6x128x16xf32, #tpu.memory_space<vmem>> -> memref<1x128x16xf32, #tpu.memory_space<vmem>>
      %dma_wait3A_1081 = tpu.memref_squeeze %dma_wait3A_1080 : memref<1x128x16xf32, #tpu.memory_space<vmem>> -> memref<128x16xf32, #tpu.memory_space<vmem>>
      %dma_wait3A_1082 = arith.constant 0 : i32
      %dma_wait3A_1083 = tpu.memref_slice %arg6[%add3A_1075, %dma_wait3A_1082] : memref<79x128xi32, #tpu.memory_space<vmem>> -> memref<1x128xi32, #tpu.memory_space<vmem>>
      %dma_wait3A_1084 = tpu.memref_squeeze %dma_wait3A_1083 : memref<1x128xi32, #tpu.memory_space<vmem>> -> memref<128xi32, #tpu.memory_space<vmem>>
      %dma_wait3A_1085 = arith.constant 0 : i32
      %dma_wait3A_1086 = arith.constant 0 : i32
      %dma_wait3A_1087 = tpu.memref_slice %arg10[%dma_wait3A_1085, %dma_wait3A_1086] : memref<10112x16xf32, #tpu.memory_space<vmem_shared>> -> memref<10112x16xf32, #tpu.memory_space<vmem_shared>>
      %dma_wait3A_1088 = tpu.memref_slice %arg11[%dma_wait3A_1077] : memref<6x!tpu.dma_semaphore, #tpu.memory_space<semaphore_mem>> -> memref<1x!tpu.dma_semaphore, #tpu.memory_space<semaphore_mem>>
      %dma_wait3A_1089 = tpu.memref_squeeze %dma_wait3A_1088 : memref<1x!tpu.dma_semaphore, #tpu.memory_space<semaphore_mem>> -> memref<!tpu.dma_semaphore, #tpu.memory_space<semaphore_mem>>
      tpu.wait_indirect_dma semaphore(%dma_wait3A_1089 : memref<!tpu.dma_semaphore, #tpu.memory_space<semaphore_mem>>) src(%dma_wait3A_1087 : memref<10112x16xf32, #tpu.memory_space<vmem_shared>>) dst(%dma_wait3A_1081 : memref<128x16xf32, #tpu.memory_space<vmem>>)
      %dma_start3A_1090 = arith.constant 5 : i32
      %dma_start3A_1091 = arith.constant 5 : i32
      %dma_start3A_1092 = arith.constant 0 : i32
      %dma_start3A_1093 = arith.constant 0 : i32
      %dma_start3A_1094 = tpu.memref_slice %arg8[%dma_start3A_1090, %dma_start3A_1092, %dma_start3A_1093] : memref<6x128x16xf32, #tpu.memory_space<vmem>> -> memref<1x128x16xf32, #tpu.memory_space<vmem>>
      %dma_start3A_1095 = tpu.memref_squeeze %dma_start3A_1094 : memref<1x128x16xf32, #tpu.memory_space<vmem>> -> memref<128x16xf32, #tpu.memory_space<vmem>>
      %dma_start3A_1096 = arith.constant 0 : i32
      %dma_start3A_1097 = tpu.memref_slice %arg7[%add3A_1075, %dma_start3A_1096] : memref<79x128xi32, #tpu.memory_space<vmem>> -> memref<1x128xi32, #tpu.memory_space<vmem>>
      %dma_start3A_1098 = tpu.memref_squeeze %dma_start3A_1097 : memref<1x128xi32, #tpu.memory_space<vmem>> -> memref<128xi32, #tpu.memory_space<vmem>>
      %dma_start3A_1099 = arith.constant 0 : i32
      %dma_start3A_1100 = arith.constant 0 : i32
      %dma_start3A_1101 = tpu.memref_slice %arg9[%dma_start3A_1099, %dma_start3A_1100] : memref<10112x16xf32, #tpu.memory_space<vmem_shared>> -> memref<10112x16xf32, #tpu.memory_space<vmem_shared>>
      %dma_start3A_1102 = tpu.memref_slice %arg12[%dma_start3A_1091] : memref<6x!tpu.dma_semaphore, #tpu.memory_space<semaphore_mem>> -> memref<1x!tpu.dma_semaphore, #tpu.memory_space<semaphore_mem>>
      %dma_start3A_1103 = tpu.memref_squeeze %dma_start3A_1102 : memref<1x!tpu.dma_semaphore, #tpu.memory_space<semaphore_mem>> -> memref<!tpu.dma_semaphore, #tpu.memory_space<semaphore_mem>>
      tpu.enqueue_indirect_dma source(%dma_start3A_1095 : memref<128x16xf32, #tpu.memory_space<vmem>>) target(%dma_start3A_1101 : memref<10112x16xf32, #tpu.memory_space<vmem_shared>>) offsets(%dma_start3A_1098 : memref<128xi32, #tpu.memory_space<vmem>>) semaphore(%dma_start3A_1103 : memref<!tpu.dma_semaphore, #tpu.memory_space<semaphore_mem>>) {add = true}
      %add3A_1104 = arith.constant 3 : i32
      %add3A_1105 = arith.addi %add3A_1075, %add3A_1104 : i32
      %sub3A_1106 = arith.constant 6 : i32
      %sub3A_1107 = arith.subi %add3A_1105, %sub3A_1106 : i32
      %dma_wait3A_1108 = arith.constant 2 : i32
      %dma_wait3A_1109 = arith.constant 2 : i32
      %dma_wait3A_1110 = arith.constant 0 : i32
      %dma_wait3A_1111 = arith.constant 0 : i32
      %dma_wait3A_1112 = tpu.memref_slice %arg8[%dma_wait3A_1108, %dma_wait3A_1110, %dma_wait3A_1111] : memref<6x128x16xf32, #tpu.memory_space<vmem>> -> memref<1x128x16xf32, #tpu.memory_space<vmem>>
      %dma_wait3A_1113 = tpu.memref_squeeze %dma_wait3A_1112 : memref<1x128x16xf32, #tpu.memory_space<vmem>> -> memref<128x16xf32, #tpu.memory_space<vmem>>
      %dma_wait3A_1114 = arith.constant 0 : i32
      %dma_wait3A_1115 = tpu.memref_slice %arg7[%sub3A_1107, %dma_wait3A_1114] : memref<79x128xi32, #tpu.memory_space<vmem>> -> memref<1x128xi32, #tpu.memory_space<vmem>>
      %dma_wait3A_1116 = tpu.memref_squeeze %dma_wait3A_1115 : memref<1x128xi32, #tpu.memory_space<vmem>> -> memref<128xi32, #tpu.memory_space<vmem>>
      %dma_wait3A_1117 = arith.constant 0 : i32
      %dma_wait3A_1118 = arith.constant 0 : i32
      %dma_wait3A_1119 = tpu.memref_slice %arg9[%dma_wait3A_1117, %dma_wait3A_1118] : memref<10112x16xf32, #tpu.memory_space<vmem_shared>> -> memref<10112x16xf32, #tpu.memory_space<vmem_shared>>
      %dma_wait3A_1120 = tpu.memref_slice %arg12[%dma_wait3A_1109] : memref<6x!tpu.dma_semaphore, #tpu.memory_space<semaphore_mem>> -> memref<1x!tpu.dma_semaphore, #tpu.memory_space<semaphore_mem>>
      %dma_wait3A_1121 = tpu.memref_squeeze %dma_wait3A_1120 : memref<1x!tpu.dma_semaphore, #tpu.memory_space<semaphore_mem>> -> memref<!tpu.dma_semaphore, #tpu.memory_space<semaphore_mem>>
      tpu.wait_indirect_dma semaphore(%dma_wait3A_1121 : memref<!tpu.dma_semaphore, #tpu.memory_space<semaphore_mem>>) src(%dma_wait3A_1113 : memref<128x16xf32, #tpu.memory_space<vmem>>) dst(%dma_wait3A_1119 : memref<10112x16xf32, #tpu.memory_space<vmem_shared>>)
      %dma_start3A_1122 = arith.constant 2 : i32
      %dma_start3A_1123 = arith.constant 2 : i32
      %dma_start3A_1124 = arith.constant 0 : i32
      %dma_start3A_1125 = arith.constant 0 : i32
      %dma_start3A_1126 = tpu.memref_slice %arg8[%dma_start3A_1122, %dma_start3A_1124, %dma_start3A_1125] : memref<6x128x16xf32, #tpu.memory_space<vmem>> -> memref<1x128x16xf32, #tpu.memory_space<vmem>>
      %dma_start3A_1127 = tpu.memref_squeeze %dma_start3A_1126 : memref<1x128x16xf32, #tpu.memory_space<vmem>> -> memref<128x16xf32, #tpu.memory_space<vmem>>
      %dma_start3A_1128 = arith.constant 0 : i32
      %dma_start3A_1129 = tpu.memref_slice %arg6[%add3A_1105, %dma_start3A_1128] : memref<79x128xi32, #tpu.memory_space<vmem>> -> memref<1x128xi32, #tpu.memory_space<vmem>>
      %dma_start3A_1130 = tpu.memref_squeeze %dma_start3A_1129 : memref<1x128xi32, #tpu.memory_space<vmem>> -> memref<128xi32, #tpu.memory_space<vmem>>
      %dma_start3A_1131 = arith.constant 0 : i32
      %dma_start3A_1132 = arith.constant 0 : i32
      %dma_start3A_1133 = tpu.memref_slice %arg10[%dma_start3A_1131, %dma_start3A_1132] : memref<10112x16xf32, #tpu.memory_space<vmem_shared>> -> memref<10112x16xf32, #tpu.memory_space<vmem_shared>>
      %dma_start3A_1134 = tpu.memref_slice %arg11[%dma_start3A_1123] : memref<6x!tpu.dma_semaphore, #tpu.memory_space<semaphore_mem>> -> memref<1x!tpu.dma_semaphore, #tpu.memory_space<semaphore_mem>>
      %dma_start3A_1135 = tpu.memref_squeeze %dma_start3A_1134 : memref<1x!tpu.dma_semaphore, #tpu.memory_space<semaphore_mem>> -> memref<!tpu.dma_semaphore, #tpu.memory_space<semaphore_mem>>
      tpu.enqueue_indirect_dma source(%dma_start3A_1133 : memref<10112x16xf32, #tpu.memory_space<vmem_shared>>) target(%dma_start3A_1127 : memref<128x16xf32, #tpu.memory_space<vmem>>) offsets(%dma_start3A_1130 : memref<128xi32, #tpu.memory_space<vmem>>) semaphore(%dma_start3A_1135 : memref<!tpu.dma_semaphore, #tpu.memory_space<semaphore_mem>>)
    }
    %scan3A_388 = arith.constant 11 : i32
    %dma_wait3A_389 = arith.constant 72 : i32
    %dma_wait3A_390 = arith.constant 0 : i32
    %dma_wait3A_391 = arith.constant 0 : i32
    %dma_wait3A_392 = arith.constant 0 : i32
    %dma_wait3A_393 = arith.constant 0 : i32
    %dma_wait3A_394 = tpu.memref_slice %arg8[%dma_wait3A_390, %dma_wait3A_392, %dma_wait3A_393] : memref<6x128x16xf32, #tpu.memory_space<vmem>> -> memref<1x128x16xf32, #tpu.memory_space<vmem>>
    %dma_wait3A_395 = tpu.memref_squeeze %dma_wait3A_394 : memref<1x128x16xf32, #tpu.memory_space<vmem>> -> memref<128x16xf32, #tpu.memory_space<vmem>>
    %dma_wait3A_396 = arith.constant 0 : i32
    %dma_wait3A_397 = tpu.memref_slice %arg6[%dma_wait3A_389, %dma_wait3A_396] : memref<79x128xi32, #tpu.memory_space<vmem>> -> memref<1x128xi32, #tpu.memory_space<vmem>>
    %dma_wait3A_398 = tpu.memref_squeeze %dma_wait3A_397 : memref<1x128xi32, #tpu.memory_space<vmem>> -> memref<128xi32, #tpu.memory_space<vmem>>
    %dma_wait3A_399 = arith.constant 0 : i32
    %dma_wait3A_400 = arith.constant 0 : i32
    %dma_wait3A_401 = tpu.memref_slice %arg10[%dma_wait3A_399, %dma_wait3A_400] : memref<10112x16xf32, #tpu.memory_space<vmem_shared>> -> memref<10112x16xf32, #tpu.memory_space<vmem_shared>>
    %dma_wait3A_402 = tpu.memref_slice %arg11[%dma_wait3A_391] : memref<6x!tpu.dma_semaphore, #tpu.memory_space<semaphore_mem>> -> memref<1x!tpu.dma_semaphore, #tpu.memory_space<semaphore_mem>>
    %dma_wait3A_403 = tpu.memref_squeeze %dma_wait3A_402 : memref<1x!tpu.dma_semaphore, #tpu.memory_space<semaphore_mem>> -> memref<!tpu.dma_semaphore, #tpu.memory_space<semaphore_mem>>
    tpu.wait_indirect_dma semaphore(%dma_wait3A_403 : memref<!tpu.dma_semaphore, #tpu.memory_space<semaphore_mem>>) src(%dma_wait3A_401 : memref<10112x16xf32, #tpu.memory_space<vmem_shared>>) dst(%dma_wait3A_395 : memref<128x16xf32, #tpu.memory_space<vmem>>)
    %dma_start3A_404 = arith.constant 0 : i32
    %dma_start3A_405 = arith.constant 72 : i32
    %dma_start3A_406 = arith.constant 0 : i32
    %dma_start3A_407 = arith.constant 0 : i32
    %dma_start3A_408 = arith.constant 0 : i32
    %dma_start3A_409 = tpu.memref_slice %arg8[%dma_start3A_404, %dma_start3A_407, %dma_start3A_408] : memref<6x128x16xf32, #tpu.memory_space<vmem>> -> memref<1x128x16xf32, #tpu.memory_space<vmem>>
    %dma_start3A_410 = tpu.memref_squeeze %dma_start3A_409 : memref<1x128x16xf32, #tpu.memory_space<vmem>> -> memref<128x16xf32, #tpu.memory_space<vmem>>
    %dma_start3A_411 = arith.constant 0 : i32
    %dma_start3A_412 = tpu.memref_slice %arg7[%dma_start3A_405, %dma_start3A_411] : memref<79x128xi32, #tpu.memory_space<vmem>> -> memref<1x128xi32, #tpu.memory_space<vmem>>
    %dma_start3A_413 = tpu.memref_squeeze %dma_start3A_412 : memref<1x128xi32, #tpu.memory_space<vmem>> -> memref<128xi32, #tpu.memory_space<vmem>>
    %dma_start3A_414 = arith.constant 0 : i32
    %dma_start3A_415 = arith.constant 0 : i32
    %dma_start3A_416 = tpu.memref_slice %arg9[%dma_start3A_414, %dma_start3A_415] : memref<10112x16xf32, #tpu.memory_space<vmem_shared>> -> memref<10112x16xf32, #tpu.memory_space<vmem_shared>>
    %dma_start3A_417 = tpu.memref_slice %arg12[%dma_start3A_406] : memref<6x!tpu.dma_semaphore, #tpu.memory_space<semaphore_mem>> -> memref<1x!tpu.dma_semaphore, #tpu.memory_space<semaphore_mem>>
    %dma_start3A_418 = tpu.memref_squeeze %dma_start3A_417 : memref<1x!tpu.dma_semaphore, #tpu.memory_space<semaphore_mem>> -> memref<!tpu.dma_semaphore, #tpu.memory_space<semaphore_mem>>
    tpu.enqueue_indirect_dma source(%dma_start3A_410 : memref<128x16xf32, #tpu.memory_space<vmem>>) target(%dma_start3A_416 : memref<10112x16xf32, #tpu.memory_space<vmem_shared>>) offsets(%dma_start3A_413 : memref<128xi32, #tpu.memory_space<vmem>>) semaphore(%dma_start3A_418 : memref<!tpu.dma_semaphore, #tpu.memory_space<semaphore_mem>>) {add = true}
    %dma_wait3A_419 = arith.constant 3 : i32
    %dma_wait3A_420 = arith.constant 69 : i32
    %dma_wait3A_421 = arith.constant 3 : i32
    %dma_wait3A_422 = arith.constant 0 : i32
    %dma_wait3A_423 = arith.constant 0 : i32
    %dma_wait3A_424 = tpu.memref_slice %arg8[%dma_wait3A_419, %dma_wait3A_422, %dma_wait3A_423] : memref<6x128x16xf32, #tpu.memory_space<vmem>> -> memref<1x128x16xf32, #tpu.memory_space<vmem>>
    %dma_wait3A_425 = tpu.memref_squeeze %dma_wait3A_424 : memref<1x128x16xf32, #tpu.memory_space<vmem>> -> memref<128x16xf32, #tpu.memory_space<vmem>>
    %dma_wait3A_426 = arith.constant 0 : i32
    %dma_wait3A_427 = tpu.memref_slice %arg7[%dma_wait3A_420, %dma_wait3A_426] : memref<79x128xi32, #tpu.memory_space<vmem>> -> memref<1x128xi32, #tpu.memory_space<vmem>>
    %dma_wait3A_428 = tpu.memref_squeeze %dma_wait3A_427 : memref<1x128xi32, #tpu.memory_space<vmem>> -> memref<128xi32, #tpu.memory_space<vmem>>
    %dma_wait3A_429 = arith.constant 0 : i32
    %dma_wait3A_430 = arith.constant 0 : i32
    %dma_wait3A_431 = tpu.memref_slice %arg9[%dma_wait3A_429, %dma_wait3A_430] : memref<10112x16xf32, #tpu.memory_space<vmem_shared>> -> memref<10112x16xf32, #tpu.memory_space<vmem_shared>>
    %dma_wait3A_432 = tpu.memref_slice %arg12[%dma_wait3A_421] : memref<6x!tpu.dma_semaphore, #tpu.memory_space<semaphore_mem>> -> memref<1x!tpu.dma_semaphore, #tpu.memory_space<semaphore_mem>>
    %dma_wait3A_433 = tpu.memref_squeeze %dma_wait3A_432 : memref<1x!tpu.dma_semaphore, #tpu.memory_space<semaphore_mem>> -> memref<!tpu.dma_semaphore, #tpu.memory_space<semaphore_mem>>
    tpu.wait_indirect_dma semaphore(%dma_wait3A_433 : memref<!tpu.dma_semaphore, #tpu.memory_space<semaphore_mem>>) src(%dma_wait3A_425 : memref<128x16xf32, #tpu.memory_space<vmem>>) dst(%dma_wait3A_431 : memref<10112x16xf32, #tpu.memory_space<vmem_shared>>)
    %dma_start3A_434 = arith.constant 75 : i32
    %dma_start3A_435 = arith.constant 3 : i32
    %dma_start3A_436 = arith.constant 3 : i32
    %dma_start3A_437 = arith.constant 0 : i32
    %dma_start3A_438 = arith.constant 0 : i32
    %dma_start3A_439 = tpu.memref_slice %arg8[%dma_start3A_435, %dma_start3A_437, %dma_start3A_438] : memref<6x128x16xf32, #tpu.memory_space<vmem>> -> memref<1x128x16xf32, #tpu.memory_space<vmem>>
    %dma_start3A_440 = tpu.memref_squeeze %dma_start3A_439 : memref<1x128x16xf32, #tpu.memory_space<vmem>> -> memref<128x16xf32, #tpu.memory_space<vmem>>
    %dma_start3A_441 = arith.constant 0 : i32
    %dma_start3A_442 = tpu.memref_slice %arg6[%dma_start3A_434, %dma_start3A_441] : memref<79x128xi32, #tpu.memory_space<vmem>> -> memref<1x128xi32, #tpu.memory_space<vmem>>
    %dma_start3A_443 = tpu.memref_squeeze %dma_start3A_442 : memref<1x128xi32, #tpu.memory_space<vmem>> -> memref<128xi32, #tpu.memory_space<vmem>>
    %dma_start3A_444 = arith.constant 0 : i32
    %dma_start3A_445 = arith.constant 0 : i32
    %dma_start3A_446 = tpu.memref_slice %arg10[%dma_start3A_444, %dma_start3A_445] : memref<10112x16xf32, #tpu.memory_space<vmem_shared>> -> memref<10112x16xf32, #tpu.memory_space<vmem_shared>>
    %dma_start3A_447 = tpu.memref_slice %arg11[%dma_start3A_436] : memref<6x!tpu.dma_semaphore, #tpu.memory_space<semaphore_mem>> -> memref<1x!tpu.dma_semaphore, #tpu.memory_space<semaphore_mem>>
    %dma_start3A_448 = tpu.memref_squeeze %dma_start3A_447 : memref<1x!tpu.dma_semaphore, #tpu.memory_space<semaphore_mem>> -> memref<!tpu.dma_semaphore, #tpu.memory_space<semaphore_mem>>
    tpu.enqueue_indirect_dma source(%dma_start3A_446 : memref<10112x16xf32, #tpu.memory_space<vmem_shared>>) target(%dma_start3A_440 : memref<128x16xf32, #tpu.memory_space<vmem>>) offsets(%dma_start3A_443 : memref<128xi32, #tpu.memory_space<vmem>>) semaphore(%dma_start3A_448 : memref<!tpu.dma_semaphore, #tpu.memory_space<semaphore_mem>>)
    %dma_wait3A_449 = arith.constant 73 : i32
    %dma_wait3A_450 = arith.constant 1 : i32
    %dma_wait3A_451 = arith.constant 1 : i32
    %dma_wait3A_452 = arith.constant 0 : i32
    %dma_wait3A_453 = arith.constant 0 : i32
    %dma_wait3A_454 = tpu.memref_slice %arg8[%dma_wait3A_450, %dma_wait3A_452, %dma_wait3A_453] : memref<6x128x16xf32, #tpu.memory_space<vmem>> -> memref<1x128x16xf32, #tpu.memory_space<vmem>>
    %dma_wait3A_455 = tpu.memref_squeeze %dma_wait3A_454 : memref<1x128x16xf32, #tpu.memory_space<vmem>> -> memref<128x16xf32, #tpu.memory_space<vmem>>
    %dma_wait3A_456 = arith.constant 0 : i32
    %dma_wait3A_457 = tpu.memref_slice %arg6[%dma_wait3A_449, %dma_wait3A_456] : memref<79x128xi32, #tpu.memory_space<vmem>> -> memref<1x128xi32, #tpu.memory_space<vmem>>
    %dma_wait3A_458 = tpu.memref_squeeze %dma_wait3A_457 : memref<1x128xi32, #tpu.memory_space<vmem>> -> memref<128xi32, #tpu.memory_space<vmem>>
    %dma_wait3A_459 = arith.constant 0 : i32
    %dma_wait3A_460 = arith.constant 0 : i32
    %dma_wait3A_461 = tpu.memref_slice %arg10[%dma_wait3A_459, %dma_wait3A_460] : memref<10112x16xf32, #tpu.memory_space<vmem_shared>> -> memref<10112x16xf32, #tpu.memory_space<vmem_shared>>
    %dma_wait3A_462 = tpu.memref_slice %arg11[%dma_wait3A_451] : memref<6x!tpu.dma_semaphore, #tpu.memory_space<semaphore_mem>> -> memref<1x!tpu.dma_semaphore, #tpu.memory_space<semaphore_mem>>
    %dma_wait3A_463 = tpu.memref_squeeze %dma_wait3A_462 : memref<1x!tpu.dma_semaphore, #tpu.memory_space<semaphore_mem>> -> memref<!tpu.dma_semaphore, #tpu.memory_space<semaphore_mem>>
    tpu.wait_indirect_dma semaphore(%dma_wait3A_463 : memref<!tpu.dma_semaphore, #tpu.memory_space<semaphore_mem>>) src(%dma_wait3A_461 : memref<10112x16xf32, #tpu.memory_space<vmem_shared>>) dst(%dma_wait3A_455 : memref<128x16xf32, #tpu.memory_space<vmem>>)
    %dma_start3A_464 = arith.constant 1 : i32
    %dma_start3A_465 = arith.constant 73 : i32
    %dma_start3A_466 = arith.constant 1 : i32
    %dma_start3A_467 = arith.constant 0 : i32
    %dma_start3A_468 = arith.constant 0 : i32
    %dma_start3A_469 = tpu.memref_slice %arg8[%dma_start3A_464, %dma_start3A_467, %dma_start3A_468] : memref<6x128x16xf32, #tpu.memory_space<vmem>> -> memref<1x128x16xf32, #tpu.memory_space<vmem>>
    %dma_start3A_470 = tpu.memref_squeeze %dma_start3A_469 : memref<1x128x16xf32, #tpu.memory_space<vmem>> -> memref<128x16xf32, #tpu.memory_space<vmem>>
    %dma_start3A_471 = arith.constant 0 : i32
    %dma_start3A_472 = tpu.memref_slice %arg7[%dma_start3A_465, %dma_start3A_471] : memref<79x128xi32, #tpu.memory_space<vmem>> -> memref<1x128xi32, #tpu.memory_space<vmem>>
    %dma_start3A_473 = tpu.memref_squeeze %dma_start3A_472 : memref<1x128xi32, #tpu.memory_space<vmem>> -> memref<128xi32, #tpu.memory_space<vmem>>
    %dma_start3A_474 = arith.constant 0 : i32
    %dma_start3A_475 = arith.constant 0 : i32
    %dma_start3A_476 = tpu.memref_slice %arg9[%dma_start3A_474, %dma_start3A_475] : memref<10112x16xf32, #tpu.memory_space<vmem_shared>> -> memref<10112x16xf32, #tpu.memory_space<vmem_shared>>
    %dma_start3A_477 = tpu.memref_slice %arg12[%dma_start3A_466] : memref<6x!tpu.dma_semaphore, #tpu.memory_space<semaphore_mem>> -> memref<1x!tpu.dma_semaphore, #tpu.memory_space<semaphore_mem>>
    %dma_start3A_478 = tpu.memref_squeeze %dma_start3A_477 : memref<1x!tpu.dma_semaphore, #tpu.memory_space<semaphore_mem>> -> memref<!tpu.dma_semaphore, #tpu.memory_space<semaphore_mem>>
    tpu.enqueue_indirect_dma source(%dma_start3A_470 : memref<128x16xf32, #tpu.memory_space<vmem>>) target(%dma_start3A_476 : memref<10112x16xf32, #tpu.memory_space<vmem_shared>>) offsets(%dma_start3A_473 : memref<128xi32, #tpu.memory_space<vmem>>) semaphore(%dma_start3A_478 : memref<!tpu.dma_semaphore, #tpu.memory_space<semaphore_mem>>) {add = true}
    %dma_wait3A_479 = arith.constant 4 : i32
    %dma_wait3A_480 = arith.constant 70 : i32
    %dma_wait3A_481 = arith.constant 4 : i32
    %dma_wait3A_482 = arith.constant 0 : i32
    %dma_wait3A_483 = arith.constant 0 : i32
    %dma_wait3A_484 = tpu.memref_slice %arg8[%dma_wait3A_479, %dma_wait3A_482, %dma_wait3A_483] : memref<6x128x16xf32, #tpu.memory_space<vmem>> -> memref<1x128x16xf32, #tpu.memory_space<vmem>>
    %dma_wait3A_485 = tpu.memref_squeeze %dma_wait3A_484 : memref<1x128x16xf32, #tpu.memory_space<vmem>> -> memref<128x16xf32, #tpu.memory_space<vmem>>
    %dma_wait3A_486 = arith.constant 0 : i32
    %dma_wait3A_487 = tpu.memref_slice %arg7[%dma_wait3A_480, %dma_wait3A_486] : memref<79x128xi32, #tpu.memory_space<vmem>> -> memref<1x128xi32, #tpu.memory_space<vmem>>
    %dma_wait3A_488 = tpu.memref_squeeze %dma_wait3A_487 : memref<1x128xi32, #tpu.memory_space<vmem>> -> memref<128xi32, #tpu.memory_space<vmem>>
    %dma_wait3A_489 = arith.constant 0 : i32
    %dma_wait3A_490 = arith.constant 0 : i32
    %dma_wait3A_491 = tpu.memref_slice %arg9[%dma_wait3A_489, %dma_wait3A_490] : memref<10112x16xf32, #tpu.memory_space<vmem_shared>> -> memref<10112x16xf32, #tpu.memory_space<vmem_shared>>
    %dma_wait3A_492 = tpu.memref_slice %arg12[%dma_wait3A_481] : memref<6x!tpu.dma_semaphore, #tpu.memory_space<semaphore_mem>> -> memref<1x!tpu.dma_semaphore, #tpu.memory_space<semaphore_mem>>
    %dma_wait3A_493 = tpu.memref_squeeze %dma_wait3A_492 : memref<1x!tpu.dma_semaphore, #tpu.memory_space<semaphore_mem>> -> memref<!tpu.dma_semaphore, #tpu.memory_space<semaphore_mem>>
    tpu.wait_indirect_dma semaphore(%dma_wait3A_493 : memref<!tpu.dma_semaphore, #tpu.memory_space<semaphore_mem>>) src(%dma_wait3A_485 : memref<128x16xf32, #tpu.memory_space<vmem>>) dst(%dma_wait3A_491 : memref<10112x16xf32, #tpu.memory_space<vmem_shared>>)
    %dma_start3A_494 = arith.constant 76 : i32
    %dma_start3A_495 = arith.constant 4 : i32
    %dma_start3A_496 = arith.constant 4 : i32
    %dma_start3A_497 = arith.constant 0 : i32
    %dma_start3A_498 = arith.constant 0 : i32
    %dma_start3A_499 = tpu.memref_slice %arg8[%dma_start3A_495, %dma_start3A_497, %dma_start3A_498] : memref<6x128x16xf32, #tpu.memory_space<vmem>> -> memref<1x128x16xf32, #tpu.memory_space<vmem>>
    %dma_start3A_500 = tpu.memref_squeeze %dma_start3A_499 : memref<1x128x16xf32, #tpu.memory_space<vmem>> -> memref<128x16xf32, #tpu.memory_space<vmem>>
    %dma_start3A_501 = arith.constant 0 : i32
    %dma_start3A_502 = tpu.memref_slice %arg6[%dma_start3A_494, %dma_start3A_501] : memref<79x128xi32, #tpu.memory_space<vmem>> -> memref<1x128xi32, #tpu.memory_space<vmem>>
    %dma_start3A_503 = tpu.memref_squeeze %dma_start3A_502 : memref<1x128xi32, #tpu.memory_space<vmem>> -> memref<128xi32, #tpu.memory_space<vmem>>
    %dma_start3A_504 = arith.constant 0 : i32
    %dma_start3A_505 = arith.constant 0 : i32
    %dma_start3A_506 = tpu.memref_slice %arg10[%dma_start3A_504, %dma_start3A_505] : memref<10112x16xf32, #tpu.memory_space<vmem_shared>> -> memref<10112x16xf32, #tpu.memory_space<vmem_shared>>
    %dma_start3A_507 = tpu.memref_slice %arg11[%dma_start3A_496] : memref<6x!tpu.dma_semaphore, #tpu.memory_space<semaphore_mem>> -> memref<1x!tpu.dma_semaphore, #tpu.memory_space<semaphore_mem>>
    %dma_start3A_508 = tpu.memref_squeeze %dma_start3A_507 : memref<1x!tpu.dma_semaphore, #tpu.memory_space<semaphore_mem>> -> memref<!tpu.dma_semaphore, #tpu.memory_space<semaphore_mem>>
    tpu.enqueue_indirect_dma source(%dma_start3A_506 : memref<10112x16xf32, #tpu.memory_space<vmem_shared>>) target(%dma_start3A_500 : memref<128x16xf32, #tpu.memory_space<vmem>>) offsets(%dma_start3A_503 : memref<128xi32, #tpu.memory_space<vmem>>) semaphore(%dma_start3A_508 : memref<!tpu.dma_semaphore, #tpu.memory_space<semaphore_mem>>)
    %dma_wait3A_509 = arith.constant 74 : i32
    %dma_wait3A_510 = arith.constant 2 : i32
    %dma_wait3A_511 = arith.constant 2 : i32
    %dma_wait3A_512 = arith.constant 0 : i32
    %dma_wait3A_513 = arith.constant 0 : i32
    %dma_wait3A_514 = tpu.memref_slice %arg8[%dma_wait3A_510, %dma_wait3A_512, %dma_wait3A_513] : memref<6x128x16xf32, #tpu.memory_space<vmem>> -> memref<1x128x16xf32, #tpu.memory_space<vmem>>
    %dma_wait3A_515 = tpu.memref_squeeze %dma_wait3A_514 : memref<1x128x16xf32, #tpu.memory_space<vmem>> -> memref<128x16xf32, #tpu.memory_space<vmem>>
    %dma_wait3A_516 = arith.constant 0 : i32
    %dma_wait3A_517 = tpu.memref_slice %arg6[%dma_wait3A_509, %dma_wait3A_516] : memref<79x128xi32, #tpu.memory_space<vmem>> -> memref<1x128xi32, #tpu.memory_space<vmem>>
    %dma_wait3A_518 = tpu.memref_squeeze %dma_wait3A_517 : memref<1x128xi32, #tpu.memory_space<vmem>> -> memref<128xi32, #tpu.memory_space<vmem>>
    %dma_wait3A_519 = arith.constant 0 : i32
    %dma_wait3A_520 = arith.constant 0 : i32
    %dma_wait3A_521 = tpu.memref_slice %arg10[%dma_wait3A_519, %dma_wait3A_520] : memref<10112x16xf32, #tpu.memory_space<vmem_shared>> -> memref<10112x16xf32, #tpu.memory_space<vmem_shared>>
    %dma_wait3A_522 = tpu.memref_slice %arg11[%dma_wait3A_511] : memref<6x!tpu.dma_semaphore, #tpu.memory_space<semaphore_mem>> -> memref<1x!tpu.dma_semaphore, #tpu.memory_space<semaphore_mem>>
    %dma_wait3A_523 = tpu.memref_squeeze %dma_wait3A_522 : memref<1x!tpu.dma_semaphore, #tpu.memory_space<semaphore_mem>> -> memref<!tpu.dma_semaphore, #tpu.memory_space<semaphore_mem>>
    tpu.wait_indirect_dma semaphore(%dma_wait3A_523 : memref<!tpu.dma_semaphore, #tpu.memory_space<semaphore_mem>>) src(%dma_wait3A_521 : memref<10112x16xf32, #tpu.memory_space<vmem_shared>>) dst(%dma_wait3A_515 : memref<128x16xf32, #tpu.memory_space<vmem>>)
    %dma_start3A_524 = arith.constant 2 : i32
    %dma_start3A_525 = arith.constant 74 : i32
    %dma_start3A_526 = arith.constant 2 : i32
    %dma_start3A_527 = arith.constant 0 : i32
    %dma_start3A_528 = arith.constant 0 : i32
    %dma_start3A_529 = tpu.memref_slice %arg8[%dma_start3A_524, %dma_start3A_527, %dma_start3A_528] : memref<6x128x16xf32, #tpu.memory_space<vmem>> -> memref<1x128x16xf32, #tpu.memory_space<vmem>>
    %dma_start3A_530 = tpu.memref_squeeze %dma_start3A_529 : memref<1x128x16xf32, #tpu.memory_space<vmem>> -> memref<128x16xf32, #tpu.memory_space<vmem>>
    %dma_start3A_531 = arith.constant 0 : i32
    %dma_start3A_532 = tpu.memref_slice %arg7[%dma_start3A_525, %dma_start3A_531] : memref<79x128xi32, #tpu.memory_space<vmem>> -> memref<1x128xi32, #tpu.memory_space<vmem>>
    %dma_start3A_533 = tpu.memref_squeeze %dma_start3A_532 : memref<1x128xi32, #tpu.memory_space<vmem>> -> memref<128xi32, #tpu.memory_space<vmem>>
    %dma_start3A_534 = arith.constant 0 : i32
    %dma_start3A_535 = arith.constant 0 : i32
    %dma_start3A_536 = tpu.memref_slice %arg9[%dma_start3A_534, %dma_start3A_535] : memref<10112x16xf32, #tpu.memory_space<vmem_shared>> -> memref<10112x16xf32, #tpu.memory_space<vmem_shared>>
    %dma_start3A_537 = tpu.memref_slice %arg12[%dma_start3A_526] : memref<6x!tpu.dma_semaphore, #tpu.memory_space<semaphore_mem>> -> memref<1x!tpu.dma_semaphore, #tpu.memory_space<semaphore_mem>>
    %dma_start3A_538 = tpu.memref_squeeze %dma_start3A_537 : memref<1x!tpu.dma_semaphore, #tpu.memory_space<semaphore_mem>> -> memref<!tpu.dma_semaphore, #tpu.memory_space<semaphore_mem>>
    tpu.enqueue_indirect_dma source(%dma_start3A_530 : memref<128x16xf32, #tpu.memory_space<vmem>>) target(%dma_start3A_536 : memref<10112x16xf32, #tpu.memory_space<vmem_shared>>) offsets(%dma_start3A_533 : memref<128xi32, #tpu.memory_space<vmem>>) semaphore(%dma_start3A_538 : memref<!tpu.dma_semaphore, #tpu.memory_space<semaphore_mem>>) {add = true}
    %dma_wait3A_539 = arith.constant 5 : i32
    %dma_wait3A_540 = arith.constant 71 : i32
    %dma_wait3A_541 = arith.constant 5 : i32
    %dma_wait3A_542 = arith.constant 0 : i32
    %dma_wait3A_543 = arith.constant 0 : i32
    %dma_wait3A_544 = tpu.memref_slice %arg8[%dma_wait3A_539, %dma_wait3A_542, %dma_wait3A_543] : memref<6x128x16xf32, #tpu.memory_space<vmem>> -> memref<1x128x16xf32, #tpu.memory_space<vmem>>
    %dma_wait3A_545 = tpu.memref_squeeze %dma_wait3A_544 : memref<1x128x16xf32, #tpu.memory_space<vmem>> -> memref<128x16xf32, #tpu.memory_space<vmem>>
    %dma_wait3A_546 = arith.constant 0 : i32
    %dma_wait3A_547 = tpu.memref_slice %arg7[%dma_wait3A_540, %dma_wait3A_546] : memref<79x128xi32, #tpu.memory_space<vmem>> -> memref<1x128xi32, #tpu.memory_space<vmem>>
    %dma_wait3A_548 = tpu.memref_squeeze %dma_wait3A_547 : memref<1x128xi32, #tpu.memory_space<vmem>> -> memref<128xi32, #tpu.memory_space<vmem>>
    %dma_wait3A_549 = arith.constant 0 : i32
    %dma_wait3A_550 = arith.constant 0 : i32
    %dma_wait3A_551 = tpu.memref_slice %arg9[%dma_wait3A_549, %dma_wait3A_550] : memref<10112x16xf32, #tpu.memory_space<vmem_shared>> -> memref<10112x16xf32, #tpu.memory_space<vmem_shared>>
    %dma_wait3A_552 = tpu.memref_slice %arg12[%dma_wait3A_541] : memref<6x!tpu.dma_semaphore, #tpu.memory_space<semaphore_mem>> -> memref<1x!tpu.dma_semaphore, #tpu.memory_space<semaphore_mem>>
    %dma_wait3A_553 = tpu.memref_squeeze %dma_wait3A_552 : memref<1x!tpu.dma_semaphore, #tpu.memory_space<semaphore_mem>> -> memref<!tpu.dma_semaphore, #tpu.memory_space<semaphore_mem>>
    tpu.wait_indirect_dma semaphore(%dma_wait3A_553 : memref<!tpu.dma_semaphore, #tpu.memory_space<semaphore_mem>>) src(%dma_wait3A_545 : memref<128x16xf32, #tpu.memory_space<vmem>>) dst(%dma_wait3A_551 : memref<10112x16xf32, #tpu.memory_space<vmem_shared>>)
    %dma_start3A_554 = arith.constant 77 : i32
    %dma_start3A_555 = arith.constant 5 : i32
    %dma_start3A_556 = arith.constant 5 : i32
    %dma_start3A_557 = arith.constant 0 : i32
    %dma_start3A_558 = arith.constant 0 : i32
    %dma_start3A_559 = tpu.memref_slice %arg8[%dma_start3A_555, %dma_start3A_557, %dma_start3A_558] : memref<6x128x16xf32, #tpu.memory_space<vmem>> -> memref<1x128x16xf32, #tpu.memory_space<vmem>>
    %dma_start3A_560 = tpu.memref_squeeze %dma_start3A_559 : memref<1x128x16xf32, #tpu.memory_space<vmem>> -> memref<128x16xf32, #tpu.memory_space<vmem>>
    %dma_start3A_561 = arith.constant 0 : i32
    %dma_start3A_562 = tpu.memref_slice %arg6[%dma_start3A_554, %dma_start3A_561] : memref<79x128xi32, #tpu.memory_space<vmem>> -> memref<1x128xi32, #tpu.memory_space<vmem>>
    %dma_start3A_563 = tpu.memref_squeeze %dma_start3A_562 : memref<1x128xi32, #tpu.memory_space<vmem>> -> memref<128xi32, #tpu.memory_space<vmem>>
    %dma_start3A_564 = arith.constant 0 : i32
    %dma_start3A_565 = arith.constant 0 : i32
    %dma_start3A_566 = tpu.memref_slice %arg10[%dma_start3A_564, %dma_start3A_565] : memref<10112x16xf32, #tpu.memory_space<vmem_shared>> -> memref<10112x16xf32, #tpu.memory_space<vmem_shared>>
    %dma_start3A_567 = tpu.memref_slice %arg11[%dma_start3A_556] : memref<6x!tpu.dma_semaphore, #tpu.memory_space<semaphore_mem>> -> memref<1x!tpu.dma_semaphore, #tpu.memory_space<semaphore_mem>>
    %dma_start3A_568 = tpu.memref_squeeze %dma_start3A_567 : memref<1x!tpu.dma_semaphore, #tpu.memory_space<semaphore_mem>> -> memref<!tpu.dma_semaphore, #tpu.memory_space<semaphore_mem>>
    tpu.enqueue_indirect_dma source(%dma_start3A_566 : memref<10112x16xf32, #tpu.memory_space<vmem_shared>>) target(%dma_start3A_560 : memref<128x16xf32, #tpu.memory_space<vmem>>) offsets(%dma_start3A_563 : memref<128xi32, #tpu.memory_space<vmem>>) semaphore(%dma_start3A_568 : memref<!tpu.dma_semaphore, #tpu.memory_space<semaphore_mem>>)
    %dma_wait3A_569 = arith.constant 75 : i32
    %dma_wait3A_570 = arith.constant 3 : i32
    %dma_wait3A_571 = arith.constant 3 : i32
    %dma_wait3A_572 = arith.constant 0 : i32
    %dma_wait3A_573 = arith.constant 0 : i32
    %dma_wait3A_574 = tpu.memref_slice %arg8[%dma_wait3A_570, %dma_wait3A_572, %dma_wait3A_573] : memref<6x128x16xf32, #tpu.memory_space<vmem>> -> memref<1x128x16xf32, #tpu.memory_space<vmem>>
    %dma_wait3A_575 = tpu.memref_squeeze %dma_wait3A_574 : memref<1x128x16xf32, #tpu.memory_space<vmem>> -> memref<128x16xf32, #tpu.memory_space<vmem>>
    %dma_wait3A_576 = arith.constant 0 : i32
    %dma_wait3A_577 = tpu.memref_slice %arg6[%dma_wait3A_569, %dma_wait3A_576] : memref<79x128xi32, #tpu.memory_space<vmem>> -> memref<1x128xi32, #tpu.memory_space<vmem>>
    %dma_wait3A_578 = tpu.memref_squeeze %dma_wait3A_577 : memref<1x128xi32, #tpu.memory_space<vmem>> -> memref<128xi32, #tpu.memory_space<vmem>>
    %dma_wait3A_579 = arith.constant 0 : i32
    %dma_wait3A_580 = arith.constant 0 : i32
    %dma_wait3A_581 = tpu.memref_slice %arg10[%dma_wait3A_579, %dma_wait3A_580] : memref<10112x16xf32, #tpu.memory_space<vmem_shared>> -> memref<10112x16xf32, #tpu.memory_space<vmem_shared>>
    %dma_wait3A_582 = tpu.memref_slice %arg11[%dma_wait3A_571] : memref<6x!tpu.dma_semaphore, #tpu.memory_space<semaphore_mem>> -> memref<1x!tpu.dma_semaphore, #tpu.memory_space<semaphore_mem>>
    %dma_wait3A_583 = tpu.memref_squeeze %dma_wait3A_582 : memref<1x!tpu.dma_semaphore, #tpu.memory_space<semaphore_mem>> -> memref<!tpu.dma_semaphore, #tpu.memory_space<semaphore_mem>>
    tpu.wait_indirect_dma semaphore(%dma_wait3A_583 : memref<!tpu.dma_semaphore, #tpu.memory_space<semaphore_mem>>) src(%dma_wait3A_581 : memref<10112x16xf32, #tpu.memory_space<vmem_shared>>) dst(%dma_wait3A_575 : memref<128x16xf32, #tpu.memory_space<vmem>>)
    %dma_start3A_584 = arith.constant 3 : i32
    %dma_start3A_585 = arith.constant 75 : i32
    %dma_start3A_586 = arith.constant 3 : i32
    %dma_start3A_587 = arith.constant 0 : i32
    %dma_start3A_588 = arith.constant 0 : i32
    %dma_start3A_589 = tpu.memref_slice %arg8[%dma_start3A_584, %dma_start3A_587, %dma_start3A_588] : memref<6x128x16xf32, #tpu.memory_space<vmem>> -> memref<1x128x16xf32, #tpu.memory_space<vmem>>
    %dma_start3A_590 = tpu.memref_squeeze %dma_start3A_589 : memref<1x128x16xf32, #tpu.memory_space<vmem>> -> memref<128x16xf32, #tpu.memory_space<vmem>>
    %dma_start3A_591 = arith.constant 0 : i32
    %dma_start3A_592 = tpu.memref_slice %arg7[%dma_start3A_585, %dma_start3A_591] : memref<79x128xi32, #tpu.memory_space<vmem>> -> memref<1x128xi32, #tpu.memory_space<vmem>>
    %dma_start3A_593 = tpu.memref_squeeze %dma_start3A_592 : memref<1x128xi32, #tpu.memory_space<vmem>> -> memref<128xi32, #tpu.memory_space<vmem>>
    %dma_start3A_594 = arith.constant 0 : i32
    %dma_start3A_595 = arith.constant 0 : i32
    %dma_start3A_596 = tpu.memref_slice %arg9[%dma_start3A_594, %dma_start3A_595] : memref<10112x16xf32, #tpu.memory_space<vmem_shared>> -> memref<10112x16xf32, #tpu.memory_space<vmem_shared>>
    %dma_start3A_597 = tpu.memref_slice %arg12[%dma_start3A_586] : memref<6x!tpu.dma_semaphore, #tpu.memory_space<semaphore_mem>> -> memref<1x!tpu.dma_semaphore, #tpu.memory_space<semaphore_mem>>
    %dma_start3A_598 = tpu.memref_squeeze %dma_start3A_597 : memref<1x!tpu.dma_semaphore, #tpu.memory_space<semaphore_mem>> -> memref<!tpu.dma_semaphore, #tpu.memory_space<semaphore_mem>>
    tpu.enqueue_indirect_dma source(%dma_start3A_590 : memref<128x16xf32, #tpu.memory_space<vmem>>) target(%dma_start3A_596 : memref<10112x16xf32, #tpu.memory_space<vmem_shared>>) offsets(%dma_start3A_593 : memref<128xi32, #tpu.memory_space<vmem>>) semaphore(%dma_start3A_598 : memref<!tpu.dma_semaphore, #tpu.memory_space<semaphore_mem>>) {add = true}
    %dma_wait3A_599 = arith.constant 76 : i32
    %dma_wait3A_600 = arith.constant 4 : i32
    %dma_wait3A_601 = arith.constant 4 : i32
    %dma_wait3A_602 = arith.constant 0 : i32
    %dma_wait3A_603 = arith.constant 0 : i32
    %dma_wait3A_604 = tpu.memref_slice %arg8[%dma_wait3A_600, %dma_wait3A_602, %dma_wait3A_603] : memref<6x128x16xf32, #tpu.memory_space<vmem>> -> memref<1x128x16xf32, #tpu.memory_space<vmem>>
    %dma_wait3A_605 = tpu.memref_squeeze %dma_wait3A_604 : memref<1x128x16xf32, #tpu.memory_space<vmem>> -> memref<128x16xf32, #tpu.memory_space<vmem>>
    %dma_wait3A_606 = arith.constant 0 : i32
    %dma_wait3A_607 = tpu.memref_slice %arg6[%dma_wait3A_599, %dma_wait3A_606] : memref<79x128xi32, #tpu.memory_space<vmem>> -> memref<1x128xi32, #tpu.memory_space<vmem>>
    %dma_wait3A_608 = tpu.memref_squeeze %dma_wait3A_607 : memref<1x128xi32, #tpu.memory_space<vmem>> -> memref<128xi32, #tpu.memory_space<vmem>>
    %dma_wait3A_609 = arith.constant 0 : i32
    %dma_wait3A_610 = arith.constant 0 : i32
    %dma_wait3A_611 = tpu.memref_slice %arg10[%dma_wait3A_609, %dma_wait3A_610] : memref<10112x16xf32, #tpu.memory_space<vmem_shared>> -> memref<10112x16xf32, #tpu.memory_space<vmem_shared>>
    %dma_wait3A_612 = tpu.memref_slice %arg11[%dma_wait3A_601] : memref<6x!tpu.dma_semaphore, #tpu.memory_space<semaphore_mem>> -> memref<1x!tpu.dma_semaphore, #tpu.memory_space<semaphore_mem>>
    %dma_wait3A_613 = tpu.memref_squeeze %dma_wait3A_612 : memref<1x!tpu.dma_semaphore, #tpu.memory_space<semaphore_mem>> -> memref<!tpu.dma_semaphore, #tpu.memory_space<semaphore_mem>>
    tpu.wait_indirect_dma semaphore(%dma_wait3A_613 : memref<!tpu.dma_semaphore, #tpu.memory_space<semaphore_mem>>) src(%dma_wait3A_611 : memref<10112x16xf32, #tpu.memory_space<vmem_shared>>) dst(%dma_wait3A_605 : memref<128x16xf32, #tpu.memory_space<vmem>>)
    %dma_start3A_614 = arith.constant 4 : i32
    %dma_start3A_615 = arith.constant 76 : i32
    %dma_start3A_616 = arith.constant 4 : i32
    %dma_start3A_617 = arith.constant 0 : i32
    %dma_start3A_618 = arith.constant 0 : i32
    %dma_start3A_619 = tpu.memref_slice %arg8[%dma_start3A_614, %dma_start3A_617, %dma_start3A_618] : memref<6x128x16xf32, #tpu.memory_space<vmem>> -> memref<1x128x16xf32, #tpu.memory_space<vmem>>
    %dma_start3A_620 = tpu.memref_squeeze %dma_start3A_619 : memref<1x128x16xf32, #tpu.memory_space<vmem>> -> memref<128x16xf32, #tpu.memory_space<vmem>>
    %dma_start3A_621 = arith.constant 0 : i32
    %dma_start3A_622 = tpu.memref_slice %arg7[%dma_start3A_615, %dma_start3A_621] : memref<79x128xi32, #tpu.memory_space<vmem>> -> memref<1x128xi32, #tpu.memory_space<vmem>>
    %dma_start3A_623 = tpu.memref_squeeze %dma_start3A_622 : memref<1x128xi32, #tpu.memory_space<vmem>> -> memref<128xi32, #tpu.memory_space<vmem>>
    %dma_start3A_624 = arith.constant 0 : i32
    %dma_start3A_625 = arith.constant 0 : i32
    %dma_start3A_626 = tpu.memref_slice %arg9[%dma_start3A_624, %dma_start3A_625] : memref<10112x16xf32, #tpu.memory_space<vmem_shared>> -> memref<10112x16xf32, #tpu.memory_space<vmem_shared>>
    %dma_start3A_627 = tpu.memref_slice %arg12[%dma_start3A_616] : memref<6x!tpu.dma_semaphore, #tpu.memory_space<semaphore_mem>> -> memref<1x!tpu.dma_semaphore, #tpu.memory_space<semaphore_mem>>
    %dma_start3A_628 = tpu.memref_squeeze %dma_start3A_627 : memref<1x!tpu.dma_semaphore, #tpu.memory_space<semaphore_mem>> -> memref<!tpu.dma_semaphore, #tpu.memory_space<semaphore_mem>>
    tpu.enqueue_indirect_dma source(%dma_start3A_620 : memref<128x16xf32, #tpu.memory_space<vmem>>) target(%dma_start3A_626 : memref<10112x16xf32, #tpu.memory_space<vmem_shared>>) offsets(%dma_start3A_623 : memref<128xi32, #tpu.memory_space<vmem>>) semaphore(%dma_start3A_628 : memref<!tpu.dma_semaphore, #tpu.memory_space<semaphore_mem>>) {add = true}
    %dma_wait3A_629 = arith.constant 77 : i32
    %dma_wait3A_630 = arith.constant 5 : i32
    %dma_wait3A_631 = arith.constant 5 : i32
    %dma_wait3A_632 = arith.constant 0 : i32
    %dma_wait3A_633 = arith.constant 0 : i32
    %dma_wait3A_634 = tpu.memref_slice %arg8[%dma_wait3A_630, %dma_wait3A_632, %dma_wait3A_633] : memref<6x128x16xf32, #tpu.memory_space<vmem>> -> memref<1x128x16xf32, #tpu.memory_space<vmem>>
    %dma_wait3A_635 = tpu.memref_squeeze %dma_wait3A_634 : memref<1x128x16xf32, #tpu.memory_space<vmem>> -> memref<128x16xf32, #tpu.memory_space<vmem>>
    %dma_wait3A_636 = arith.constant 0 : i32
    %dma_wait3A_637 = tpu.memref_slice %arg6[%dma_wait3A_629, %dma_wait3A_636] : memref<79x128xi32, #tpu.memory_space<vmem>> -> memref<1x128xi32, #tpu.memory_space<vmem>>
    %dma_wait3A_638 = tpu.memref_squeeze %dma_wait3A_637 : memref<1x128xi32, #tpu.memory_space<vmem>> -> memref<128xi32, #tpu.memory_space<vmem>>
    %dma_wait3A_639 = arith.constant 0 : i32
    %dma_wait3A_640 = arith.constant 0 : i32
    %dma_wait3A_641 = tpu.memref_slice %arg10[%dma_wait3A_639, %dma_wait3A_640] : memref<10112x16xf32, #tpu.memory_space<vmem_shared>> -> memref<10112x16xf32, #tpu.memory_space<vmem_shared>>
    %dma_wait3A_642 = tpu.memref_slice %arg11[%dma_wait3A_631] : memref<6x!tpu.dma_semaphore, #tpu.memory_space<semaphore_mem>> -> memref<1x!tpu.dma_semaphore, #tpu.memory_space<semaphore_mem>>
    %dma_wait3A_643 = tpu.memref_squeeze %dma_wait3A_642 : memref<1x!tpu.dma_semaphore, #tpu.memory_space<semaphore_mem>> -> memref<!tpu.dma_semaphore, #tpu.memory_space<semaphore_mem>>
    tpu.wait_indirect_dma semaphore(%dma_wait3A_643 : memref<!tpu.dma_semaphore, #tpu.memory_space<semaphore_mem>>) src(%dma_wait3A_641 : memref<10112x16xf32, #tpu.memory_space<vmem_shared>>) dst(%dma_wait3A_635 : memref<128x16xf32, #tpu.memory_space<vmem>>)
    %dma_start3A_644 = arith.constant 5 : i32
    %dma_start3A_645 = arith.constant 77 : i32
    %dma_start3A_646 = arith.constant 5 : i32
    %dma_start3A_647 = arith.constant 0 : i32
    %dma_start3A_648 = arith.constant 0 : i32
    %dma_start3A_649 = tpu.memref_slice %arg8[%dma_start3A_644, %dma_start3A_647, %dma_start3A_648] : memref<6x128x16xf32, #tpu.memory_space<vmem>> -> memref<1x128x16xf32, #tpu.memory_space<vmem>>
    %dma_start3A_650 = tpu.memref_squeeze %dma_start3A_649 : memref<1x128x16xf32, #tpu.memory_space<vmem>> -> memref<128x16xf32, #tpu.memory_space<vmem>>
    %dma_start3A_651 = arith.constant 0 : i32
    %dma_start3A_652 = tpu.memref_slice %arg7[%dma_start3A_645, %dma_start3A_651] : memref<79x128xi32, #tpu.memory_space<vmem>> -> memref<1x128xi32, #tpu.memory_space<vmem>>
    %dma_start3A_653 = tpu.memref_squeeze %dma_start3A_652 : memref<1x128xi32, #tpu.memory_space<vmem>> -> memref<128xi32, #tpu.memory_space<vmem>>
    %dma_start3A_654 = arith.constant 0 : i32
    %dma_start3A_655 = arith.constant 0 : i32
    %dma_start3A_656 = tpu.memref_slice %arg9[%dma_start3A_654, %dma_start3A_655] : memref<10112x16xf32, #tpu.memory_space<vmem_shared>> -> memref<10112x16xf32, #tpu.memory_space<vmem_shared>>
    %dma_start3A_657 = tpu.memref_slice %arg12[%dma_start3A_646] : memref<6x!tpu.dma_semaphore, #tpu.memory_space<semaphore_mem>> -> memref<1x!tpu.dma_semaphore, #tpu.memory_space<semaphore_mem>>
    %dma_start3A_658 = tpu.memref_squeeze %dma_start3A_657 : memref<1x!tpu.dma_semaphore, #tpu.memory_space<semaphore_mem>> -> memref<!tpu.dma_semaphore, #tpu.memory_space<semaphore_mem>>
    tpu.enqueue_indirect_dma source(%dma_start3A_650 : memref<128x16xf32, #tpu.memory_space<vmem>>) target(%dma_start3A_656 : memref<10112x16xf32, #tpu.memory_space<vmem_shared>>) offsets(%dma_start3A_653 : memref<128xi32, #tpu.memory_space<vmem>>) semaphore(%dma_start3A_658 : memref<!tpu.dma_semaphore, #tpu.memory_space<semaphore_mem>>) {add = true}
    %dma_wait3A_659 = arith.constant 0 : i32
    %dma_wait3A_660 = arith.constant 72 : i32
    %dma_wait3A_661 = arith.constant 0 : i32
    %dma_wait3A_662 = arith.constant 0 : i32
    %dma_wait3A_663 = arith.constant 0 : i32
    %dma_wait3A_664 = tpu.memref_slice %arg8[%dma_wait3A_659, %dma_wait3A_662, %dma_wait3A_663] : memref<6x128x16xf32, #tpu.memory_space<vmem>> -> memref<1x128x16xf32, #tpu.memory_space<vmem>>
    %dma_wait3A_665 = tpu.memref_squeeze %dma_wait3A_664 : memref<1x128x16xf32, #tpu.memory_space<vmem>> -> memref<128x16xf32, #tpu.memory_space<vmem>>
    %dma_wait3A_666 = arith.constant 0 : i32
    %dma_wait3A_667 = tpu.memref_slice %arg7[%dma_wait3A_660, %dma_wait3A_666] : memref<79x128xi32, #tpu.memory_space<vmem>> -> memref<1x128xi32, #tpu.memory_space<vmem>>
    %dma_wait3A_668 = tpu.memref_squeeze %dma_wait3A_667 : memref<1x128xi32, #tpu.memory_space<vmem>> -> memref<128xi32, #tpu.memory_space<vmem>>
    %dma_wait3A_669 = arith.constant 0 : i32
    %dma_wait3A_670 = arith.constant 0 : i32
    %dma_wait3A_671 = tpu.memref_slice %arg9[%dma_wait3A_669, %dma_wait3A_670] : memref<10112x16xf32, #tpu.memory_space<vmem_shared>> -> memref<10112x16xf32, #tpu.memory_space<vmem_shared>>
    %dma_wait3A_672 = tpu.memref_slice %arg12[%dma_wait3A_661] : memref<6x!tpu.dma_semaphore, #tpu.memory_space<semaphore_mem>> -> memref<1x!tpu.dma_semaphore, #tpu.memory_space<semaphore_mem>>
    %dma_wait3A_673 = tpu.memref_squeeze %dma_wait3A_672 : memref<1x!tpu.dma_semaphore, #tpu.memory_space<semaphore_mem>> -> memref<!tpu.dma_semaphore, #tpu.memory_space<semaphore_mem>>
    tpu.wait_indirect_dma semaphore(%dma_wait3A_673 : memref<!tpu.dma_semaphore, #tpu.memory_space<semaphore_mem>>) src(%dma_wait3A_665 : memref<128x16xf32, #tpu.memory_space<vmem>>) dst(%dma_wait3A_671 : memref<10112x16xf32, #tpu.memory_space<vmem_shared>>)
    %dma_wait3A_674 = arith.constant 1 : i32
    %dma_wait3A_675 = arith.constant 73 : i32
    %dma_wait3A_676 = arith.constant 1 : i32
    %dma_wait3A_677 = arith.constant 0 : i32
    %dma_wait3A_678 = arith.constant 0 : i32
    %dma_wait3A_679 = tpu.memref_slice %arg8[%dma_wait3A_674, %dma_wait3A_677, %dma_wait3A_678] : memref<6x128x16xf32, #tpu.memory_space<vmem>> -> memref<1x128x16xf32, #tpu.memory_space<vmem>>
    %dma_wait3A_680 = tpu.memref_squeeze %dma_wait3A_679 : memref<1x128x16xf32, #tpu.memory_space<vmem>> -> memref<128x16xf32, #tpu.memory_space<vmem>>
    %dma_wait3A_681 = arith.constant 0 : i32
    %dma_wait3A_682 = tpu.memref_slice %arg7[%dma_wait3A_675, %dma_wait3A_681] : memref<79x128xi32, #tpu.memory_space<vmem>> -> memref<1x128xi32, #tpu.memory_space<vmem>>
    %dma_wait3A_683 = tpu.memref_squeeze %dma_wait3A_682 : memref<1x128xi32, #tpu.memory_space<vmem>> -> memref<128xi32, #tpu.memory_space<vmem>>
    %dma_wait3A_684 = arith.constant 0 : i32
    %dma_wait3A_685 = arith.constant 0 : i32
    %dma_wait3A_686 = tpu.memref_slice %arg9[%dma_wait3A_684, %dma_wait3A_685] : memref<10112x16xf32, #tpu.memory_space<vmem_shared>> -> memref<10112x16xf32, #tpu.memory_space<vmem_shared>>
    %dma_wait3A_687 = tpu.memref_slice %arg12[%dma_wait3A_676] : memref<6x!tpu.dma_semaphore, #tpu.memory_space<semaphore_mem>> -> memref<1x!tpu.dma_semaphore, #tpu.memory_space<semaphore_mem>>
    %dma_wait3A_688 = tpu.memref_squeeze %dma_wait3A_687 : memref<1x!tpu.dma_semaphore, #tpu.memory_space<semaphore_mem>> -> memref<!tpu.dma_semaphore, #tpu.memory_space<semaphore_mem>>
    tpu.wait_indirect_dma semaphore(%dma_wait3A_688 : memref<!tpu.dma_semaphore, #tpu.memory_space<semaphore_mem>>) src(%dma_wait3A_680 : memref<128x16xf32, #tpu.memory_space<vmem>>) dst(%dma_wait3A_686 : memref<10112x16xf32, #tpu.memory_space<vmem_shared>>)
    %dma_wait3A_689 = arith.constant 2 : i32
    %dma_wait3A_690 = arith.constant 74 : i32
    %dma_wait3A_691 = arith.constant 2 : i32
    %dma_wait3A_692 = arith.constant 0 : i32
    %dma_wait3A_693 = arith.constant 0 : i32
    %dma_wait3A_694 = tpu.memref_slice %arg8[%dma_wait3A_689, %dma_wait3A_692, %dma_wait3A_693] : memref<6x128x16xf32, #tpu.memory_space<vmem>> -> memref<1x128x16xf32, #tpu.memory_space<vmem>>
    %dma_wait3A_695 = tpu.memref_squeeze %dma_wait3A_694 : memref<1x128x16xf32, #tpu.memory_space<vmem>> -> memref<128x16xf32, #tpu.memory_space<vmem>>
    %dma_wait3A_696 = arith.constant 0 : i32
    %dma_wait3A_697 = tpu.memref_slice %arg7[%dma_wait3A_690, %dma_wait3A_696] : memref<79x128xi32, #tpu.memory_space<vmem>> -> memref<1x128xi32, #tpu.memory_space<vmem>>
    %dma_wait3A_698 = tpu.memref_squeeze %dma_wait3A_697 : memref<1x128xi32, #tpu.memory_space<vmem>> -> memref<128xi32, #tpu.memory_space<vmem>>
    %dma_wait3A_699 = arith.constant 0 : i32
    %dma_wait3A_700 = arith.constant 0 : i32
    %dma_wait3A_701 = tpu.memref_slice %arg9[%dma_wait3A_699, %dma_wait3A_700] : memref<10112x16xf32, #tpu.memory_space<vmem_shared>> -> memref<10112x16xf32, #tpu.memory_space<vmem_shared>>
    %dma_wait3A_702 = tpu.memref_slice %arg12[%dma_wait3A_691] : memref<6x!tpu.dma_semaphore, #tpu.memory_space<semaphore_mem>> -> memref<1x!tpu.dma_semaphore, #tpu.memory_space<semaphore_mem>>
    %dma_wait3A_703 = tpu.memref_squeeze %dma_wait3A_702 : memref<1x!tpu.dma_semaphore, #tpu.memory_space<semaphore_mem>> -> memref<!tpu.dma_semaphore, #tpu.memory_space<semaphore_mem>>
    tpu.wait_indirect_dma semaphore(%dma_wait3A_703 : memref<!tpu.dma_semaphore, #tpu.memory_space<semaphore_mem>>) src(%dma_wait3A_695 : memref<128x16xf32, #tpu.memory_space<vmem>>) dst(%dma_wait3A_701 : memref<10112x16xf32, #tpu.memory_space<vmem_shared>>)
    %dma_wait3A_704 = arith.constant 3 : i32
    %dma_wait3A_705 = arith.constant 75 : i32
    %dma_wait3A_706 = arith.constant 3 : i32
    %dma_wait3A_707 = arith.constant 0 : i32
    %dma_wait3A_708 = arith.constant 0 : i32
    %dma_wait3A_709 = tpu.memref_slice %arg8[%dma_wait3A_704, %dma_wait3A_707, %dma_wait3A_708] : memref<6x128x16xf32, #tpu.memory_space<vmem>> -> memref<1x128x16xf32, #tpu.memory_space<vmem>>
    %dma_wait3A_710 = tpu.memref_squeeze %dma_wait3A_709 : memref<1x128x16xf32, #tpu.memory_space<vmem>> -> memref<128x16xf32, #tpu.memory_space<vmem>>
    %dma_wait3A_711 = arith.constant 0 : i32
    %dma_wait3A_712 = tpu.memref_slice %arg7[%dma_wait3A_705, %dma_wait3A_711] : memref<79x128xi32, #tpu.memory_space<vmem>> -> memref<1x128xi32, #tpu.memory_space<vmem>>
    %dma_wait3A_713 = tpu.memref_squeeze %dma_wait3A_712 : memref<1x128xi32, #tpu.memory_space<vmem>> -> memref<128xi32, #tpu.memory_space<vmem>>
    %dma_wait3A_714 = arith.constant 0 : i32
    %dma_wait3A_715 = arith.constant 0 : i32
    %dma_wait3A_716 = tpu.memref_slice %arg9[%dma_wait3A_714, %dma_wait3A_715] : memref<10112x16xf32, #tpu.memory_space<vmem_shared>> -> memref<10112x16xf32, #tpu.memory_space<vmem_shared>>
    %dma_wait3A_717 = tpu.memref_slice %arg12[%dma_wait3A_706] : memref<6x!tpu.dma_semaphore, #tpu.memory_space<semaphore_mem>> -> memref<1x!tpu.dma_semaphore, #tpu.memory_space<semaphore_mem>>
    %dma_wait3A_718 = tpu.memref_squeeze %dma_wait3A_717 : memref<1x!tpu.dma_semaphore, #tpu.memory_space<semaphore_mem>> -> memref<!tpu.dma_semaphore, #tpu.memory_space<semaphore_mem>>
    tpu.wait_indirect_dma semaphore(%dma_wait3A_718 : memref<!tpu.dma_semaphore, #tpu.memory_space<semaphore_mem>>) src(%dma_wait3A_710 : memref<128x16xf32, #tpu.memory_space<vmem>>) dst(%dma_wait3A_716 : memref<10112x16xf32, #tpu.memory_space<vmem_shared>>)
    %dma_wait3A_719 = arith.constant 4 : i32
    %dma_wait3A_720 = arith.constant 76 : i32
    %dma_wait3A_721 = arith.constant 4 : i32
    %dma_wait3A_722 = arith.constant 0 : i32
    %dma_wait3A_723 = arith.constant 0 : i32
    %dma_wait3A_724 = tpu.memref_slice %arg8[%dma_wait3A_719, %dma_wait3A_722, %dma_wait3A_723] : memref<6x128x16xf32, #tpu.memory_space<vmem>> -> memref<1x128x16xf32, #tpu.memory_space<vmem>>
    %dma_wait3A_725 = tpu.memref_squeeze %dma_wait3A_724 : memref<1x128x16xf32, #tpu.memory_space<vmem>> -> memref<128x16xf32, #tpu.memory_space<vmem>>
    %dma_wait3A_726 = arith.constant 0 : i32
    %dma_wait3A_727 = tpu.memref_slice %arg7[%dma_wait3A_720, %dma_wait3A_726] : memref<79x128xi32, #tpu.memory_space<vmem>> -> memref<1x128xi32, #tpu.memory_space<vmem>>
    %dma_wait3A_728 = tpu.memref_squeeze %dma_wait3A_727 : memref<1x128xi32, #tpu.memory_space<vmem>> -> memref<128xi32, #tpu.memory_space<vmem>>
    %dma_wait3A_729 = arith.constant 0 : i32
    %dma_wait3A_730 = arith.constant 0 : i32
    %dma_wait3A_731 = tpu.memref_slice %arg9[%dma_wait3A_729, %dma_wait3A_730] : memref<10112x16xf32, #tpu.memory_space<vmem_shared>> -> memref<10112x16xf32, #tpu.memory_space<vmem_shared>>
    %dma_wait3A_732 = tpu.memref_slice %arg12[%dma_wait3A_721] : memref<6x!tpu.dma_semaphore, #tpu.memory_space<semaphore_mem>> -> memref<1x!tpu.dma_semaphore, #tpu.memory_space<semaphore_mem>>
    %dma_wait3A_733 = tpu.memref_squeeze %dma_wait3A_732 : memref<1x!tpu.dma_semaphore, #tpu.memory_space<semaphore_mem>> -> memref<!tpu.dma_semaphore, #tpu.memory_space<semaphore_mem>>
    tpu.wait_indirect_dma semaphore(%dma_wait3A_733 : memref<!tpu.dma_semaphore, #tpu.memory_space<semaphore_mem>>) src(%dma_wait3A_725 : memref<128x16xf32, #tpu.memory_space<vmem>>) dst(%dma_wait3A_731 : memref<10112x16xf32, #tpu.memory_space<vmem_shared>>)
    %dma_wait3A_734 = arith.constant 5 : i32
    %dma_wait3A_735 = arith.constant 77 : i32
    %dma_wait3A_736 = arith.constant 5 : i32
    %dma_wait3A_737 = arith.constant 0 : i32
    %dma_wait3A_738 = arith.constant 0 : i32
    %dma_wait3A_739 = tpu.memref_slice %arg8[%dma_wait3A_734, %dma_wait3A_737, %dma_wait3A_738] : memref<6x128x16xf32, #tpu.memory_space<vmem>> -> memref<1x128x16xf32, #tpu.memory_space<vmem>>
    %dma_wait3A_740 = tpu.memref_squeeze %dma_wait3A_739 : memref<1x128x16xf32, #tpu.memory_space<vmem>> -> memref<128x16xf32, #tpu.memory_space<vmem>>
    %dma_wait3A_741 = arith.constant 0 : i32
    %dma_wait3A_742 = tpu.memref_slice %arg7[%dma_wait3A_735, %dma_wait3A_741] : memref<79x128xi32, #tpu.memory_space<vmem>> -> memref<1x128xi32, #tpu.memory_space<vmem>>
    %dma_wait3A_743 = tpu.memref_squeeze %dma_wait3A_742 : memref<1x128xi32, #tpu.memory_space<vmem>> -> memref<128xi32, #tpu.memory_space<vmem>>
    %dma_wait3A_744 = arith.constant 0 : i32
    %dma_wait3A_745 = arith.constant 0 : i32
    %dma_wait3A_746 = tpu.memref_slice %arg9[%dma_wait3A_744, %dma_wait3A_745] : memref<10112x16xf32, #tpu.memory_space<vmem_shared>> -> memref<10112x16xf32, #tpu.memory_space<vmem_shared>>
    %dma_wait3A_747 = tpu.memref_slice %arg12[%dma_wait3A_736] : memref<6x!tpu.dma_semaphore, #tpu.memory_space<semaphore_mem>> -> memref<1x!tpu.dma_semaphore, #tpu.memory_space<semaphore_mem>>
    %dma_wait3A_748 = tpu.memref_squeeze %dma_wait3A_747 : memref<1x!tpu.dma_semaphore, #tpu.memory_space<semaphore_mem>> -> memref<!tpu.dma_semaphore, #tpu.memory_space<semaphore_mem>>
    tpu.wait_indirect_dma semaphore(%dma_wait3A_748 : memref<!tpu.dma_semaphore, #tpu.memory_space<semaphore_mem>>) src(%dma_wait3A_740 : memref<128x16xf32, #tpu.memory_space<vmem>>) dst(%dma_wait3A_746 : memref<10112x16xf32, #tpu.memory_space<vmem_shared>>)
    %lt3A_749 = arith.constant 4 : i32
    %lt3A_750 = arith.cmpi slt, %add3A, %lt3A_749 : i32
    %convert_element_type3A_751 = arith.extui %lt3A_750 : i1 to i32
    %cond3A_752 = arith.constant 0 : i32
    %cond3A_753 = arith.cmpi ne, %convert_element_type3A_751, %cond3A_752 : i32
    scf.if %cond3A_753 {
      %run_scoped3A_762 = arith.constant 78 : i32
      %run_scoped3A_763 = arith.constant 0 : i32
      "tpu.region"() ({
        %run_scoped3A_766 = tpu.sem_alloc : memref<!tpu.dma_semaphore, #tpu.memory_space<semaphore_mem>>
        %dma_start3A_767 = arith.constant 0 : i32
        %dma_start3A_768 = arith.constant 0 : i32
        %dma_start3A_769 = tpu.memref_slice %arg8[%run_scoped3A_763, %dma_start3A_767, %dma_start3A_768] : memref<6x128x16xf32, #tpu.memory_space<vmem>> -> memref<1x128x16xf32, #tpu.memory_space<vmem>>
        %dma_start3A_770 = tpu.memref_squeeze %dma_start3A_769 : memref<1x128x16xf32, #tpu.memory_space<vmem>> -> memref<128x16xf32, #tpu.memory_space<vmem>>
        %dma_start3A_771 = arith.constant 0 : i32
        %dma_start3A_772 = tpu.memref_slice %arg6[%run_scoped3A_762, %dma_start3A_771] : memref<79x128xi32, #tpu.memory_space<vmem>> -> memref<1x128xi32, #tpu.memory_space<vmem>>
        %dma_start3A_773 = tpu.memref_squeeze %dma_start3A_772 : memref<1x128xi32, #tpu.memory_space<vmem>> -> memref<128xi32, #tpu.memory_space<vmem>>
        %dma_start3A_774 = arith.constant 0 : i32
        %dma_start3A_775 = arith.constant 0 : i32
        %dma_start3A_776 = tpu.memref_slice %arg10[%dma_start3A_774, %dma_start3A_775] : memref<10112x16xf32, #tpu.memory_space<vmem_shared>> -> memref<10112x16xf32, #tpu.memory_space<vmem_shared>>
        tpu.enqueue_indirect_dma source(%dma_start3A_776 : memref<10112x16xf32, #tpu.memory_space<vmem_shared>>) target(%dma_start3A_770 : memref<128x16xf32, #tpu.memory_space<vmem>>) offsets(%dma_start3A_773 : memref<128xi32, #tpu.memory_space<vmem>>) semaphore(%run_scoped3A_766 : memref<!tpu.dma_semaphore, #tpu.memory_space<semaphore_mem>>)
        %dma_wait3A_777 = arith.constant 0 : i32
        %dma_wait3A_778 = arith.constant 0 : i32
        %dma_wait3A_779 = tpu.memref_slice %arg8[%run_scoped3A_763, %dma_wait3A_777, %dma_wait3A_778] : memref<6x128x16xf32, #tpu.memory_space<vmem>> -> memref<1x128x16xf32, #tpu.memory_space<vmem>>
        %dma_wait3A_780 = tpu.memref_squeeze %dma_wait3A_779 : memref<1x128x16xf32, #tpu.memory_space<vmem>> -> memref<128x16xf32, #tpu.memory_space<vmem>>
        %dma_wait3A_781 = arith.constant 0 : i32
        %dma_wait3A_782 = tpu.memref_slice %arg6[%run_scoped3A_762, %dma_wait3A_781] : memref<79x128xi32, #tpu.memory_space<vmem>> -> memref<1x128xi32, #tpu.memory_space<vmem>>
        %dma_wait3A_783 = tpu.memref_squeeze %dma_wait3A_782 : memref<1x128xi32, #tpu.memory_space<vmem>> -> memref<128xi32, #tpu.memory_space<vmem>>
        %dma_wait3A_784 = arith.constant 0 : i32
        %dma_wait3A_785 = arith.constant 0 : i32
        %dma_wait3A_786 = tpu.memref_slice %arg10[%dma_wait3A_784, %dma_wait3A_785] : memref<10112x16xf32, #tpu.memory_space<vmem_shared>> -> memref<10112x16xf32, #tpu.memory_space<vmem_shared>>
        tpu.wait_indirect_dma semaphore(%run_scoped3A_766 : memref<!tpu.dma_semaphore, #tpu.memory_space<semaphore_mem>>) src(%dma_wait3A_786 : memref<10112x16xf32, #tpu.memory_space<vmem_shared>>) dst(%dma_wait3A_780 : memref<128x16xf32, #tpu.memory_space<vmem>>)
        tpu.yield
      }) : () -> ()
      %run_scoped3A_764 = arith.constant 0 : i32
      %run_scoped3A_765 = arith.constant 78 : i32
      "tpu.region"() ({
        %run_scoped3A_766 = tpu.sem_alloc : memref<!tpu.dma_semaphore, #tpu.memory_space<semaphore_mem>>
        %dma_start3A_767 = arith.constant 0 : i32
        %dma_start3A_768 = arith.constant 0 : i32
        %dma_start3A_769 = tpu.memref_slice %arg8[%run_scoped3A_764, %dma_start3A_767, %dma_start3A_768] : memref<6x128x16xf32, #tpu.memory_space<vmem>> -> memref<1x128x16xf32, #tpu.memory_space<vmem>>
        %dma_start3A_770 = tpu.memref_squeeze %dma_start3A_769 : memref<1x128x16xf32, #tpu.memory_space<vmem>> -> memref<128x16xf32, #tpu.memory_space<vmem>>
        %dma_start3A_771 = arith.constant 0 : i32
        %dma_start3A_772 = tpu.memref_slice %arg7[%run_scoped3A_765, %dma_start3A_771] : memref<79x128xi32, #tpu.memory_space<vmem>> -> memref<1x128xi32, #tpu.memory_space<vmem>>
        %dma_start3A_773 = tpu.memref_squeeze %dma_start3A_772 : memref<1x128xi32, #tpu.memory_space<vmem>> -> memref<128xi32, #tpu.memory_space<vmem>>
        %dma_start3A_774 = arith.constant 0 : i32
        %dma_start3A_775 = arith.constant 0 : i32
        %dma_start3A_776 = tpu.memref_slice %arg9[%dma_start3A_774, %dma_start3A_775] : memref<10112x16xf32, #tpu.memory_space<vmem_shared>> -> memref<10112x16xf32, #tpu.memory_space<vmem_shared>>
        tpu.enqueue_indirect_dma source(%dma_start3A_770 : memref<128x16xf32, #tpu.memory_space<vmem>>) target(%dma_start3A_776 : memref<10112x16xf32, #tpu.memory_space<vmem_shared>>) offsets(%dma_start3A_773 : memref<128xi32, #tpu.memory_space<vmem>>) semaphore(%run_scoped3A_766 : memref<!tpu.dma_semaphore, #tpu.memory_space<semaphore_mem>>) {add = true}
        %dma_wait3A_777 = arith.constant 0 : i32
        %dma_wait3A_778 = arith.constant 0 : i32
        %dma_wait3A_779 = tpu.memref_slice %arg8[%run_scoped3A_764, %dma_wait3A_777, %dma_wait3A_778] : memref<6x128x16xf32, #tpu.memory_space<vmem>> -> memref<1x128x16xf32, #tpu.memory_space<vmem>>
        %dma_wait3A_780 = tpu.memref_squeeze %dma_wait3A_779 : memref<1x128x16xf32, #tpu.memory_space<vmem>> -> memref<128x16xf32, #tpu.memory_space<vmem>>
        %dma_wait3A_781 = arith.constant 0 : i32
        %dma_wait3A_782 = tpu.memref_slice %arg7[%run_scoped3A_765, %dma_wait3A_781] : memref<79x128xi32, #tpu.memory_space<vmem>> -> memref<1x128xi32, #tpu.memory_space<vmem>>
        %dma_wait3A_783 = tpu.memref_squeeze %dma_wait3A_782 : memref<1x128xi32, #tpu.memory_space<vmem>> -> memref<128xi32, #tpu.memory_space<vmem>>
        %dma_wait3A_784 = arith.constant 0 : i32
        %dma_wait3A_785 = arith.constant 0 : i32
        %dma_wait3A_786 = tpu.memref_slice %arg9[%dma_wait3A_784, %dma_wait3A_785] : memref<10112x16xf32, #tpu.memory_space<vmem_shared>> -> memref<10112x16xf32, #tpu.memory_space<vmem_shared>>
        tpu.wait_indirect_dma semaphore(%run_scoped3A_766 : memref<!tpu.dma_semaphore, #tpu.memory_space<semaphore_mem>>) src(%dma_wait3A_780 : memref<128x16xf32, #tpu.memory_space<vmem>>) dst(%dma_wait3A_786 : memref<10112x16xf32, #tpu.memory_space<vmem_shared>>)
        tpu.yield
      }) : () -> ()
    } else {
    }
    %barrier3A_754 = arith.constant 0 : index
    tpu.barrier barrier_id(%barrier3A_754)
    %mul3A_755 = arith.constant 632 : i32
    %mul3A_756 = arith.muli %arg1, %mul3A_755 : i32
    %mul3A_757 = arith.constant 10112 : i32
    %mul3A_758 = arith.muli %arg0, %mul3A_757 : i32
    %mul3A_759 = arith.constant 632 : i32
    %mul3A_760 = arith.muli %arg1, %mul3A_759 : i32
    %add3A_761 = arith.addi %mul3A_758, %mul3A_760 : i32
    "tpu.region"() ({
      %run_scoped3A_762 = tpu.sem_alloc : memref<!tpu.dma_semaphore, #tpu.memory_space<semaphore_mem>>
      %dma_start3A_763 = arith.constant 0 : i32
      %dma_start3A_764 = tpu.memref_slice %arg5[%add3A_761, %dma_start3A_763] : memref<20224x16xf32, #tpu.memory_space<hbm>> -> memref<632x16xf32, #tpu.memory_space<hbm>>
      %dma_start3A_765 = arith.constant 0 : i32
      %dma_start3A_766 = tpu.memref_slice %arg9[%mul3A_756, %dma_start3A_765] : memref<10112x16xf32, #tpu.memory_space<vmem_shared>> -> memref<632x16xf32, #tpu.memory_space<vmem_shared>>
      tpu.enqueue_dma source(%dma_start3A_766 : memref<632x16xf32, #tpu.memory_space<vmem_shared>>) target(%dma_start3A_764 : memref<632x16xf32, #tpu.memory_space<hbm>>) target_semaphore(%run_scoped3A_762 : memref<!tpu.dma_semaphore, #tpu.memory_space<semaphore_mem>>)
      %dma_wait3A_767 = arith.constant 0 : i32
      %dma_wait3A_768 = tpu.memref_slice %arg5[%add3A_761, %dma_wait3A_767] : memref<20224x16xf32, #tpu.memory_space<hbm>> -> memref<632x16xf32, #tpu.memory_space<hbm>>
      %dma_wait3A_769 = arith.constant 0 : i32
      %dma_wait3A_770 = tpu.memref_slice %arg9[%mul3A_756, %dma_wait3A_769] : memref<10112x16xf32, #tpu.memory_space<vmem_shared>> -> memref<632x16xf32, #tpu.memory_space<vmem_shared>>
      tpu.wait_dma2 semaphore(%run_scoped3A_762 : memref<!tpu.dma_semaphore, #tpu.memory_space<semaphore_mem>>) src(%dma_wait3A_770 : memref<632x16xf32, #tpu.memory_space<vmem_shared>>) dst(%dma_wait3A_768 : memref<632x16xf32, #tpu.memory_space<hbm>>)
      tpu.yield
    }) : () -> ()
    return
  }
}

#map = affine_map<(d0, d1) -> (0, 0, 0)>
#map1 = affine_map<(d0, d1) -> (0)>
module attributes {stable_mosaic.version = 14 : i64} {
  func.func @_layer_body(%arg0: i32, %arg1: i32, %arg2: memref<2x2500x128xi32, #tpu.memory_space<hbm>>, %arg3: memref<10112xf32, #tpu.memory_space<hbm>>, %arg4: memref<10112xf32, #tpu.memory_space<hbm>>, %arg5: memref<20224xf32, #tpu.memory_space<hbm>>, %arg6: memref<79x128xi32, #tpu.memory_space<vmem>>, %arg7: memref<79x128xi32, #tpu.memory_space<vmem>>, %arg8: memref<6x128xf32, #tpu.memory_space<vmem>>, %arg9: memref<10112xf32, #tpu.memory_space<vmem_shared>>, %arg10: memref<10112xf32, #tpu.memory_space<vmem_shared>>, %arg11: memref<6x!tpu.dma_semaphore, #tpu.memory_space<semaphore_mem>>, %arg12: memref<6x!tpu.dma_semaphore, #tpu.memory_space<semaphore_mem>>) attributes {dimension_semantics = [#tpu.dimension_semantics<core_parallel>, #tpu.dimension_semantics<subcore_parallel>], iteration_bounds = array<i64: 2, 16>, scalar_prefetch = 0 : i64, scratch_operands = 7 : i64, tpu.core_type = #tpu.core_type<sc_vector_subcore>, window_params = [{transform_indices = #map}, {transform_indices = #map1}, {transform_indices = #map1}, {transform_indices = #map1}]} {
    %mul3A = arith.constant 632 : i32
    %mul3A_0 = arith.muli %arg1, %mul3A : i32
    %mul3A_1 = arith.constant 632 : i32
    %mul3A_2 = arith.muli %arg1, %mul3A_1 : i32
    "tpu.region"() ({
      %run_scoped3A_666 = tpu.sem_alloc : memref<!tpu.dma_semaphore, #tpu.memory_space<semaphore_mem>>
      %dma_start3A_667 = tpu.memref_slice %arg9[%mul3A_2] : memref<10112xf32, #tpu.memory_space<vmem_shared>> -> memref<632xf32, #tpu.memory_space<vmem_shared>>
      %dma_start3A_668 = tpu.memref_slice %arg4[%mul3A_0] : memref<10112xf32, #tpu.memory_space<hbm>> -> memref<632xf32, #tpu.memory_space<hbm>>
      tpu.enqueue_dma source(%dma_start3A_668 : memref<632xf32, #tpu.memory_space<hbm>>) target(%dma_start3A_667 : memref<632xf32, #tpu.memory_space<vmem_shared>>) target_semaphore(%run_scoped3A_666 : memref<!tpu.dma_semaphore, #tpu.memory_space<semaphore_mem>>)
      %dma_wait3A_669 = tpu.memref_slice %arg9[%mul3A_2] : memref<10112xf32, #tpu.memory_space<vmem_shared>> -> memref<632xf32, #tpu.memory_space<vmem_shared>>
      %dma_wait3A_670 = tpu.memref_slice %arg4[%mul3A_0] : memref<10112xf32, #tpu.memory_space<hbm>> -> memref<632xf32, #tpu.memory_space<hbm>>
      tpu.wait_dma2 semaphore(%run_scoped3A_666 : memref<!tpu.dma_semaphore, #tpu.memory_space<semaphore_mem>>) src(%dma_wait3A_670 : memref<632xf32, #tpu.memory_space<hbm>>) dst(%dma_wait3A_669 : memref<632xf32, #tpu.memory_space<vmem_shared>>)
      tpu.yield
    }) : () -> ()
    %mul3A_3 = arith.constant 632 : i32
    %mul3A_4 = arith.muli %arg1, %mul3A_3 : i32
    %mul3A_5 = arith.constant 632 : i32
    %mul3A_6 = arith.muli %arg1, %mul3A_5 : i32
    "tpu.region"() ({
      %run_scoped3A_666 = tpu.sem_alloc : memref<!tpu.dma_semaphore, #tpu.memory_space<semaphore_mem>>
      %dma_start3A_667 = tpu.memref_slice %arg10[%mul3A_6] : memref<10112xf32, #tpu.memory_space<vmem_shared>> -> memref<632xf32, #tpu.memory_space<vmem_shared>>
      %dma_start3A_668 = tpu.memref_slice %arg3[%mul3A_4] : memref<10112xf32, #tpu.memory_space<hbm>> -> memref<632xf32, #tpu.memory_space<hbm>>
      tpu.enqueue_dma source(%dma_start3A_668 : memref<632xf32, #tpu.memory_space<hbm>>) target(%dma_start3A_667 : memref<632xf32, #tpu.memory_space<vmem_shared>>) target_semaphore(%run_scoped3A_666 : memref<!tpu.dma_semaphore, #tpu.memory_space<semaphore_mem>>)
      %dma_wait3A_669 = tpu.memref_slice %arg10[%mul3A_6] : memref<10112xf32, #tpu.memory_space<vmem_shared>> -> memref<632xf32, #tpu.memory_space<vmem_shared>>
      %dma_wait3A_670 = tpu.memref_slice %arg3[%mul3A_4] : memref<10112xf32, #tpu.memory_space<hbm>> -> memref<632xf32, #tpu.memory_space<hbm>>
      tpu.wait_dma2 semaphore(%run_scoped3A_666 : memref<!tpu.dma_semaphore, #tpu.memory_space<semaphore_mem>>) src(%dma_wait3A_670 : memref<632xf32, #tpu.memory_space<hbm>>) dst(%dma_wait3A_669 : memref<632xf32, #tpu.memory_space<vmem_shared>>)
      tpu.yield
    }) : () -> ()
    %mul3A_7 = arith.constant 2 : i32
    %mul3A_8 = arith.muli %arg1, %mul3A_7 : i32
    %add3A = arith.addi %mul3A_8, %arg0 : i32
    %mul3A_9 = arith.constant 78 : i32
    %mul3A_10 = arith.muli %mul3A_9, %add3A : i32
    %min3A = arith.constant 4 : i32
    %min3A_11 = arith.minsi %add3A, %min3A : i32
    %add3A_12 = arith.addi %mul3A_10, %min3A_11 : i32
    %run_scoped3A = arith.constant 0 : i32
    "tpu.region"() ({
      %run_scoped3A_666 = tpu.sem_alloc : memref<!tpu.dma_semaphore, #tpu.memory_space<semaphore_mem>>
      %dma_start3A_667 = arith.constant 0 : i32
      %dma_start3A_668 = arith.constant 0 : i32
      %dma_start3A_669 = tpu.memref_slice %arg6[%dma_start3A_667, %dma_start3A_668] : memref<79x128xi32, #tpu.memory_space<vmem>> -> memref<78x128xi32, #tpu.memory_space<vmem>>
      %dma_start3A_670 = arith.constant 0 : i32
      %dma_start3A_671 = tpu.memref_slice %arg2[%run_scoped3A, %add3A_12, %dma_start3A_670] : memref<2x2500x128xi32, #tpu.memory_space<hbm>> -> memref<1x78x128xi32, #tpu.memory_space<hbm>>
      %dma_start3A_672 = tpu.memref_squeeze %dma_start3A_671 : memref<1x78x128xi32, #tpu.memory_space<hbm>> -> memref<78x128xi32, #tpu.memory_space<hbm>>
      %dma_start3A_673 = arith.constant 0 : i32
      %dma_start3A_674 = arith.constant 0 : i32
      %dma_start3A_675 = tpu.memref_slice %arg6[%dma_start3A_673, %dma_start3A_674] : memref<79x128xi32, #tpu.memory_space<vmem>> -> memref<78x128xi32, #tpu.memory_space<vmem>>
      %dma_start3A_676 = arith.constant 0 : i32
      %dma_start3A_677 = tpu.memref_slice %arg2[%run_scoped3A, %add3A_12, %dma_start3A_676] : memref<2x2500x128xi32, #tpu.memory_space<hbm>> -> memref<1x78x128xi32, #tpu.memory_space<hbm>>
      %dma_start3A_678 = tpu.memref_squeeze %dma_start3A_677 : memref<1x78x128xi32, #tpu.memory_space<hbm>> -> memref<78x128xi32, #tpu.memory_space<hbm>>
      tpu.enqueue_dma source(%dma_start3A_678 : memref<78x128xi32, #tpu.memory_space<hbm>>) target(%dma_start3A_675 : memref<78x128xi32, #tpu.memory_space<vmem>>) target_semaphore(%run_scoped3A_666 : memref<!tpu.dma_semaphore, #tpu.memory_space<semaphore_mem>>)
      %dma_wait3A_679 = arith.constant 0 : i32
      %dma_wait3A_680 = arith.constant 0 : i32
      %dma_wait3A_681 = tpu.memref_slice %arg6[%dma_wait3A_679, %dma_wait3A_680] : memref<79x128xi32, #tpu.memory_space<vmem>> -> memref<78x128xi32, #tpu.memory_space<vmem>>
      %dma_wait3A_682 = arith.constant 0 : i32
      %dma_wait3A_683 = tpu.memref_slice %arg2[%run_scoped3A, %add3A_12, %dma_wait3A_682] : memref<2x2500x128xi32, #tpu.memory_space<hbm>> -> memref<1x78x128xi32, #tpu.memory_space<hbm>>
      %dma_wait3A_684 = tpu.memref_squeeze %dma_wait3A_683 : memref<1x78x128xi32, #tpu.memory_space<hbm>> -> memref<78x128xi32, #tpu.memory_space<hbm>>
      %dma_wait3A_685 = arith.constant 0 : i32
      %dma_wait3A_686 = arith.constant 0 : i32
      %dma_wait3A_687 = tpu.memref_slice %arg6[%dma_wait3A_685, %dma_wait3A_686] : memref<79x128xi32, #tpu.memory_space<vmem>> -> memref<78x128xi32, #tpu.memory_space<vmem>>
      %dma_wait3A_688 = arith.constant 0 : i32
      %dma_wait3A_689 = tpu.memref_slice %arg2[%run_scoped3A, %add3A_12, %dma_wait3A_688] : memref<2x2500x128xi32, #tpu.memory_space<hbm>> -> memref<1x78x128xi32, #tpu.memory_space<hbm>>
      %dma_wait3A_690 = tpu.memref_squeeze %dma_wait3A_689 : memref<1x78x128xi32, #tpu.memory_space<hbm>> -> memref<78x128xi32, #tpu.memory_space<hbm>>
      tpu.wait_dma2 semaphore(%run_scoped3A_666 : memref<!tpu.dma_semaphore, #tpu.memory_space<semaphore_mem>>) src(%dma_wait3A_690 : memref<78x128xi32, #tpu.memory_space<hbm>>) dst(%dma_wait3A_687 : memref<78x128xi32, #tpu.memory_space<vmem>>)
      tpu.yield
    }) : () -> ()
    %lt3A = arith.constant 4 : i32
    %lt3A_13 = arith.cmpi slt, %add3A, %lt3A : i32
    %convert_element_type3A = arith.extui %lt3A_13 : i1 to i32
    %cond3A = arith.constant 0 : i32
    %cond3A_14 = arith.cmpi ne, %convert_element_type3A, %cond3A : i32
    scf.if %cond3A_14 {
      %add3A_666 = arith.constant 78 : i32
      %add3A_667 = arith.addi %add3A_12, %add3A_666 : i32
      %run_scoped3A_668 = arith.constant 0 : i32
      "tpu.region"() ({
        %run_scoped3A_669 = tpu.sem_alloc : memref<!tpu.dma_semaphore, #tpu.memory_space<semaphore_mem>>
        %dma_start3A_670 = arith.constant 78 : i32
        %dma_start3A_671 = arith.constant 0 : i32
        %dma_start3A_672 = tpu.memref_slice %arg6[%dma_start3A_670, %dma_start3A_671] : memref<79x128xi32, #tpu.memory_space<vmem>> -> memref<1x128xi32, #tpu.memory_space<vmem>>
        %dma_start3A_673 = arith.constant 0 : i32
        %dma_start3A_674 = tpu.memref_slice %arg2[%run_scoped3A_668, %add3A_667, %dma_start3A_673] : memref<2x2500x128xi32, #tpu.memory_space<hbm>> -> memref<1x1x128xi32, #tpu.memory_space<hbm>>
        %dma_start3A_675 = tpu.memref_squeeze %dma_start3A_674 : memref<1x1x128xi32, #tpu.memory_space<hbm>> -> memref<1x128xi32, #tpu.memory_space<hbm>>
        %dma_start3A_676 = arith.constant 78 : i32
        %dma_start3A_677 = arith.constant 0 : i32
        %dma_start3A_678 = tpu.memref_slice %arg6[%dma_start3A_676, %dma_start3A_677] : memref<79x128xi32, #tpu.memory_space<vmem>> -> memref<1x128xi32, #tpu.memory_space<vmem>>
        %dma_start3A_679 = arith.constant 0 : i32
        %dma_start3A_680 = tpu.memref_slice %arg2[%run_scoped3A_668, %add3A_667, %dma_start3A_679] : memref<2x2500x128xi32, #tpu.memory_space<hbm>> -> memref<1x1x128xi32, #tpu.memory_space<hbm>>
        %dma_start3A_681 = tpu.memref_squeeze %dma_start3A_680 : memref<1x1x128xi32, #tpu.memory_space<hbm>> -> memref<1x128xi32, #tpu.memory_space<hbm>>
        tpu.enqueue_dma source(%dma_start3A_681 : memref<1x128xi32, #tpu.memory_space<hbm>>) target(%dma_start3A_678 : memref<1x128xi32, #tpu.memory_space<vmem>>) target_semaphore(%run_scoped3A_669 : memref<!tpu.dma_semaphore, #tpu.memory_space<semaphore_mem>>)
        %dma_wait3A_682 = arith.constant 78 : i32
        %dma_wait3A_683 = arith.constant 0 : i32
        %dma_wait3A_684 = tpu.memref_slice %arg6[%dma_wait3A_682, %dma_wait3A_683] : memref<79x128xi32, #tpu.memory_space<vmem>> -> memref<1x128xi32, #tpu.memory_space<vmem>>
        %dma_wait3A_685 = arith.constant 0 : i32
        %dma_wait3A_686 = tpu.memref_slice %arg2[%run_scoped3A_668, %add3A_667, %dma_wait3A_685] : memref<2x2500x128xi32, #tpu.memory_space<hbm>> -> memref<1x1x128xi32, #tpu.memory_space<hbm>>
        %dma_wait3A_687 = tpu.memref_squeeze %dma_wait3A_686 : memref<1x1x128xi32, #tpu.memory_space<hbm>> -> memref<1x128xi32, #tpu.memory_space<hbm>>
        %dma_wait3A_688 = arith.constant 78 : i32
        %dma_wait3A_689 = arith.constant 0 : i32
        %dma_wait3A_690 = tpu.memref_slice %arg6[%dma_wait3A_688, %dma_wait3A_689] : memref<79x128xi32, #tpu.memory_space<vmem>> -> memref<1x128xi32, #tpu.memory_space<vmem>>
        %dma_wait3A_691 = arith.constant 0 : i32
        %dma_wait3A_692 = tpu.memref_slice %arg2[%run_scoped3A_668, %add3A_667, %dma_wait3A_691] : memref<2x2500x128xi32, #tpu.memory_space<hbm>> -> memref<1x1x128xi32, #tpu.memory_space<hbm>>
        %dma_wait3A_693 = tpu.memref_squeeze %dma_wait3A_692 : memref<1x1x128xi32, #tpu.memory_space<hbm>> -> memref<1x128xi32, #tpu.memory_space<hbm>>
        tpu.wait_dma2 semaphore(%run_scoped3A_669 : memref<!tpu.dma_semaphore, #tpu.memory_space<semaphore_mem>>) src(%dma_wait3A_693 : memref<1x128xi32, #tpu.memory_space<hbm>>) dst(%dma_wait3A_690 : memref<1x128xi32, #tpu.memory_space<vmem>>)
        tpu.yield
      }) : () -> ()
    } else {
    }
    %mul3A_15 = arith.constant 78 : i32
    %mul3A_16 = arith.muli %mul3A_15, %add3A : i32
    %min3A_17 = arith.constant 4 : i32
    %min3A_18 = arith.minsi %add3A, %min3A_17 : i32
    %add3A_19 = arith.addi %mul3A_16, %min3A_18 : i32
    %run_scoped3A_20 = arith.constant 1 : i32
    "tpu.region"() ({
      %run_scoped3A_666 = tpu.sem_alloc : memref<!tpu.dma_semaphore, #tpu.memory_space<semaphore_mem>>
      %dma_start3A_667 = arith.constant 0 : i32
      %dma_start3A_668 = arith.constant 0 : i32
      %dma_start3A_669 = tpu.memref_slice %arg7[%dma_start3A_667, %dma_start3A_668] : memref<79x128xi32, #tpu.memory_space<vmem>> -> memref<78x128xi32, #tpu.memory_space<vmem>>
      %dma_start3A_670 = arith.constant 0 : i32
      %dma_start3A_671 = tpu.memref_slice %arg2[%run_scoped3A_20, %add3A_19, %dma_start3A_670] : memref<2x2500x128xi32, #tpu.memory_space<hbm>> -> memref<1x78x128xi32, #tpu.memory_space<hbm>>
      %dma_start3A_672 = tpu.memref_squeeze %dma_start3A_671 : memref<1x78x128xi32, #tpu.memory_space<hbm>> -> memref<78x128xi32, #tpu.memory_space<hbm>>
      %dma_start3A_673 = arith.constant 0 : i32
      %dma_start3A_674 = arith.constant 0 : i32
      %dma_start3A_675 = tpu.memref_slice %arg7[%dma_start3A_673, %dma_start3A_674] : memref<79x128xi32, #tpu.memory_space<vmem>> -> memref<78x128xi32, #tpu.memory_space<vmem>>
      %dma_start3A_676 = arith.constant 0 : i32
      %dma_start3A_677 = tpu.memref_slice %arg2[%run_scoped3A_20, %add3A_19, %dma_start3A_676] : memref<2x2500x128xi32, #tpu.memory_space<hbm>> -> memref<1x78x128xi32, #tpu.memory_space<hbm>>
      %dma_start3A_678 = tpu.memref_squeeze %dma_start3A_677 : memref<1x78x128xi32, #tpu.memory_space<hbm>> -> memref<78x128xi32, #tpu.memory_space<hbm>>
      tpu.enqueue_dma source(%dma_start3A_678 : memref<78x128xi32, #tpu.memory_space<hbm>>) target(%dma_start3A_675 : memref<78x128xi32, #tpu.memory_space<vmem>>) target_semaphore(%run_scoped3A_666 : memref<!tpu.dma_semaphore, #tpu.memory_space<semaphore_mem>>)
      %dma_wait3A_679 = arith.constant 0 : i32
      %dma_wait3A_680 = arith.constant 0 : i32
      %dma_wait3A_681 = tpu.memref_slice %arg7[%dma_wait3A_679, %dma_wait3A_680] : memref<79x128xi32, #tpu.memory_space<vmem>> -> memref<78x128xi32, #tpu.memory_space<vmem>>
      %dma_wait3A_682 = arith.constant 0 : i32
      %dma_wait3A_683 = tpu.memref_slice %arg2[%run_scoped3A_20, %add3A_19, %dma_wait3A_682] : memref<2x2500x128xi32, #tpu.memory_space<hbm>> -> memref<1x78x128xi32, #tpu.memory_space<hbm>>
      %dma_wait3A_684 = tpu.memref_squeeze %dma_wait3A_683 : memref<1x78x128xi32, #tpu.memory_space<hbm>> -> memref<78x128xi32, #tpu.memory_space<hbm>>
      %dma_wait3A_685 = arith.constant 0 : i32
      %dma_wait3A_686 = arith.constant 0 : i32
      %dma_wait3A_687 = tpu.memref_slice %arg7[%dma_wait3A_685, %dma_wait3A_686] : memref<79x128xi32, #tpu.memory_space<vmem>> -> memref<78x128xi32, #tpu.memory_space<vmem>>
      %dma_wait3A_688 = arith.constant 0 : i32
      %dma_wait3A_689 = tpu.memref_slice %arg2[%run_scoped3A_20, %add3A_19, %dma_wait3A_688] : memref<2x2500x128xi32, #tpu.memory_space<hbm>> -> memref<1x78x128xi32, #tpu.memory_space<hbm>>
      %dma_wait3A_690 = tpu.memref_squeeze %dma_wait3A_689 : memref<1x78x128xi32, #tpu.memory_space<hbm>> -> memref<78x128xi32, #tpu.memory_space<hbm>>
      tpu.wait_dma2 semaphore(%run_scoped3A_666 : memref<!tpu.dma_semaphore, #tpu.memory_space<semaphore_mem>>) src(%dma_wait3A_690 : memref<78x128xi32, #tpu.memory_space<hbm>>) dst(%dma_wait3A_687 : memref<78x128xi32, #tpu.memory_space<vmem>>)
      tpu.yield
    }) : () -> ()
    %lt3A_21 = arith.constant 4 : i32
    %lt3A_22 = arith.cmpi slt, %add3A, %lt3A_21 : i32
    %convert_element_type3A_23 = arith.extui %lt3A_22 : i1 to i32
    %cond3A_24 = arith.constant 0 : i32
    %cond3A_25 = arith.cmpi ne, %convert_element_type3A_23, %cond3A_24 : i32
    scf.if %cond3A_25 {
      %add3A_666 = arith.constant 78 : i32
      %add3A_667 = arith.addi %add3A_19, %add3A_666 : i32
      %run_scoped3A_668 = arith.constant 1 : i32
      "tpu.region"() ({
        %run_scoped3A_669 = tpu.sem_alloc : memref<!tpu.dma_semaphore, #tpu.memory_space<semaphore_mem>>
        %dma_start3A_670 = arith.constant 78 : i32
        %dma_start3A_671 = arith.constant 0 : i32
        %dma_start3A_672 = tpu.memref_slice %arg7[%dma_start3A_670, %dma_start3A_671] : memref<79x128xi32, #tpu.memory_space<vmem>> -> memref<1x128xi32, #tpu.memory_space<vmem>>
        %dma_start3A_673 = arith.constant 0 : i32
        %dma_start3A_674 = tpu.memref_slice %arg2[%run_scoped3A_668, %add3A_667, %dma_start3A_673] : memref<2x2500x128xi32, #tpu.memory_space<hbm>> -> memref<1x1x128xi32, #tpu.memory_space<hbm>>
        %dma_start3A_675 = tpu.memref_squeeze %dma_start3A_674 : memref<1x1x128xi32, #tpu.memory_space<hbm>> -> memref<1x128xi32, #tpu.memory_space<hbm>>
        %dma_start3A_676 = arith.constant 78 : i32
        %dma_start3A_677 = arith.constant 0 : i32
        %dma_start3A_678 = tpu.memref_slice %arg7[%dma_start3A_676, %dma_start3A_677] : memref<79x128xi32, #tpu.memory_space<vmem>> -> memref<1x128xi32, #tpu.memory_space<vmem>>
        %dma_start3A_679 = arith.constant 0 : i32
        %dma_start3A_680 = tpu.memref_slice %arg2[%run_scoped3A_668, %add3A_667, %dma_start3A_679] : memref<2x2500x128xi32, #tpu.memory_space<hbm>> -> memref<1x1x128xi32, #tpu.memory_space<hbm>>
        %dma_start3A_681 = tpu.memref_squeeze %dma_start3A_680 : memref<1x1x128xi32, #tpu.memory_space<hbm>> -> memref<1x128xi32, #tpu.memory_space<hbm>>
        tpu.enqueue_dma source(%dma_start3A_681 : memref<1x128xi32, #tpu.memory_space<hbm>>) target(%dma_start3A_678 : memref<1x128xi32, #tpu.memory_space<vmem>>) target_semaphore(%run_scoped3A_669 : memref<!tpu.dma_semaphore, #tpu.memory_space<semaphore_mem>>)
        %dma_wait3A_682 = arith.constant 78 : i32
        %dma_wait3A_683 = arith.constant 0 : i32
        %dma_wait3A_684 = tpu.memref_slice %arg7[%dma_wait3A_682, %dma_wait3A_683] : memref<79x128xi32, #tpu.memory_space<vmem>> -> memref<1x128xi32, #tpu.memory_space<vmem>>
        %dma_wait3A_685 = arith.constant 0 : i32
        %dma_wait3A_686 = tpu.memref_slice %arg2[%run_scoped3A_668, %add3A_667, %dma_wait3A_685] : memref<2x2500x128xi32, #tpu.memory_space<hbm>> -> memref<1x1x128xi32, #tpu.memory_space<hbm>>
        %dma_wait3A_687 = tpu.memref_squeeze %dma_wait3A_686 : memref<1x1x128xi32, #tpu.memory_space<hbm>> -> memref<1x128xi32, #tpu.memory_space<hbm>>
        %dma_wait3A_688 = arith.constant 78 : i32
        %dma_wait3A_689 = arith.constant 0 : i32
        %dma_wait3A_690 = tpu.memref_slice %arg7[%dma_wait3A_688, %dma_wait3A_689] : memref<79x128xi32, #tpu.memory_space<vmem>> -> memref<1x128xi32, #tpu.memory_space<vmem>>
        %dma_wait3A_691 = arith.constant 0 : i32
        %dma_wait3A_692 = tpu.memref_slice %arg2[%run_scoped3A_668, %add3A_667, %dma_wait3A_691] : memref<2x2500x128xi32, #tpu.memory_space<hbm>> -> memref<1x1x128xi32, #tpu.memory_space<hbm>>
        %dma_wait3A_693 = tpu.memref_squeeze %dma_wait3A_692 : memref<1x1x128xi32, #tpu.memory_space<hbm>> -> memref<1x128xi32, #tpu.memory_space<hbm>>
        tpu.wait_dma2 semaphore(%run_scoped3A_669 : memref<!tpu.dma_semaphore, #tpu.memory_space<semaphore_mem>>) src(%dma_wait3A_693 : memref<1x128xi32, #tpu.memory_space<hbm>>) dst(%dma_wait3A_690 : memref<1x128xi32, #tpu.memory_space<vmem>>)
        tpu.yield
      }) : () -> ()
    } else {
    }
    %barrier3A = arith.constant 0 : index
    tpu.barrier barrier_id(%barrier3A)
    %dma_start3A = arith.constant 0 : i32
    %dma_start3A_26 = arith.constant 0 : i32
    %dma_start3A_27 = arith.constant 0 : i32
    %dma_start3A_28 = arith.constant 0 : i32
    %dma_start3A_29 = tpu.memref_slice %arg8[%dma_start3A_26, %dma_start3A_28] : memref<6x128xf32, #tpu.memory_space<vmem>> -> memref<1x128xf32, #tpu.memory_space<vmem>>
    %dma_start3A_30 = tpu.memref_squeeze %dma_start3A_29 : memref<1x128xf32, #tpu.memory_space<vmem>> -> memref<128xf32, #tpu.memory_space<vmem>>
    %dma_start3A_31 = arith.constant 0 : i32
    %dma_start3A_32 = tpu.memref_slice %arg6[%dma_start3A, %dma_start3A_31] : memref<79x128xi32, #tpu.memory_space<vmem>> -> memref<1x128xi32, #tpu.memory_space<vmem>>
    %dma_start3A_33 = tpu.memref_squeeze %dma_start3A_32 : memref<1x128xi32, #tpu.memory_space<vmem>> -> memref<128xi32, #tpu.memory_space<vmem>>
    %dma_start3A_34 = arith.constant 0 : i32
    %dma_start3A_35 = tpu.memref_slice %arg10[%dma_start3A_34] : memref<10112xf32, #tpu.memory_space<vmem_shared>> -> memref<10112xf32, #tpu.memory_space<vmem_shared>>
    %dma_start3A_36 = tpu.memref_slice %arg11[%dma_start3A_27] : memref<6x!tpu.dma_semaphore, #tpu.memory_space<semaphore_mem>> -> memref<1x!tpu.dma_semaphore, #tpu.memory_space<semaphore_mem>>
    %dma_start3A_37 = tpu.memref_squeeze %dma_start3A_36 : memref<1x!tpu.dma_semaphore, #tpu.memory_space<semaphore_mem>> -> memref<!tpu.dma_semaphore, #tpu.memory_space<semaphore_mem>>
    tpu.enqueue_indirect_dma source(%dma_start3A_35 : memref<10112xf32, #tpu.memory_space<vmem_shared>>) target(%dma_start3A_30 : memref<128xf32, #tpu.memory_space<vmem>>) offsets(%dma_start3A_33 : memref<128xi32, #tpu.memory_space<vmem>>) semaphore(%dma_start3A_37 : memref<!tpu.dma_semaphore, #tpu.memory_space<semaphore_mem>>)
    %dma_start3A_38 = arith.constant 1 : i32
    %dma_start3A_39 = arith.constant 1 : i32
    %dma_start3A_40 = arith.constant 1 : i32
    %dma_start3A_41 = arith.constant 0 : i32
    %dma_start3A_42 = tpu.memref_slice %arg8[%dma_start3A_39, %dma_start3A_41] : memref<6x128xf32, #tpu.memory_space<vmem>> -> memref<1x128xf32, #tpu.memory_space<vmem>>
    %dma_start3A_43 = tpu.memref_squeeze %dma_start3A_42 : memref<1x128xf32, #tpu.memory_space<vmem>> -> memref<128xf32, #tpu.memory_space<vmem>>
    %dma_start3A_44 = arith.constant 0 : i32
    %dma_start3A_45 = tpu.memref_slice %arg6[%dma_start3A_38, %dma_start3A_44] : memref<79x128xi32, #tpu.memory_space<vmem>> -> memref<1x128xi32, #tpu.memory_space<vmem>>
    %dma_start3A_46 = tpu.memref_squeeze %dma_start3A_45 : memref<1x128xi32, #tpu.memory_space<vmem>> -> memref<128xi32, #tpu.memory_space<vmem>>
    %dma_start3A_47 = arith.constant 0 : i32
    %dma_start3A_48 = tpu.memref_slice %arg10[%dma_start3A_47] : memref<10112xf32, #tpu.memory_space<vmem_shared>> -> memref<10112xf32, #tpu.memory_space<vmem_shared>>
    %dma_start3A_49 = tpu.memref_slice %arg11[%dma_start3A_40] : memref<6x!tpu.dma_semaphore, #tpu.memory_space<semaphore_mem>> -> memref<1x!tpu.dma_semaphore, #tpu.memory_space<semaphore_mem>>
    %dma_start3A_50 = tpu.memref_squeeze %dma_start3A_49 : memref<1x!tpu.dma_semaphore, #tpu.memory_space<semaphore_mem>> -> memref<!tpu.dma_semaphore, #tpu.memory_space<semaphore_mem>>
    tpu.enqueue_indirect_dma source(%dma_start3A_48 : memref<10112xf32, #tpu.memory_space<vmem_shared>>) target(%dma_start3A_43 : memref<128xf32, #tpu.memory_space<vmem>>) offsets(%dma_start3A_46 : memref<128xi32, #tpu.memory_space<vmem>>) semaphore(%dma_start3A_50 : memref<!tpu.dma_semaphore, #tpu.memory_space<semaphore_mem>>)
    %dma_start3A_51 = arith.constant 2 : i32
    %dma_start3A_52 = arith.constant 2 : i32
    %dma_start3A_53 = arith.constant 2 : i32
    %dma_start3A_54 = arith.constant 0 : i32
    %dma_start3A_55 = tpu.memref_slice %arg8[%dma_start3A_52, %dma_start3A_54] : memref<6x128xf32, #tpu.memory_space<vmem>> -> memref<1x128xf32, #tpu.memory_space<vmem>>
    %dma_start3A_56 = tpu.memref_squeeze %dma_start3A_55 : memref<1x128xf32, #tpu.memory_space<vmem>> -> memref<128xf32, #tpu.memory_space<vmem>>
    %dma_start3A_57 = arith.constant 0 : i32
    %dma_start3A_58 = tpu.memref_slice %arg6[%dma_start3A_51, %dma_start3A_57] : memref<79x128xi32, #tpu.memory_space<vmem>> -> memref<1x128xi32, #tpu.memory_space<vmem>>
    %dma_start3A_59 = tpu.memref_squeeze %dma_start3A_58 : memref<1x128xi32, #tpu.memory_space<vmem>> -> memref<128xi32, #tpu.memory_space<vmem>>
    %dma_start3A_60 = arith.constant 0 : i32
    %dma_start3A_61 = tpu.memref_slice %arg10[%dma_start3A_60] : memref<10112xf32, #tpu.memory_space<vmem_shared>> -> memref<10112xf32, #tpu.memory_space<vmem_shared>>
    %dma_start3A_62 = tpu.memref_slice %arg11[%dma_start3A_53] : memref<6x!tpu.dma_semaphore, #tpu.memory_space<semaphore_mem>> -> memref<1x!tpu.dma_semaphore, #tpu.memory_space<semaphore_mem>>
    %dma_start3A_63 = tpu.memref_squeeze %dma_start3A_62 : memref<1x!tpu.dma_semaphore, #tpu.memory_space<semaphore_mem>> -> memref<!tpu.dma_semaphore, #tpu.memory_space<semaphore_mem>>
    tpu.enqueue_indirect_dma source(%dma_start3A_61 : memref<10112xf32, #tpu.memory_space<vmem_shared>>) target(%dma_start3A_56 : memref<128xf32, #tpu.memory_space<vmem>>) offsets(%dma_start3A_59 : memref<128xi32, #tpu.memory_space<vmem>>) semaphore(%dma_start3A_63 : memref<!tpu.dma_semaphore, #tpu.memory_space<semaphore_mem>>)
    %dma_wait3A = arith.constant 0 : i32
    %dma_wait3A_64 = arith.constant 0 : i32
    %dma_wait3A_65 = arith.constant 0 : i32
    %dma_wait3A_66 = arith.constant 0 : i32
    %dma_wait3A_67 = tpu.memref_slice %arg8[%dma_wait3A_64, %dma_wait3A_66] : memref<6x128xf32, #tpu.memory_space<vmem>> -> memref<1x128xf32, #tpu.memory_space<vmem>>
    %dma_wait3A_68 = tpu.memref_squeeze %dma_wait3A_67 : memref<1x128xf32, #tpu.memory_space<vmem>> -> memref<128xf32, #tpu.memory_space<vmem>>
    %dma_wait3A_69 = arith.constant 0 : i32
    %dma_wait3A_70 = tpu.memref_slice %arg6[%dma_wait3A, %dma_wait3A_69] : memref<79x128xi32, #tpu.memory_space<vmem>> -> memref<1x128xi32, #tpu.memory_space<vmem>>
    %dma_wait3A_71 = tpu.memref_squeeze %dma_wait3A_70 : memref<1x128xi32, #tpu.memory_space<vmem>> -> memref<128xi32, #tpu.memory_space<vmem>>
    %dma_wait3A_72 = arith.constant 0 : i32
    %dma_wait3A_73 = tpu.memref_slice %arg10[%dma_wait3A_72] : memref<10112xf32, #tpu.memory_space<vmem_shared>> -> memref<10112xf32, #tpu.memory_space<vmem_shared>>
    %dma_wait3A_74 = tpu.memref_slice %arg11[%dma_wait3A_65] : memref<6x!tpu.dma_semaphore, #tpu.memory_space<semaphore_mem>> -> memref<1x!tpu.dma_semaphore, #tpu.memory_space<semaphore_mem>>
    %dma_wait3A_75 = tpu.memref_squeeze %dma_wait3A_74 : memref<1x!tpu.dma_semaphore, #tpu.memory_space<semaphore_mem>> -> memref<!tpu.dma_semaphore, #tpu.memory_space<semaphore_mem>>
    tpu.wait_indirect_dma semaphore(%dma_wait3A_75 : memref<!tpu.dma_semaphore, #tpu.memory_space<semaphore_mem>>) src(%dma_wait3A_73 : memref<10112xf32, #tpu.memory_space<vmem_shared>>) dst(%dma_wait3A_68 : memref<128xf32, #tpu.memory_space<vmem>>)
    %dma_start3A_76 = arith.constant 0 : i32
    %dma_start3A_77 = arith.constant 0 : i32
    %dma_start3A_78 = arith.constant 0 : i32
    %dma_start3A_79 = arith.constant 0 : i32
    %dma_start3A_80 = tpu.memref_slice %arg8[%dma_start3A_76, %dma_start3A_79] : memref<6x128xf32, #tpu.memory_space<vmem>> -> memref<1x128xf32, #tpu.memory_space<vmem>>
    %dma_start3A_81 = tpu.memref_squeeze %dma_start3A_80 : memref<1x128xf32, #tpu.memory_space<vmem>> -> memref<128xf32, #tpu.memory_space<vmem>>
    %dma_start3A_82 = arith.constant 0 : i32
    %dma_start3A_83 = tpu.memref_slice %arg7[%dma_start3A_77, %dma_start3A_82] : memref<79x128xi32, #tpu.memory_space<vmem>> -> memref<1x128xi32, #tpu.memory_space<vmem>>
    %dma_start3A_84 = tpu.memref_squeeze %dma_start3A_83 : memref<1x128xi32, #tpu.memory_space<vmem>> -> memref<128xi32, #tpu.memory_space<vmem>>
    %dma_start3A_85 = arith.constant 0 : i32
    %dma_start3A_86 = tpu.memref_slice %arg9[%dma_start3A_85] : memref<10112xf32, #tpu.memory_space<vmem_shared>> -> memref<10112xf32, #tpu.memory_space<vmem_shared>>
    %dma_start3A_87 = tpu.memref_slice %arg12[%dma_start3A_78] : memref<6x!tpu.dma_semaphore, #tpu.memory_space<semaphore_mem>> -> memref<1x!tpu.dma_semaphore, #tpu.memory_space<semaphore_mem>>
    %dma_start3A_88 = tpu.memref_squeeze %dma_start3A_87 : memref<1x!tpu.dma_semaphore, #tpu.memory_space<semaphore_mem>> -> memref<!tpu.dma_semaphore, #tpu.memory_space<semaphore_mem>>
    tpu.enqueue_indirect_dma source(%dma_start3A_81 : memref<128xf32, #tpu.memory_space<vmem>>) target(%dma_start3A_86 : memref<10112xf32, #tpu.memory_space<vmem_shared>>) offsets(%dma_start3A_84 : memref<128xi32, #tpu.memory_space<vmem>>) semaphore(%dma_start3A_88 : memref<!tpu.dma_semaphore, #tpu.memory_space<semaphore_mem>>) {add = true}
    %dma_start3A_89 = arith.constant 3 : i32
    %dma_start3A_90 = arith.constant 3 : i32
    %dma_start3A_91 = arith.constant 3 : i32
    %dma_start3A_92 = arith.constant 0 : i32
    %dma_start3A_93 = tpu.memref_slice %arg8[%dma_start3A_90, %dma_start3A_92] : memref<6x128xf32, #tpu.memory_space<vmem>> -> memref<1x128xf32, #tpu.memory_space<vmem>>
    %dma_start3A_94 = tpu.memref_squeeze %dma_start3A_93 : memref<1x128xf32, #tpu.memory_space<vmem>> -> memref<128xf32, #tpu.memory_space<vmem>>
    %dma_start3A_95 = arith.constant 0 : i32
    %dma_start3A_96 = tpu.memref_slice %arg6[%dma_start3A_89, %dma_start3A_95] : memref<79x128xi32, #tpu.memory_space<vmem>> -> memref<1x128xi32, #tpu.memory_space<vmem>>
    %dma_start3A_97 = tpu.memref_squeeze %dma_start3A_96 : memref<1x128xi32, #tpu.memory_space<vmem>> -> memref<128xi32, #tpu.memory_space<vmem>>
    %dma_start3A_98 = arith.constant 0 : i32
    %dma_start3A_99 = tpu.memref_slice %arg10[%dma_start3A_98] : memref<10112xf32, #tpu.memory_space<vmem_shared>> -> memref<10112xf32, #tpu.memory_space<vmem_shared>>
    %dma_start3A_100 = tpu.memref_slice %arg11[%dma_start3A_91] : memref<6x!tpu.dma_semaphore, #tpu.memory_space<semaphore_mem>> -> memref<1x!tpu.dma_semaphore, #tpu.memory_space<semaphore_mem>>
    %dma_start3A_101 = tpu.memref_squeeze %dma_start3A_100 : memref<1x!tpu.dma_semaphore, #tpu.memory_space<semaphore_mem>> -> memref<!tpu.dma_semaphore, #tpu.memory_space<semaphore_mem>>
    tpu.enqueue_indirect_dma source(%dma_start3A_99 : memref<10112xf32, #tpu.memory_space<vmem_shared>>) target(%dma_start3A_94 : memref<128xf32, #tpu.memory_space<vmem>>) offsets(%dma_start3A_97 : memref<128xi32, #tpu.memory_space<vmem>>) semaphore(%dma_start3A_101 : memref<!tpu.dma_semaphore, #tpu.memory_space<semaphore_mem>>)
    %dma_wait3A_102 = arith.constant 1 : i32
    %dma_wait3A_103 = arith.constant 1 : i32
    %dma_wait3A_104 = arith.constant 1 : i32
    %dma_wait3A_105 = arith.constant 0 : i32
    %dma_wait3A_106 = tpu.memref_slice %arg8[%dma_wait3A_103, %dma_wait3A_105] : memref<6x128xf32, #tpu.memory_space<vmem>> -> memref<1x128xf32, #tpu.memory_space<vmem>>
    %dma_wait3A_107 = tpu.memref_squeeze %dma_wait3A_106 : memref<1x128xf32, #tpu.memory_space<vmem>> -> memref<128xf32, #tpu.memory_space<vmem>>
    %dma_wait3A_108 = arith.constant 0 : i32
    %dma_wait3A_109 = tpu.memref_slice %arg6[%dma_wait3A_102, %dma_wait3A_108] : memref<79x128xi32, #tpu.memory_space<vmem>> -> memref<1x128xi32, #tpu.memory_space<vmem>>
    %dma_wait3A_110 = tpu.memref_squeeze %dma_wait3A_109 : memref<1x128xi32, #tpu.memory_space<vmem>> -> memref<128xi32, #tpu.memory_space<vmem>>
    %dma_wait3A_111 = arith.constant 0 : i32
    %dma_wait3A_112 = tpu.memref_slice %arg10[%dma_wait3A_111] : memref<10112xf32, #tpu.memory_space<vmem_shared>> -> memref<10112xf32, #tpu.memory_space<vmem_shared>>
    %dma_wait3A_113 = tpu.memref_slice %arg11[%dma_wait3A_104] : memref<6x!tpu.dma_semaphore, #tpu.memory_space<semaphore_mem>> -> memref<1x!tpu.dma_semaphore, #tpu.memory_space<semaphore_mem>>
    %dma_wait3A_114 = tpu.memref_squeeze %dma_wait3A_113 : memref<1x!tpu.dma_semaphore, #tpu.memory_space<semaphore_mem>> -> memref<!tpu.dma_semaphore, #tpu.memory_space<semaphore_mem>>
    tpu.wait_indirect_dma semaphore(%dma_wait3A_114 : memref<!tpu.dma_semaphore, #tpu.memory_space<semaphore_mem>>) src(%dma_wait3A_112 : memref<10112xf32, #tpu.memory_space<vmem_shared>>) dst(%dma_wait3A_107 : memref<128xf32, #tpu.memory_space<vmem>>)
    %dma_start3A_115 = arith.constant 1 : i32
    %dma_start3A_116 = arith.constant 1 : i32
    %dma_start3A_117 = arith.constant 1 : i32
    %dma_start3A_118 = arith.constant 0 : i32
    %dma_start3A_119 = tpu.memref_slice %arg8[%dma_start3A_115, %dma_start3A_118] : memref<6x128xf32, #tpu.memory_space<vmem>> -> memref<1x128xf32, #tpu.memory_space<vmem>>
    %dma_start3A_120 = tpu.memref_squeeze %dma_start3A_119 : memref<1x128xf32, #tpu.memory_space<vmem>> -> memref<128xf32, #tpu.memory_space<vmem>>
    %dma_start3A_121 = arith.constant 0 : i32
    %dma_start3A_122 = tpu.memref_slice %arg7[%dma_start3A_116, %dma_start3A_121] : memref<79x128xi32, #tpu.memory_space<vmem>> -> memref<1x128xi32, #tpu.memory_space<vmem>>
    %dma_start3A_123 = tpu.memref_squeeze %dma_start3A_122 : memref<1x128xi32, #tpu.memory_space<vmem>> -> memref<128xi32, #tpu.memory_space<vmem>>
    %dma_start3A_124 = arith.constant 0 : i32
    %dma_start3A_125 = tpu.memref_slice %arg9[%dma_start3A_124] : memref<10112xf32, #tpu.memory_space<vmem_shared>> -> memref<10112xf32, #tpu.memory_space<vmem_shared>>
    %dma_start3A_126 = tpu.memref_slice %arg12[%dma_start3A_117] : memref<6x!tpu.dma_semaphore, #tpu.memory_space<semaphore_mem>> -> memref<1x!tpu.dma_semaphore, #tpu.memory_space<semaphore_mem>>
    %dma_start3A_127 = tpu.memref_squeeze %dma_start3A_126 : memref<1x!tpu.dma_semaphore, #tpu.memory_space<semaphore_mem>> -> memref<!tpu.dma_semaphore, #tpu.memory_space<semaphore_mem>>
    tpu.enqueue_indirect_dma source(%dma_start3A_120 : memref<128xf32, #tpu.memory_space<vmem>>) target(%dma_start3A_125 : memref<10112xf32, #tpu.memory_space<vmem_shared>>) offsets(%dma_start3A_123 : memref<128xi32, #tpu.memory_space<vmem>>) semaphore(%dma_start3A_127 : memref<!tpu.dma_semaphore, #tpu.memory_space<semaphore_mem>>) {add = true}
    %dma_start3A_128 = arith.constant 4 : i32
    %dma_start3A_129 = arith.constant 4 : i32
    %dma_start3A_130 = arith.constant 4 : i32
    %dma_start3A_131 = arith.constant 0 : i32
    %dma_start3A_132 = tpu.memref_slice %arg8[%dma_start3A_129, %dma_start3A_131] : memref<6x128xf32, #tpu.memory_space<vmem>> -> memref<1x128xf32, #tpu.memory_space<vmem>>
    %dma_start3A_133 = tpu.memref_squeeze %dma_start3A_132 : memref<1x128xf32, #tpu.memory_space<vmem>> -> memref<128xf32, #tpu.memory_space<vmem>>
    %dma_start3A_134 = arith.constant 0 : i32
    %dma_start3A_135 = tpu.memref_slice %arg6[%dma_start3A_128, %dma_start3A_134] : memref<79x128xi32, #tpu.memory_space<vmem>> -> memref<1x128xi32, #tpu.memory_space<vmem>>
    %dma_start3A_136 = tpu.memref_squeeze %dma_start3A_135 : memref<1x128xi32, #tpu.memory_space<vmem>> -> memref<128xi32, #tpu.memory_space<vmem>>
    %dma_start3A_137 = arith.constant 0 : i32
    %dma_start3A_138 = tpu.memref_slice %arg10[%dma_start3A_137] : memref<10112xf32, #tpu.memory_space<vmem_shared>> -> memref<10112xf32, #tpu.memory_space<vmem_shared>>
    %dma_start3A_139 = tpu.memref_slice %arg11[%dma_start3A_130] : memref<6x!tpu.dma_semaphore, #tpu.memory_space<semaphore_mem>> -> memref<1x!tpu.dma_semaphore, #tpu.memory_space<semaphore_mem>>
    %dma_start3A_140 = tpu.memref_squeeze %dma_start3A_139 : memref<1x!tpu.dma_semaphore, #tpu.memory_space<semaphore_mem>> -> memref<!tpu.dma_semaphore, #tpu.memory_space<semaphore_mem>>
    tpu.enqueue_indirect_dma source(%dma_start3A_138 : memref<10112xf32, #tpu.memory_space<vmem_shared>>) target(%dma_start3A_133 : memref<128xf32, #tpu.memory_space<vmem>>) offsets(%dma_start3A_136 : memref<128xi32, #tpu.memory_space<vmem>>) semaphore(%dma_start3A_140 : memref<!tpu.dma_semaphore, #tpu.memory_space<semaphore_mem>>)
    %dma_wait3A_141 = arith.constant 2 : i32
    %dma_wait3A_142 = arith.constant 2 : i32
    %dma_wait3A_143 = arith.constant 2 : i32
    %dma_wait3A_144 = arith.constant 0 : i32
    %dma_wait3A_145 = tpu.memref_slice %arg8[%dma_wait3A_142, %dma_wait3A_144] : memref<6x128xf32, #tpu.memory_space<vmem>> -> memref<1x128xf32, #tpu.memory_space<vmem>>
    %dma_wait3A_146 = tpu.memref_squeeze %dma_wait3A_145 : memref<1x128xf32, #tpu.memory_space<vmem>> -> memref<128xf32, #tpu.memory_space<vmem>>
    %dma_wait3A_147 = arith.constant 0 : i32
    %dma_wait3A_148 = tpu.memref_slice %arg6[%dma_wait3A_141, %dma_wait3A_147] : memref<79x128xi32, #tpu.memory_space<vmem>> -> memref<1x128xi32, #tpu.memory_space<vmem>>
    %dma_wait3A_149 = tpu.memref_squeeze %dma_wait3A_148 : memref<1x128xi32, #tpu.memory_space<vmem>> -> memref<128xi32, #tpu.memory_space<vmem>>
    %dma_wait3A_150 = arith.constant 0 : i32
    %dma_wait3A_151 = tpu.memref_slice %arg10[%dma_wait3A_150] : memref<10112xf32, #tpu.memory_space<vmem_shared>> -> memref<10112xf32, #tpu.memory_space<vmem_shared>>
    %dma_wait3A_152 = tpu.memref_slice %arg11[%dma_wait3A_143] : memref<6x!tpu.dma_semaphore, #tpu.memory_space<semaphore_mem>> -> memref<1x!tpu.dma_semaphore, #tpu.memory_space<semaphore_mem>>
    %dma_wait3A_153 = tpu.memref_squeeze %dma_wait3A_152 : memref<1x!tpu.dma_semaphore, #tpu.memory_space<semaphore_mem>> -> memref<!tpu.dma_semaphore, #tpu.memory_space<semaphore_mem>>
    tpu.wait_indirect_dma semaphore(%dma_wait3A_153 : memref<!tpu.dma_semaphore, #tpu.memory_space<semaphore_mem>>) src(%dma_wait3A_151 : memref<10112xf32, #tpu.memory_space<vmem_shared>>) dst(%dma_wait3A_146 : memref<128xf32, #tpu.memory_space<vmem>>)
    %dma_start3A_154 = arith.constant 2 : i32
    %dma_start3A_155 = arith.constant 2 : i32
    %dma_start3A_156 = arith.constant 2 : i32
    %dma_start3A_157 = arith.constant 0 : i32
    %dma_start3A_158 = tpu.memref_slice %arg8[%dma_start3A_154, %dma_start3A_157] : memref<6x128xf32, #tpu.memory_space<vmem>> -> memref<1x128xf32, #tpu.memory_space<vmem>>
    %dma_start3A_159 = tpu.memref_squeeze %dma_start3A_158 : memref<1x128xf32, #tpu.memory_space<vmem>> -> memref<128xf32, #tpu.memory_space<vmem>>
    %dma_start3A_160 = arith.constant 0 : i32
    %dma_start3A_161 = tpu.memref_slice %arg7[%dma_start3A_155, %dma_start3A_160] : memref<79x128xi32, #tpu.memory_space<vmem>> -> memref<1x128xi32, #tpu.memory_space<vmem>>
    %dma_start3A_162 = tpu.memref_squeeze %dma_start3A_161 : memref<1x128xi32, #tpu.memory_space<vmem>> -> memref<128xi32, #tpu.memory_space<vmem>>
    %dma_start3A_163 = arith.constant 0 : i32
    %dma_start3A_164 = tpu.memref_slice %arg9[%dma_start3A_163] : memref<10112xf32, #tpu.memory_space<vmem_shared>> -> memref<10112xf32, #tpu.memory_space<vmem_shared>>
    %dma_start3A_165 = tpu.memref_slice %arg12[%dma_start3A_156] : memref<6x!tpu.dma_semaphore, #tpu.memory_space<semaphore_mem>> -> memref<1x!tpu.dma_semaphore, #tpu.memory_space<semaphore_mem>>
    %dma_start3A_166 = tpu.memref_squeeze %dma_start3A_165 : memref<1x!tpu.dma_semaphore, #tpu.memory_space<semaphore_mem>> -> memref<!tpu.dma_semaphore, #tpu.memory_space<semaphore_mem>>
    tpu.enqueue_indirect_dma source(%dma_start3A_159 : memref<128xf32, #tpu.memory_space<vmem>>) target(%dma_start3A_164 : memref<10112xf32, #tpu.memory_space<vmem_shared>>) offsets(%dma_start3A_162 : memref<128xi32, #tpu.memory_space<vmem>>) semaphore(%dma_start3A_166 : memref<!tpu.dma_semaphore, #tpu.memory_space<semaphore_mem>>) {add = true}
    %dma_start3A_167 = arith.constant 5 : i32
    %dma_start3A_168 = arith.constant 5 : i32
    %dma_start3A_169 = arith.constant 5 : i32
    %dma_start3A_170 = arith.constant 0 : i32
    %dma_start3A_171 = tpu.memref_slice %arg8[%dma_start3A_168, %dma_start3A_170] : memref<6x128xf32, #tpu.memory_space<vmem>> -> memref<1x128xf32, #tpu.memory_space<vmem>>
    %dma_start3A_172 = tpu.memref_squeeze %dma_start3A_171 : memref<1x128xf32, #tpu.memory_space<vmem>> -> memref<128xf32, #tpu.memory_space<vmem>>
    %dma_start3A_173 = arith.constant 0 : i32
    %dma_start3A_174 = tpu.memref_slice %arg6[%dma_start3A_167, %dma_start3A_173] : memref<79x128xi32, #tpu.memory_space<vmem>> -> memref<1x128xi32, #tpu.memory_space<vmem>>
    %dma_start3A_175 = tpu.memref_squeeze %dma_start3A_174 : memref<1x128xi32, #tpu.memory_space<vmem>> -> memref<128xi32, #tpu.memory_space<vmem>>
    %dma_start3A_176 = arith.constant 0 : i32
    %dma_start3A_177 = tpu.memref_slice %arg10[%dma_start3A_176] : memref<10112xf32, #tpu.memory_space<vmem_shared>> -> memref<10112xf32, #tpu.memory_space<vmem_shared>>
    %dma_start3A_178 = tpu.memref_slice %arg11[%dma_start3A_169] : memref<6x!tpu.dma_semaphore, #tpu.memory_space<semaphore_mem>> -> memref<1x!tpu.dma_semaphore, #tpu.memory_space<semaphore_mem>>
    %dma_start3A_179 = tpu.memref_squeeze %dma_start3A_178 : memref<1x!tpu.dma_semaphore, #tpu.memory_space<semaphore_mem>> -> memref<!tpu.dma_semaphore, #tpu.memory_space<semaphore_mem>>
    tpu.enqueue_indirect_dma source(%dma_start3A_177 : memref<10112xf32, #tpu.memory_space<vmem_shared>>) target(%dma_start3A_172 : memref<128xf32, #tpu.memory_space<vmem>>) offsets(%dma_start3A_175 : memref<128xi32, #tpu.memory_space<vmem>>) semaphore(%dma_start3A_179 : memref<!tpu.dma_semaphore, #tpu.memory_space<semaphore_mem>>)
    %dma_wait3A_180 = arith.constant 3 : i32
    %dma_wait3A_181 = arith.constant 3 : i32
    %dma_wait3A_182 = arith.constant 3 : i32
    %dma_wait3A_183 = arith.constant 0 : i32
    %dma_wait3A_184 = tpu.memref_slice %arg8[%dma_wait3A_181, %dma_wait3A_183] : memref<6x128xf32, #tpu.memory_space<vmem>> -> memref<1x128xf32, #tpu.memory_space<vmem>>
    %dma_wait3A_185 = tpu.memref_squeeze %dma_wait3A_184 : memref<1x128xf32, #tpu.memory_space<vmem>> -> memref<128xf32, #tpu.memory_space<vmem>>
    %dma_wait3A_186 = arith.constant 0 : i32
    %dma_wait3A_187 = tpu.memref_slice %arg6[%dma_wait3A_180, %dma_wait3A_186] : memref<79x128xi32, #tpu.memory_space<vmem>> -> memref<1x128xi32, #tpu.memory_space<vmem>>
    %dma_wait3A_188 = tpu.memref_squeeze %dma_wait3A_187 : memref<1x128xi32, #tpu.memory_space<vmem>> -> memref<128xi32, #tpu.memory_space<vmem>>
    %dma_wait3A_189 = arith.constant 0 : i32
    %dma_wait3A_190 = tpu.memref_slice %arg10[%dma_wait3A_189] : memref<10112xf32, #tpu.memory_space<vmem_shared>> -> memref<10112xf32, #tpu.memory_space<vmem_shared>>
    %dma_wait3A_191 = tpu.memref_slice %arg11[%dma_wait3A_182] : memref<6x!tpu.dma_semaphore, #tpu.memory_space<semaphore_mem>> -> memref<1x!tpu.dma_semaphore, #tpu.memory_space<semaphore_mem>>
    %dma_wait3A_192 = tpu.memref_squeeze %dma_wait3A_191 : memref<1x!tpu.dma_semaphore, #tpu.memory_space<semaphore_mem>> -> memref<!tpu.dma_semaphore, #tpu.memory_space<semaphore_mem>>
    tpu.wait_indirect_dma semaphore(%dma_wait3A_192 : memref<!tpu.dma_semaphore, #tpu.memory_space<semaphore_mem>>) src(%dma_wait3A_190 : memref<10112xf32, #tpu.memory_space<vmem_shared>>) dst(%dma_wait3A_185 : memref<128xf32, #tpu.memory_space<vmem>>)
    %dma_start3A_193 = arith.constant 3 : i32
    %dma_start3A_194 = arith.constant 3 : i32
    %dma_start3A_195 = arith.constant 3 : i32
    %dma_start3A_196 = arith.constant 0 : i32
    %dma_start3A_197 = tpu.memref_slice %arg8[%dma_start3A_193, %dma_start3A_196] : memref<6x128xf32, #tpu.memory_space<vmem>> -> memref<1x128xf32, #tpu.memory_space<vmem>>
    %dma_start3A_198 = tpu.memref_squeeze %dma_start3A_197 : memref<1x128xf32, #tpu.memory_space<vmem>> -> memref<128xf32, #tpu.memory_space<vmem>>
    %dma_start3A_199 = arith.constant 0 : i32
    %dma_start3A_200 = tpu.memref_slice %arg7[%dma_start3A_194, %dma_start3A_199] : memref<79x128xi32, #tpu.memory_space<vmem>> -> memref<1x128xi32, #tpu.memory_space<vmem>>
    %dma_start3A_201 = tpu.memref_squeeze %dma_start3A_200 : memref<1x128xi32, #tpu.memory_space<vmem>> -> memref<128xi32, #tpu.memory_space<vmem>>
    %dma_start3A_202 = arith.constant 0 : i32
    %dma_start3A_203 = tpu.memref_slice %arg9[%dma_start3A_202] : memref<10112xf32, #tpu.memory_space<vmem_shared>> -> memref<10112xf32, #tpu.memory_space<vmem_shared>>
    %dma_start3A_204 = tpu.memref_slice %arg12[%dma_start3A_195] : memref<6x!tpu.dma_semaphore, #tpu.memory_space<semaphore_mem>> -> memref<1x!tpu.dma_semaphore, #tpu.memory_space<semaphore_mem>>
    %dma_start3A_205 = tpu.memref_squeeze %dma_start3A_204 : memref<1x!tpu.dma_semaphore, #tpu.memory_space<semaphore_mem>> -> memref<!tpu.dma_semaphore, #tpu.memory_space<semaphore_mem>>
    tpu.enqueue_indirect_dma source(%dma_start3A_198 : memref<128xf32, #tpu.memory_space<vmem>>) target(%dma_start3A_203 : memref<10112xf32, #tpu.memory_space<vmem_shared>>) offsets(%dma_start3A_201 : memref<128xi32, #tpu.memory_space<vmem>>) semaphore(%dma_start3A_205 : memref<!tpu.dma_semaphore, #tpu.memory_space<semaphore_mem>>) {add = true}
    %dma_wait3A_206 = arith.constant 0 : i32
    %dma_wait3A_207 = arith.constant 0 : i32
    %dma_wait3A_208 = arith.constant 0 : i32
    %dma_wait3A_209 = arith.constant 0 : i32
    %dma_wait3A_210 = tpu.memref_slice %arg8[%dma_wait3A_206, %dma_wait3A_209] : memref<6x128xf32, #tpu.memory_space<vmem>> -> memref<1x128xf32, #tpu.memory_space<vmem>>
    %dma_wait3A_211 = tpu.memref_squeeze %dma_wait3A_210 : memref<1x128xf32, #tpu.memory_space<vmem>> -> memref<128xf32, #tpu.memory_space<vmem>>
    %dma_wait3A_212 = arith.constant 0 : i32
    %dma_wait3A_213 = tpu.memref_slice %arg7[%dma_wait3A_207, %dma_wait3A_212] : memref<79x128xi32, #tpu.memory_space<vmem>> -> memref<1x128xi32, #tpu.memory_space<vmem>>
    %dma_wait3A_214 = tpu.memref_squeeze %dma_wait3A_213 : memref<1x128xi32, #tpu.memory_space<vmem>> -> memref<128xi32, #tpu.memory_space<vmem>>
    %dma_wait3A_215 = arith.constant 0 : i32
    %dma_wait3A_216 = tpu.memref_slice %arg9[%dma_wait3A_215] : memref<10112xf32, #tpu.memory_space<vmem_shared>> -> memref<10112xf32, #tpu.memory_space<vmem_shared>>
    %dma_wait3A_217 = tpu.memref_slice %arg12[%dma_wait3A_208] : memref<6x!tpu.dma_semaphore, #tpu.memory_space<semaphore_mem>> -> memref<1x!tpu.dma_semaphore, #tpu.memory_space<semaphore_mem>>
    %dma_wait3A_218 = tpu.memref_squeeze %dma_wait3A_217 : memref<1x!tpu.dma_semaphore, #tpu.memory_space<semaphore_mem>> -> memref<!tpu.dma_semaphore, #tpu.memory_space<semaphore_mem>>
    tpu.wait_indirect_dma semaphore(%dma_wait3A_218 : memref<!tpu.dma_semaphore, #tpu.memory_space<semaphore_mem>>) src(%dma_wait3A_211 : memref<128xf32, #tpu.memory_space<vmem>>) dst(%dma_wait3A_216 : memref<10112xf32, #tpu.memory_space<vmem_shared>>)
    %dma_start3A_219 = arith.constant 6 : i32
    %dma_start3A_220 = arith.constant 0 : i32
    %dma_start3A_221 = arith.constant 0 : i32
    %dma_start3A_222 = arith.constant 0 : i32
    %dma_start3A_223 = tpu.memref_slice %arg8[%dma_start3A_220, %dma_start3A_222] : memref<6x128xf32, #tpu.memory_space<vmem>> -> memref<1x128xf32, #tpu.memory_space<vmem>>
    %dma_start3A_224 = tpu.memref_squeeze %dma_start3A_223 : memref<1x128xf32, #tpu.memory_space<vmem>> -> memref<128xf32, #tpu.memory_space<vmem>>
    %dma_start3A_225 = arith.constant 0 : i32
    %dma_start3A_226 = tpu.memref_slice %arg6[%dma_start3A_219, %dma_start3A_225] : memref<79x128xi32, #tpu.memory_space<vmem>> -> memref<1x128xi32, #tpu.memory_space<vmem>>
    %dma_start3A_227 = tpu.memref_squeeze %dma_start3A_226 : memref<1x128xi32, #tpu.memory_space<vmem>> -> memref<128xi32, #tpu.memory_space<vmem>>
    %dma_start3A_228 = arith.constant 0 : i32
    %dma_start3A_229 = tpu.memref_slice %arg10[%dma_start3A_228] : memref<10112xf32, #tpu.memory_space<vmem_shared>> -> memref<10112xf32, #tpu.memory_space<vmem_shared>>
    %dma_start3A_230 = tpu.memref_slice %arg11[%dma_start3A_221] : memref<6x!tpu.dma_semaphore, #tpu.memory_space<semaphore_mem>> -> memref<1x!tpu.dma_semaphore, #tpu.memory_space<semaphore_mem>>
    %dma_start3A_231 = tpu.memref_squeeze %dma_start3A_230 : memref<1x!tpu.dma_semaphore, #tpu.memory_space<semaphore_mem>> -> memref<!tpu.dma_semaphore, #tpu.memory_space<semaphore_mem>>
    tpu.enqueue_indirect_dma source(%dma_start3A_229 : memref<10112xf32, #tpu.memory_space<vmem_shared>>) target(%dma_start3A_224 : memref<128xf32, #tpu.memory_space<vmem>>) offsets(%dma_start3A_227 : memref<128xi32, #tpu.memory_space<vmem>>) semaphore(%dma_start3A_231 : memref<!tpu.dma_semaphore, #tpu.memory_space<semaphore_mem>>)
    %dma_wait3A_232 = arith.constant 4 : i32
    %dma_wait3A_233 = arith.constant 4 : i32
    %dma_wait3A_234 = arith.constant 4 : i32
    %dma_wait3A_235 = arith.constant 0 : i32
    %dma_wait3A_236 = tpu.memref_slice %arg8[%dma_wait3A_233, %dma_wait3A_235] : memref<6x128xf32, #tpu.memory_space<vmem>> -> memref<1x128xf32, #tpu.memory_space<vmem>>
    %dma_wait3A_237 = tpu.memref_squeeze %dma_wait3A_236 : memref<1x128xf32, #tpu.memory_space<vmem>> -> memref<128xf32, #tpu.memory_space<vmem>>
    %dma_wait3A_238 = arith.constant 0 : i32
    %dma_wait3A_239 = tpu.memref_slice %arg6[%dma_wait3A_232, %dma_wait3A_238] : memref<79x128xi32, #tpu.memory_space<vmem>> -> memref<1x128xi32, #tpu.memory_space<vmem>>
    %dma_wait3A_240 = tpu.memref_squeeze %dma_wait3A_239 : memref<1x128xi32, #tpu.memory_space<vmem>> -> memref<128xi32, #tpu.memory_space<vmem>>
    %dma_wait3A_241 = arith.constant 0 : i32
    %dma_wait3A_242 = tpu.memref_slice %arg10[%dma_wait3A_241] : memref<10112xf32, #tpu.memory_space<vmem_shared>> -> memref<10112xf32, #tpu.memory_space<vmem_shared>>
    %dma_wait3A_243 = tpu.memref_slice %arg11[%dma_wait3A_234] : memref<6x!tpu.dma_semaphore, #tpu.memory_space<semaphore_mem>> -> memref<1x!tpu.dma_semaphore, #tpu.memory_space<semaphore_mem>>
    %dma_wait3A_244 = tpu.memref_squeeze %dma_wait3A_243 : memref<1x!tpu.dma_semaphore, #tpu.memory_space<semaphore_mem>> -> memref<!tpu.dma_semaphore, #tpu.memory_space<semaphore_mem>>
    tpu.wait_indirect_dma semaphore(%dma_wait3A_244 : memref<!tpu.dma_semaphore, #tpu.memory_space<semaphore_mem>>) src(%dma_wait3A_242 : memref<10112xf32, #tpu.memory_space<vmem_shared>>) dst(%dma_wait3A_237 : memref<128xf32, #tpu.memory_space<vmem>>)
    %dma_start3A_245 = arith.constant 4 : i32
    %dma_start3A_246 = arith.constant 4 : i32
    %dma_start3A_247 = arith.constant 4 : i32
    %dma_start3A_248 = arith.constant 0 : i32
    %dma_start3A_249 = tpu.memref_slice %arg8[%dma_start3A_245, %dma_start3A_248] : memref<6x128xf32, #tpu.memory_space<vmem>> -> memref<1x128xf32, #tpu.memory_space<vmem>>
    %dma_start3A_250 = tpu.memref_squeeze %dma_start3A_249 : memref<1x128xf32, #tpu.memory_space<vmem>> -> memref<128xf32, #tpu.memory_space<vmem>>
    %dma_start3A_251 = arith.constant 0 : i32
    %dma_start3A_252 = tpu.memref_slice %arg7[%dma_start3A_246, %dma_start3A_251] : memref<79x128xi32, #tpu.memory_space<vmem>> -> memref<1x128xi32, #tpu.memory_space<vmem>>
    %dma_start3A_253 = tpu.memref_squeeze %dma_start3A_252 : memref<1x128xi32, #tpu.memory_space<vmem>> -> memref<128xi32, #tpu.memory_space<vmem>>
    %dma_start3A_254 = arith.constant 0 : i32
    %dma_start3A_255 = tpu.memref_slice %arg9[%dma_start3A_254] : memref<10112xf32, #tpu.memory_space<vmem_shared>> -> memref<10112xf32, #tpu.memory_space<vmem_shared>>
    %dma_start3A_256 = tpu.memref_slice %arg12[%dma_start3A_247] : memref<6x!tpu.dma_semaphore, #tpu.memory_space<semaphore_mem>> -> memref<1x!tpu.dma_semaphore, #tpu.memory_space<semaphore_mem>>
    %dma_start3A_257 = tpu.memref_squeeze %dma_start3A_256 : memref<1x!tpu.dma_semaphore, #tpu.memory_space<semaphore_mem>> -> memref<!tpu.dma_semaphore, #tpu.memory_space<semaphore_mem>>
    tpu.enqueue_indirect_dma source(%dma_start3A_250 : memref<128xf32, #tpu.memory_space<vmem>>) target(%dma_start3A_255 : memref<10112xf32, #tpu.memory_space<vmem_shared>>) offsets(%dma_start3A_253 : memref<128xi32, #tpu.memory_space<vmem>>) semaphore(%dma_start3A_257 : memref<!tpu.dma_semaphore, #tpu.memory_space<semaphore_mem>>) {add = true}
    %dma_wait3A_258 = arith.constant 1 : i32
    %dma_wait3A_259 = arith.constant 1 : i32
    %dma_wait3A_260 = arith.constant 1 : i32
    %dma_wait3A_261 = arith.constant 0 : i32
    %dma_wait3A_262 = tpu.memref_slice %arg8[%dma_wait3A_258, %dma_wait3A_261] : memref<6x128xf32, #tpu.memory_space<vmem>> -> memref<1x128xf32, #tpu.memory_space<vmem>>
    %dma_wait3A_263 = tpu.memref_squeeze %dma_wait3A_262 : memref<1x128xf32, #tpu.memory_space<vmem>> -> memref<128xf32, #tpu.memory_space<vmem>>
    %dma_wait3A_264 = arith.constant 0 : i32
    %dma_wait3A_265 = tpu.memref_slice %arg7[%dma_wait3A_259, %dma_wait3A_264] : memref<79x128xi32, #tpu.memory_space<vmem>> -> memref<1x128xi32, #tpu.memory_space<vmem>>
    %dma_wait3A_266 = tpu.memref_squeeze %dma_wait3A_265 : memref<1x128xi32, #tpu.memory_space<vmem>> -> memref<128xi32, #tpu.memory_space<vmem>>
    %dma_wait3A_267 = arith.constant 0 : i32
    %dma_wait3A_268 = tpu.memref_slice %arg9[%dma_wait3A_267] : memref<10112xf32, #tpu.memory_space<vmem_shared>> -> memref<10112xf32, #tpu.memory_space<vmem_shared>>
    %dma_wait3A_269 = tpu.memref_slice %arg12[%dma_wait3A_260] : memref<6x!tpu.dma_semaphore, #tpu.memory_space<semaphore_mem>> -> memref<1x!tpu.dma_semaphore, #tpu.memory_space<semaphore_mem>>
    %dma_wait3A_270 = tpu.memref_squeeze %dma_wait3A_269 : memref<1x!tpu.dma_semaphore, #tpu.memory_space<semaphore_mem>> -> memref<!tpu.dma_semaphore, #tpu.memory_space<semaphore_mem>>
    tpu.wait_indirect_dma semaphore(%dma_wait3A_270 : memref<!tpu.dma_semaphore, #tpu.memory_space<semaphore_mem>>) src(%dma_wait3A_263 : memref<128xf32, #tpu.memory_space<vmem>>) dst(%dma_wait3A_268 : memref<10112xf32, #tpu.memory_space<vmem_shared>>)
    %dma_start3A_271 = arith.constant 7 : i32
    %dma_start3A_272 = arith.constant 1 : i32
    %dma_start3A_273 = arith.constant 1 : i32
    %dma_start3A_274 = arith.constant 0 : i32
    %dma_start3A_275 = tpu.memref_slice %arg8[%dma_start3A_272, %dma_start3A_274] : memref<6x128xf32, #tpu.memory_space<vmem>> -> memref<1x128xf32, #tpu.memory_space<vmem>>
    %dma_start3A_276 = tpu.memref_squeeze %dma_start3A_275 : memref<1x128xf32, #tpu.memory_space<vmem>> -> memref<128xf32, #tpu.memory_space<vmem>>
    %dma_start3A_277 = arith.constant 0 : i32
    %dma_start3A_278 = tpu.memref_slice %arg6[%dma_start3A_271, %dma_start3A_277] : memref<79x128xi32, #tpu.memory_space<vmem>> -> memref<1x128xi32, #tpu.memory_space<vmem>>
    %dma_start3A_279 = tpu.memref_squeeze %dma_start3A_278 : memref<1x128xi32, #tpu.memory_space<vmem>> -> memref<128xi32, #tpu.memory_space<vmem>>
    %dma_start3A_280 = arith.constant 0 : i32
    %dma_start3A_281 = tpu.memref_slice %arg10[%dma_start3A_280] : memref<10112xf32, #tpu.memory_space<vmem_shared>> -> memref<10112xf32, #tpu.memory_space<vmem_shared>>
    %dma_start3A_282 = tpu.memref_slice %arg11[%dma_start3A_273] : memref<6x!tpu.dma_semaphore, #tpu.memory_space<semaphore_mem>> -> memref<1x!tpu.dma_semaphore, #tpu.memory_space<semaphore_mem>>
    %dma_start3A_283 = tpu.memref_squeeze %dma_start3A_282 : memref<1x!tpu.dma_semaphore, #tpu.memory_space<semaphore_mem>> -> memref<!tpu.dma_semaphore, #tpu.memory_space<semaphore_mem>>
    tpu.enqueue_indirect_dma source(%dma_start3A_281 : memref<10112xf32, #tpu.memory_space<vmem_shared>>) target(%dma_start3A_276 : memref<128xf32, #tpu.memory_space<vmem>>) offsets(%dma_start3A_279 : memref<128xi32, #tpu.memory_space<vmem>>) semaphore(%dma_start3A_283 : memref<!tpu.dma_semaphore, #tpu.memory_space<semaphore_mem>>)
    %dma_wait3A_284 = arith.constant 5 : i32
    %dma_wait3A_285 = arith.constant 5 : i32
    %dma_wait3A_286 = arith.constant 5 : i32
    %dma_wait3A_287 = arith.constant 0 : i32
    %dma_wait3A_288 = tpu.memref_slice %arg8[%dma_wait3A_285, %dma_wait3A_287] : memref<6x128xf32, #tpu.memory_space<vmem>> -> memref<1x128xf32, #tpu.memory_space<vmem>>
    %dma_wait3A_289 = tpu.memref_squeeze %dma_wait3A_288 : memref<1x128xf32, #tpu.memory_space<vmem>> -> memref<128xf32, #tpu.memory_space<vmem>>
    %dma_wait3A_290 = arith.constant 0 : i32
    %dma_wait3A_291 = tpu.memref_slice %arg6[%dma_wait3A_284, %dma_wait3A_290] : memref<79x128xi32, #tpu.memory_space<vmem>> -> memref<1x128xi32, #tpu.memory_space<vmem>>
    %dma_wait3A_292 = tpu.memref_squeeze %dma_wait3A_291 : memref<1x128xi32, #tpu.memory_space<vmem>> -> memref<128xi32, #tpu.memory_space<vmem>>
    %dma_wait3A_293 = arith.constant 0 : i32
    %dma_wait3A_294 = tpu.memref_slice %arg10[%dma_wait3A_293] : memref<10112xf32, #tpu.memory_space<vmem_shared>> -> memref<10112xf32, #tpu.memory_space<vmem_shared>>
    %dma_wait3A_295 = tpu.memref_slice %arg11[%dma_wait3A_286] : memref<6x!tpu.dma_semaphore, #tpu.memory_space<semaphore_mem>> -> memref<1x!tpu.dma_semaphore, #tpu.memory_space<semaphore_mem>>
    %dma_wait3A_296 = tpu.memref_squeeze %dma_wait3A_295 : memref<1x!tpu.dma_semaphore, #tpu.memory_space<semaphore_mem>> -> memref<!tpu.dma_semaphore, #tpu.memory_space<semaphore_mem>>
    tpu.wait_indirect_dma semaphore(%dma_wait3A_296 : memref<!tpu.dma_semaphore, #tpu.memory_space<semaphore_mem>>) src(%dma_wait3A_294 : memref<10112xf32, #tpu.memory_space<vmem_shared>>) dst(%dma_wait3A_289 : memref<128xf32, #tpu.memory_space<vmem>>)
    %dma_start3A_297 = arith.constant 5 : i32
    %dma_start3A_298 = arith.constant 5 : i32
    %dma_start3A_299 = arith.constant 5 : i32
    %dma_start3A_300 = arith.constant 0 : i32
    %dma_start3A_301 = tpu.memref_slice %arg8[%dma_start3A_297, %dma_start3A_300] : memref<6x128xf32, #tpu.memory_space<vmem>> -> memref<1x128xf32, #tpu.memory_space<vmem>>
    %dma_start3A_302 = tpu.memref_squeeze %dma_start3A_301 : memref<1x128xf32, #tpu.memory_space<vmem>> -> memref<128xf32, #tpu.memory_space<vmem>>
    %dma_start3A_303 = arith.constant 0 : i32
    %dma_start3A_304 = tpu.memref_slice %arg7[%dma_start3A_298, %dma_start3A_303] : memref<79x128xi32, #tpu.memory_space<vmem>> -> memref<1x128xi32, #tpu.memory_space<vmem>>
    %dma_start3A_305 = tpu.memref_squeeze %dma_start3A_304 : memref<1x128xi32, #tpu.memory_space<vmem>> -> memref<128xi32, #tpu.memory_space<vmem>>
    %dma_start3A_306 = arith.constant 0 : i32
    %dma_start3A_307 = tpu.memref_slice %arg9[%dma_start3A_306] : memref<10112xf32, #tpu.memory_space<vmem_shared>> -> memref<10112xf32, #tpu.memory_space<vmem_shared>>
    %dma_start3A_308 = tpu.memref_slice %arg12[%dma_start3A_299] : memref<6x!tpu.dma_semaphore, #tpu.memory_space<semaphore_mem>> -> memref<1x!tpu.dma_semaphore, #tpu.memory_space<semaphore_mem>>
    %dma_start3A_309 = tpu.memref_squeeze %dma_start3A_308 : memref<1x!tpu.dma_semaphore, #tpu.memory_space<semaphore_mem>> -> memref<!tpu.dma_semaphore, #tpu.memory_space<semaphore_mem>>
    tpu.enqueue_indirect_dma source(%dma_start3A_302 : memref<128xf32, #tpu.memory_space<vmem>>) target(%dma_start3A_307 : memref<10112xf32, #tpu.memory_space<vmem_shared>>) offsets(%dma_start3A_305 : memref<128xi32, #tpu.memory_space<vmem>>) semaphore(%dma_start3A_309 : memref<!tpu.dma_semaphore, #tpu.memory_space<semaphore_mem>>) {add = true}
    %dma_wait3A_310 = arith.constant 2 : i32
    %dma_wait3A_311 = arith.constant 2 : i32
    %dma_wait3A_312 = arith.constant 2 : i32
    %dma_wait3A_313 = arith.constant 0 : i32
    %dma_wait3A_314 = tpu.memref_slice %arg8[%dma_wait3A_310, %dma_wait3A_313] : memref<6x128xf32, #tpu.memory_space<vmem>> -> memref<1x128xf32, #tpu.memory_space<vmem>>
    %dma_wait3A_315 = tpu.memref_squeeze %dma_wait3A_314 : memref<1x128xf32, #tpu.memory_space<vmem>> -> memref<128xf32, #tpu.memory_space<vmem>>
    %dma_wait3A_316 = arith.constant 0 : i32
    %dma_wait3A_317 = tpu.memref_slice %arg7[%dma_wait3A_311, %dma_wait3A_316] : memref<79x128xi32, #tpu.memory_space<vmem>> -> memref<1x128xi32, #tpu.memory_space<vmem>>
    %dma_wait3A_318 = tpu.memref_squeeze %dma_wait3A_317 : memref<1x128xi32, #tpu.memory_space<vmem>> -> memref<128xi32, #tpu.memory_space<vmem>>
    %dma_wait3A_319 = arith.constant 0 : i32
    %dma_wait3A_320 = tpu.memref_slice %arg9[%dma_wait3A_319] : memref<10112xf32, #tpu.memory_space<vmem_shared>> -> memref<10112xf32, #tpu.memory_space<vmem_shared>>
    %dma_wait3A_321 = tpu.memref_slice %arg12[%dma_wait3A_312] : memref<6x!tpu.dma_semaphore, #tpu.memory_space<semaphore_mem>> -> memref<1x!tpu.dma_semaphore, #tpu.memory_space<semaphore_mem>>
    %dma_wait3A_322 = tpu.memref_squeeze %dma_wait3A_321 : memref<1x!tpu.dma_semaphore, #tpu.memory_space<semaphore_mem>> -> memref<!tpu.dma_semaphore, #tpu.memory_space<semaphore_mem>>
    tpu.wait_indirect_dma semaphore(%dma_wait3A_322 : memref<!tpu.dma_semaphore, #tpu.memory_space<semaphore_mem>>) src(%dma_wait3A_315 : memref<128xf32, #tpu.memory_space<vmem>>) dst(%dma_wait3A_320 : memref<10112xf32, #tpu.memory_space<vmem_shared>>)
    %dma_start3A_323 = arith.constant 8 : i32
    %dma_start3A_324 = arith.constant 2 : i32
    %dma_start3A_325 = arith.constant 2 : i32
    %dma_start3A_326 = arith.constant 0 : i32
    %dma_start3A_327 = tpu.memref_slice %arg8[%dma_start3A_324, %dma_start3A_326] : memref<6x128xf32, #tpu.memory_space<vmem>> -> memref<1x128xf32, #tpu.memory_space<vmem>>
    %dma_start3A_328 = tpu.memref_squeeze %dma_start3A_327 : memref<1x128xf32, #tpu.memory_space<vmem>> -> memref<128xf32, #tpu.memory_space<vmem>>
    %dma_start3A_329 = arith.constant 0 : i32
    %dma_start3A_330 = tpu.memref_slice %arg6[%dma_start3A_323, %dma_start3A_329] : memref<79x128xi32, #tpu.memory_space<vmem>> -> memref<1x128xi32, #tpu.memory_space<vmem>>
    %dma_start3A_331 = tpu.memref_squeeze %dma_start3A_330 : memref<1x128xi32, #tpu.memory_space<vmem>> -> memref<128xi32, #tpu.memory_space<vmem>>
    %dma_start3A_332 = arith.constant 0 : i32
    %dma_start3A_333 = tpu.memref_slice %arg10[%dma_start3A_332] : memref<10112xf32, #tpu.memory_space<vmem_shared>> -> memref<10112xf32, #tpu.memory_space<vmem_shared>>
    %dma_start3A_334 = tpu.memref_slice %arg11[%dma_start3A_325] : memref<6x!tpu.dma_semaphore, #tpu.memory_space<semaphore_mem>> -> memref<1x!tpu.dma_semaphore, #tpu.memory_space<semaphore_mem>>
    %dma_start3A_335 = tpu.memref_squeeze %dma_start3A_334 : memref<1x!tpu.dma_semaphore, #tpu.memory_space<semaphore_mem>> -> memref<!tpu.dma_semaphore, #tpu.memory_space<semaphore_mem>>
    tpu.enqueue_indirect_dma source(%dma_start3A_333 : memref<10112xf32, #tpu.memory_space<vmem_shared>>) target(%dma_start3A_328 : memref<128xf32, #tpu.memory_space<vmem>>) offsets(%dma_start3A_331 : memref<128xi32, #tpu.memory_space<vmem>>) semaphore(%dma_start3A_335 : memref<!tpu.dma_semaphore, #tpu.memory_space<semaphore_mem>>)
    %scan3A = arith.constant 0 : i32
    %scan3A_336 = arith.constant 1 : i32
    %scan3A_337 = arith.constant 11 : i32
    %scan3A_338 = arith.addi %scan3A_336, %scan3A_337 : i32
    %scan3A_339 = arith.constant 1 : i32
    scf.for %scan3A_666 = %scan3A_336 to %scan3A_338 step %scan3A_339  : i32 {
      %mul3A_667 = arith.constant 6 : i32
      %mul3A_668 = arith.muli %scan3A_666, %mul3A_667 : i32
      %add3A_669 = arith.constant 0 : i32
      %add3A_670 = arith.addi %mul3A_668, %add3A_669 : i32
      %dma_wait3A_671 = arith.constant 0 : i32
      %dma_wait3A_672 = arith.constant 0 : i32
      %dma_wait3A_673 = arith.constant 0 : i32
      %dma_wait3A_674 = tpu.memref_slice %arg8[%dma_wait3A_671, %dma_wait3A_673] : memref<6x128xf32, #tpu.memory_space<vmem>> -> memref<1x128xf32, #tpu.memory_space<vmem>>
      %dma_wait3A_675 = tpu.memref_squeeze %dma_wait3A_674 : memref<1x128xf32, #tpu.memory_space<vmem>> -> memref<128xf32, #tpu.memory_space<vmem>>
      %dma_wait3A_676 = arith.constant 0 : i32
      %dma_wait3A_677 = tpu.memref_slice %arg6[%add3A_670, %dma_wait3A_676] : memref<79x128xi32, #tpu.memory_space<vmem>> -> memref<1x128xi32, #tpu.memory_space<vmem>>
      %dma_wait3A_678 = tpu.memref_squeeze %dma_wait3A_677 : memref<1x128xi32, #tpu.memory_space<vmem>> -> memref<128xi32, #tpu.memory_space<vmem>>
      %dma_wait3A_679 = arith.constant 0 : i32
      %dma_wait3A_680 = tpu.memref_slice %arg10[%dma_wait3A_679] : memref<10112xf32, #tpu.memory_space<vmem_shared>> -> memref<10112xf32, #tpu.memory_space<vmem_shared>>
      %dma_wait3A_681 = tpu.memref_slice %arg11[%dma_wait3A_672] : memref<6x!tpu.dma_semaphore, #tpu.memory_space<semaphore_mem>> -> memref<1x!tpu.dma_semaphore, #tpu.memory_space<semaphore_mem>>
      %dma_wait3A_682 = tpu.memref_squeeze %dma_wait3A_681 : memref<1x!tpu.dma_semaphore, #tpu.memory_space<semaphore_mem>> -> memref<!tpu.dma_semaphore, #tpu.memory_space<semaphore_mem>>
      tpu.wait_indirect_dma semaphore(%dma_wait3A_682 : memref<!tpu.dma_semaphore, #tpu.memory_space<semaphore_mem>>) src(%dma_wait3A_680 : memref<10112xf32, #tpu.memory_space<vmem_shared>>) dst(%dma_wait3A_675 : memref<128xf32, #tpu.memory_space<vmem>>)
      %dma_start3A_683 = arith.constant 0 : i32
      %dma_start3A_684 = arith.constant 0 : i32
      %dma_start3A_685 = arith.constant 0 : i32
      %dma_start3A_686 = tpu.memref_slice %arg8[%dma_start3A_683, %dma_start3A_685] : memref<6x128xf32, #tpu.memory_space<vmem>> -> memref<1x128xf32, #tpu.memory_space<vmem>>
      %dma_start3A_687 = tpu.memref_squeeze %dma_start3A_686 : memref<1x128xf32, #tpu.memory_space<vmem>> -> memref<128xf32, #tpu.memory_space<vmem>>
      %dma_start3A_688 = arith.constant 0 : i32
      %dma_start3A_689 = tpu.memref_slice %arg7[%add3A_670, %dma_start3A_688] : memref<79x128xi32, #tpu.memory_space<vmem>> -> memref<1x128xi32, #tpu.memory_space<vmem>>
      %dma_start3A_690 = tpu.memref_squeeze %dma_start3A_689 : memref<1x128xi32, #tpu.memory_space<vmem>> -> memref<128xi32, #tpu.memory_space<vmem>>
      %dma_start3A_691 = arith.constant 0 : i32
      %dma_start3A_692 = tpu.memref_slice %arg9[%dma_start3A_691] : memref<10112xf32, #tpu.memory_space<vmem_shared>> -> memref<10112xf32, #tpu.memory_space<vmem_shared>>
      %dma_start3A_693 = tpu.memref_slice %arg12[%dma_start3A_684] : memref<6x!tpu.dma_semaphore, #tpu.memory_space<semaphore_mem>> -> memref<1x!tpu.dma_semaphore, #tpu.memory_space<semaphore_mem>>
      %dma_start3A_694 = tpu.memref_squeeze %dma_start3A_693 : memref<1x!tpu.dma_semaphore, #tpu.memory_space<semaphore_mem>> -> memref<!tpu.dma_semaphore, #tpu.memory_space<semaphore_mem>>
      tpu.enqueue_indirect_dma source(%dma_start3A_687 : memref<128xf32, #tpu.memory_space<vmem>>) target(%dma_start3A_692 : memref<10112xf32, #tpu.memory_space<vmem_shared>>) offsets(%dma_start3A_690 : memref<128xi32, #tpu.memory_space<vmem>>) semaphore(%dma_start3A_694 : memref<!tpu.dma_semaphore, #tpu.memory_space<semaphore_mem>>) {add = true}
      %add3A_695 = arith.constant 3 : i32
      %add3A_696 = arith.addi %add3A_670, %add3A_695 : i32
      %sub3A = arith.constant 6 : i32
      %sub3A_697 = arith.subi %add3A_696, %sub3A : i32
      %dma_wait3A_698 = arith.constant 3 : i32
      %dma_wait3A_699 = arith.constant 3 : i32
      %dma_wait3A_700 = arith.constant 0 : i32
      %dma_wait3A_701 = tpu.memref_slice %arg8[%dma_wait3A_698, %dma_wait3A_700] : memref<6x128xf32, #tpu.memory_space<vmem>> -> memref<1x128xf32, #tpu.memory_space<vmem>>
      %dma_wait3A_702 = tpu.memref_squeeze %dma_wait3A_701 : memref<1x128xf32, #tpu.memory_space<vmem>> -> memref<128xf32, #tpu.memory_space<vmem>>
      %dma_wait3A_703 = arith.constant 0 : i32
      %dma_wait3A_704 = tpu.memref_slice %arg7[%sub3A_697, %dma_wait3A_703] : memref<79x128xi32, #tpu.memory_space<vmem>> -> memref<1x128xi32, #tpu.memory_space<vmem>>
      %dma_wait3A_705 = tpu.memref_squeeze %dma_wait3A_704 : memref<1x128xi32, #tpu.memory_space<vmem>> -> memref<128xi32, #tpu.memory_space<vmem>>
      %dma_wait3A_706 = arith.constant 0 : i32
      %dma_wait3A_707 = tpu.memref_slice %arg9[%dma_wait3A_706] : memref<10112xf32, #tpu.memory_space<vmem_shared>> -> memref<10112xf32, #tpu.memory_space<vmem_shared>>
      %dma_wait3A_708 = tpu.memref_slice %arg12[%dma_wait3A_699] : memref<6x!tpu.dma_semaphore, #tpu.memory_space<semaphore_mem>> -> memref<1x!tpu.dma_semaphore, #tpu.memory_space<semaphore_mem>>
      %dma_wait3A_709 = tpu.memref_squeeze %dma_wait3A_708 : memref<1x!tpu.dma_semaphore, #tpu.memory_space<semaphore_mem>> -> memref<!tpu.dma_semaphore, #tpu.memory_space<semaphore_mem>>
      tpu.wait_indirect_dma semaphore(%dma_wait3A_709 : memref<!tpu.dma_semaphore, #tpu.memory_space<semaphore_mem>>) src(%dma_wait3A_702 : memref<128xf32, #tpu.memory_space<vmem>>) dst(%dma_wait3A_707 : memref<10112xf32, #tpu.memory_space<vmem_shared>>)
      %dma_start3A_710 = arith.constant 3 : i32
      %dma_start3A_711 = arith.constant 3 : i32
      %dma_start3A_712 = arith.constant 0 : i32
      %dma_start3A_713 = tpu.memref_slice %arg8[%dma_start3A_710, %dma_start3A_712] : memref<6x128xf32, #tpu.memory_space<vmem>> -> memref<1x128xf32, #tpu.memory_space<vmem>>
      %dma_start3A_714 = tpu.memref_squeeze %dma_start3A_713 : memref<1x128xf32, #tpu.memory_space<vmem>> -> memref<128xf32, #tpu.memory_space<vmem>>
      %dma_start3A_715 = arith.constant 0 : i32
      %dma_start3A_716 = tpu.memref_slice %arg6[%add3A_696, %dma_start3A_715] : memref<79x128xi32, #tpu.memory_space<vmem>> -> memref<1x128xi32, #tpu.memory_space<vmem>>
      %dma_start3A_717 = tpu.memref_squeeze %dma_start3A_716 : memref<1x128xi32, #tpu.memory_space<vmem>> -> memref<128xi32, #tpu.memory_space<vmem>>
      %dma_start3A_718 = arith.constant 0 : i32
      %dma_start3A_719 = tpu.memref_slice %arg10[%dma_start3A_718] : memref<10112xf32, #tpu.memory_space<vmem_shared>> -> memref<10112xf32, #tpu.memory_space<vmem_shared>>
      %dma_start3A_720 = tpu.memref_slice %arg11[%dma_start3A_711] : memref<6x!tpu.dma_semaphore, #tpu.memory_space<semaphore_mem>> -> memref<1x!tpu.dma_semaphore, #tpu.memory_space<semaphore_mem>>
      %dma_start3A_721 = tpu.memref_squeeze %dma_start3A_720 : memref<1x!tpu.dma_semaphore, #tpu.memory_space<semaphore_mem>> -> memref<!tpu.dma_semaphore, #tpu.memory_space<semaphore_mem>>
      tpu.enqueue_indirect_dma source(%dma_start3A_719 : memref<10112xf32, #tpu.memory_space<vmem_shared>>) target(%dma_start3A_714 : memref<128xf32, #tpu.memory_space<vmem>>) offsets(%dma_start3A_717 : memref<128xi32, #tpu.memory_space<vmem>>) semaphore(%dma_start3A_721 : memref<!tpu.dma_semaphore, #tpu.memory_space<semaphore_mem>>)
      %add3A_722 = arith.constant 1 : i32
      %add3A_723 = arith.addi %mul3A_668, %add3A_722 : i32
      %dma_wait3A_724 = arith.constant 1 : i32
      %dma_wait3A_725 = arith.constant 1 : i32
      %dma_wait3A_726 = arith.constant 0 : i32
      %dma_wait3A_727 = tpu.memref_slice %arg8[%dma_wait3A_724, %dma_wait3A_726] : memref<6x128xf32, #tpu.memory_space<vmem>> -> memref<1x128xf32, #tpu.memory_space<vmem>>
      %dma_wait3A_728 = tpu.memref_squeeze %dma_wait3A_727 : memref<1x128xf32, #tpu.memory_space<vmem>> -> memref<128xf32, #tpu.memory_space<vmem>>
      %dma_wait3A_729 = arith.constant 0 : i32
      %dma_wait3A_730 = tpu.memref_slice %arg6[%add3A_723, %dma_wait3A_729] : memref<79x128xi32, #tpu.memory_space<vmem>> -> memref<1x128xi32, #tpu.memory_space<vmem>>
      %dma_wait3A_731 = tpu.memref_squeeze %dma_wait3A_730 : memref<1x128xi32, #tpu.memory_space<vmem>> -> memref<128xi32, #tpu.memory_space<vmem>>
      %dma_wait3A_732 = arith.constant 0 : i32
      %dma_wait3A_733 = tpu.memref_slice %arg10[%dma_wait3A_732] : memref<10112xf32, #tpu.memory_space<vmem_shared>> -> memref<10112xf32, #tpu.memory_space<vmem_shared>>
      %dma_wait3A_734 = tpu.memref_slice %arg11[%dma_wait3A_725] : memref<6x!tpu.dma_semaphore, #tpu.memory_space<semaphore_mem>> -> memref<1x!tpu.dma_semaphore, #tpu.memory_space<semaphore_mem>>
      %dma_wait3A_735 = tpu.memref_squeeze %dma_wait3A_734 : memref<1x!tpu.dma_semaphore, #tpu.memory_space<semaphore_mem>> -> memref<!tpu.dma_semaphore, #tpu.memory_space<semaphore_mem>>
      tpu.wait_indirect_dma semaphore(%dma_wait3A_735 : memref<!tpu.dma_semaphore, #tpu.memory_space<semaphore_mem>>) src(%dma_wait3A_733 : memref<10112xf32, #tpu.memory_space<vmem_shared>>) dst(%dma_wait3A_728 : memref<128xf32, #tpu.memory_space<vmem>>)
      %dma_start3A_736 = arith.constant 1 : i32
      %dma_start3A_737 = arith.constant 1 : i32
      %dma_start3A_738 = arith.constant 0 : i32
      %dma_start3A_739 = tpu.memref_slice %arg8[%dma_start3A_736, %dma_start3A_738] : memref<6x128xf32, #tpu.memory_space<vmem>> -> memref<1x128xf32, #tpu.memory_space<vmem>>
      %dma_start3A_740 = tpu.memref_squeeze %dma_start3A_739 : memref<1x128xf32, #tpu.memory_space<vmem>> -> memref<128xf32, #tpu.memory_space<vmem>>
      %dma_start3A_741 = arith.constant 0 : i32
      %dma_start3A_742 = tpu.memref_slice %arg7[%add3A_723, %dma_start3A_741] : memref<79x128xi32, #tpu.memory_space<vmem>> -> memref<1x128xi32, #tpu.memory_space<vmem>>
      %dma_start3A_743 = tpu.memref_squeeze %dma_start3A_742 : memref<1x128xi32, #tpu.memory_space<vmem>> -> memref<128xi32, #tpu.memory_space<vmem>>
      %dma_start3A_744 = arith.constant 0 : i32
      %dma_start3A_745 = tpu.memref_slice %arg9[%dma_start3A_744] : memref<10112xf32, #tpu.memory_space<vmem_shared>> -> memref<10112xf32, #tpu.memory_space<vmem_shared>>
      %dma_start3A_746 = tpu.memref_slice %arg12[%dma_start3A_737] : memref<6x!tpu.dma_semaphore, #tpu.memory_space<semaphore_mem>> -> memref<1x!tpu.dma_semaphore, #tpu.memory_space<semaphore_mem>>
      %dma_start3A_747 = tpu.memref_squeeze %dma_start3A_746 : memref<1x!tpu.dma_semaphore, #tpu.memory_space<semaphore_mem>> -> memref<!tpu.dma_semaphore, #tpu.memory_space<semaphore_mem>>
      tpu.enqueue_indirect_dma source(%dma_start3A_740 : memref<128xf32, #tpu.memory_space<vmem>>) target(%dma_start3A_745 : memref<10112xf32, #tpu.memory_space<vmem_shared>>) offsets(%dma_start3A_743 : memref<128xi32, #tpu.memory_space<vmem>>) semaphore(%dma_start3A_747 : memref<!tpu.dma_semaphore, #tpu.memory_space<semaphore_mem>>) {add = true}
      %add3A_748 = arith.constant 3 : i32
      %add3A_749 = arith.addi %add3A_723, %add3A_748 : i32
      %sub3A_750 = arith.constant 6 : i32
      %sub3A_751 = arith.subi %add3A_749, %sub3A_750 : i32
      %dma_wait3A_752 = arith.constant 4 : i32
      %dma_wait3A_753 = arith.constant 4 : i32
      %dma_wait3A_754 = arith.constant 0 : i32
      %dma_wait3A_755 = tpu.memref_slice %arg8[%dma_wait3A_752, %dma_wait3A_754] : memref<6x128xf32, #tpu.memory_space<vmem>> -> memref<1x128xf32, #tpu.memory_space<vmem>>
      %dma_wait3A_756 = tpu.memref_squeeze %dma_wait3A_755 : memref<1x128xf32, #tpu.memory_space<vmem>> -> memref<128xf32, #tpu.memory_space<vmem>>
      %dma_wait3A_757 = arith.constant 0 : i32
      %dma_wait3A_758 = tpu.memref_slice %arg7[%sub3A_751, %dma_wait3A_757] : memref<79x128xi32, #tpu.memory_space<vmem>> -> memref<1x128xi32, #tpu.memory_space<vmem>>
      %dma_wait3A_759 = tpu.memref_squeeze %dma_wait3A_758 : memref<1x128xi32, #tpu.memory_space<vmem>> -> memref<128xi32, #tpu.memory_space<vmem>>
      %dma_wait3A_760 = arith.constant 0 : i32
      %dma_wait3A_761 = tpu.memref_slice %arg9[%dma_wait3A_760] : memref<10112xf32, #tpu.memory_space<vmem_shared>> -> memref<10112xf32, #tpu.memory_space<vmem_shared>>
      %dma_wait3A_762 = tpu.memref_slice %arg12[%dma_wait3A_753] : memref<6x!tpu.dma_semaphore, #tpu.memory_space<semaphore_mem>> -> memref<1x!tpu.dma_semaphore, #tpu.memory_space<semaphore_mem>>
      %dma_wait3A_763 = tpu.memref_squeeze %dma_wait3A_762 : memref<1x!tpu.dma_semaphore, #tpu.memory_space<semaphore_mem>> -> memref<!tpu.dma_semaphore, #tpu.memory_space<semaphore_mem>>
      tpu.wait_indirect_dma semaphore(%dma_wait3A_763 : memref<!tpu.dma_semaphore, #tpu.memory_space<semaphore_mem>>) src(%dma_wait3A_756 : memref<128xf32, #tpu.memory_space<vmem>>) dst(%dma_wait3A_761 : memref<10112xf32, #tpu.memory_space<vmem_shared>>)
      %dma_start3A_764 = arith.constant 4 : i32
      %dma_start3A_765 = arith.constant 4 : i32
      %dma_start3A_766 = arith.constant 0 : i32
      %dma_start3A_767 = tpu.memref_slice %arg8[%dma_start3A_764, %dma_start3A_766] : memref<6x128xf32, #tpu.memory_space<vmem>> -> memref<1x128xf32, #tpu.memory_space<vmem>>
      %dma_start3A_768 = tpu.memref_squeeze %dma_start3A_767 : memref<1x128xf32, #tpu.memory_space<vmem>> -> memref<128xf32, #tpu.memory_space<vmem>>
      %dma_start3A_769 = arith.constant 0 : i32
      %dma_start3A_770 = tpu.memref_slice %arg6[%add3A_749, %dma_start3A_769] : memref<79x128xi32, #tpu.memory_space<vmem>> -> memref<1x128xi32, #tpu.memory_space<vmem>>
      %dma_start3A_771 = tpu.memref_squeeze %dma_start3A_770 : memref<1x128xi32, #tpu.memory_space<vmem>> -> memref<128xi32, #tpu.memory_space<vmem>>
      %dma_start3A_772 = arith.constant 0 : i32
      %dma_start3A_773 = tpu.memref_slice %arg10[%dma_start3A_772] : memref<10112xf32, #tpu.memory_space<vmem_shared>> -> memref<10112xf32, #tpu.memory_space<vmem_shared>>
      %dma_start3A_774 = tpu.memref_slice %arg11[%dma_start3A_765] : memref<6x!tpu.dma_semaphore, #tpu.memory_space<semaphore_mem>> -> memref<1x!tpu.dma_semaphore, #tpu.memory_space<semaphore_mem>>
      %dma_start3A_775 = tpu.memref_squeeze %dma_start3A_774 : memref<1x!tpu.dma_semaphore, #tpu.memory_space<semaphore_mem>> -> memref<!tpu.dma_semaphore, #tpu.memory_space<semaphore_mem>>
      tpu.enqueue_indirect_dma source(%dma_start3A_773 : memref<10112xf32, #tpu.memory_space<vmem_shared>>) target(%dma_start3A_768 : memref<128xf32, #tpu.memory_space<vmem>>) offsets(%dma_start3A_771 : memref<128xi32, #tpu.memory_space<vmem>>) semaphore(%dma_start3A_775 : memref<!tpu.dma_semaphore, #tpu.memory_space<semaphore_mem>>)
      %add3A_776 = arith.constant 2 : i32
      %add3A_777 = arith.addi %mul3A_668, %add3A_776 : i32
      %dma_wait3A_778 = arith.constant 2 : i32
      %dma_wait3A_779 = arith.constant 2 : i32
      %dma_wait3A_780 = arith.constant 0 : i32
      %dma_wait3A_781 = tpu.memref_slice %arg8[%dma_wait3A_778, %dma_wait3A_780] : memref<6x128xf32, #tpu.memory_space<vmem>> -> memref<1x128xf32, #tpu.memory_space<vmem>>
      %dma_wait3A_782 = tpu.memref_squeeze %dma_wait3A_781 : memref<1x128xf32, #tpu.memory_space<vmem>> -> memref<128xf32, #tpu.memory_space<vmem>>
      %dma_wait3A_783 = arith.constant 0 : i32
      %dma_wait3A_784 = tpu.memref_slice %arg6[%add3A_777, %dma_wait3A_783] : memref<79x128xi32, #tpu.memory_space<vmem>> -> memref<1x128xi32, #tpu.memory_space<vmem>>
      %dma_wait3A_785 = tpu.memref_squeeze %dma_wait3A_784 : memref<1x128xi32, #tpu.memory_space<vmem>> -> memref<128xi32, #tpu.memory_space<vmem>>
      %dma_wait3A_786 = arith.constant 0 : i32
      %dma_wait3A_787 = tpu.memref_slice %arg10[%dma_wait3A_786] : memref<10112xf32, #tpu.memory_space<vmem_shared>> -> memref<10112xf32, #tpu.memory_space<vmem_shared>>
      %dma_wait3A_788 = tpu.memref_slice %arg11[%dma_wait3A_779] : memref<6x!tpu.dma_semaphore, #tpu.memory_space<semaphore_mem>> -> memref<1x!tpu.dma_semaphore, #tpu.memory_space<semaphore_mem>>
      %dma_wait3A_789 = tpu.memref_squeeze %dma_wait3A_788 : memref<1x!tpu.dma_semaphore, #tpu.memory_space<semaphore_mem>> -> memref<!tpu.dma_semaphore, #tpu.memory_space<semaphore_mem>>
      tpu.wait_indirect_dma semaphore(%dma_wait3A_789 : memref<!tpu.dma_semaphore, #tpu.memory_space<semaphore_mem>>) src(%dma_wait3A_787 : memref<10112xf32, #tpu.memory_space<vmem_shared>>) dst(%dma_wait3A_782 : memref<128xf32, #tpu.memory_space<vmem>>)
      %dma_start3A_790 = arith.constant 2 : i32
      %dma_start3A_791 = arith.constant 2 : i32
      %dma_start3A_792 = arith.constant 0 : i32
      %dma_start3A_793 = tpu.memref_slice %arg8[%dma_start3A_790, %dma_start3A_792] : memref<6x128xf32, #tpu.memory_space<vmem>> -> memref<1x128xf32, #tpu.memory_space<vmem>>
      %dma_start3A_794 = tpu.memref_squeeze %dma_start3A_793 : memref<1x128xf32, #tpu.memory_space<vmem>> -> memref<128xf32, #tpu.memory_space<vmem>>
      %dma_start3A_795 = arith.constant 0 : i32
      %dma_start3A_796 = tpu.memref_slice %arg7[%add3A_777, %dma_start3A_795] : memref<79x128xi32, #tpu.memory_space<vmem>> -> memref<1x128xi32, #tpu.memory_space<vmem>>
      %dma_start3A_797 = tpu.memref_squeeze %dma_start3A_796 : memref<1x128xi32, #tpu.memory_space<vmem>> -> memref<128xi32, #tpu.memory_space<vmem>>
      %dma_start3A_798 = arith.constant 0 : i32
      %dma_start3A_799 = tpu.memref_slice %arg9[%dma_start3A_798] : memref<10112xf32, #tpu.memory_space<vmem_shared>> -> memref<10112xf32, #tpu.memory_space<vmem_shared>>
      %dma_start3A_800 = tpu.memref_slice %arg12[%dma_start3A_791] : memref<6x!tpu.dma_semaphore, #tpu.memory_space<semaphore_mem>> -> memref<1x!tpu.dma_semaphore, #tpu.memory_space<semaphore_mem>>
      %dma_start3A_801 = tpu.memref_squeeze %dma_start3A_800 : memref<1x!tpu.dma_semaphore, #tpu.memory_space<semaphore_mem>> -> memref<!tpu.dma_semaphore, #tpu.memory_space<semaphore_mem>>
      tpu.enqueue_indirect_dma source(%dma_start3A_794 : memref<128xf32, #tpu.memory_space<vmem>>) target(%dma_start3A_799 : memref<10112xf32, #tpu.memory_space<vmem_shared>>) offsets(%dma_start3A_797 : memref<128xi32, #tpu.memory_space<vmem>>) semaphore(%dma_start3A_801 : memref<!tpu.dma_semaphore, #tpu.memory_space<semaphore_mem>>) {add = true}
      %add3A_802 = arith.constant 3 : i32
      %add3A_803 = arith.addi %add3A_777, %add3A_802 : i32
      %sub3A_804 = arith.constant 6 : i32
      %sub3A_805 = arith.subi %add3A_803, %sub3A_804 : i32
      %dma_wait3A_806 = arith.constant 5 : i32
      %dma_wait3A_807 = arith.constant 5 : i32
      %dma_wait3A_808 = arith.constant 0 : i32
      %dma_wait3A_809 = tpu.memref_slice %arg8[%dma_wait3A_806, %dma_wait3A_808] : memref<6x128xf32, #tpu.memory_space<vmem>> -> memref<1x128xf32, #tpu.memory_space<vmem>>
      %dma_wait3A_810 = tpu.memref_squeeze %dma_wait3A_809 : memref<1x128xf32, #tpu.memory_space<vmem>> -> memref<128xf32, #tpu.memory_space<vmem>>
      %dma_wait3A_811 = arith.constant 0 : i32
      %dma_wait3A_812 = tpu.memref_slice %arg7[%sub3A_805, %dma_wait3A_811] : memref<79x128xi32, #tpu.memory_space<vmem>> -> memref<1x128xi32, #tpu.memory_space<vmem>>
      %dma_wait3A_813 = tpu.memref_squeeze %dma_wait3A_812 : memref<1x128xi32, #tpu.memory_space<vmem>> -> memref<128xi32, #tpu.memory_space<vmem>>
      %dma_wait3A_814 = arith.constant 0 : i32
      %dma_wait3A_815 = tpu.memref_slice %arg9[%dma_wait3A_814] : memref<10112xf32, #tpu.memory_space<vmem_shared>> -> memref<10112xf32, #tpu.memory_space<vmem_shared>>
      %dma_wait3A_816 = tpu.memref_slice %arg12[%dma_wait3A_807] : memref<6x!tpu.dma_semaphore, #tpu.memory_space<semaphore_mem>> -> memref<1x!tpu.dma_semaphore, #tpu.memory_space<semaphore_mem>>
      %dma_wait3A_817 = tpu.memref_squeeze %dma_wait3A_816 : memref<1x!tpu.dma_semaphore, #tpu.memory_space<semaphore_mem>> -> memref<!tpu.dma_semaphore, #tpu.memory_space<semaphore_mem>>
      tpu.wait_indirect_dma semaphore(%dma_wait3A_817 : memref<!tpu.dma_semaphore, #tpu.memory_space<semaphore_mem>>) src(%dma_wait3A_810 : memref<128xf32, #tpu.memory_space<vmem>>) dst(%dma_wait3A_815 : memref<10112xf32, #tpu.memory_space<vmem_shared>>)
      %dma_start3A_818 = arith.constant 5 : i32
      %dma_start3A_819 = arith.constant 5 : i32
      %dma_start3A_820 = arith.constant 0 : i32
      %dma_start3A_821 = tpu.memref_slice %arg8[%dma_start3A_818, %dma_start3A_820] : memref<6x128xf32, #tpu.memory_space<vmem>> -> memref<1x128xf32, #tpu.memory_space<vmem>>
      %dma_start3A_822 = tpu.memref_squeeze %dma_start3A_821 : memref<1x128xf32, #tpu.memory_space<vmem>> -> memref<128xf32, #tpu.memory_space<vmem>>
      %dma_start3A_823 = arith.constant 0 : i32
      %dma_start3A_824 = tpu.memref_slice %arg6[%add3A_803, %dma_start3A_823] : memref<79x128xi32, #tpu.memory_space<vmem>> -> memref<1x128xi32, #tpu.memory_space<vmem>>
      %dma_start3A_825 = tpu.memref_squeeze %dma_start3A_824 : memref<1x128xi32, #tpu.memory_space<vmem>> -> memref<128xi32, #tpu.memory_space<vmem>>
      %dma_start3A_826 = arith.constant 0 : i32
      %dma_start3A_827 = tpu.memref_slice %arg10[%dma_start3A_826] : memref<10112xf32, #tpu.memory_space<vmem_shared>> -> memref<10112xf32, #tpu.memory_space<vmem_shared>>
      %dma_start3A_828 = tpu.memref_slice %arg11[%dma_start3A_819] : memref<6x!tpu.dma_semaphore, #tpu.memory_space<semaphore_mem>> -> memref<1x!tpu.dma_semaphore, #tpu.memory_space<semaphore_mem>>
      %dma_start3A_829 = tpu.memref_squeeze %dma_start3A_828 : memref<1x!tpu.dma_semaphore, #tpu.memory_space<semaphore_mem>> -> memref<!tpu.dma_semaphore, #tpu.memory_space<semaphore_mem>>
      tpu.enqueue_indirect_dma source(%dma_start3A_827 : memref<10112xf32, #tpu.memory_space<vmem_shared>>) target(%dma_start3A_822 : memref<128xf32, #tpu.memory_space<vmem>>) offsets(%dma_start3A_825 : memref<128xi32, #tpu.memory_space<vmem>>) semaphore(%dma_start3A_829 : memref<!tpu.dma_semaphore, #tpu.memory_space<semaphore_mem>>)
      %add3A_830 = arith.constant 3 : i32
      %add3A_831 = arith.addi %mul3A_668, %add3A_830 : i32
      %dma_wait3A_832 = arith.constant 3 : i32
      %dma_wait3A_833 = arith.constant 3 : i32
      %dma_wait3A_834 = arith.constant 0 : i32
      %dma_wait3A_835 = tpu.memref_slice %arg8[%dma_wait3A_832, %dma_wait3A_834] : memref<6x128xf32, #tpu.memory_space<vmem>> -> memref<1x128xf32, #tpu.memory_space<vmem>>
      %dma_wait3A_836 = tpu.memref_squeeze %dma_wait3A_835 : memref<1x128xf32, #tpu.memory_space<vmem>> -> memref<128xf32, #tpu.memory_space<vmem>>
      %dma_wait3A_837 = arith.constant 0 : i32
      %dma_wait3A_838 = tpu.memref_slice %arg6[%add3A_831, %dma_wait3A_837] : memref<79x128xi32, #tpu.memory_space<vmem>> -> memref<1x128xi32, #tpu.memory_space<vmem>>
      %dma_wait3A_839 = tpu.memref_squeeze %dma_wait3A_838 : memref<1x128xi32, #tpu.memory_space<vmem>> -> memref<128xi32, #tpu.memory_space<vmem>>
      %dma_wait3A_840 = arith.constant 0 : i32
      %dma_wait3A_841 = tpu.memref_slice %arg10[%dma_wait3A_840] : memref<10112xf32, #tpu.memory_space<vmem_shared>> -> memref<10112xf32, #tpu.memory_space<vmem_shared>>
      %dma_wait3A_842 = tpu.memref_slice %arg11[%dma_wait3A_833] : memref<6x!tpu.dma_semaphore, #tpu.memory_space<semaphore_mem>> -> memref<1x!tpu.dma_semaphore, #tpu.memory_space<semaphore_mem>>
      %dma_wait3A_843 = tpu.memref_squeeze %dma_wait3A_842 : memref<1x!tpu.dma_semaphore, #tpu.memory_space<semaphore_mem>> -> memref<!tpu.dma_semaphore, #tpu.memory_space<semaphore_mem>>
      tpu.wait_indirect_dma semaphore(%dma_wait3A_843 : memref<!tpu.dma_semaphore, #tpu.memory_space<semaphore_mem>>) src(%dma_wait3A_841 : memref<10112xf32, #tpu.memory_space<vmem_shared>>) dst(%dma_wait3A_836 : memref<128xf32, #tpu.memory_space<vmem>>)
      %dma_start3A_844 = arith.constant 3 : i32
      %dma_start3A_845 = arith.constant 3 : i32
      %dma_start3A_846 = arith.constant 0 : i32
      %dma_start3A_847 = tpu.memref_slice %arg8[%dma_start3A_844, %dma_start3A_846] : memref<6x128xf32, #tpu.memory_space<vmem>> -> memref<1x128xf32, #tpu.memory_space<vmem>>
      %dma_start3A_848 = tpu.memref_squeeze %dma_start3A_847 : memref<1x128xf32, #tpu.memory_space<vmem>> -> memref<128xf32, #tpu.memory_space<vmem>>
      %dma_start3A_849 = arith.constant 0 : i32
      %dma_start3A_850 = tpu.memref_slice %arg7[%add3A_831, %dma_start3A_849] : memref<79x128xi32, #tpu.memory_space<vmem>> -> memref<1x128xi32, #tpu.memory_space<vmem>>
      %dma_start3A_851 = tpu.memref_squeeze %dma_start3A_850 : memref<1x128xi32, #tpu.memory_space<vmem>> -> memref<128xi32, #tpu.memory_space<vmem>>
      %dma_start3A_852 = arith.constant 0 : i32
      %dma_start3A_853 = tpu.memref_slice %arg9[%dma_start3A_852] : memref<10112xf32, #tpu.memory_space<vmem_shared>> -> memref<10112xf32, #tpu.memory_space<vmem_shared>>
      %dma_start3A_854 = tpu.memref_slice %arg12[%dma_start3A_845] : memref<6x!tpu.dma_semaphore, #tpu.memory_space<semaphore_mem>> -> memref<1x!tpu.dma_semaphore, #tpu.memory_space<semaphore_mem>>
      %dma_start3A_855 = tpu.memref_squeeze %dma_start3A_854 : memref<1x!tpu.dma_semaphore, #tpu.memory_space<semaphore_mem>> -> memref<!tpu.dma_semaphore, #tpu.memory_space<semaphore_mem>>
      tpu.enqueue_indirect_dma source(%dma_start3A_848 : memref<128xf32, #tpu.memory_space<vmem>>) target(%dma_start3A_853 : memref<10112xf32, #tpu.memory_space<vmem_shared>>) offsets(%dma_start3A_851 : memref<128xi32, #tpu.memory_space<vmem>>) semaphore(%dma_start3A_855 : memref<!tpu.dma_semaphore, #tpu.memory_space<semaphore_mem>>) {add = true}
      %add3A_856 = arith.constant 3 : i32
      %add3A_857 = arith.addi %add3A_831, %add3A_856 : i32
      %sub3A_858 = arith.constant 6 : i32
      %sub3A_859 = arith.subi %add3A_857, %sub3A_858 : i32
      %dma_wait3A_860 = arith.constant 0 : i32
      %dma_wait3A_861 = arith.constant 0 : i32
      %dma_wait3A_862 = arith.constant 0 : i32
      %dma_wait3A_863 = tpu.memref_slice %arg8[%dma_wait3A_860, %dma_wait3A_862] : memref<6x128xf32, #tpu.memory_space<vmem>> -> memref<1x128xf32, #tpu.memory_space<vmem>>
      %dma_wait3A_864 = tpu.memref_squeeze %dma_wait3A_863 : memref<1x128xf32, #tpu.memory_space<vmem>> -> memref<128xf32, #tpu.memory_space<vmem>>
      %dma_wait3A_865 = arith.constant 0 : i32
      %dma_wait3A_866 = tpu.memref_slice %arg7[%sub3A_859, %dma_wait3A_865] : memref<79x128xi32, #tpu.memory_space<vmem>> -> memref<1x128xi32, #tpu.memory_space<vmem>>
      %dma_wait3A_867 = tpu.memref_squeeze %dma_wait3A_866 : memref<1x128xi32, #tpu.memory_space<vmem>> -> memref<128xi32, #tpu.memory_space<vmem>>
      %dma_wait3A_868 = arith.constant 0 : i32
      %dma_wait3A_869 = tpu.memref_slice %arg9[%dma_wait3A_868] : memref<10112xf32, #tpu.memory_space<vmem_shared>> -> memref<10112xf32, #tpu.memory_space<vmem_shared>>
      %dma_wait3A_870 = tpu.memref_slice %arg12[%dma_wait3A_861] : memref<6x!tpu.dma_semaphore, #tpu.memory_space<semaphore_mem>> -> memref<1x!tpu.dma_semaphore, #tpu.memory_space<semaphore_mem>>
      %dma_wait3A_871 = tpu.memref_squeeze %dma_wait3A_870 : memref<1x!tpu.dma_semaphore, #tpu.memory_space<semaphore_mem>> -> memref<!tpu.dma_semaphore, #tpu.memory_space<semaphore_mem>>
      tpu.wait_indirect_dma semaphore(%dma_wait3A_871 : memref<!tpu.dma_semaphore, #tpu.memory_space<semaphore_mem>>) src(%dma_wait3A_864 : memref<128xf32, #tpu.memory_space<vmem>>) dst(%dma_wait3A_869 : memref<10112xf32, #tpu.memory_space<vmem_shared>>)
      %dma_start3A_872 = arith.constant 0 : i32
      %dma_start3A_873 = arith.constant 0 : i32
      %dma_start3A_874 = arith.constant 0 : i32
      %dma_start3A_875 = tpu.memref_slice %arg8[%dma_start3A_872, %dma_start3A_874] : memref<6x128xf32, #tpu.memory_space<vmem>> -> memref<1x128xf32, #tpu.memory_space<vmem>>
      %dma_start3A_876 = tpu.memref_squeeze %dma_start3A_875 : memref<1x128xf32, #tpu.memory_space<vmem>> -> memref<128xf32, #tpu.memory_space<vmem>>
      %dma_start3A_877 = arith.constant 0 : i32
      %dma_start3A_878 = tpu.memref_slice %arg6[%add3A_857, %dma_start3A_877] : memref<79x128xi32, #tpu.memory_space<vmem>> -> memref<1x128xi32, #tpu.memory_space<vmem>>
      %dma_start3A_879 = tpu.memref_squeeze %dma_start3A_878 : memref<1x128xi32, #tpu.memory_space<vmem>> -> memref<128xi32, #tpu.memory_space<vmem>>
      %dma_start3A_880 = arith.constant 0 : i32
      %dma_start3A_881 = tpu.memref_slice %arg10[%dma_start3A_880] : memref<10112xf32, #tpu.memory_space<vmem_shared>> -> memref<10112xf32, #tpu.memory_space<vmem_shared>>
      %dma_start3A_882 = tpu.memref_slice %arg11[%dma_start3A_873] : memref<6x!tpu.dma_semaphore, #tpu.memory_space<semaphore_mem>> -> memref<1x!tpu.dma_semaphore, #tpu.memory_space<semaphore_mem>>
      %dma_start3A_883 = tpu.memref_squeeze %dma_start3A_882 : memref<1x!tpu.dma_semaphore, #tpu.memory_space<semaphore_mem>> -> memref<!tpu.dma_semaphore, #tpu.memory_space<semaphore_mem>>
      tpu.enqueue_indirect_dma source(%dma_start3A_881 : memref<10112xf32, #tpu.memory_space<vmem_shared>>) target(%dma_start3A_876 : memref<128xf32, #tpu.memory_space<vmem>>) offsets(%dma_start3A_879 : memref<128xi32, #tpu.memory_space<vmem>>) semaphore(%dma_start3A_883 : memref<!tpu.dma_semaphore, #tpu.memory_space<semaphore_mem>>)
      %add3A_884 = arith.constant 4 : i32
      %add3A_885 = arith.addi %mul3A_668, %add3A_884 : i32
      %dma_wait3A_886 = arith.constant 4 : i32
      %dma_wait3A_887 = arith.constant 4 : i32
      %dma_wait3A_888 = arith.constant 0 : i32
      %dma_wait3A_889 = tpu.memref_slice %arg8[%dma_wait3A_886, %dma_wait3A_888] : memref<6x128xf32, #tpu.memory_space<vmem>> -> memref<1x128xf32, #tpu.memory_space<vmem>>
      %dma_wait3A_890 = tpu.memref_squeeze %dma_wait3A_889 : memref<1x128xf32, #tpu.memory_space<vmem>> -> memref<128xf32, #tpu.memory_space<vmem>>
      %dma_wait3A_891 = arith.constant 0 : i32
      %dma_wait3A_892 = tpu.memref_slice %arg6[%add3A_885, %dma_wait3A_891] : memref<79x128xi32, #tpu.memory_space<vmem>> -> memref<1x128xi32, #tpu.memory_space<vmem>>
      %dma_wait3A_893 = tpu.memref_squeeze %dma_wait3A_892 : memref<1x128xi32, #tpu.memory_space<vmem>> -> memref<128xi32, #tpu.memory_space<vmem>>
      %dma_wait3A_894 = arith.constant 0 : i32
      %dma_wait3A_895 = tpu.memref_slice %arg10[%dma_wait3A_894] : memref<10112xf32, #tpu.memory_space<vmem_shared>> -> memref<10112xf32, #tpu.memory_space<vmem_shared>>
      %dma_wait3A_896 = tpu.memref_slice %arg11[%dma_wait3A_887] : memref<6x!tpu.dma_semaphore, #tpu.memory_space<semaphore_mem>> -> memref<1x!tpu.dma_semaphore, #tpu.memory_space<semaphore_mem>>
      %dma_wait3A_897 = tpu.memref_squeeze %dma_wait3A_896 : memref<1x!tpu.dma_semaphore, #tpu.memory_space<semaphore_mem>> -> memref<!tpu.dma_semaphore, #tpu.memory_space<semaphore_mem>>
      tpu.wait_indirect_dma semaphore(%dma_wait3A_897 : memref<!tpu.dma_semaphore, #tpu.memory_space<semaphore_mem>>) src(%dma_wait3A_895 : memref<10112xf32, #tpu.memory_space<vmem_shared>>) dst(%dma_wait3A_890 : memref<128xf32, #tpu.memory_space<vmem>>)
      %dma_start3A_898 = arith.constant 4 : i32
      %dma_start3A_899 = arith.constant 4 : i32
      %dma_start3A_900 = arith.constant 0 : i32
      %dma_start3A_901 = tpu.memref_slice %arg8[%dma_start3A_898, %dma_start3A_900] : memref<6x128xf32, #tpu.memory_space<vmem>> -> memref<1x128xf32, #tpu.memory_space<vmem>>
      %dma_start3A_902 = tpu.memref_squeeze %dma_start3A_901 : memref<1x128xf32, #tpu.memory_space<vmem>> -> memref<128xf32, #tpu.memory_space<vmem>>
      %dma_start3A_903 = arith.constant 0 : i32
      %dma_start3A_904 = tpu.memref_slice %arg7[%add3A_885, %dma_start3A_903] : memref<79x128xi32, #tpu.memory_space<vmem>> -> memref<1x128xi32, #tpu.memory_space<vmem>>
      %dma_start3A_905 = tpu.memref_squeeze %dma_start3A_904 : memref<1x128xi32, #tpu.memory_space<vmem>> -> memref<128xi32, #tpu.memory_space<vmem>>
      %dma_start3A_906 = arith.constant 0 : i32
      %dma_start3A_907 = tpu.memref_slice %arg9[%dma_start3A_906] : memref<10112xf32, #tpu.memory_space<vmem_shared>> -> memref<10112xf32, #tpu.memory_space<vmem_shared>>
      %dma_start3A_908 = tpu.memref_slice %arg12[%dma_start3A_899] : memref<6x!tpu.dma_semaphore, #tpu.memory_space<semaphore_mem>> -> memref<1x!tpu.dma_semaphore, #tpu.memory_space<semaphore_mem>>
      %dma_start3A_909 = tpu.memref_squeeze %dma_start3A_908 : memref<1x!tpu.dma_semaphore, #tpu.memory_space<semaphore_mem>> -> memref<!tpu.dma_semaphore, #tpu.memory_space<semaphore_mem>>
      tpu.enqueue_indirect_dma source(%dma_start3A_902 : memref<128xf32, #tpu.memory_space<vmem>>) target(%dma_start3A_907 : memref<10112xf32, #tpu.memory_space<vmem_shared>>) offsets(%dma_start3A_905 : memref<128xi32, #tpu.memory_space<vmem>>) semaphore(%dma_start3A_909 : memref<!tpu.dma_semaphore, #tpu.memory_space<semaphore_mem>>) {add = true}
      %add3A_910 = arith.constant 3 : i32
      %add3A_911 = arith.addi %add3A_885, %add3A_910 : i32
      %sub3A_912 = arith.constant 6 : i32
      %sub3A_913 = arith.subi %add3A_911, %sub3A_912 : i32
      %dma_wait3A_914 = arith.constant 1 : i32
      %dma_wait3A_915 = arith.constant 1 : i32
      %dma_wait3A_916 = arith.constant 0 : i32
      %dma_wait3A_917 = tpu.memref_slice %arg8[%dma_wait3A_914, %dma_wait3A_916] : memref<6x128xf32, #tpu.memory_space<vmem>> -> memref<1x128xf32, #tpu.memory_space<vmem>>
      %dma_wait3A_918 = tpu.memref_squeeze %dma_wait3A_917 : memref<1x128xf32, #tpu.memory_space<vmem>> -> memref<128xf32, #tpu.memory_space<vmem>>
      %dma_wait3A_919 = arith.constant 0 : i32
      %dma_wait3A_920 = tpu.memref_slice %arg7[%sub3A_913, %dma_wait3A_919] : memref<79x128xi32, #tpu.memory_space<vmem>> -> memref<1x128xi32, #tpu.memory_space<vmem>>
      %dma_wait3A_921 = tpu.memref_squeeze %dma_wait3A_920 : memref<1x128xi32, #tpu.memory_space<vmem>> -> memref<128xi32, #tpu.memory_space<vmem>>
      %dma_wait3A_922 = arith.constant 0 : i32
      %dma_wait3A_923 = tpu.memref_slice %arg9[%dma_wait3A_922] : memref<10112xf32, #tpu.memory_space<vmem_shared>> -> memref<10112xf32, #tpu.memory_space<vmem_shared>>
      %dma_wait3A_924 = tpu.memref_slice %arg12[%dma_wait3A_915] : memref<6x!tpu.dma_semaphore, #tpu.memory_space<semaphore_mem>> -> memref<1x!tpu.dma_semaphore, #tpu.memory_space<semaphore_mem>>
      %dma_wait3A_925 = tpu.memref_squeeze %dma_wait3A_924 : memref<1x!tpu.dma_semaphore, #tpu.memory_space<semaphore_mem>> -> memref<!tpu.dma_semaphore, #tpu.memory_space<semaphore_mem>>
      tpu.wait_indirect_dma semaphore(%dma_wait3A_925 : memref<!tpu.dma_semaphore, #tpu.memory_space<semaphore_mem>>) src(%dma_wait3A_918 : memref<128xf32, #tpu.memory_space<vmem>>) dst(%dma_wait3A_923 : memref<10112xf32, #tpu.memory_space<vmem_shared>>)
      %dma_start3A_926 = arith.constant 1 : i32
      %dma_start3A_927 = arith.constant 1 : i32
      %dma_start3A_928 = arith.constant 0 : i32
      %dma_start3A_929 = tpu.memref_slice %arg8[%dma_start3A_926, %dma_start3A_928] : memref<6x128xf32, #tpu.memory_space<vmem>> -> memref<1x128xf32, #tpu.memory_space<vmem>>
      %dma_start3A_930 = tpu.memref_squeeze %dma_start3A_929 : memref<1x128xf32, #tpu.memory_space<vmem>> -> memref<128xf32, #tpu.memory_space<vmem>>
      %dma_start3A_931 = arith.constant 0 : i32
      %dma_start3A_932 = tpu.memref_slice %arg6[%add3A_911, %dma_start3A_931] : memref<79x128xi32, #tpu.memory_space<vmem>> -> memref<1x128xi32, #tpu.memory_space<vmem>>
      %dma_start3A_933 = tpu.memref_squeeze %dma_start3A_932 : memref<1x128xi32, #tpu.memory_space<vmem>> -> memref<128xi32, #tpu.memory_space<vmem>>
      %dma_start3A_934 = arith.constant 0 : i32
      %dma_start3A_935 = tpu.memref_slice %arg10[%dma_start3A_934] : memref<10112xf32, #tpu.memory_space<vmem_shared>> -> memref<10112xf32, #tpu.memory_space<vmem_shared>>
      %dma_start3A_936 = tpu.memref_slice %arg11[%dma_start3A_927] : memref<6x!tpu.dma_semaphore, #tpu.memory_space<semaphore_mem>> -> memref<1x!tpu.dma_semaphore, #tpu.memory_space<semaphore_mem>>
      %dma_start3A_937 = tpu.memref_squeeze %dma_start3A_936 : memref<1x!tpu.dma_semaphore, #tpu.memory_space<semaphore_mem>> -> memref<!tpu.dma_semaphore, #tpu.memory_space<semaphore_mem>>
      tpu.enqueue_indirect_dma source(%dma_start3A_935 : memref<10112xf32, #tpu.memory_space<vmem_shared>>) target(%dma_start3A_930 : memref<128xf32, #tpu.memory_space<vmem>>) offsets(%dma_start3A_933 : memref<128xi32, #tpu.memory_space<vmem>>) semaphore(%dma_start3A_937 : memref<!tpu.dma_semaphore, #tpu.memory_space<semaphore_mem>>)
      %add3A_938 = arith.constant 5 : i32
      %add3A_939 = arith.addi %mul3A_668, %add3A_938 : i32
      %dma_wait3A_940 = arith.constant 5 : i32
      %dma_wait3A_941 = arith.constant 5 : i32
      %dma_wait3A_942 = arith.constant 0 : i32
      %dma_wait3A_943 = tpu.memref_slice %arg8[%dma_wait3A_940, %dma_wait3A_942] : memref<6x128xf32, #tpu.memory_space<vmem>> -> memref<1x128xf32, #tpu.memory_space<vmem>>
      %dma_wait3A_944 = tpu.memref_squeeze %dma_wait3A_943 : memref<1x128xf32, #tpu.memory_space<vmem>> -> memref<128xf32, #tpu.memory_space<vmem>>
      %dma_wait3A_945 = arith.constant 0 : i32
      %dma_wait3A_946 = tpu.memref_slice %arg6[%add3A_939, %dma_wait3A_945] : memref<79x128xi32, #tpu.memory_space<vmem>> -> memref<1x128xi32, #tpu.memory_space<vmem>>
      %dma_wait3A_947 = tpu.memref_squeeze %dma_wait3A_946 : memref<1x128xi32, #tpu.memory_space<vmem>> -> memref<128xi32, #tpu.memory_space<vmem>>
      %dma_wait3A_948 = arith.constant 0 : i32
      %dma_wait3A_949 = tpu.memref_slice %arg10[%dma_wait3A_948] : memref<10112xf32, #tpu.memory_space<vmem_shared>> -> memref<10112xf32, #tpu.memory_space<vmem_shared>>
      %dma_wait3A_950 = tpu.memref_slice %arg11[%dma_wait3A_941] : memref<6x!tpu.dma_semaphore, #tpu.memory_space<semaphore_mem>> -> memref<1x!tpu.dma_semaphore, #tpu.memory_space<semaphore_mem>>
      %dma_wait3A_951 = tpu.memref_squeeze %dma_wait3A_950 : memref<1x!tpu.dma_semaphore, #tpu.memory_space<semaphore_mem>> -> memref<!tpu.dma_semaphore, #tpu.memory_space<semaphore_mem>>
      tpu.wait_indirect_dma semaphore(%dma_wait3A_951 : memref<!tpu.dma_semaphore, #tpu.memory_space<semaphore_mem>>) src(%dma_wait3A_949 : memref<10112xf32, #tpu.memory_space<vmem_shared>>) dst(%dma_wait3A_944 : memref<128xf32, #tpu.memory_space<vmem>>)
      %dma_start3A_952 = arith.constant 5 : i32
      %dma_start3A_953 = arith.constant 5 : i32
      %dma_start3A_954 = arith.constant 0 : i32
      %dma_start3A_955 = tpu.memref_slice %arg8[%dma_start3A_952, %dma_start3A_954] : memref<6x128xf32, #tpu.memory_space<vmem>> -> memref<1x128xf32, #tpu.memory_space<vmem>>
      %dma_start3A_956 = tpu.memref_squeeze %dma_start3A_955 : memref<1x128xf32, #tpu.memory_space<vmem>> -> memref<128xf32, #tpu.memory_space<vmem>>
      %dma_start3A_957 = arith.constant 0 : i32
      %dma_start3A_958 = tpu.memref_slice %arg7[%add3A_939, %dma_start3A_957] : memref<79x128xi32, #tpu.memory_space<vmem>> -> memref<1x128xi32, #tpu.memory_space<vmem>>
      %dma_start3A_959 = tpu.memref_squeeze %dma_start3A_958 : memref<1x128xi32, #tpu.memory_space<vmem>> -> memref<128xi32, #tpu.memory_space<vmem>>
      %dma_start3A_960 = arith.constant 0 : i32
      %dma_start3A_961 = tpu.memref_slice %arg9[%dma_start3A_960] : memref<10112xf32, #tpu.memory_space<vmem_shared>> -> memref<10112xf32, #tpu.memory_space<vmem_shared>>
      %dma_start3A_962 = tpu.memref_slice %arg12[%dma_start3A_953] : memref<6x!tpu.dma_semaphore, #tpu.memory_space<semaphore_mem>> -> memref<1x!tpu.dma_semaphore, #tpu.memory_space<semaphore_mem>>
      %dma_start3A_963 = tpu.memref_squeeze %dma_start3A_962 : memref<1x!tpu.dma_semaphore, #tpu.memory_space<semaphore_mem>> -> memref<!tpu.dma_semaphore, #tpu.memory_space<semaphore_mem>>
      tpu.enqueue_indirect_dma source(%dma_start3A_956 : memref<128xf32, #tpu.memory_space<vmem>>) target(%dma_start3A_961 : memref<10112xf32, #tpu.memory_space<vmem_shared>>) offsets(%dma_start3A_959 : memref<128xi32, #tpu.memory_space<vmem>>) semaphore(%dma_start3A_963 : memref<!tpu.dma_semaphore, #tpu.memory_space<semaphore_mem>>) {add = true}
      %add3A_964 = arith.constant 3 : i32
      %add3A_965 = arith.addi %add3A_939, %add3A_964 : i32
      %sub3A_966 = arith.constant 6 : i32
      %sub3A_967 = arith.subi %add3A_965, %sub3A_966 : i32
      %dma_wait3A_968 = arith.constant 2 : i32
      %dma_wait3A_969 = arith.constant 2 : i32
      %dma_wait3A_970 = arith.constant 0 : i32
      %dma_wait3A_971 = tpu.memref_slice %arg8[%dma_wait3A_968, %dma_wait3A_970] : memref<6x128xf32, #tpu.memory_space<vmem>> -> memref<1x128xf32, #tpu.memory_space<vmem>>
      %dma_wait3A_972 = tpu.memref_squeeze %dma_wait3A_971 : memref<1x128xf32, #tpu.memory_space<vmem>> -> memref<128xf32, #tpu.memory_space<vmem>>
      %dma_wait3A_973 = arith.constant 0 : i32
      %dma_wait3A_974 = tpu.memref_slice %arg7[%sub3A_967, %dma_wait3A_973] : memref<79x128xi32, #tpu.memory_space<vmem>> -> memref<1x128xi32, #tpu.memory_space<vmem>>
      %dma_wait3A_975 = tpu.memref_squeeze %dma_wait3A_974 : memref<1x128xi32, #tpu.memory_space<vmem>> -> memref<128xi32, #tpu.memory_space<vmem>>
      %dma_wait3A_976 = arith.constant 0 : i32
      %dma_wait3A_977 = tpu.memref_slice %arg9[%dma_wait3A_976] : memref<10112xf32, #tpu.memory_space<vmem_shared>> -> memref<10112xf32, #tpu.memory_space<vmem_shared>>
      %dma_wait3A_978 = tpu.memref_slice %arg12[%dma_wait3A_969] : memref<6x!tpu.dma_semaphore, #tpu.memory_space<semaphore_mem>> -> memref<1x!tpu.dma_semaphore, #tpu.memory_space<semaphore_mem>>
      %dma_wait3A_979 = tpu.memref_squeeze %dma_wait3A_978 : memref<1x!tpu.dma_semaphore, #tpu.memory_space<semaphore_mem>> -> memref<!tpu.dma_semaphore, #tpu.memory_space<semaphore_mem>>
      tpu.wait_indirect_dma semaphore(%dma_wait3A_979 : memref<!tpu.dma_semaphore, #tpu.memory_space<semaphore_mem>>) src(%dma_wait3A_972 : memref<128xf32, #tpu.memory_space<vmem>>) dst(%dma_wait3A_977 : memref<10112xf32, #tpu.memory_space<vmem_shared>>)
      %dma_start3A_980 = arith.constant 2 : i32
      %dma_start3A_981 = arith.constant 2 : i32
      %dma_start3A_982 = arith.constant 0 : i32
      %dma_start3A_983 = tpu.memref_slice %arg8[%dma_start3A_980, %dma_start3A_982] : memref<6x128xf32, #tpu.memory_space<vmem>> -> memref<1x128xf32, #tpu.memory_space<vmem>>
      %dma_start3A_984 = tpu.memref_squeeze %dma_start3A_983 : memref<1x128xf32, #tpu.memory_space<vmem>> -> memref<128xf32, #tpu.memory_space<vmem>>
      %dma_start3A_985 = arith.constant 0 : i32
      %dma_start3A_986 = tpu.memref_slice %arg6[%add3A_965, %dma_start3A_985] : memref<79x128xi32, #tpu.memory_space<vmem>> -> memref<1x128xi32, #tpu.memory_space<vmem>>
      %dma_start3A_987 = tpu.memref_squeeze %dma_start3A_986 : memref<1x128xi32, #tpu.memory_space<vmem>> -> memref<128xi32, #tpu.memory_space<vmem>>
      %dma_start3A_988 = arith.constant 0 : i32
      %dma_start3A_989 = tpu.memref_slice %arg10[%dma_start3A_988] : memref<10112xf32, #tpu.memory_space<vmem_shared>> -> memref<10112xf32, #tpu.memory_space<vmem_shared>>
      %dma_start3A_990 = tpu.memref_slice %arg11[%dma_start3A_981] : memref<6x!tpu.dma_semaphore, #tpu.memory_space<semaphore_mem>> -> memref<1x!tpu.dma_semaphore, #tpu.memory_space<semaphore_mem>>
      %dma_start3A_991 = tpu.memref_squeeze %dma_start3A_990 : memref<1x!tpu.dma_semaphore, #tpu.memory_space<semaphore_mem>> -> memref<!tpu.dma_semaphore, #tpu.memory_space<semaphore_mem>>
      tpu.enqueue_indirect_dma source(%dma_start3A_989 : memref<10112xf32, #tpu.memory_space<vmem_shared>>) target(%dma_start3A_984 : memref<128xf32, #tpu.memory_space<vmem>>) offsets(%dma_start3A_987 : memref<128xi32, #tpu.memory_space<vmem>>) semaphore(%dma_start3A_991 : memref<!tpu.dma_semaphore, #tpu.memory_space<semaphore_mem>>)
    }
    %scan3A_340 = arith.constant 11 : i32
    %dma_wait3A_341 = arith.constant 72 : i32
    %dma_wait3A_342 = arith.constant 0 : i32
    %dma_wait3A_343 = arith.constant 0 : i32
    %dma_wait3A_344 = arith.constant 0 : i32
    %dma_wait3A_345 = tpu.memref_slice %arg8[%dma_wait3A_342, %dma_wait3A_344] : memref<6x128xf32, #tpu.memory_space<vmem>> -> memref<1x128xf32, #tpu.memory_space<vmem>>
    %dma_wait3A_346 = tpu.memref_squeeze %dma_wait3A_345 : memref<1x128xf32, #tpu.memory_space<vmem>> -> memref<128xf32, #tpu.memory_space<vmem>>
    %dma_wait3A_347 = arith.constant 0 : i32
    %dma_wait3A_348 = tpu.memref_slice %arg6[%dma_wait3A_341, %dma_wait3A_347] : memref<79x128xi32, #tpu.memory_space<vmem>> -> memref<1x128xi32, #tpu.memory_space<vmem>>
    %dma_wait3A_349 = tpu.memref_squeeze %dma_wait3A_348 : memref<1x128xi32, #tpu.memory_space<vmem>> -> memref<128xi32, #tpu.memory_space<vmem>>
    %dma_wait3A_350 = arith.constant 0 : i32
    %dma_wait3A_351 = tpu.memref_slice %arg10[%dma_wait3A_350] : memref<10112xf32, #tpu.memory_space<vmem_shared>> -> memref<10112xf32, #tpu.memory_space<vmem_shared>>
    %dma_wait3A_352 = tpu.memref_slice %arg11[%dma_wait3A_343] : memref<6x!tpu.dma_semaphore, #tpu.memory_space<semaphore_mem>> -> memref<1x!tpu.dma_semaphore, #tpu.memory_space<semaphore_mem>>
    %dma_wait3A_353 = tpu.memref_squeeze %dma_wait3A_352 : memref<1x!tpu.dma_semaphore, #tpu.memory_space<semaphore_mem>> -> memref<!tpu.dma_semaphore, #tpu.memory_space<semaphore_mem>>
    tpu.wait_indirect_dma semaphore(%dma_wait3A_353 : memref<!tpu.dma_semaphore, #tpu.memory_space<semaphore_mem>>) src(%dma_wait3A_351 : memref<10112xf32, #tpu.memory_space<vmem_shared>>) dst(%dma_wait3A_346 : memref<128xf32, #tpu.memory_space<vmem>>)
    %dma_start3A_354 = arith.constant 0 : i32
    %dma_start3A_355 = arith.constant 72 : i32
    %dma_start3A_356 = arith.constant 0 : i32
    %dma_start3A_357 = arith.constant 0 : i32
    %dma_start3A_358 = tpu.memref_slice %arg8[%dma_start3A_354, %dma_start3A_357] : memref<6x128xf32, #tpu.memory_space<vmem>> -> memref<1x128xf32, #tpu.memory_space<vmem>>
    %dma_start3A_359 = tpu.memref_squeeze %dma_start3A_358 : memref<1x128xf32, #tpu.memory_space<vmem>> -> memref<128xf32, #tpu.memory_space<vmem>>
    %dma_start3A_360 = arith.constant 0 : i32
    %dma_start3A_361 = tpu.memref_slice %arg7[%dma_start3A_355, %dma_start3A_360] : memref<79x128xi32, #tpu.memory_space<vmem>> -> memref<1x128xi32, #tpu.memory_space<vmem>>
    %dma_start3A_362 = tpu.memref_squeeze %dma_start3A_361 : memref<1x128xi32, #tpu.memory_space<vmem>> -> memref<128xi32, #tpu.memory_space<vmem>>
    %dma_start3A_363 = arith.constant 0 : i32
    %dma_start3A_364 = tpu.memref_slice %arg9[%dma_start3A_363] : memref<10112xf32, #tpu.memory_space<vmem_shared>> -> memref<10112xf32, #tpu.memory_space<vmem_shared>>
    %dma_start3A_365 = tpu.memref_slice %arg12[%dma_start3A_356] : memref<6x!tpu.dma_semaphore, #tpu.memory_space<semaphore_mem>> -> memref<1x!tpu.dma_semaphore, #tpu.memory_space<semaphore_mem>>
    %dma_start3A_366 = tpu.memref_squeeze %dma_start3A_365 : memref<1x!tpu.dma_semaphore, #tpu.memory_space<semaphore_mem>> -> memref<!tpu.dma_semaphore, #tpu.memory_space<semaphore_mem>>
    tpu.enqueue_indirect_dma source(%dma_start3A_359 : memref<128xf32, #tpu.memory_space<vmem>>) target(%dma_start3A_364 : memref<10112xf32, #tpu.memory_space<vmem_shared>>) offsets(%dma_start3A_362 : memref<128xi32, #tpu.memory_space<vmem>>) semaphore(%dma_start3A_366 : memref<!tpu.dma_semaphore, #tpu.memory_space<semaphore_mem>>) {add = true}
    %dma_wait3A_367 = arith.constant 3 : i32
    %dma_wait3A_368 = arith.constant 69 : i32
    %dma_wait3A_369 = arith.constant 3 : i32
    %dma_wait3A_370 = arith.constant 0 : i32
    %dma_wait3A_371 = tpu.memref_slice %arg8[%dma_wait3A_367, %dma_wait3A_370] : memref<6x128xf32, #tpu.memory_space<vmem>> -> memref<1x128xf32, #tpu.memory_space<vmem>>
    %dma_wait3A_372 = tpu.memref_squeeze %dma_wait3A_371 : memref<1x128xf32, #tpu.memory_space<vmem>> -> memref<128xf32, #tpu.memory_space<vmem>>
    %dma_wait3A_373 = arith.constant 0 : i32
    %dma_wait3A_374 = tpu.memref_slice %arg7[%dma_wait3A_368, %dma_wait3A_373] : memref<79x128xi32, #tpu.memory_space<vmem>> -> memref<1x128xi32, #tpu.memory_space<vmem>>
    %dma_wait3A_375 = tpu.memref_squeeze %dma_wait3A_374 : memref<1x128xi32, #tpu.memory_space<vmem>> -> memref<128xi32, #tpu.memory_space<vmem>>
    %dma_wait3A_376 = arith.constant 0 : i32
    %dma_wait3A_377 = tpu.memref_slice %arg9[%dma_wait3A_376] : memref<10112xf32, #tpu.memory_space<vmem_shared>> -> memref<10112xf32, #tpu.memory_space<vmem_shared>>
    %dma_wait3A_378 = tpu.memref_slice %arg12[%dma_wait3A_369] : memref<6x!tpu.dma_semaphore, #tpu.memory_space<semaphore_mem>> -> memref<1x!tpu.dma_semaphore, #tpu.memory_space<semaphore_mem>>
    %dma_wait3A_379 = tpu.memref_squeeze %dma_wait3A_378 : memref<1x!tpu.dma_semaphore, #tpu.memory_space<semaphore_mem>> -> memref<!tpu.dma_semaphore, #tpu.memory_space<semaphore_mem>>
    tpu.wait_indirect_dma semaphore(%dma_wait3A_379 : memref<!tpu.dma_semaphore, #tpu.memory_space<semaphore_mem>>) src(%dma_wait3A_372 : memref<128xf32, #tpu.memory_space<vmem>>) dst(%dma_wait3A_377 : memref<10112xf32, #tpu.memory_space<vmem_shared>>)
    %dma_start3A_380 = arith.constant 75 : i32
    %dma_start3A_381 = arith.constant 3 : i32
    %dma_start3A_382 = arith.constant 3 : i32
    %dma_start3A_383 = arith.constant 0 : i32
    %dma_start3A_384 = tpu.memref_slice %arg8[%dma_start3A_381, %dma_start3A_383] : memref<6x128xf32, #tpu.memory_space<vmem>> -> memref<1x128xf32, #tpu.memory_space<vmem>>
    %dma_start3A_385 = tpu.memref_squeeze %dma_start3A_384 : memref<1x128xf32, #tpu.memory_space<vmem>> -> memref<128xf32, #tpu.memory_space<vmem>>
    %dma_start3A_386 = arith.constant 0 : i32
    %dma_start3A_387 = tpu.memref_slice %arg6[%dma_start3A_380, %dma_start3A_386] : memref<79x128xi32, #tpu.memory_space<vmem>> -> memref<1x128xi32, #tpu.memory_space<vmem>>
    %dma_start3A_388 = tpu.memref_squeeze %dma_start3A_387 : memref<1x128xi32, #tpu.memory_space<vmem>> -> memref<128xi32, #tpu.memory_space<vmem>>
    %dma_start3A_389 = arith.constant 0 : i32
    %dma_start3A_390 = tpu.memref_slice %arg10[%dma_start3A_389] : memref<10112xf32, #tpu.memory_space<vmem_shared>> -> memref<10112xf32, #tpu.memory_space<vmem_shared>>
    %dma_start3A_391 = tpu.memref_slice %arg11[%dma_start3A_382] : memref<6x!tpu.dma_semaphore, #tpu.memory_space<semaphore_mem>> -> memref<1x!tpu.dma_semaphore, #tpu.memory_space<semaphore_mem>>
    %dma_start3A_392 = tpu.memref_squeeze %dma_start3A_391 : memref<1x!tpu.dma_semaphore, #tpu.memory_space<semaphore_mem>> -> memref<!tpu.dma_semaphore, #tpu.memory_space<semaphore_mem>>
    tpu.enqueue_indirect_dma source(%dma_start3A_390 : memref<10112xf32, #tpu.memory_space<vmem_shared>>) target(%dma_start3A_385 : memref<128xf32, #tpu.memory_space<vmem>>) offsets(%dma_start3A_388 : memref<128xi32, #tpu.memory_space<vmem>>) semaphore(%dma_start3A_392 : memref<!tpu.dma_semaphore, #tpu.memory_space<semaphore_mem>>)
    %dma_wait3A_393 = arith.constant 73 : i32
    %dma_wait3A_394 = arith.constant 1 : i32
    %dma_wait3A_395 = arith.constant 1 : i32
    %dma_wait3A_396 = arith.constant 0 : i32
    %dma_wait3A_397 = tpu.memref_slice %arg8[%dma_wait3A_394, %dma_wait3A_396] : memref<6x128xf32, #tpu.memory_space<vmem>> -> memref<1x128xf32, #tpu.memory_space<vmem>>
    %dma_wait3A_398 = tpu.memref_squeeze %dma_wait3A_397 : memref<1x128xf32, #tpu.memory_space<vmem>> -> memref<128xf32, #tpu.memory_space<vmem>>
    %dma_wait3A_399 = arith.constant 0 : i32
    %dma_wait3A_400 = tpu.memref_slice %arg6[%dma_wait3A_393, %dma_wait3A_399] : memref<79x128xi32, #tpu.memory_space<vmem>> -> memref<1x128xi32, #tpu.memory_space<vmem>>
    %dma_wait3A_401 = tpu.memref_squeeze %dma_wait3A_400 : memref<1x128xi32, #tpu.memory_space<vmem>> -> memref<128xi32, #tpu.memory_space<vmem>>
    %dma_wait3A_402 = arith.constant 0 : i32
    %dma_wait3A_403 = tpu.memref_slice %arg10[%dma_wait3A_402] : memref<10112xf32, #tpu.memory_space<vmem_shared>> -> memref<10112xf32, #tpu.memory_space<vmem_shared>>
    %dma_wait3A_404 = tpu.memref_slice %arg11[%dma_wait3A_395] : memref<6x!tpu.dma_semaphore, #tpu.memory_space<semaphore_mem>> -> memref<1x!tpu.dma_semaphore, #tpu.memory_space<semaphore_mem>>
    %dma_wait3A_405 = tpu.memref_squeeze %dma_wait3A_404 : memref<1x!tpu.dma_semaphore, #tpu.memory_space<semaphore_mem>> -> memref<!tpu.dma_semaphore, #tpu.memory_space<semaphore_mem>>
    tpu.wait_indirect_dma semaphore(%dma_wait3A_405 : memref<!tpu.dma_semaphore, #tpu.memory_space<semaphore_mem>>) src(%dma_wait3A_403 : memref<10112xf32, #tpu.memory_space<vmem_shared>>) dst(%dma_wait3A_398 : memref<128xf32, #tpu.memory_space<vmem>>)
    %dma_start3A_406 = arith.constant 1 : i32
    %dma_start3A_407 = arith.constant 73 : i32
    %dma_start3A_408 = arith.constant 1 : i32
    %dma_start3A_409 = arith.constant 0 : i32
    %dma_start3A_410 = tpu.memref_slice %arg8[%dma_start3A_406, %dma_start3A_409] : memref<6x128xf32, #tpu.memory_space<vmem>> -> memref<1x128xf32, #tpu.memory_space<vmem>>
    %dma_start3A_411 = tpu.memref_squeeze %dma_start3A_410 : memref<1x128xf32, #tpu.memory_space<vmem>> -> memref<128xf32, #tpu.memory_space<vmem>>
    %dma_start3A_412 = arith.constant 0 : i32
    %dma_start3A_413 = tpu.memref_slice %arg7[%dma_start3A_407, %dma_start3A_412] : memref<79x128xi32, #tpu.memory_space<vmem>> -> memref<1x128xi32, #tpu.memory_space<vmem>>
    %dma_start3A_414 = tpu.memref_squeeze %dma_start3A_413 : memref<1x128xi32, #tpu.memory_space<vmem>> -> memref<128xi32, #tpu.memory_space<vmem>>
    %dma_start3A_415 = arith.constant 0 : i32
    %dma_start3A_416 = tpu.memref_slice %arg9[%dma_start3A_415] : memref<10112xf32, #tpu.memory_space<vmem_shared>> -> memref<10112xf32, #tpu.memory_space<vmem_shared>>
    %dma_start3A_417 = tpu.memref_slice %arg12[%dma_start3A_408] : memref<6x!tpu.dma_semaphore, #tpu.memory_space<semaphore_mem>> -> memref<1x!tpu.dma_semaphore, #tpu.memory_space<semaphore_mem>>
    %dma_start3A_418 = tpu.memref_squeeze %dma_start3A_417 : memref<1x!tpu.dma_semaphore, #tpu.memory_space<semaphore_mem>> -> memref<!tpu.dma_semaphore, #tpu.memory_space<semaphore_mem>>
    tpu.enqueue_indirect_dma source(%dma_start3A_411 : memref<128xf32, #tpu.memory_space<vmem>>) target(%dma_start3A_416 : memref<10112xf32, #tpu.memory_space<vmem_shared>>) offsets(%dma_start3A_414 : memref<128xi32, #tpu.memory_space<vmem>>) semaphore(%dma_start3A_418 : memref<!tpu.dma_semaphore, #tpu.memory_space<semaphore_mem>>) {add = true}
    %dma_wait3A_419 = arith.constant 4 : i32
    %dma_wait3A_420 = arith.constant 70 : i32
    %dma_wait3A_421 = arith.constant 4 : i32
    %dma_wait3A_422 = arith.constant 0 : i32
    %dma_wait3A_423 = tpu.memref_slice %arg8[%dma_wait3A_419, %dma_wait3A_422] : memref<6x128xf32, #tpu.memory_space<vmem>> -> memref<1x128xf32, #tpu.memory_space<vmem>>
    %dma_wait3A_424 = tpu.memref_squeeze %dma_wait3A_423 : memref<1x128xf32, #tpu.memory_space<vmem>> -> memref<128xf32, #tpu.memory_space<vmem>>
    %dma_wait3A_425 = arith.constant 0 : i32
    %dma_wait3A_426 = tpu.memref_slice %arg7[%dma_wait3A_420, %dma_wait3A_425] : memref<79x128xi32, #tpu.memory_space<vmem>> -> memref<1x128xi32, #tpu.memory_space<vmem>>
    %dma_wait3A_427 = tpu.memref_squeeze %dma_wait3A_426 : memref<1x128xi32, #tpu.memory_space<vmem>> -> memref<128xi32, #tpu.memory_space<vmem>>
    %dma_wait3A_428 = arith.constant 0 : i32
    %dma_wait3A_429 = tpu.memref_slice %arg9[%dma_wait3A_428] : memref<10112xf32, #tpu.memory_space<vmem_shared>> -> memref<10112xf32, #tpu.memory_space<vmem_shared>>
    %dma_wait3A_430 = tpu.memref_slice %arg12[%dma_wait3A_421] : memref<6x!tpu.dma_semaphore, #tpu.memory_space<semaphore_mem>> -> memref<1x!tpu.dma_semaphore, #tpu.memory_space<semaphore_mem>>
    %dma_wait3A_431 = tpu.memref_squeeze %dma_wait3A_430 : memref<1x!tpu.dma_semaphore, #tpu.memory_space<semaphore_mem>> -> memref<!tpu.dma_semaphore, #tpu.memory_space<semaphore_mem>>
    tpu.wait_indirect_dma semaphore(%dma_wait3A_431 : memref<!tpu.dma_semaphore, #tpu.memory_space<semaphore_mem>>) src(%dma_wait3A_424 : memref<128xf32, #tpu.memory_space<vmem>>) dst(%dma_wait3A_429 : memref<10112xf32, #tpu.memory_space<vmem_shared>>)
    %dma_start3A_432 = arith.constant 76 : i32
    %dma_start3A_433 = arith.constant 4 : i32
    %dma_start3A_434 = arith.constant 4 : i32
    %dma_start3A_435 = arith.constant 0 : i32
    %dma_start3A_436 = tpu.memref_slice %arg8[%dma_start3A_433, %dma_start3A_435] : memref<6x128xf32, #tpu.memory_space<vmem>> -> memref<1x128xf32, #tpu.memory_space<vmem>>
    %dma_start3A_437 = tpu.memref_squeeze %dma_start3A_436 : memref<1x128xf32, #tpu.memory_space<vmem>> -> memref<128xf32, #tpu.memory_space<vmem>>
    %dma_start3A_438 = arith.constant 0 : i32
    %dma_start3A_439 = tpu.memref_slice %arg6[%dma_start3A_432, %dma_start3A_438] : memref<79x128xi32, #tpu.memory_space<vmem>> -> memref<1x128xi32, #tpu.memory_space<vmem>>
    %dma_start3A_440 = tpu.memref_squeeze %dma_start3A_439 : memref<1x128xi32, #tpu.memory_space<vmem>> -> memref<128xi32, #tpu.memory_space<vmem>>
    %dma_start3A_441 = arith.constant 0 : i32
    %dma_start3A_442 = tpu.memref_slice %arg10[%dma_start3A_441] : memref<10112xf32, #tpu.memory_space<vmem_shared>> -> memref<10112xf32, #tpu.memory_space<vmem_shared>>
    %dma_start3A_443 = tpu.memref_slice %arg11[%dma_start3A_434] : memref<6x!tpu.dma_semaphore, #tpu.memory_space<semaphore_mem>> -> memref<1x!tpu.dma_semaphore, #tpu.memory_space<semaphore_mem>>
    %dma_start3A_444 = tpu.memref_squeeze %dma_start3A_443 : memref<1x!tpu.dma_semaphore, #tpu.memory_space<semaphore_mem>> -> memref<!tpu.dma_semaphore, #tpu.memory_space<semaphore_mem>>
    tpu.enqueue_indirect_dma source(%dma_start3A_442 : memref<10112xf32, #tpu.memory_space<vmem_shared>>) target(%dma_start3A_437 : memref<128xf32, #tpu.memory_space<vmem>>) offsets(%dma_start3A_440 : memref<128xi32, #tpu.memory_space<vmem>>) semaphore(%dma_start3A_444 : memref<!tpu.dma_semaphore, #tpu.memory_space<semaphore_mem>>)
    %dma_wait3A_445 = arith.constant 74 : i32
    %dma_wait3A_446 = arith.constant 2 : i32
    %dma_wait3A_447 = arith.constant 2 : i32
    %dma_wait3A_448 = arith.constant 0 : i32
    %dma_wait3A_449 = tpu.memref_slice %arg8[%dma_wait3A_446, %dma_wait3A_448] : memref<6x128xf32, #tpu.memory_space<vmem>> -> memref<1x128xf32, #tpu.memory_space<vmem>>
    %dma_wait3A_450 = tpu.memref_squeeze %dma_wait3A_449 : memref<1x128xf32, #tpu.memory_space<vmem>> -> memref<128xf32, #tpu.memory_space<vmem>>
    %dma_wait3A_451 = arith.constant 0 : i32
    %dma_wait3A_452 = tpu.memref_slice %arg6[%dma_wait3A_445, %dma_wait3A_451] : memref<79x128xi32, #tpu.memory_space<vmem>> -> memref<1x128xi32, #tpu.memory_space<vmem>>
    %dma_wait3A_453 = tpu.memref_squeeze %dma_wait3A_452 : memref<1x128xi32, #tpu.memory_space<vmem>> -> memref<128xi32, #tpu.memory_space<vmem>>
    %dma_wait3A_454 = arith.constant 0 : i32
    %dma_wait3A_455 = tpu.memref_slice %arg10[%dma_wait3A_454] : memref<10112xf32, #tpu.memory_space<vmem_shared>> -> memref<10112xf32, #tpu.memory_space<vmem_shared>>
    %dma_wait3A_456 = tpu.memref_slice %arg11[%dma_wait3A_447] : memref<6x!tpu.dma_semaphore, #tpu.memory_space<semaphore_mem>> -> memref<1x!tpu.dma_semaphore, #tpu.memory_space<semaphore_mem>>
    %dma_wait3A_457 = tpu.memref_squeeze %dma_wait3A_456 : memref<1x!tpu.dma_semaphore, #tpu.memory_space<semaphore_mem>> -> memref<!tpu.dma_semaphore, #tpu.memory_space<semaphore_mem>>
    tpu.wait_indirect_dma semaphore(%dma_wait3A_457 : memref<!tpu.dma_semaphore, #tpu.memory_space<semaphore_mem>>) src(%dma_wait3A_455 : memref<10112xf32, #tpu.memory_space<vmem_shared>>) dst(%dma_wait3A_450 : memref<128xf32, #tpu.memory_space<vmem>>)
    %dma_start3A_458 = arith.constant 2 : i32
    %dma_start3A_459 = arith.constant 74 : i32
    %dma_start3A_460 = arith.constant 2 : i32
    %dma_start3A_461 = arith.constant 0 : i32
    %dma_start3A_462 = tpu.memref_slice %arg8[%dma_start3A_458, %dma_start3A_461] : memref<6x128xf32, #tpu.memory_space<vmem>> -> memref<1x128xf32, #tpu.memory_space<vmem>>
    %dma_start3A_463 = tpu.memref_squeeze %dma_start3A_462 : memref<1x128xf32, #tpu.memory_space<vmem>> -> memref<128xf32, #tpu.memory_space<vmem>>
    %dma_start3A_464 = arith.constant 0 : i32
    %dma_start3A_465 = tpu.memref_slice %arg7[%dma_start3A_459, %dma_start3A_464] : memref<79x128xi32, #tpu.memory_space<vmem>> -> memref<1x128xi32, #tpu.memory_space<vmem>>
    %dma_start3A_466 = tpu.memref_squeeze %dma_start3A_465 : memref<1x128xi32, #tpu.memory_space<vmem>> -> memref<128xi32, #tpu.memory_space<vmem>>
    %dma_start3A_467 = arith.constant 0 : i32
    %dma_start3A_468 = tpu.memref_slice %arg9[%dma_start3A_467] : memref<10112xf32, #tpu.memory_space<vmem_shared>> -> memref<10112xf32, #tpu.memory_space<vmem_shared>>
    %dma_start3A_469 = tpu.memref_slice %arg12[%dma_start3A_460] : memref<6x!tpu.dma_semaphore, #tpu.memory_space<semaphore_mem>> -> memref<1x!tpu.dma_semaphore, #tpu.memory_space<semaphore_mem>>
    %dma_start3A_470 = tpu.memref_squeeze %dma_start3A_469 : memref<1x!tpu.dma_semaphore, #tpu.memory_space<semaphore_mem>> -> memref<!tpu.dma_semaphore, #tpu.memory_space<semaphore_mem>>
    tpu.enqueue_indirect_dma source(%dma_start3A_463 : memref<128xf32, #tpu.memory_space<vmem>>) target(%dma_start3A_468 : memref<10112xf32, #tpu.memory_space<vmem_shared>>) offsets(%dma_start3A_466 : memref<128xi32, #tpu.memory_space<vmem>>) semaphore(%dma_start3A_470 : memref<!tpu.dma_semaphore, #tpu.memory_space<semaphore_mem>>) {add = true}
    %dma_wait3A_471 = arith.constant 5 : i32
    %dma_wait3A_472 = arith.constant 71 : i32
    %dma_wait3A_473 = arith.constant 5 : i32
    %dma_wait3A_474 = arith.constant 0 : i32
    %dma_wait3A_475 = tpu.memref_slice %arg8[%dma_wait3A_471, %dma_wait3A_474] : memref<6x128xf32, #tpu.memory_space<vmem>> -> memref<1x128xf32, #tpu.memory_space<vmem>>
    %dma_wait3A_476 = tpu.memref_squeeze %dma_wait3A_475 : memref<1x128xf32, #tpu.memory_space<vmem>> -> memref<128xf32, #tpu.memory_space<vmem>>
    %dma_wait3A_477 = arith.constant 0 : i32
    %dma_wait3A_478 = tpu.memref_slice %arg7[%dma_wait3A_472, %dma_wait3A_477] : memref<79x128xi32, #tpu.memory_space<vmem>> -> memref<1x128xi32, #tpu.memory_space<vmem>>
    %dma_wait3A_479 = tpu.memref_squeeze %dma_wait3A_478 : memref<1x128xi32, #tpu.memory_space<vmem>> -> memref<128xi32, #tpu.memory_space<vmem>>
    %dma_wait3A_480 = arith.constant 0 : i32
    %dma_wait3A_481 = tpu.memref_slice %arg9[%dma_wait3A_480] : memref<10112xf32, #tpu.memory_space<vmem_shared>> -> memref<10112xf32, #tpu.memory_space<vmem_shared>>
    %dma_wait3A_482 = tpu.memref_slice %arg12[%dma_wait3A_473] : memref<6x!tpu.dma_semaphore, #tpu.memory_space<semaphore_mem>> -> memref<1x!tpu.dma_semaphore, #tpu.memory_space<semaphore_mem>>
    %dma_wait3A_483 = tpu.memref_squeeze %dma_wait3A_482 : memref<1x!tpu.dma_semaphore, #tpu.memory_space<semaphore_mem>> -> memref<!tpu.dma_semaphore, #tpu.memory_space<semaphore_mem>>
    tpu.wait_indirect_dma semaphore(%dma_wait3A_483 : memref<!tpu.dma_semaphore, #tpu.memory_space<semaphore_mem>>) src(%dma_wait3A_476 : memref<128xf32, #tpu.memory_space<vmem>>) dst(%dma_wait3A_481 : memref<10112xf32, #tpu.memory_space<vmem_shared>>)
    %dma_start3A_484 = arith.constant 77 : i32
    %dma_start3A_485 = arith.constant 5 : i32
    %dma_start3A_486 = arith.constant 5 : i32
    %dma_start3A_487 = arith.constant 0 : i32
    %dma_start3A_488 = tpu.memref_slice %arg8[%dma_start3A_485, %dma_start3A_487] : memref<6x128xf32, #tpu.memory_space<vmem>> -> memref<1x128xf32, #tpu.memory_space<vmem>>
    %dma_start3A_489 = tpu.memref_squeeze %dma_start3A_488 : memref<1x128xf32, #tpu.memory_space<vmem>> -> memref<128xf32, #tpu.memory_space<vmem>>
    %dma_start3A_490 = arith.constant 0 : i32
    %dma_start3A_491 = tpu.memref_slice %arg6[%dma_start3A_484, %dma_start3A_490] : memref<79x128xi32, #tpu.memory_space<vmem>> -> memref<1x128xi32, #tpu.memory_space<vmem>>
    %dma_start3A_492 = tpu.memref_squeeze %dma_start3A_491 : memref<1x128xi32, #tpu.memory_space<vmem>> -> memref<128xi32, #tpu.memory_space<vmem>>
    %dma_start3A_493 = arith.constant 0 : i32
    %dma_start3A_494 = tpu.memref_slice %arg10[%dma_start3A_493] : memref<10112xf32, #tpu.memory_space<vmem_shared>> -> memref<10112xf32, #tpu.memory_space<vmem_shared>>
    %dma_start3A_495 = tpu.memref_slice %arg11[%dma_start3A_486] : memref<6x!tpu.dma_semaphore, #tpu.memory_space<semaphore_mem>> -> memref<1x!tpu.dma_semaphore, #tpu.memory_space<semaphore_mem>>
    %dma_start3A_496 = tpu.memref_squeeze %dma_start3A_495 : memref<1x!tpu.dma_semaphore, #tpu.memory_space<semaphore_mem>> -> memref<!tpu.dma_semaphore, #tpu.memory_space<semaphore_mem>>
    tpu.enqueue_indirect_dma source(%dma_start3A_494 : memref<10112xf32, #tpu.memory_space<vmem_shared>>) target(%dma_start3A_489 : memref<128xf32, #tpu.memory_space<vmem>>) offsets(%dma_start3A_492 : memref<128xi32, #tpu.memory_space<vmem>>) semaphore(%dma_start3A_496 : memref<!tpu.dma_semaphore, #tpu.memory_space<semaphore_mem>>)
    %dma_wait3A_497 = arith.constant 75 : i32
    %dma_wait3A_498 = arith.constant 3 : i32
    %dma_wait3A_499 = arith.constant 3 : i32
    %dma_wait3A_500 = arith.constant 0 : i32
    %dma_wait3A_501 = tpu.memref_slice %arg8[%dma_wait3A_498, %dma_wait3A_500] : memref<6x128xf32, #tpu.memory_space<vmem>> -> memref<1x128xf32, #tpu.memory_space<vmem>>
    %dma_wait3A_502 = tpu.memref_squeeze %dma_wait3A_501 : memref<1x128xf32, #tpu.memory_space<vmem>> -> memref<128xf32, #tpu.memory_space<vmem>>
    %dma_wait3A_503 = arith.constant 0 : i32
    %dma_wait3A_504 = tpu.memref_slice %arg6[%dma_wait3A_497, %dma_wait3A_503] : memref<79x128xi32, #tpu.memory_space<vmem>> -> memref<1x128xi32, #tpu.memory_space<vmem>>
    %dma_wait3A_505 = tpu.memref_squeeze %dma_wait3A_504 : memref<1x128xi32, #tpu.memory_space<vmem>> -> memref<128xi32, #tpu.memory_space<vmem>>
    %dma_wait3A_506 = arith.constant 0 : i32
    %dma_wait3A_507 = tpu.memref_slice %arg10[%dma_wait3A_506] : memref<10112xf32, #tpu.memory_space<vmem_shared>> -> memref<10112xf32, #tpu.memory_space<vmem_shared>>
    %dma_wait3A_508 = tpu.memref_slice %arg11[%dma_wait3A_499] : memref<6x!tpu.dma_semaphore, #tpu.memory_space<semaphore_mem>> -> memref<1x!tpu.dma_semaphore, #tpu.memory_space<semaphore_mem>>
    %dma_wait3A_509 = tpu.memref_squeeze %dma_wait3A_508 : memref<1x!tpu.dma_semaphore, #tpu.memory_space<semaphore_mem>> -> memref<!tpu.dma_semaphore, #tpu.memory_space<semaphore_mem>>
    tpu.wait_indirect_dma semaphore(%dma_wait3A_509 : memref<!tpu.dma_semaphore, #tpu.memory_space<semaphore_mem>>) src(%dma_wait3A_507 : memref<10112xf32, #tpu.memory_space<vmem_shared>>) dst(%dma_wait3A_502 : memref<128xf32, #tpu.memory_space<vmem>>)
    %dma_start3A_510 = arith.constant 3 : i32
    %dma_start3A_511 = arith.constant 75 : i32
    %dma_start3A_512 = arith.constant 3 : i32
    %dma_start3A_513 = arith.constant 0 : i32
    %dma_start3A_514 = tpu.memref_slice %arg8[%dma_start3A_510, %dma_start3A_513] : memref<6x128xf32, #tpu.memory_space<vmem>> -> memref<1x128xf32, #tpu.memory_space<vmem>>
    %dma_start3A_515 = tpu.memref_squeeze %dma_start3A_514 : memref<1x128xf32, #tpu.memory_space<vmem>> -> memref<128xf32, #tpu.memory_space<vmem>>
    %dma_start3A_516 = arith.constant 0 : i32
    %dma_start3A_517 = tpu.memref_slice %arg7[%dma_start3A_511, %dma_start3A_516] : memref<79x128xi32, #tpu.memory_space<vmem>> -> memref<1x128xi32, #tpu.memory_space<vmem>>
    %dma_start3A_518 = tpu.memref_squeeze %dma_start3A_517 : memref<1x128xi32, #tpu.memory_space<vmem>> -> memref<128xi32, #tpu.memory_space<vmem>>
    %dma_start3A_519 = arith.constant 0 : i32
    %dma_start3A_520 = tpu.memref_slice %arg9[%dma_start3A_519] : memref<10112xf32, #tpu.memory_space<vmem_shared>> -> memref<10112xf32, #tpu.memory_space<vmem_shared>>
    %dma_start3A_521 = tpu.memref_slice %arg12[%dma_start3A_512] : memref<6x!tpu.dma_semaphore, #tpu.memory_space<semaphore_mem>> -> memref<1x!tpu.dma_semaphore, #tpu.memory_space<semaphore_mem>>
    %dma_start3A_522 = tpu.memref_squeeze %dma_start3A_521 : memref<1x!tpu.dma_semaphore, #tpu.memory_space<semaphore_mem>> -> memref<!tpu.dma_semaphore, #tpu.memory_space<semaphore_mem>>
    tpu.enqueue_indirect_dma source(%dma_start3A_515 : memref<128xf32, #tpu.memory_space<vmem>>) target(%dma_start3A_520 : memref<10112xf32, #tpu.memory_space<vmem_shared>>) offsets(%dma_start3A_518 : memref<128xi32, #tpu.memory_space<vmem>>) semaphore(%dma_start3A_522 : memref<!tpu.dma_semaphore, #tpu.memory_space<semaphore_mem>>) {add = true}
    %dma_wait3A_523 = arith.constant 76 : i32
    %dma_wait3A_524 = arith.constant 4 : i32
    %dma_wait3A_525 = arith.constant 4 : i32
    %dma_wait3A_526 = arith.constant 0 : i32
    %dma_wait3A_527 = tpu.memref_slice %arg8[%dma_wait3A_524, %dma_wait3A_526] : memref<6x128xf32, #tpu.memory_space<vmem>> -> memref<1x128xf32, #tpu.memory_space<vmem>>
    %dma_wait3A_528 = tpu.memref_squeeze %dma_wait3A_527 : memref<1x128xf32, #tpu.memory_space<vmem>> -> memref<128xf32, #tpu.memory_space<vmem>>
    %dma_wait3A_529 = arith.constant 0 : i32
    %dma_wait3A_530 = tpu.memref_slice %arg6[%dma_wait3A_523, %dma_wait3A_529] : memref<79x128xi32, #tpu.memory_space<vmem>> -> memref<1x128xi32, #tpu.memory_space<vmem>>
    %dma_wait3A_531 = tpu.memref_squeeze %dma_wait3A_530 : memref<1x128xi32, #tpu.memory_space<vmem>> -> memref<128xi32, #tpu.memory_space<vmem>>
    %dma_wait3A_532 = arith.constant 0 : i32
    %dma_wait3A_533 = tpu.memref_slice %arg10[%dma_wait3A_532] : memref<10112xf32, #tpu.memory_space<vmem_shared>> -> memref<10112xf32, #tpu.memory_space<vmem_shared>>
    %dma_wait3A_534 = tpu.memref_slice %arg11[%dma_wait3A_525] : memref<6x!tpu.dma_semaphore, #tpu.memory_space<semaphore_mem>> -> memref<1x!tpu.dma_semaphore, #tpu.memory_space<semaphore_mem>>
    %dma_wait3A_535 = tpu.memref_squeeze %dma_wait3A_534 : memref<1x!tpu.dma_semaphore, #tpu.memory_space<semaphore_mem>> -> memref<!tpu.dma_semaphore, #tpu.memory_space<semaphore_mem>>
    tpu.wait_indirect_dma semaphore(%dma_wait3A_535 : memref<!tpu.dma_semaphore, #tpu.memory_space<semaphore_mem>>) src(%dma_wait3A_533 : memref<10112xf32, #tpu.memory_space<vmem_shared>>) dst(%dma_wait3A_528 : memref<128xf32, #tpu.memory_space<vmem>>)
    %dma_start3A_536 = arith.constant 4 : i32
    %dma_start3A_537 = arith.constant 76 : i32
    %dma_start3A_538 = arith.constant 4 : i32
    %dma_start3A_539 = arith.constant 0 : i32
    %dma_start3A_540 = tpu.memref_slice %arg8[%dma_start3A_536, %dma_start3A_539] : memref<6x128xf32, #tpu.memory_space<vmem>> -> memref<1x128xf32, #tpu.memory_space<vmem>>
    %dma_start3A_541 = tpu.memref_squeeze %dma_start3A_540 : memref<1x128xf32, #tpu.memory_space<vmem>> -> memref<128xf32, #tpu.memory_space<vmem>>
    %dma_start3A_542 = arith.constant 0 : i32
    %dma_start3A_543 = tpu.memref_slice %arg7[%dma_start3A_537, %dma_start3A_542] : memref<79x128xi32, #tpu.memory_space<vmem>> -> memref<1x128xi32, #tpu.memory_space<vmem>>
    %dma_start3A_544 = tpu.memref_squeeze %dma_start3A_543 : memref<1x128xi32, #tpu.memory_space<vmem>> -> memref<128xi32, #tpu.memory_space<vmem>>
    %dma_start3A_545 = arith.constant 0 : i32
    %dma_start3A_546 = tpu.memref_slice %arg9[%dma_start3A_545] : memref<10112xf32, #tpu.memory_space<vmem_shared>> -> memref<10112xf32, #tpu.memory_space<vmem_shared>>
    %dma_start3A_547 = tpu.memref_slice %arg12[%dma_start3A_538] : memref<6x!tpu.dma_semaphore, #tpu.memory_space<semaphore_mem>> -> memref<1x!tpu.dma_semaphore, #tpu.memory_space<semaphore_mem>>
    %dma_start3A_548 = tpu.memref_squeeze %dma_start3A_547 : memref<1x!tpu.dma_semaphore, #tpu.memory_space<semaphore_mem>> -> memref<!tpu.dma_semaphore, #tpu.memory_space<semaphore_mem>>
    tpu.enqueue_indirect_dma source(%dma_start3A_541 : memref<128xf32, #tpu.memory_space<vmem>>) target(%dma_start3A_546 : memref<10112xf32, #tpu.memory_space<vmem_shared>>) offsets(%dma_start3A_544 : memref<128xi32, #tpu.memory_space<vmem>>) semaphore(%dma_start3A_548 : memref<!tpu.dma_semaphore, #tpu.memory_space<semaphore_mem>>) {add = true}
    %dma_wait3A_549 = arith.constant 77 : i32
    %dma_wait3A_550 = arith.constant 5 : i32
    %dma_wait3A_551 = arith.constant 5 : i32
    %dma_wait3A_552 = arith.constant 0 : i32
    %dma_wait3A_553 = tpu.memref_slice %arg8[%dma_wait3A_550, %dma_wait3A_552] : memref<6x128xf32, #tpu.memory_space<vmem>> -> memref<1x128xf32, #tpu.memory_space<vmem>>
    %dma_wait3A_554 = tpu.memref_squeeze %dma_wait3A_553 : memref<1x128xf32, #tpu.memory_space<vmem>> -> memref<128xf32, #tpu.memory_space<vmem>>
    %dma_wait3A_555 = arith.constant 0 : i32
    %dma_wait3A_556 = tpu.memref_slice %arg6[%dma_wait3A_549, %dma_wait3A_555] : memref<79x128xi32, #tpu.memory_space<vmem>> -> memref<1x128xi32, #tpu.memory_space<vmem>>
    %dma_wait3A_557 = tpu.memref_squeeze %dma_wait3A_556 : memref<1x128xi32, #tpu.memory_space<vmem>> -> memref<128xi32, #tpu.memory_space<vmem>>
    %dma_wait3A_558 = arith.constant 0 : i32
    %dma_wait3A_559 = tpu.memref_slice %arg10[%dma_wait3A_558] : memref<10112xf32, #tpu.memory_space<vmem_shared>> -> memref<10112xf32, #tpu.memory_space<vmem_shared>>
    %dma_wait3A_560 = tpu.memref_slice %arg11[%dma_wait3A_551] : memref<6x!tpu.dma_semaphore, #tpu.memory_space<semaphore_mem>> -> memref<1x!tpu.dma_semaphore, #tpu.memory_space<semaphore_mem>>
    %dma_wait3A_561 = tpu.memref_squeeze %dma_wait3A_560 : memref<1x!tpu.dma_semaphore, #tpu.memory_space<semaphore_mem>> -> memref<!tpu.dma_semaphore, #tpu.memory_space<semaphore_mem>>
    tpu.wait_indirect_dma semaphore(%dma_wait3A_561 : memref<!tpu.dma_semaphore, #tpu.memory_space<semaphore_mem>>) src(%dma_wait3A_559 : memref<10112xf32, #tpu.memory_space<vmem_shared>>) dst(%dma_wait3A_554 : memref<128xf32, #tpu.memory_space<vmem>>)
    %dma_start3A_562 = arith.constant 5 : i32
    %dma_start3A_563 = arith.constant 77 : i32
    %dma_start3A_564 = arith.constant 5 : i32
    %dma_start3A_565 = arith.constant 0 : i32
    %dma_start3A_566 = tpu.memref_slice %arg8[%dma_start3A_562, %dma_start3A_565] : memref<6x128xf32, #tpu.memory_space<vmem>> -> memref<1x128xf32, #tpu.memory_space<vmem>>
    %dma_start3A_567 = tpu.memref_squeeze %dma_start3A_566 : memref<1x128xf32, #tpu.memory_space<vmem>> -> memref<128xf32, #tpu.memory_space<vmem>>
    %dma_start3A_568 = arith.constant 0 : i32
    %dma_start3A_569 = tpu.memref_slice %arg7[%dma_start3A_563, %dma_start3A_568] : memref<79x128xi32, #tpu.memory_space<vmem>> -> memref<1x128xi32, #tpu.memory_space<vmem>>
    %dma_start3A_570 = tpu.memref_squeeze %dma_start3A_569 : memref<1x128xi32, #tpu.memory_space<vmem>> -> memref<128xi32, #tpu.memory_space<vmem>>
    %dma_start3A_571 = arith.constant 0 : i32
    %dma_start3A_572 = tpu.memref_slice %arg9[%dma_start3A_571] : memref<10112xf32, #tpu.memory_space<vmem_shared>> -> memref<10112xf32, #tpu.memory_space<vmem_shared>>
    %dma_start3A_573 = tpu.memref_slice %arg12[%dma_start3A_564] : memref<6x!tpu.dma_semaphore, #tpu.memory_space<semaphore_mem>> -> memref<1x!tpu.dma_semaphore, #tpu.memory_space<semaphore_mem>>
    %dma_start3A_574 = tpu.memref_squeeze %dma_start3A_573 : memref<1x!tpu.dma_semaphore, #tpu.memory_space<semaphore_mem>> -> memref<!tpu.dma_semaphore, #tpu.memory_space<semaphore_mem>>
    tpu.enqueue_indirect_dma source(%dma_start3A_567 : memref<128xf32, #tpu.memory_space<vmem>>) target(%dma_start3A_572 : memref<10112xf32, #tpu.memory_space<vmem_shared>>) offsets(%dma_start3A_570 : memref<128xi32, #tpu.memory_space<vmem>>) semaphore(%dma_start3A_574 : memref<!tpu.dma_semaphore, #tpu.memory_space<semaphore_mem>>) {add = true}
    %dma_wait3A_575 = arith.constant 0 : i32
    %dma_wait3A_576 = arith.constant 72 : i32
    %dma_wait3A_577 = arith.constant 0 : i32
    %dma_wait3A_578 = arith.constant 0 : i32
    %dma_wait3A_579 = tpu.memref_slice %arg8[%dma_wait3A_575, %dma_wait3A_578] : memref<6x128xf32, #tpu.memory_space<vmem>> -> memref<1x128xf32, #tpu.memory_space<vmem>>
    %dma_wait3A_580 = tpu.memref_squeeze %dma_wait3A_579 : memref<1x128xf32, #tpu.memory_space<vmem>> -> memref<128xf32, #tpu.memory_space<vmem>>
    %dma_wait3A_581 = arith.constant 0 : i32
    %dma_wait3A_582 = tpu.memref_slice %arg7[%dma_wait3A_576, %dma_wait3A_581] : memref<79x128xi32, #tpu.memory_space<vmem>> -> memref<1x128xi32, #tpu.memory_space<vmem>>
    %dma_wait3A_583 = tpu.memref_squeeze %dma_wait3A_582 : memref<1x128xi32, #tpu.memory_space<vmem>> -> memref<128xi32, #tpu.memory_space<vmem>>
    %dma_wait3A_584 = arith.constant 0 : i32
    %dma_wait3A_585 = tpu.memref_slice %arg9[%dma_wait3A_584] : memref<10112xf32, #tpu.memory_space<vmem_shared>> -> memref<10112xf32, #tpu.memory_space<vmem_shared>>
    %dma_wait3A_586 = tpu.memref_slice %arg12[%dma_wait3A_577] : memref<6x!tpu.dma_semaphore, #tpu.memory_space<semaphore_mem>> -> memref<1x!tpu.dma_semaphore, #tpu.memory_space<semaphore_mem>>
    %dma_wait3A_587 = tpu.memref_squeeze %dma_wait3A_586 : memref<1x!tpu.dma_semaphore, #tpu.memory_space<semaphore_mem>> -> memref<!tpu.dma_semaphore, #tpu.memory_space<semaphore_mem>>
    tpu.wait_indirect_dma semaphore(%dma_wait3A_587 : memref<!tpu.dma_semaphore, #tpu.memory_space<semaphore_mem>>) src(%dma_wait3A_580 : memref<128xf32, #tpu.memory_space<vmem>>) dst(%dma_wait3A_585 : memref<10112xf32, #tpu.memory_space<vmem_shared>>)
    %dma_wait3A_588 = arith.constant 1 : i32
    %dma_wait3A_589 = arith.constant 73 : i32
    %dma_wait3A_590 = arith.constant 1 : i32
    %dma_wait3A_591 = arith.constant 0 : i32
    %dma_wait3A_592 = tpu.memref_slice %arg8[%dma_wait3A_588, %dma_wait3A_591] : memref<6x128xf32, #tpu.memory_space<vmem>> -> memref<1x128xf32, #tpu.memory_space<vmem>>
    %dma_wait3A_593 = tpu.memref_squeeze %dma_wait3A_592 : memref<1x128xf32, #tpu.memory_space<vmem>> -> memref<128xf32, #tpu.memory_space<vmem>>
    %dma_wait3A_594 = arith.constant 0 : i32
    %dma_wait3A_595 = tpu.memref_slice %arg7[%dma_wait3A_589, %dma_wait3A_594] : memref<79x128xi32, #tpu.memory_space<vmem>> -> memref<1x128xi32, #tpu.memory_space<vmem>>
    %dma_wait3A_596 = tpu.memref_squeeze %dma_wait3A_595 : memref<1x128xi32, #tpu.memory_space<vmem>> -> memref<128xi32, #tpu.memory_space<vmem>>
    %dma_wait3A_597 = arith.constant 0 : i32
    %dma_wait3A_598 = tpu.memref_slice %arg9[%dma_wait3A_597] : memref<10112xf32, #tpu.memory_space<vmem_shared>> -> memref<10112xf32, #tpu.memory_space<vmem_shared>>
    %dma_wait3A_599 = tpu.memref_slice %arg12[%dma_wait3A_590] : memref<6x!tpu.dma_semaphore, #tpu.memory_space<semaphore_mem>> -> memref<1x!tpu.dma_semaphore, #tpu.memory_space<semaphore_mem>>
    %dma_wait3A_600 = tpu.memref_squeeze %dma_wait3A_599 : memref<1x!tpu.dma_semaphore, #tpu.memory_space<semaphore_mem>> -> memref<!tpu.dma_semaphore, #tpu.memory_space<semaphore_mem>>
    tpu.wait_indirect_dma semaphore(%dma_wait3A_600 : memref<!tpu.dma_semaphore, #tpu.memory_space<semaphore_mem>>) src(%dma_wait3A_593 : memref<128xf32, #tpu.memory_space<vmem>>) dst(%dma_wait3A_598 : memref<10112xf32, #tpu.memory_space<vmem_shared>>)
    %dma_wait3A_601 = arith.constant 2 : i32
    %dma_wait3A_602 = arith.constant 74 : i32
    %dma_wait3A_603 = arith.constant 2 : i32
    %dma_wait3A_604 = arith.constant 0 : i32
    %dma_wait3A_605 = tpu.memref_slice %arg8[%dma_wait3A_601, %dma_wait3A_604] : memref<6x128xf32, #tpu.memory_space<vmem>> -> memref<1x128xf32, #tpu.memory_space<vmem>>
    %dma_wait3A_606 = tpu.memref_squeeze %dma_wait3A_605 : memref<1x128xf32, #tpu.memory_space<vmem>> -> memref<128xf32, #tpu.memory_space<vmem>>
    %dma_wait3A_607 = arith.constant 0 : i32
    %dma_wait3A_608 = tpu.memref_slice %arg7[%dma_wait3A_602, %dma_wait3A_607] : memref<79x128xi32, #tpu.memory_space<vmem>> -> memref<1x128xi32, #tpu.memory_space<vmem>>
    %dma_wait3A_609 = tpu.memref_squeeze %dma_wait3A_608 : memref<1x128xi32, #tpu.memory_space<vmem>> -> memref<128xi32, #tpu.memory_space<vmem>>
    %dma_wait3A_610 = arith.constant 0 : i32
    %dma_wait3A_611 = tpu.memref_slice %arg9[%dma_wait3A_610] : memref<10112xf32, #tpu.memory_space<vmem_shared>> -> memref<10112xf32, #tpu.memory_space<vmem_shared>>
    %dma_wait3A_612 = tpu.memref_slice %arg12[%dma_wait3A_603] : memref<6x!tpu.dma_semaphore, #tpu.memory_space<semaphore_mem>> -> memref<1x!tpu.dma_semaphore, #tpu.memory_space<semaphore_mem>>
    %dma_wait3A_613 = tpu.memref_squeeze %dma_wait3A_612 : memref<1x!tpu.dma_semaphore, #tpu.memory_space<semaphore_mem>> -> memref<!tpu.dma_semaphore, #tpu.memory_space<semaphore_mem>>
    tpu.wait_indirect_dma semaphore(%dma_wait3A_613 : memref<!tpu.dma_semaphore, #tpu.memory_space<semaphore_mem>>) src(%dma_wait3A_606 : memref<128xf32, #tpu.memory_space<vmem>>) dst(%dma_wait3A_611 : memref<10112xf32, #tpu.memory_space<vmem_shared>>)
    %dma_wait3A_614 = arith.constant 3 : i32
    %dma_wait3A_615 = arith.constant 75 : i32
    %dma_wait3A_616 = arith.constant 3 : i32
    %dma_wait3A_617 = arith.constant 0 : i32
    %dma_wait3A_618 = tpu.memref_slice %arg8[%dma_wait3A_614, %dma_wait3A_617] : memref<6x128xf32, #tpu.memory_space<vmem>> -> memref<1x128xf32, #tpu.memory_space<vmem>>
    %dma_wait3A_619 = tpu.memref_squeeze %dma_wait3A_618 : memref<1x128xf32, #tpu.memory_space<vmem>> -> memref<128xf32, #tpu.memory_space<vmem>>
    %dma_wait3A_620 = arith.constant 0 : i32
    %dma_wait3A_621 = tpu.memref_slice %arg7[%dma_wait3A_615, %dma_wait3A_620] : memref<79x128xi32, #tpu.memory_space<vmem>> -> memref<1x128xi32, #tpu.memory_space<vmem>>
    %dma_wait3A_622 = tpu.memref_squeeze %dma_wait3A_621 : memref<1x128xi32, #tpu.memory_space<vmem>> -> memref<128xi32, #tpu.memory_space<vmem>>
    %dma_wait3A_623 = arith.constant 0 : i32
    %dma_wait3A_624 = tpu.memref_slice %arg9[%dma_wait3A_623] : memref<10112xf32, #tpu.memory_space<vmem_shared>> -> memref<10112xf32, #tpu.memory_space<vmem_shared>>
    %dma_wait3A_625 = tpu.memref_slice %arg12[%dma_wait3A_616] : memref<6x!tpu.dma_semaphore, #tpu.memory_space<semaphore_mem>> -> memref<1x!tpu.dma_semaphore, #tpu.memory_space<semaphore_mem>>
    %dma_wait3A_626 = tpu.memref_squeeze %dma_wait3A_625 : memref<1x!tpu.dma_semaphore, #tpu.memory_space<semaphore_mem>> -> memref<!tpu.dma_semaphore, #tpu.memory_space<semaphore_mem>>
    tpu.wait_indirect_dma semaphore(%dma_wait3A_626 : memref<!tpu.dma_semaphore, #tpu.memory_space<semaphore_mem>>) src(%dma_wait3A_619 : memref<128xf32, #tpu.memory_space<vmem>>) dst(%dma_wait3A_624 : memref<10112xf32, #tpu.memory_space<vmem_shared>>)
    %dma_wait3A_627 = arith.constant 4 : i32
    %dma_wait3A_628 = arith.constant 76 : i32
    %dma_wait3A_629 = arith.constant 4 : i32
    %dma_wait3A_630 = arith.constant 0 : i32
    %dma_wait3A_631 = tpu.memref_slice %arg8[%dma_wait3A_627, %dma_wait3A_630] : memref<6x128xf32, #tpu.memory_space<vmem>> -> memref<1x128xf32, #tpu.memory_space<vmem>>
    %dma_wait3A_632 = tpu.memref_squeeze %dma_wait3A_631 : memref<1x128xf32, #tpu.memory_space<vmem>> -> memref<128xf32, #tpu.memory_space<vmem>>
    %dma_wait3A_633 = arith.constant 0 : i32
    %dma_wait3A_634 = tpu.memref_slice %arg7[%dma_wait3A_628, %dma_wait3A_633] : memref<79x128xi32, #tpu.memory_space<vmem>> -> memref<1x128xi32, #tpu.memory_space<vmem>>
    %dma_wait3A_635 = tpu.memref_squeeze %dma_wait3A_634 : memref<1x128xi32, #tpu.memory_space<vmem>> -> memref<128xi32, #tpu.memory_space<vmem>>
    %dma_wait3A_636 = arith.constant 0 : i32
    %dma_wait3A_637 = tpu.memref_slice %arg9[%dma_wait3A_636] : memref<10112xf32, #tpu.memory_space<vmem_shared>> -> memref<10112xf32, #tpu.memory_space<vmem_shared>>
    %dma_wait3A_638 = tpu.memref_slice %arg12[%dma_wait3A_629] : memref<6x!tpu.dma_semaphore, #tpu.memory_space<semaphore_mem>> -> memref<1x!tpu.dma_semaphore, #tpu.memory_space<semaphore_mem>>
    %dma_wait3A_639 = tpu.memref_squeeze %dma_wait3A_638 : memref<1x!tpu.dma_semaphore, #tpu.memory_space<semaphore_mem>> -> memref<!tpu.dma_semaphore, #tpu.memory_space<semaphore_mem>>
    tpu.wait_indirect_dma semaphore(%dma_wait3A_639 : memref<!tpu.dma_semaphore, #tpu.memory_space<semaphore_mem>>) src(%dma_wait3A_632 : memref<128xf32, #tpu.memory_space<vmem>>) dst(%dma_wait3A_637 : memref<10112xf32, #tpu.memory_space<vmem_shared>>)
    %dma_wait3A_640 = arith.constant 5 : i32
    %dma_wait3A_641 = arith.constant 77 : i32
    %dma_wait3A_642 = arith.constant 5 : i32
    %dma_wait3A_643 = arith.constant 0 : i32
    %dma_wait3A_644 = tpu.memref_slice %arg8[%dma_wait3A_640, %dma_wait3A_643] : memref<6x128xf32, #tpu.memory_space<vmem>> -> memref<1x128xf32, #tpu.memory_space<vmem>>
    %dma_wait3A_645 = tpu.memref_squeeze %dma_wait3A_644 : memref<1x128xf32, #tpu.memory_space<vmem>> -> memref<128xf32, #tpu.memory_space<vmem>>
    %dma_wait3A_646 = arith.constant 0 : i32
    %dma_wait3A_647 = tpu.memref_slice %arg7[%dma_wait3A_641, %dma_wait3A_646] : memref<79x128xi32, #tpu.memory_space<vmem>> -> memref<1x128xi32, #tpu.memory_space<vmem>>
    %dma_wait3A_648 = tpu.memref_squeeze %dma_wait3A_647 : memref<1x128xi32, #tpu.memory_space<vmem>> -> memref<128xi32, #tpu.memory_space<vmem>>
    %dma_wait3A_649 = arith.constant 0 : i32
    %dma_wait3A_650 = tpu.memref_slice %arg9[%dma_wait3A_649] : memref<10112xf32, #tpu.memory_space<vmem_shared>> -> memref<10112xf32, #tpu.memory_space<vmem_shared>>
    %dma_wait3A_651 = tpu.memref_slice %arg12[%dma_wait3A_642] : memref<6x!tpu.dma_semaphore, #tpu.memory_space<semaphore_mem>> -> memref<1x!tpu.dma_semaphore, #tpu.memory_space<semaphore_mem>>
    %dma_wait3A_652 = tpu.memref_squeeze %dma_wait3A_651 : memref<1x!tpu.dma_semaphore, #tpu.memory_space<semaphore_mem>> -> memref<!tpu.dma_semaphore, #tpu.memory_space<semaphore_mem>>
    tpu.wait_indirect_dma semaphore(%dma_wait3A_652 : memref<!tpu.dma_semaphore, #tpu.memory_space<semaphore_mem>>) src(%dma_wait3A_645 : memref<128xf32, #tpu.memory_space<vmem>>) dst(%dma_wait3A_650 : memref<10112xf32, #tpu.memory_space<vmem_shared>>)
    %lt3A_653 = arith.constant 4 : i32
    %lt3A_654 = arith.cmpi slt, %add3A, %lt3A_653 : i32
    %convert_element_type3A_655 = arith.extui %lt3A_654 : i1 to i32
    %cond3A_656 = arith.constant 0 : i32
    %cond3A_657 = arith.cmpi ne, %convert_element_type3A_655, %cond3A_656 : i32
    scf.if %cond3A_657 {
      %run_scoped3A_666 = arith.constant 78 : i32
      %run_scoped3A_667 = arith.constant 0 : i32
      "tpu.region"() ({
        %run_scoped3A_670 = tpu.sem_alloc : memref<!tpu.dma_semaphore, #tpu.memory_space<semaphore_mem>>
        %dma_start3A_671 = arith.constant 0 : i32
        %dma_start3A_672 = tpu.memref_slice %arg8[%run_scoped3A_667, %dma_start3A_671] : memref<6x128xf32, #tpu.memory_space<vmem>> -> memref<1x128xf32, #tpu.memory_space<vmem>>
        %dma_start3A_673 = tpu.memref_squeeze %dma_start3A_672 : memref<1x128xf32, #tpu.memory_space<vmem>> -> memref<128xf32, #tpu.memory_space<vmem>>
        %dma_start3A_674 = arith.constant 0 : i32
        %dma_start3A_675 = tpu.memref_slice %arg6[%run_scoped3A_666, %dma_start3A_674] : memref<79x128xi32, #tpu.memory_space<vmem>> -> memref<1x128xi32, #tpu.memory_space<vmem>>
        %dma_start3A_676 = tpu.memref_squeeze %dma_start3A_675 : memref<1x128xi32, #tpu.memory_space<vmem>> -> memref<128xi32, #tpu.memory_space<vmem>>
        %dma_start3A_677 = arith.constant 0 : i32
        %dma_start3A_678 = tpu.memref_slice %arg10[%dma_start3A_677] : memref<10112xf32, #tpu.memory_space<vmem_shared>> -> memref<10112xf32, #tpu.memory_space<vmem_shared>>
        tpu.enqueue_indirect_dma source(%dma_start3A_678 : memref<10112xf32, #tpu.memory_space<vmem_shared>>) target(%dma_start3A_673 : memref<128xf32, #tpu.memory_space<vmem>>) offsets(%dma_start3A_676 : memref<128xi32, #tpu.memory_space<vmem>>) semaphore(%run_scoped3A_670 : memref<!tpu.dma_semaphore, #tpu.memory_space<semaphore_mem>>)
        %dma_wait3A_679 = arith.constant 0 : i32
        %dma_wait3A_680 = tpu.memref_slice %arg8[%run_scoped3A_667, %dma_wait3A_679] : memref<6x128xf32, #tpu.memory_space<vmem>> -> memref<1x128xf32, #tpu.memory_space<vmem>>
        %dma_wait3A_681 = tpu.memref_squeeze %dma_wait3A_680 : memref<1x128xf32, #tpu.memory_space<vmem>> -> memref<128xf32, #tpu.memory_space<vmem>>
        %dma_wait3A_682 = arith.constant 0 : i32
        %dma_wait3A_683 = tpu.memref_slice %arg6[%run_scoped3A_666, %dma_wait3A_682] : memref<79x128xi32, #tpu.memory_space<vmem>> -> memref<1x128xi32, #tpu.memory_space<vmem>>
        %dma_wait3A_684 = tpu.memref_squeeze %dma_wait3A_683 : memref<1x128xi32, #tpu.memory_space<vmem>> -> memref<128xi32, #tpu.memory_space<vmem>>
        %dma_wait3A_685 = arith.constant 0 : i32
        %dma_wait3A_686 = tpu.memref_slice %arg10[%dma_wait3A_685] : memref<10112xf32, #tpu.memory_space<vmem_shared>> -> memref<10112xf32, #tpu.memory_space<vmem_shared>>
        tpu.wait_indirect_dma semaphore(%run_scoped3A_670 : memref<!tpu.dma_semaphore, #tpu.memory_space<semaphore_mem>>) src(%dma_wait3A_686 : memref<10112xf32, #tpu.memory_space<vmem_shared>>) dst(%dma_wait3A_681 : memref<128xf32, #tpu.memory_space<vmem>>)
        tpu.yield
      }) : () -> ()
      %run_scoped3A_668 = arith.constant 0 : i32
      %run_scoped3A_669 = arith.constant 78 : i32
      "tpu.region"() ({
        %run_scoped3A_670 = tpu.sem_alloc : memref<!tpu.dma_semaphore, #tpu.memory_space<semaphore_mem>>
        %dma_start3A_671 = arith.constant 0 : i32
        %dma_start3A_672 = tpu.memref_slice %arg8[%run_scoped3A_668, %dma_start3A_671] : memref<6x128xf32, #tpu.memory_space<vmem>> -> memref<1x128xf32, #tpu.memory_space<vmem>>
        %dma_start3A_673 = tpu.memref_squeeze %dma_start3A_672 : memref<1x128xf32, #tpu.memory_space<vmem>> -> memref<128xf32, #tpu.memory_space<vmem>>
        %dma_start3A_674 = arith.constant 0 : i32
        %dma_start3A_675 = tpu.memref_slice %arg7[%run_scoped3A_669, %dma_start3A_674] : memref<79x128xi32, #tpu.memory_space<vmem>> -> memref<1x128xi32, #tpu.memory_space<vmem>>
        %dma_start3A_676 = tpu.memref_squeeze %dma_start3A_675 : memref<1x128xi32, #tpu.memory_space<vmem>> -> memref<128xi32, #tpu.memory_space<vmem>>
        %dma_start3A_677 = arith.constant 0 : i32
        %dma_start3A_678 = tpu.memref_slice %arg9[%dma_start3A_677] : memref<10112xf32, #tpu.memory_space<vmem_shared>> -> memref<10112xf32, #tpu.memory_space<vmem_shared>>
        tpu.enqueue_indirect_dma source(%dma_start3A_673 : memref<128xf32, #tpu.memory_space<vmem>>) target(%dma_start3A_678 : memref<10112xf32, #tpu.memory_space<vmem_shared>>) offsets(%dma_start3A_676 : memref<128xi32, #tpu.memory_space<vmem>>) semaphore(%run_scoped3A_670 : memref<!tpu.dma_semaphore, #tpu.memory_space<semaphore_mem>>) {add = true}
        %dma_wait3A_679 = arith.constant 0 : i32
        %dma_wait3A_680 = tpu.memref_slice %arg8[%run_scoped3A_668, %dma_wait3A_679] : memref<6x128xf32, #tpu.memory_space<vmem>> -> memref<1x128xf32, #tpu.memory_space<vmem>>
        %dma_wait3A_681 = tpu.memref_squeeze %dma_wait3A_680 : memref<1x128xf32, #tpu.memory_space<vmem>> -> memref<128xf32, #tpu.memory_space<vmem>>
        %dma_wait3A_682 = arith.constant 0 : i32
        %dma_wait3A_683 = tpu.memref_slice %arg7[%run_scoped3A_669, %dma_wait3A_682] : memref<79x128xi32, #tpu.memory_space<vmem>> -> memref<1x128xi32, #tpu.memory_space<vmem>>
        %dma_wait3A_684 = tpu.memref_squeeze %dma_wait3A_683 : memref<1x128xi32, #tpu.memory_space<vmem>> -> memref<128xi32, #tpu.memory_space<vmem>>
        %dma_wait3A_685 = arith.constant 0 : i32
        %dma_wait3A_686 = tpu.memref_slice %arg9[%dma_wait3A_685] : memref<10112xf32, #tpu.memory_space<vmem_shared>> -> memref<10112xf32, #tpu.memory_space<vmem_shared>>
        tpu.wait_indirect_dma semaphore(%run_scoped3A_670 : memref<!tpu.dma_semaphore, #tpu.memory_space<semaphore_mem>>) src(%dma_wait3A_681 : memref<128xf32, #tpu.memory_space<vmem>>) dst(%dma_wait3A_686 : memref<10112xf32, #tpu.memory_space<vmem_shared>>)
        tpu.yield
      }) : () -> ()
    } else {
    }
    %barrier3A_658 = arith.constant 0 : index
    tpu.barrier barrier_id(%barrier3A_658)
    %mul3A_659 = arith.constant 632 : i32
    %mul3A_660 = arith.muli %arg1, %mul3A_659 : i32
    %mul3A_661 = arith.constant 10112 : i32
    %mul3A_662 = arith.muli %arg0, %mul3A_661 : i32
    %mul3A_663 = arith.constant 632 : i32
    %mul3A_664 = arith.muli %arg1, %mul3A_663 : i32
    %add3A_665 = arith.addi %mul3A_662, %mul3A_664 : i32
    "tpu.region"() ({
      %run_scoped3A_666 = tpu.sem_alloc : memref<!tpu.dma_semaphore, #tpu.memory_space<semaphore_mem>>
      %dma_start3A_667 = tpu.memref_slice %arg5[%add3A_665] : memref<20224xf32, #tpu.memory_space<hbm>> -> memref<632xf32, #tpu.memory_space<hbm>>
      %dma_start3A_668 = tpu.memref_slice %arg9[%mul3A_660] : memref<10112xf32, #tpu.memory_space<vmem_shared>> -> memref<632xf32, #tpu.memory_space<vmem_shared>>
      tpu.enqueue_dma source(%dma_start3A_668 : memref<632xf32, #tpu.memory_space<vmem_shared>>) target(%dma_start3A_667 : memref<632xf32, #tpu.memory_space<hbm>>) target_semaphore(%run_scoped3A_666 : memref<!tpu.dma_semaphore, #tpu.memory_space<semaphore_mem>>)
      %dma_wait3A_669 = tpu.memref_slice %arg5[%add3A_665] : memref<20224xf32, #tpu.memory_space<hbm>> -> memref<632xf32, #tpu.memory_space<hbm>>
      %dma_wait3A_670 = tpu.memref_slice %arg9[%mul3A_660] : memref<10112xf32, #tpu.memory_space<vmem_shared>> -> memref<632xf32, #tpu.memory_space<vmem_shared>>
      tpu.wait_dma2 semaphore(%run_scoped3A_666 : memref<!tpu.dma_semaphore, #tpu.memory_space<semaphore_mem>>) src(%dma_wait3A_670 : memref<632xf32, #tpu.memory_space<vmem_shared>>) dst(%dma_wait3A_669 : memref<632xf32, #tpu.memory_space<hbm>>)
      tpu.yield
    }) : () -> ()
    return
  }
}

module attributes {stable_mosaic.version = 14 : i64} {
  func.func @_tca_body(%arg0: memref<10000x128xf32, #tpu.memory_space<vmem>>, %arg1: memref<128x16xf32, #tpu.memory_space<vmem>>, %arg2: memref<10000x16xf32, #tpu.memory_space<vmem>>) attributes {dimension_semantics = [], scalar_prefetch = 0 : i64, scratch_operands = 0 : i64, tpu.core_type = #tpu.core_type<tc>} {
    %get3A = arith.constant 0 : index
    %get3A_0 = arith.constant 0 : index
    %get3A_1 = vector.load %arg0[%get3A, %get3A_0] : memref<10000x128xf32, #tpu.memory_space<vmem>>, vector<10000x128xf32>
    %get3A_2 = arith.constant 0 : index
    %get3A_3 = arith.constant 0 : index
    %get3A_4 = vector.load %arg1[%get3A_2, %get3A_3] : memref<128x16xf32, #tpu.memory_space<vmem>>, vector<128x16xf32>
    %dot_general3A = arith.constant dense<0.000000e+00> : vector<10000x16xf32>
    %dot_general3A_5 = tpu.matmul %get3A_1, %get3A_4, %dot_general3A {dimension_numbers = #tpu.dot_dimension_numbers<[1], [0], [0], [1], [0, 0, 1, 1], [], []>, transpose_lhs_hint = false} : vector<10000x128xf32>, vector<128x16xf32>, vector<10000x16xf32> -> vector<10000x16xf32>
    %swap3A = arith.constant 0 : index
    %swap3A_6 = arith.constant 0 : index
    %swap3A_7 = vector.load %arg2[%swap3A, %swap3A_6] : memref<10000x16xf32, #tpu.memory_space<vmem>>, vector<10000x16xf32>
    tpu.vector_store %arg2[%swap3A, %swap3A_6], %dot_general3A_5 {strides = array<i32>} : memref<10000x16xf32, #tpu.memory_space<vmem>>, vector<10000x16xf32>,
    return
  }
}

module attributes {stable_mosaic.version = 14 : i64} {
  func.func @_tcb_body(%arg0: memref<20224xf32, #tpu.memory_space<vmem>>, %arg1: memref<10000x16xf32, #tpu.memory_space<vmem>>, %arg2: memref<10112x16xf32, #tpu.memory_space<vmem>>, %arg3: memref<10000x16xf32, #tpu.memory_space<vmem>>, %arg4: memref<10000xf32, #tpu.memory_space<vmem>>) attributes {dimension_semantics = [], scalar_prefetch = 0 : i64, scratch_operands = 0 : i64, tpu.core_type = #tpu.core_type<tc>} {
    %get3A = arith.constant 0 : index
    %get3A_0 = vector.load %arg0[%get3A] : memref<20224xf32, #tpu.memory_space<vmem>>, vector<10000xf32>
    %get3A_1 = arith.constant 10112 : index
    %get3A_2 = vector.load %arg0[%get3A_1] : memref<20224xf32, #tpu.memory_space<vmem>>, vector<10000xf32>
    %add3A = arith.addf %get3A_0, %get3A_2 : vector<10000xf32>
    %add3A_3 = arith.constant 1.000000e+00 : f32
    %add3A_4 = vector.broadcast %add3A_3 : f32 to vector<10000xf32>
    %add3A_5 = arith.addf %add3A, %add3A_4 : vector<10000xf32>
    %rsqrt3A = math.rsqrt %add3A_5 : vector<10000xf32>
    %broadcast_in_dim3A = vector.shape_cast %rsqrt3A : vector<10000xf32> to vector<10000x1xf32>
    %broadcast_in_dim3A_6 = vector.shape_cast %broadcast_in_dim3A : vector<10000x1xf32> to vector<10000x1xf32>
    %broadcast_in_dim3A_7 = vector.broadcast %broadcast_in_dim3A_6 : vector<10000x1xf32> to vector<10000x16xf32>
    %get3A_8 = arith.constant 0 : index
    %get3A_9 = arith.constant 0 : index
    %get3A_10 = vector.load %arg1[%get3A_8, %get3A_9] : memref<10000x16xf32, #tpu.memory_space<vmem>>, vector<10000x16xf32>
    %mul3A = arith.mulf %broadcast_in_dim3A_7, %get3A_10 : vector<10000x16xf32>
    %swap3A = arith.constant 0 : index
    %swap3A_11 = arith.constant 0 : index
    %swap3A_12 = vector.load %arg2[%swap3A, %swap3A_11] : memref<10112x16xf32, #tpu.memory_space<vmem>>, vector<10000x16xf32>
    tpu.vector_store %arg2[%swap3A, %swap3A_11], %mul3A {strides = array<i32>} : memref<10112x16xf32, #tpu.memory_space<vmem>>, vector<10000x16xf32>,
    %broadcast_in_dim3A_13 = arith.constant 0.000000e+00 : f32
    %broadcast_in_dim3A_14 = vector.broadcast %broadcast_in_dim3A_13 : f32 to vector<112x16xf32>
    %swap3A_15 = arith.constant 10000 : index
    %swap3A_16 = arith.constant 0 : index
    %swap3A_17 = vector.load %arg2[%swap3A_15, %swap3A_16] : memref<10112x16xf32, #tpu.memory_space<vmem>>, vector<112x16xf32>
    tpu.vector_store %arg2[%swap3A_15, %swap3A_16], %broadcast_in_dim3A_14 {strides = array<i32>} : memref<10112x16xf32, #tpu.memory_space<vmem>>, vector<112x16xf32>,
    %swap3A_18 = arith.constant 0 : index
    %swap3A_19 = arith.constant 0 : index
    %swap3A_20 = vector.load %arg3[%swap3A_18, %swap3A_19] : memref<10000x16xf32, #tpu.memory_space<vmem>>, vector<10000x16xf32>
    tpu.vector_store %arg3[%swap3A_18, %swap3A_19], %broadcast_in_dim3A_7 {strides = array<i32>} : memref<10000x16xf32, #tpu.memory_space<vmem>>, vector<10000x16xf32>,
    %swap3A_21 = arith.constant 0 : index
    %swap3A_22 = vector.load %arg4[%swap3A_21] : memref<10000xf32, #tpu.memory_space<vmem>>, vector<10000xf32>
    tpu.vector_store %arg4[%swap3A_21], %rsqrt3A {strides = array<i32>} : memref<10000xf32, #tpu.memory_space<vmem>>, vector<10000xf32>,
    return
  }
}

module attributes {stable_mosaic.version = 14 : i64} {
  func.func @_tc2_body(%arg0: memref<20224x16xf32, #tpu.memory_space<vmem>>, %arg1: memref<10000x16xf32, #tpu.memory_space<vmem>>, %arg2: memref<10000x16xf32, #tpu.memory_space<vmem>>, %arg3: memref<16x1xf32, #tpu.memory_space<vmem>>, %arg4: memref<1x16xf32, #tpu.memory_space<vmem>>, %arg5: memref<10112xf32, #tpu.memory_space<vmem>>, %arg6: memref<10000xf32, #tpu.memory_space<vmem>>) attributes {dimension_semantics = [], scalar_prefetch = 0 : i64, scratch_operands = 0 : i64, tpu.core_type = #tpu.core_type<tc>} {
    %get3A = arith.constant 0 : index
    %get3A_0 = arith.constant 0 : index
    %get3A_1 = vector.load %arg0[%get3A, %get3A_0] : memref<20224x16xf32, #tpu.memory_space<vmem>>, vector<10000x16xf32>
    %get3A_2 = arith.constant 10112 : index
    %get3A_3 = arith.constant 0 : index
    %get3A_4 = vector.load %arg0[%get3A_2, %get3A_3] : memref<20224x16xf32, #tpu.memory_space<vmem>>, vector<10000x16xf32>
    %add3A = arith.addf %get3A_1, %get3A_4 : vector<10000x16xf32>
    %get3A_5 = arith.constant 0 : index
    %get3A_6 = arith.constant 0 : index
    %get3A_7 = vector.load %arg2[%get3A_5, %get3A_6] : memref<10000x16xf32, #tpu.memory_space<vmem>>, vector<10000x16xf32>
    %get3A_8 = arith.constant 0 : index
    %get3A_9 = arith.constant 0 : index
    %get3A_10 = vector.load %arg1[%get3A_8, %get3A_9] : memref<10000x16xf32, #tpu.memory_space<vmem>>, vector<10000x16xf32>
    %mul3A = arith.mulf %get3A_7, %get3A_10 : vector<10000x16xf32>
    %add3A_11 = arith.addf %add3A, %mul3A : vector<10000x16xf32>
    %mul3A_12 = arith.mulf %get3A_7, %add3A_11 : vector<10000x16xf32>
    %get3A_13 = arith.constant 0 : index
    %get3A_14 = arith.constant 0 : index
    %get3A_15 = vector.load %arg4[%get3A_13, %get3A_14] : memref<1x16xf32, #tpu.memory_space<vmem>>, vector<1x16xf32>
    %add3A_16 = vector.broadcast %get3A_15 : vector<1x16xf32> to vector<10000x16xf32>
    %add3A_17 = arith.addf %mul3A_12, %add3A_16 : vector<10000x16xf32>
    %max3A = arith.constant 0.000000e+00 : f32
    %max3A_18 = vector.broadcast %max3A : f32 to vector<10000x16xf32>
    %max3A_19 = arith.maximumf %add3A_17, %max3A_18 : vector<10000x16xf32>
    %get3A_20 = arith.constant 0 : index
    %get3A_21 = arith.constant 0 : index
    %get3A_22 = vector.load %arg3[%get3A_20, %get3A_21] : memref<16x1xf32, #tpu.memory_space<vmem>>, vector<16x1xf32>
    %dot_general3A = arith.constant dense<0.000000e+00> : vector<10000x1xf32>
    %dot_general3A_23 = tpu.matmul %max3A_19, %get3A_22, %dot_general3A {dimension_numbers = #tpu.dot_dimension_numbers<[1], [0], [0], [1], [0, 0, 1, 1], [], []>, transpose_lhs_hint = false} : vector<10000x16xf32>, vector<16x1xf32>, vector<10000x1xf32> -> vector<10000x1xf32>
    %squeeze3A = vector.shape_cast %dot_general3A_23 : vector<10000x1xf32> to vector<10000xf32>
    %slice3A = vector.extract_strided_slice %get3A_7 {offsets = [0, 0], sizes = [10000, 1], strides = [1, 1]} : vector<10000x16xf32> to vector<10000x1xf32>
    %squeeze3A_24 = vector.shape_cast %slice3A : vector<10000x1xf32> to vector<10000xf32>
    %mul3A_25 = arith.mulf %squeeze3A_24, %squeeze3A : vector<10000xf32>
    %swap3A = arith.constant 0 : index
    %swap3A_26 = vector.load %arg5[%swap3A] : memref<10112xf32, #tpu.memory_space<vmem>>, vector<10000xf32>
    tpu.vector_store %arg5[%swap3A], %mul3A_25 {strides = array<i32>} : memref<10112xf32, #tpu.memory_space<vmem>>, vector<10000xf32>,
    %broadcast_in_dim3A = arith.constant 0.000000e+00 : f32
    %broadcast_in_dim3A_27 = vector.broadcast %broadcast_in_dim3A : f32 to vector<112xf32>
    %swap3A_28 = arith.constant 10000 : index
    %swap3A_29 = vector.load %arg5[%swap3A_28] : memref<10112xf32, #tpu.memory_space<vmem>>, vector<112xf32>
    tpu.vector_store %arg5[%swap3A_28], %broadcast_in_dim3A_27 {strides = array<i32>} : memref<10112xf32, #tpu.memory_space<vmem>>, vector<112xf32>,
    %swap3A_30 = arith.constant 0 : index
    %swap3A_31 = vector.load %arg6[%swap3A_30] : memref<10000xf32, #tpu.memory_space<vmem>>, vector<10000xf32>
    tpu.vector_store %arg6[%swap3A_30], %squeeze3A {strides = array<i32>} : memref<10000xf32, #tpu.memory_space<vmem>>, vector<10000xf32>,
    return
  }
}

module attributes {stable_mosaic.version = 14 : i64} {
  func.func @_tc3_body(%arg0: memref<20224xf32, #tpu.memory_space<vmem>>, %arg1: memref<10000xf32, #tpu.memory_space<vmem>>, %arg2: memref<10000xf32, #tpu.memory_space<vmem>>, %arg3: memref<1xf32, #tpu.memory_space<vmem>>, %arg4: memref<10000xf32, #tpu.memory_space<vmem>>) attributes {dimension_semantics = [], scalar_prefetch = 0 : i64, scratch_operands = 0 : i64, tpu.core_type = #tpu.core_type<tc>} {
    %get3A = arith.constant 0 : index
    %get3A_0 = vector.load %arg0[%get3A] : memref<20224xf32, #tpu.memory_space<vmem>>, vector<10000xf32>
    %get3A_1 = arith.constant 10112 : index
    %get3A_2 = vector.load %arg0[%get3A_1] : memref<20224xf32, #tpu.memory_space<vmem>>, vector<10000xf32>
    %add3A = arith.addf %get3A_0, %get3A_2 : vector<10000xf32>
    %get3A_3 = arith.constant 0 : index
    %get3A_4 = vector.load %arg2[%get3A_3] : memref<10000xf32, #tpu.memory_space<vmem>>, vector<10000xf32>
    %mul3A = arith.mulf %get3A_4, %add3A : vector<10000xf32>
    %mul3A_5 = arith.mulf %get3A_4, %get3A_4 : vector<10000xf32>
    %get3A_6 = arith.constant 0 : index
    %get3A_7 = vector.load %arg1[%get3A_6] : memref<10000xf32, #tpu.memory_space<vmem>>, vector<10000xf32>
    %mul3A_8 = arith.mulf %mul3A_5, %get3A_7 : vector<10000xf32>
    %add3A_9 = arith.addf %mul3A, %mul3A_8 : vector<10000xf32>
    %get3A_10 = arith.constant 0 : index
    %get3A_11 = vector.load %arg3[%get3A_10] : memref<1xf32, #tpu.memory_space<vmem>>, vector<1xf32>
    %add3A_12 = vector.broadcast %get3A_11 : vector<1xf32> to vector<10000xf32>
    %add3A_13 = arith.addf %add3A_9, %add3A_12 : vector<10000xf32>
    %swap3A = arith.constant 0 : index
    %swap3A_14 = vector.load %arg4[%swap3A] : memref<10000xf32, #tpu.memory_space<vmem>>, vector<10000xf32>
    tpu.vector_store %arg4[%swap3A], %add3A_13 {strides = array<i32>} : memref<10000xf32, #tpu.memory_space<vmem>>, vector<10000xf32>,
    return
  }
}

</mosaic_0001>

<sc_bundles>
// kernel: kernel.12.cloned.1.call-start
scs
__scs_entry_jumppad:
0x0: {  	(pc) =	sbr.rel $0x88, $3  }
0x1: {  	(tag) =	ssettag $0x0;
	lr =	simm.s32 $0x1  }
0x2: {  	[smem:$0x3F9B] =	sst lr;
	_ =	strace $0xD0000000  }
0x3: {  	_ = 	snop  }
0x4: {  	_ = 	snop  }
0x5: {  	_ = 	snop  }
0x6: {  	_ = 	snop  }
0x7: {  	_ = 	snop  }
__scs_overlays_trampoline_lowered:
0x8: {  	[smem:$0x3FAA] =	sst s0  }
0x9: {  	[smem:$0x3FAB] =	sst s1  }
0xa: {  	[smem:$0x3FAC] =	sst s2  }
0xb: {  	[smem:$0x3FAD] =	sst s3  }
0xc: {  	[smem:$0x3FAE] =	sst s4  }
0xd: {  	[smem:$0x3FAF] =	sst s5  }
0xe: {  	[smem:$0x3FB0] =	sst s6  }
0xf: {  	[smem:$0x3FB1] =	sst s7  }
0x10: {  	[smem:$0x3FB2] =	sst s8  }
0x11: {  	[smem:$0x3FB3] =	sst s9;
	s0 =	simm.s32 @!p0 $0x0  }
0x12: {  	s1 =	sld [smem:$0x3F99];
	s0 =	simm.s32 @p0 $0x1  }
0x13: {  	[smem:$0x3FB4] =	sst s0;
	s0 =	simm.s32 @!p1 $0x0  }
0x14: {  	s2 =	sld [smem:$0x3F98];
	s0 =	simm.s32 @p1 $0x1  }
0x15: {  	[smem:$0x3FB5] =	sst s0;
	s0 =	simm.s32 @!p2 $0x0  }
0x16: {  	s3 =	sld [smem:$0x3FDB];
	s0 =	simm.s32 @p2 $0x1  }
0x17: {  	s4 =	simm.s32 $0x1BF5;
	[smem:$0x3FB7] =	sst s0  }
0x18: {  	s0 =	sld [smem:$0x3F9A];
	_ =	swait.ge [sflag:s4], $0x0  }
0x19: {  	s7 =	sld [smem:$0x3F9B]  }
0x1a: {  	s8 =	sadd.s32 $0xFFFFE003, lr  }
0x1b: {  	s9 =	sadd.s32 $0xFFFFFEF7, lr;
	s5 =	simm.s32 $0xFFFFFFFF;
	p2 =	slt.u32 s8, $0xFFFFF086  }
0x1c: {  	p1 =	slt.u32 s9, $0xF7A;
	s5 =	simm.s32 @!p2 $0x0  }
0x1d: {  	s5 =	simm.s32 @p1 $0x1;
	p0 =	seq.s32 s7, s2  }
0x1e: {  	s7 =	smul.u32 @!p0 $0xF7A, s2;
	p2 =	seq.s32 @!p0 s5, $0x0  }
0x1f: {  	s9 =	smul.u32 $0xF7A, s1;
	s8 =	simm.s32 @!p0 $0x1BF5;
	p2 =	por !p2, p0  }
0x20: {  	[sflag:s8] =	ssyncset.s32 @!p0 $0xFFFFF086;
	s6 =	sadd.s32 @!p0 s3, s7;
	s7 =	simm.s32 @!p0 $0x108  }
0x21: {  	s3 =	sadd.s32 s3, s9;
	s6 =	sadd.s32 @!p0 $0x88, s6;
	s7 =	simm.s32 @p2 $0x1082  }
0x22: {  	[simem:s7], [sflag:s8] =	dma.local @!p0 [hbm:s6], $0xF7A  }
0x23: {  	s9 =	sor.u32 $0xD0000000, s2;
	s6 =	simm.s32 $0x108;
	_ =	swait.ge @!p0 [sflag:s8], $0x0  }
0x24: {  	s3 =	sadd.s32 $0x88, s3;
	s6 =	simm.s32 @!p1 $0x1082;
	[sflag:s4] =	ssyncset.s32 $0xFFFFF086  }
0x25: {  	[simem:s6], [sflag:s4] =	dma.local [hbm:s3], $0xF7A  }
0x26: {  	[smem:$0x3F9B] =	sst s1;
	(tag) =	ssettag s2;
	_ =	strace s9  }
0x27: {  	s1 =	sld [smem:$0x3FAB]  }
0x28: {  	s2 =	sld [smem:$0x3FAC]  }
0x29: {  	s4 =	sld [smem:$0x3FAE]  }
0x2a: {  	p0 =	seq.s32 s5, $0x0;
	s5 =	sld [smem:$0x3FAF]  }
0x2b: {  	s6 =	sld [smem:$0x3FB0]  }
0x2c: {  	s7 =	sld [smem:$0x3FB1]  }
0x2d: {  	s3 =	simm.s32 $0x108;
	s8 =	sld [smem:$0x3FB2]  }
0x2e: {  	s3 =	simm.s32 @!p0 $0x1082;
	s9 =	sld [smem:$0x3FB3]  }
0x2f: {  	lr =	sadd.s32 s0, s3;
	s0 =	sld [smem:$0x3FAA]  }
0x30: {  	s3 =	sld [smem:$0x3FAD]  }
0x31: {  	[smem:$0x3FB6] =	sst s10  }
0x32: {  	s10 =	sld [smem:$0x3FB4];
	_ =	sdelay $0x3  }
0x33: {  	p0 =	seq.s32 s10, $0x1;
	s10 =	sld [smem:$0x3FB6];
	_ =	sdelay $0x3  }
0x34: {  	[smem:$0x3FB6] =	sst s10  }
0x35: {  	s10 =	sld [smem:$0x3FB5];
	_ =	sdelay $0x3  }
0x36: {  	p1 =	seq.s32 s10, $0x1;
	s10 =	sld [smem:$0x3FB6];
	_ =	sdelay $0x3  }
0x37: {  	[smem:$0x3FB6] =	sst s10  }
0x38: {  	s10 =	sld [smem:$0x3FB7]  }
0x39: {  	_ = 	snop;
	(pc) =	sbr.ind lr, $3  }
0x3a: {  	_ = 	snop  }
0x3b: {  	_ = 	snop  }
0x3c: {  	p2 =	seq.s32 s10, $0x1;
	s10 =	sld [smem:$0x3FB6]  }
0x3d: {  	_ =	shalt  }
0x3e: {  	_ =	shalt  }
0x3f: {  	_ =	shalt  }
0x40: {  	_ =	shalt  }
0x41: {  	_ =	shalt  }
0x42: {  	_ =	shalt  }
0x43: {  	_ =	shalt  }
0x44: {  	_ =	shalt  }
0x45: {  	_ =	shalt  }
0x46: {  	_ =	shalt  }
0x47: {  	_ =	shalt  }
0x48: {  	_ =	shalt  }
0x49: {  	_ =	shalt  }
0x4a: {  	_ =	shalt  }
0x4b: {  	_ =	shalt  }
0x4c: {  	_ =	shalt  }
0x4d: {  	_ =	shalt  }
0x4e: {  	_ =	shalt  }
0x4f: {  	_ =	shalt  }
0x50: {  	_ =	shalt  }
0x51: {  	_ =	shalt  }
0x52: {  	_ =	shalt  }
0x53: {  	_ =	shalt  }
0x54: {  	_ =	shalt  }
0x55: {  	_ =	shalt  }
0x56: {  	_ =	shalt  }
0x57: {  	_ =	shalt  }
0x58: {  	_ =	shalt  }
0x59: {  	_ =	shalt  }
0x5a: {  	_ =	shalt  }
0x5b: {  	_ =	shalt  }
0x5c: {  	_ =	shalt  }
0x5d: {  	_ =	shalt  }
0x5e: {  	_ =	shalt  }
0x5f: {  	_ =	shalt  }
0x60: {  	_ =	shalt  }
0x61: {  	_ =	shalt  }
0x62: {  	_ =	shalt  }
0x63: {  	_ =	shalt  }
0x64: {  	_ =	shalt  }
0x65: {  	_ =	shalt  }
0x66: {  	_ =	shalt  }
0x67: {  	_ =	shalt  }
0x68: {  	_ =	shalt  }
0x69: {  	_ =	shalt  }
0x6a: {  	_ =	shalt  }
0x6b: {  	_ =	shalt  }
0x6c: {  	_ =	shalt  }
0x6d: {  	_ =	shalt  }
0x6e: {  	_ =	shalt  }
0x6f: {  	_ =	shalt  }
0x70: {  	_ =	shalt  }
0x71: {  	_ =	shalt  }
0x72: {  	_ =	shalt  }
0x73: {  	_ =	shalt  }
0x74: {  	_ =	shalt  }
0x75: {  	_ =	shalt  }
0x76: {  	_ =	shalt  }
0x77: {  	_ =	shalt  }
0x78: {  	_ =	shalt  }
0x79: {  	_ =	shalt  }
0x7a: {  	_ =	shalt  }
0x7b: {  	_ =	shalt  }
0x7c: {  	_ =	shalt  }
0x7d: {  	_ =	shalt  }
0x7e: {  	_ =	shalt  }
0x7f: {  	_ =	shalt  }
0x80: {  	_ =	shalt  }
0x81: {  	_ =	shalt  }
0x82: {  	_ =	shalt  }
0x83: {  	_ =	shalt  }
0x84: {  	_ =	shalt  }
0x85: {  	_ =	shalt  }
0x86: {  	_ =	shalt  }
0x87: {  	_ =	shalt  }
.Lfunc_end0:
.L_simem_size_0:
called_computation.1_lowered:
.L_overlay_start_0:
0x88: {  	s2 =	sld [smem:$0x3FD9]  }
0x89: {  	s3 =	sld [smem:$0x3FFE];
	_ =	sdelay $0x1  }
0x8a: {  	s1 =	srdreg.scid  }
0x8b: {  	s0 =	sand.u32 $0x1, s1  }
0x8c: {  	s16 =	sshll.u32 s0, $0xA;
	s2 =	sadd.s32 s3, s2  }
0x8d: {  	s2 =	sadd.s32 s2, s16  }
0x8e: {  	[smem:$0x3FC2] =	sst s2  }
0x8f: {  	_ = 	snop  }
0x90: {  	(tm) =	ssettm $0x1  }
0x91: {  	s17 =	sld [smem:$0x3FFB];
	_ =	sdelay $0x3  }
0x92: {  	_ =	strace s17  }
0x93: {  	s2 =	sld [smem:$0x3FFC];
	_ =	sdelay $0x3  }
0x94: {  	_ =	strace s2  }
0x95: {  	s2 =	sld [smem:$0x3FFD];
	_ =	sdelay $0x3  }
0x96: {  	_ =	strace s2  }
0x97: {  	_ =	strace $0x8FFFFFFF  }
0x98: {  	s18 =	sld [smem:$0x3FDB];
	_ =	sdelay $0x1  }
0x99: {  	s19 =	simm.s32 $_scs_section_size  }
0x9a: {  	s4 =	simm.s32 $_size__tile_overlayer_lowered;
	s5 =	simm.s32 $_tile_overlayer_lowered  }
0x9b: {  	s22 =	simm.s32 $0x1BFF;
	s21 =	sshll.u32 s5, $0x1;
	s2 =	sadd.s32 s19, s18  }
0x9c: {  	s6 =	simm.s32 $0x0;
	s20 =	sshll.u32 s4, $0x1;
	s4 =	sadd.s32 s21, s2  }
0x9d: {  	[timem:s6], [sflag:s22] =	dma.local [hbm:s4], s20  }
0x9e: {  	_ =	swait.ge [sflag:s22], s20  }
0x9f: {  	s3 =	ssub.s32 $0x0, s20;
	[sflag:s22] =	ssyncset.done $0x0  }
0xa0: {  	[sflag:s22] =	ssyncadd.s32 s3;
	_ =	sdelay $0x1  }
0xa1: {  	s23 =	simm.s32 $0x1B8B  }
0xa2: {  	_ =	swait.ge [sflag:s23], $0x1  }
0xa3: {  	[sflag:s23] =	ssyncset.done $0x0  }
0xa4: {  	s25 =	simm.s32 $0x1B8E;
	s24 =	sld [smem:$0x3FFE];
	[sflag:s23] =	ssyncadd.s32 $0xFFFFFFFF  }
0xa5: {  	s26 =	simm.s32 $execute0_lowered;
	[smem:$0x3FD2] =	sst s25  }
0xa6: {  	s4 =	sshll.u32 s26, $0x1;
	_ =	strace $0x80000049;
	[dreg:$0x1] =	wrdreg $0xFFFFFFFF  }
0xa7: {  	s28 =	simm.s32 $_size_execute0_lowered;
	s2 =	sadd.s32 s2, s4;
	[dreg:$0x0] =	wrdreg $0x0  }
0xa8: {  	s4 =	sshll.u32 s28, $0x1;
	[dreg:$0x2] =	wrdreg s2  }
0xa9: {  	[dreg:$0x3] =	wrdreg s4  }
0xaa: {  	[dreg:$0x4] =	wrdreg $0xC0  }
0xab: {  	_ =	task [dreg:s6], $0x5FFFF  }
0xac: {  	[dreg:$0x1] =	wrdreg $0xFFFFFFFF  }
0xad: {  	[dreg:$0x0] =	wrdreg $0x60  }
0xae: {  	[dreg:$0x2] =	wrdreg s24  }
0xaf: {  	[dreg:$0x3] =	wrdreg $0x7F000  }
0xb0: {  	[dreg:$0x4] =	wrdreg $0xA6800  }
0xb1: {  	[dreg:$0x5] =	wrdreg $0x9  }
0xb2: {  	_ =	task.clear_ibuf [dreg:s6], $0x6FFFF;
	_ =	strace $0x90000049  }
0xb3: {  	s29 =	simm.s32 $0x9;
	_ =	strace $0x8000004B  }
0xb4: {  	_ =	swait.ge [sflag:s29], $0x1  }
0xb5: {  	[sflag:s29] =	ssyncadd.s32 $0xFFFFFFFF  }
0xb6: {  	_ =	strace $0x9000004B  }
0xb7: {  	_ =	sfence  }
0xb8: {  	s30 =	sld [smem:$0x0];
	_ =	sdelay $0x2  }
0xb9: {  	s31 =	sshll.u32 s1, $0xD;
	s1 =	sshrl.u32 s1, $0x2  }
0xba: {  	s3 =	sand.u32 $0x4000, s31;
	s1 =	sadd.s32 s1, s30  }
0xbb: {  	s0 =	sor.u32 s3, s0;
	s1 =	sshll.u32 s1, $0x11  }
0xbc: {  	s0 =	sor.u32 s1, s0  }
0xbd: {  	s0 =	sadd.s32 $0x8F2B, s0  }
0xbe: {  	[sflag:s0] =	ssyncadd.remote.s32 $0x1  }
0xbf: {  	_ =	sfence.sel $0xFFFF  }
0xc0: {  	[dreg:$0x0] =	wrdreg $0xFFFFFFFF;
	(pc) =	sbr.abs _section_cstart, $3  }
0xc1: {  	[dreg:$0x1] =	wrdreg $0xFFFFFFFF  }
0xc2: {  	_ =	task.clear_ibuf [dreg:s6], $0x2FFFF;
	_ =	strace $0x9FFFFFFF  }
0xc3: {  	(tm) =	ssettm $0x7FFFFFFF  }
tec
execute0_lowered:
.L_overlay_start_1:
0x0: {  	(tag) =	ssettag $0x1  }
0x1: {  	s0 =	rddreg [dreg:$0x0];
	s1 =	srdreg.scid  }
0x2: {  	s11 =	stileid.u32;
	s2 =	rddreg [dreg:$0x1]  }
0x3: {  	s3 =	rddreg [dreg:$0x2];
	s6 =	simm.s32 $0x0;
	s15 =	simm.s32 $0xD  }
0x4: {  	s30 =	simm.s32 $0x6F00;
	s31 =	simm.s32 $0x3;
	s28 =	simm.s32 $0x7  }
0x5: {  	s29 =	simm.s32 $0x9;
	s1 =	sand.u32 $0x1, s1;
	s7 =	smul.u32 $0x2780, s11  }
0x6: {  	s4 =	sshll.u32 s11, $0x1;
	[smem:$0x7FF] =	sst s6;
	s16 =	smul.u32 $0x4F0, s11  }
0x7: {  	s19 =	sshll.u32 s11, $0x6;
	p0 =	sgt.u32 s11, $0x1;
	s4 =	sor.u32 s1, s4  }
0x8: {  	_ =	strace $0x8000004A;
	s17 =	smul.u32 $0x4F00, s1;
	s1 =	ssub.s32 $0x2, s1  }
0x9: {  	s6 =	sor.u32 $0x1C0D, s19;
	s19 =	simm.s32 $0x5700;
	s5 =	smul.u32 $0x4E, s4  }
0xa: {  	s4 =	smin.u32 s4, $0x4;
	s8 =	sshrl.u32 s7, $0x3;
	s18 =	sshrl.u32 s1, $0x1  }
0xb: {  	s10 =	sadd.s32 s7, s2;
	s21 =	sadd.s32 s7, s3;
	s7 =	simm.s32 $0xC  }
0xc: {  	s8 =	sadd.s32 s8, s0;
	s1 =	ssub.s32 s1, s18;
	s14 =	sshrl.u32 s10, $0x3  }
0xd: {  	s26 =	sshrl.u32 s21, $0x3;
	s18 =	simm.s32 $0x4F00;
	s21 =	simm.s32 $0x5F00  }
0xe: {  	s4 =	sadd.s32 s4, s5;
	s5 =	sadd.s32 s16, s17;
	s20 =	sadd.s32 $0x1B400, s8  }
0xf: {  	s22 =	sadd.s32 $0x16400, s8;
	s25 =	smax.u32 s1, $0x1;
	[dreg:$0xb] =	wrdreg s26  }
0x10: {  	s17 =	simm.s32 $0x80;
	s26 =	simm.s32 $0x2;
	[dreg:$0x4] =	wrdreg s20  }
0x11: {  	s1 =	simm.s32 $0x5;
	s4 =	sshll.u32 s4, $0x4;
	[dreg:$0x5] =	wrdreg s22  }
0x12: {  	s8 =	simm.s32 $0x0;
	[dreg:$0xa] =	wrdreg s25;
	s4 =	sadd.s32 s4, s0  }
0x13: {  	s22 =	simm.s32 $0x1;
	s25 =	simm.s32 $0x6700;
	s23 =	sadd.s32 $0x2400, s4  }
0x14: {  	s0 =	sadd.s32 s5, s0;
	s24 =	sadd.s32 $0x28E0, s4;
	[dreg:$0x6] =	wrdreg s23  }
0x15: {  	s9 =	sadd.s32 $0xC040, s4;
	s4 =	sadd.s32 $0xC520, s4;
	[dreg:$0x7] =	wrdreg s24  }
0x16: {  	s20 =	simm.s32 $0x7700;
	s0 =	sadd.s32 $0x20400, s0;
	[dreg:$0x8] =	wrdreg s4  }
0x17: {  	s5 =	simm.s32 $0xB;
	[dreg:$0x9] =	wrdreg s0;
	s23 =	simm.s32 $0x4  }
0x18: {  	s24 =	simm.s32 $0x8;
	s0 =	simm.s32 $0x6;
	s4 =	simm.s32 $0xA  }
.LBB2_1:
0x19: {  	s10 =	rddreg [dreg:$0x4]  }
0x1a: {  	[spmem:s14], [sflag:s6] =	dma.local [hbm:s10], $0x4F0  }
0x1b: {  	_ =	swait.ge [sflag:s15], $0x4F0  }
0x1c: {  	[sflag:s15] =	ssyncset.done $0x0;
	s13 =	rddreg [dreg:$0x5]  }
0x1d: {  	s11 =	rddreg [dreg:$0xb];
	[sflag:s15] =	ssyncadd.s32 $0xFFFFFB10  }
0x1e: {  	[spmem:s11], [sflag:s6] =	dma.local [hbm:s13], $0x4F0  }
0x1f: {  	_ =	swait.ge [sflag:s15], $0x4F0  }
0x20: {  	[sflag:s15] =	ssyncset.done $0x0  }
0x21: {  	s13 =	simm.s32 $0x0;
	s16 =	rddreg [dreg:$0x6];
	[sflag:s15] =	ssyncadd.s32 $0xFFFFFB10  }
0x22: {  	[tilespmem:s13], [sflag:$0xD] =	stream.linear.gather [hbm4b:s16+s13], $0x2700, $0x38;
	[tilespmem:$0xCE00] =	vst v63  }
0x23: {  	_ =	swait.ge [sflag:s15], $0x2700  }
0x24: {  	[sflag:s15] =	ssyncset.done $0x0  }
0x25: {  	s10 =	simm.s32 @p0 $0x0;
	s11 =	simm.s32 @p0 $0x2780;
	[sflag:s15] =	ssyncadd.s32 $0xFFFFD900  }
0x26: {  	[tilespmem:s11], [sflag:$0xD] =	stream.linear.gather @p0 [hbm4b:s9+s10], $0x2700, $0x38;
	[tilespmem:$0xCE00] =	vst v63  }
0x27: {  	s10 =	simm.s32 @p0 $0xD  }
0x28: {  	_ =	swait.ge @p0 [sflag:s10], $0x2700  }
0x29: {  	s11 =	simm.s32 @!p0 $0x2700;
	[sflag:s10] =	ssyncset.done @p0 $0x0  }
0x2a: {  	s12 =	rddreg [dreg:$0x7];
	[sflag:s10] =	ssyncadd.s32 @p0 $0xFFFFD900;
	s10 =	simm.s32 @!p0 $0x0  }
0x2b: {  	[tilespmem:s11], [sflag:$0xD] =	stream.linear.gather @!p0 [hbm4b:s12+s10], $0x80, $0x38;
	[tilespmem:$0xCE00] =	vst v63  }
0x2c: {  	s11 =	simm.s32 @!p0 $0xD  }
0x2d: {  	_ =	swait.ge @!p0 [sflag:s11], $0x80  }
0x2e: {  	[sflag:s11] =	ssyncset.done @!p0 $0x0  }
0x2f: {  	s12 =	simm.s32 @!p0 $0x2780;
	[sflag:s11] =	ssyncadd.s32 @!p0 $0xFFFFFF80  }
0x30: {  	[tilespmem:s12], [sflag:$0xD] =	stream.linear.gather @!p0 [hbm4b:s9+s10], $0x2700, $0x38;
	[tilespmem:$0xCE00] =	vst v63  }
0x31: {  	_ =	swait.ge @!p0 [sflag:s11], $0x2700  }
0x32: {  	[sflag:s11] =	ssyncset.done @!p0 $0x0  }
0x33: {  	s12 =	simm.s32 @!p0 $0x4E80;
	s16 =	rddreg [dreg:$0x8];
	[sflag:s11] =	ssyncadd.s32 @!p0 $0xFFFFD900  }
0x34: {  	[tilespmem:s12], [sflag:$0xD] =	stream.linear.gather @!p0 [hbm4b:s16+s10], $0x80, $0x38;
	[tilespmem:$0xCE00] =	vst v63  }
0x35: {  	_ =	swait.ge @!p0 [sflag:s11], $0x80  }
0x36: {  	[sflag:s11] =	ssyncset.done @!p0 $0x0  }
0x37: {  	[sflag:s11] =	ssyncadd.s32 @!p0 $0xFFFFFF80  }
0x38: {  	[bflag:$0x0] =	sbarrier.arrive $0xFFFF  }
0x39: {  	[tilespmem:s18], [sflag:$0x1] =	stream.indirect.gather [spmem:s3], $0x10, s13, s17, $0xb8;
	[tilespmem:$0xCE00] =	vst v63  }
0x3a: {  	_ = 	snop  }
0x3b: {  	[tilespmem:s19], [sflag:$0x2] =	stream.indirect.gather [spmem:s3], $0x10, s17, s17, $0xb8;
	[tilespmem:$0xCE00] =	vst v63  }
0x3c: {  	s11 =	simm.s32 $0x100  }
0x3d: {  	[tilespmem:s21], [sflag:$0x3] =	stream.indirect.gather [spmem:s3], $0x10, s11, s17, $0xb8;
	[tilespmem:$0xCE00] =	vst v63  }
0x3e: {  	_ =	swait.ge [sflag:s22], $0x800  }
0x3f: {  	[sflag:s22] =	ssyncset.done $0x0  }
0x40: {  	s12 =	simm.s32 $0x2780;
	[sflag:s22] =	ssyncadd.s32 $0xFFFFF800  }
0x41: {  	[spmem:s2] =	stream.indirect.scatter.add.f32 [tilespmem:s18], [sflag:$0x7], $0x10, s12, s17, $0xb8;
	[tilespmem:$0xCE00] =	vst v63  }
0x42: {  	s13 =	simm.s32 $0x180  }
0x43: {  	[tilespmem:s25], [sflag:$0x4] =	stream.indirect.gather [spmem:s3], $0x10, s13, s17, $0xb8;
	[tilespmem:$0xCE00] =	vst v63  }
0x44: {  	_ =	swait.ge [sflag:s26], $0x800  }
0x45: {  	[sflag:s26] =	ssyncset.done $0x0  }
0x46: {  	s16 =	simm.s32 $0x2800;
	[sflag:s26] =	ssyncadd.s32 $0xFFFFF800  }
0x47: {  	[spmem:s2] =	stream.indirect.scatter.add.f32 [tilespmem:s19], [sflag:$0x8], $0x10, s16, s17, $0xb8;
	[tilespmem:$0xCE00] =	vst v63  }
0x48: {  	s11 =	simm.s32 $0x200  }
0x49: {  	[tilespmem:s30], [sflag:$0x5] =	stream.indirect.gather [spmem:s3], $0x10, s11, s17, $0xb8;
	[tilespmem:$0xCE00] =	vst v63  }
0x4a: {  	_ =	swait.ge [sflag:s31], $0x800  }
0x4b: {  	[sflag:s31] =	ssyncset.done $0x0  }
0x4c: {  	s12 =	simm.s32 $0x2880;
	[sflag:s31] =	ssyncadd.s32 $0xFFFFF800  }
0x4d: {  	[spmem:s2] =	stream.indirect.scatter.add.f32 [tilespmem:s21], [sflag:$0x9], $0x10, s12, s17, $0xb8;
	[tilespmem:$0xCE00] =	vst v63  }
0x4e: {  	s13 =	simm.s32 $0x280  }
0x4f: {  	[tilespmem:s20], [sflag:$0x6] =	stream.indirect.gather [spmem:s3], $0x10, s13, s17, $0xb8;
	[tilespmem:$0xCE00] =	vst v63  }
0x50: {  	_ =	swait.ge [sflag:s23], $0x800  }
0x51: {  	[sflag:s23] =	ssyncset.done $0x0  }
0x52: {  	s16 =	simm.s32 $0x2900;
	[sflag:s23] =	ssyncadd.s32 $0xFFFFF800  }
0x53: {  	[spmem:s2] =	stream.indirect.scatter.add.f32 [tilespmem:s25], [sflag:$0xA], $0x10, s16, s17, $0xb8;
	[tilespmem:$0xCE00] =	vst v63  }
0x54: {  	_ =	swait.ge [sflag:s28], $0x800  }
0x55: {  	[sflag:s28] =	ssyncset.done $0x0  }
0x56: {  	s11 =	simm.s32 $0x300;
	[sflag:s28] =	ssyncadd.s32 $0xFFFFF800  }
0x57: {  	[tilespmem:s18], [sflag:$0x1] =	stream.indirect.gather [spmem:s3], $0x10, s11, s17, $0xb8;
	[tilespmem:$0xCE00] =	vst v63  }
0x58: {  	_ =	swait.ge [sflag:s1], $0x800  }
0x59: {  	[sflag:s1] =	ssyncset.done $0x0  }
0x5a: {  	s12 =	simm.s32 $0x2980;
	[sflag:s1] =	ssyncadd.s32 $0xFFFFF800  }
0x5b: {  	[spmem:s2] =	stream.indirect.scatter.add.f32 [tilespmem:s30], [sflag:$0xB], $0x10, s12, s17, $0xb8;
	[tilespmem:$0xCE00] =	vst v63  }
0x5c: {  	_ =	swait.ge [sflag:s24], $0x800  }
0x5d: {  	[sflag:s24] =	ssyncset.done $0x0  }
0x5e: {  	s13 =	simm.s32 $0x380;
	[sflag:s24] =	ssyncadd.s32 $0xFFFFF800  }
0x5f: {  	[tilespmem:s19], [sflag:$0x2] =	stream.indirect.gather [spmem:s3], $0x10, s13, s17, $0xb8;
	[tilespmem:$0xCE00] =	vst v63  }
0x60: {  	_ =	swait.ge [sflag:s0], $0x800  }
0x61: {  	[sflag:s0] =	ssyncset.done $0x0  }
0x62: {  	s16 =	simm.s32 $0x2A00;
	[sflag:s0] =	ssyncadd.s32 $0xFFFFF800  }
0x63: {  	[spmem:s2] =	stream.indirect.scatter.add.f32 [tilespmem:s20], [sflag:$0xC], $0x10, s16, s17, $0xb8;
	[tilespmem:$0xCE00] =	vst v63  }
0x64: {  	_ =	swait.ge [sflag:s29], $0x800  }
0x65: {  	[sflag:s29] =	ssyncset.done $0x0  }
0x66: {  	s11 =	simm.s32 $0x400;
	[sflag:s29] =	ssyncadd.s32 $0xFFFFF800  }
0x67: {  	[tilespmem:s21], [sflag:$0x3] =	stream.indirect.gather [spmem:s3], $0x10, s11, s17, $0xb8;
	[tilespmem:$0xCE00] =	vst v63  }
0x68: {  	_ =	swait.ge [sflag:s22], $0x800  }
0x69: {  	[sflag:s22] =	ssyncset.done $0x0  }
0x6a: {  	s12 =	simm.s32 $0x2A80;
	[sflag:s22] =	ssyncadd.s32 $0xFFFFF800  }
0x6b: {  	[spmem:s2] =	stream.indirect.scatter.add.f32 [tilespmem:s18], [sflag:$0x7], $0x10, s12, s17, $0xb8;
	[tilespmem:$0xCE00] =	vst v63  }
0x6c: {  	_ =	swait.ge [sflag:s4], $0x800  }
0x6d: {  	[sflag:s4] =	ssyncset.done $0x0  }
0x6e: {  	s13 =	simm.s32 $0x480;
	[sflag:s4] =	ssyncadd.s32 $0xFFFFF800  }
0x6f: {  	[tilespmem:s25], [sflag:$0x4] =	stream.indirect.gather [spmem:s3], $0x10, s13, s17, $0xb8;
	[tilespmem:$0xCE00] =	vst v63  }
0x70: {  	_ =	swait.ge [sflag:s26], $0x800  }
0x71: {  	[sflag:s26] =	ssyncset.done $0x0  }
0x72: {  	s16 =	simm.s32 $0x2B00;
	[sflag:s26] =	ssyncadd.s32 $0xFFFFF800  }
0x73: {  	[spmem:s2] =	stream.indirect.scatter.add.f32 [tilespmem:s19], [sflag:$0x8], $0x10, s16, s17, $0xb8;
	[tilespmem:$0xCE00] =	vst v63  }
0x74: {  	_ =	swait.ge [sflag:s5], $0x800  }
0x75: {  	[sflag:s5] =	ssyncset.done $0x0  }
0x76: {  	s11 =	simm.s32 $0x500;
	[sflag:s5] =	ssyncadd.s32 $0xFFFFF800  }
0x77: {  	[tilespmem:s30], [sflag:$0x5] =	stream.indirect.gather [spmem:s3], $0x10, s11, s17, $0xb8;
	[tilespmem:$0xCE00] =	vst v63  }
0x78: {  	_ =	swait.ge [sflag:s31], $0x800  }
0x79: {  	[sflag:s31] =	ssyncset.done $0x0  }
0x7a: {  	s12 =	simm.s32 $0x2B80;
	[sflag:s31] =	ssyncadd.s32 $0xFFFFF800  }
0x7b: {  	[spmem:s2] =	stream.indirect.scatter.add.f32 [tilespmem:s21], [sflag:$0x9], $0x10, s12, s17, $0xb8;
	[tilespmem:$0xCE00] =	vst v63  }
0x7c: {  	_ =	swait.ge [sflag:s7], $0x800  }
0x7d: {  	[sflag:s7] =	ssyncset.done $0x0  }
0x7e: {  	s13 =	simm.s32 $0x580;
	[sflag:s7] =	ssyncadd.s32 $0xFFFFF800  }
0x7f: {  	[tilespmem:s20], [sflag:$0x6] =	stream.indirect.gather [spmem:s3], $0x10, s13, s17, $0xb8;
	[tilespmem:$0xCE00] =	vst v63  }
0x80: {  	_ =	swait.ge [sflag:s23], $0x800  }
0x81: {  	[sflag:s23] =	ssyncset.done $0x0  }
0x82: {  	s16 =	simm.s32 $0x2C00;
	[sflag:s23] =	ssyncadd.s32 $0xFFFFF800  }
0x83: {  	[spmem:s2] =	stream.indirect.scatter.add.f32 [tilespmem:s25], [sflag:$0xA], $0x10, s16, s17, $0xb8;
	[tilespmem:$0xCE00] =	vst v63  }
0x84: {  	_ =	swait.ge [sflag:s28], $0x800  }
0x85: {  	[sflag:s28] =	ssyncset.done $0x0  }
0x86: {  	s11 =	simm.s32 $0x600;
	[sflag:s28] =	ssyncadd.s32 $0xFFFFF800  }
0x87: {  	[tilespmem:s18], [sflag:$0x1] =	stream.indirect.gather [spmem:s3], $0x10, s11, s17, $0xb8;
	[tilespmem:$0xCE00] =	vst v63  }
0x88: {  	_ =	swait.ge [sflag:s1], $0x800  }
0x89: {  	[sflag:s1] =	ssyncset.done $0x0  }
0x8a: {  	s12 =	simm.s32 $0x2C80;
	[sflag:s1] =	ssyncadd.s32 $0xFFFFF800  }
0x8b: {  	[spmem:s2] =	stream.indirect.scatter.add.f32 [tilespmem:s30], [sflag:$0xB], $0x10, s12, s17, $0xb8;
	[tilespmem:$0xCE00] =	vst v63  }
0x8c: {  	_ =	swait.ge [sflag:s24], $0x800  }
0x8d: {  	[sflag:s24] =	ssyncset.done $0x0  }
0x8e: {  	s13 =	simm.s32 $0x680;
	[sflag:s24] =	ssyncadd.s32 $0xFFFFF800  }
0x8f: {  	[tilespmem:s19], [sflag:$0x2] =	stream.indirect.gather [spmem:s3], $0x10, s13, s17, $0xb8;
	[tilespmem:$0xCE00] =	vst v63  }
0x90: {  	_ =	swait.ge [sflag:s0], $0x800  }
0x91: {  	[sflag:s0] =	ssyncset.done $0x0  }
0x92: {  	s16 =	simm.s32 $0x2D00;
	[sflag:s0] =	ssyncadd.s32 $0xFFFFF800  }
0x93: {  	[spmem:s2] =	stream.indirect.scatter.add.f32 [tilespmem:s20], [sflag:$0xC], $0x10, s16, s17, $0xb8;
	[tilespmem:$0xCE00] =	vst v63  }
0x94: {  	_ =	swait.ge [sflag:s29], $0x800  }
0x95: {  	[sflag:s29] =	ssyncset.done $0x0  }
0x96: {  	s10 =	simm.s32 $0xC00;
	s11 =	simm.s32 $0x700;
	[sflag:s29] =	ssyncadd.s32 $0xFFFFF800  }
.LBB2_2:
0x97: {  	[tilespmem:s21], [sflag:$0x3] =	stream.indirect.gather [spmem:s3], $0x10, s11, s17, $0xb8;
	[tilespmem:$0xCE00] =	vst v63  }
0x98: {  	s11 =	smov.u32 s10  }
0x99: {  	p1 =	sne.s32 s10, $0x7800;
	s10 =	sadd.s32 $0xC00, s10;
	_ =	swait.ge [sflag:s22], $0x800  }
0x9a: {  	s11 =	sshra.s32 s11, $0x2;
	[sflag:s22] =	ssyncset.done $0x0  }
0x9b: {  	s12 =	sadd.s32 $0x2A80, s11;
	[sflag:s22] =	ssyncadd.s32 $0xFFFFF800  }
0x9c: {  	[spmem:s2] =	stream.indirect.scatter.add.f32 [tilespmem:s18], [sflag:$0x7], $0x10, s12, s17, $0xb8;
	[tilespmem:$0xCE00] =	vst v63  }
0x9d: {  	_ =	swait.ge [sflag:s4], $0x800  }
0x9e: {  	[sflag:s4] =	ssyncset.done $0x0  }
0x9f: {  	s12 =	sadd.s32 $0x480, s11;
	[sflag:s4] =	ssyncadd.s32 $0xFFFFF800  }
0xa0: {  	[tilespmem:s25], [sflag:$0x4] =	stream.indirect.gather [spmem:s3], $0x10, s12, s17, $0xb8;
	[tilespmem:$0xCE00] =	vst v63  }
0xa1: {  	_ =	swait.ge [sflag:s26], $0x800  }
0xa2: {  	[sflag:s26] =	ssyncset.done $0x0  }
0xa3: {  	s12 =	sadd.s32 $0x2B00, s11;
	[sflag:s26] =	ssyncadd.s32 $0xFFFFF800  }
0xa4: {  	[spmem:s2] =	stream.indirect.scatter.add.f32 [tilespmem:s19], [sflag:$0x8], $0x10, s12, s17, $0xb8;
	[tilespmem:$0xCE00] =	vst v63  }
0xa5: {  	_ =	swait.ge [sflag:s5], $0x800  }
0xa6: {  	[sflag:s5] =	ssyncset.done $0x0  }
0xa7: {  	s12 =	sadd.s32 $0x500, s11;
	[sflag:s5] =	ssyncadd.s32 $0xFFFFF800  }
0xa8: {  	[tilespmem:s30], [sflag:$0x5] =	stream.indirect.gather [spmem:s3], $0x10, s12, s17, $0xb8;
	[tilespmem:$0xCE00] =	vst v63  }
0xa9: {  	_ =	swait.ge [sflag:s31], $0x800  }
0xaa: {  	[sflag:s31] =	ssyncset.done $0x0  }
0xab: {  	s12 =	sadd.s32 $0x2B80, s11;
	[sflag:s31] =	ssyncadd.s32 $0xFFFFF800  }
0xac: {  	[spmem:s2] =	stream.indirect.scatter.add.f32 [tilespmem:s21], [sflag:$0x9], $0x10, s12, s17, $0xb8;
	[tilespmem:$0xCE00] =	vst v63  }
0xad: {  	_ =	swait.ge [sflag:s7], $0x800  }
0xae: {  	[sflag:s7] =	ssyncset.done $0x0  }
0xaf: {  	s12 =	sadd.s32 $0x580, s11;
	[sflag:s7] =	ssyncadd.s32 $0xFFFFF800  }
0xb0: {  	[tilespmem:s20], [sflag:$0x6] =	stream.indirect.gather [spmem:s3], $0x10, s12, s17, $0xb8;
	[tilespmem:$0xCE00] =	vst v63  }
0xb1: {  	_ =	swait.ge [sflag:s23], $0x800  }
0xb2: {  	[sflag:s23] =	ssyncset.done $0x0  }
0xb3: {  	s12 =	sadd.s32 $0x2C00, s11;
	[sflag:s23] =	ssyncadd.s32 $0xFFFFF800  }
0xb4: {  	[spmem:s2] =	stream.indirect.scatter.add.f32 [tilespmem:s25], [sflag:$0xA], $0x10, s12, s17, $0xb8;
	[tilespmem:$0xCE00] =	vst v63  }
0xb5: {  	_ =	swait.ge [sflag:s28], $0x800  }
0xb6: {  	[sflag:s28] =	ssyncset.done $0x0  }
0xb7: {  	s12 =	sadd.s32 $0x600, s11;
	[sflag:s28] =	ssyncadd.s32 $0xFFFFF800  }
0xb8: {  	[tilespmem:s18], [sflag:$0x1] =	stream.indirect.gather [spmem:s3], $0x10, s12, s17, $0xb8;
	[tilespmem:$0xCE00] =	vst v63  }
0xb9: {  	_ =	swait.ge [sflag:s1], $0x800  }
0xba: {  	[sflag:s1] =	ssyncset.done $0x0  }
0xbb: {  	s12 =	sadd.s32 $0x2C80, s11;
	[sflag:s1] =	ssyncadd.s32 $0xFFFFF800  }
0xbc: {  	[spmem:s2] =	stream.indirect.scatter.add.f32 [tilespmem:s30], [sflag:$0xB], $0x10, s12, s17, $0xb8;
	[tilespmem:$0xCE00] =	vst v63  }
0xbd: {  	_ =	swait.ge [sflag:s24], $0x800  }
0xbe: {  	[sflag:s24] =	ssyncset.done $0x0  }
0xbf: {  	s12 =	sadd.s32 $0x680, s11;
	[sflag:s24] =	ssyncadd.s32 $0xFFFFF800  }
0xc0: {  	[tilespmem:s19], [sflag:$0x2] =	stream.indirect.gather [spmem:s3], $0x10, s12, s17, $0xb8;
	[tilespmem:$0xCE00] =	vst v63  }
0xc1: {  	_ =	swait.ge [sflag:s0], $0x800  }
0xc2: {  	[sflag:s0] =	ssyncset.done $0x0  }
.Ltmp0:
0xc3: {  	s12 =	sadd.s32 $0x2D00, s11;
	[sflag:s0] =	ssyncadd.s32 $0xFFFFF800;
	(pc) =	sbr.rel @p1 .LBB2_2-.Ltmp0, $4  }
0xc4: {  	[spmem:s2] =	stream.indirect.scatter.add.f32 [tilespmem:s20], [sflag:$0xC], $0x10, s12, s17, $0xb8;
	[tilespmem:$0xCE00] =	vst v63  }
0xc5: {  	_ =	swait.ge [sflag:s29], $0x800  }
0xc6: {  	[sflag:s29] =	ssyncset.done $0x0  }
0xc7: {  	s11 =	sadd.s32 $0x700, s11;
	[sflag:s29] =	ssyncadd.s32 $0xFFFFF800  }
0xc8: {  	[tilespmem:s21], [sflag:$0x3] =	stream.indirect.gather [spmem:s3], $0x10, s11, s17, $0xb8;
	[tilespmem:$0xCE00] =	vst v63  }
0xc9: {  	_ =	swait.ge [sflag:s22], $0x800  }
0xca: {  	[sflag:s22] =	ssyncset.done $0x0  }
0xcb: {  	s10 =	simm.s32 $0x4B80;
	[sflag:s22] =	ssyncadd.s32 $0xFFFFF800  }
0xcc: {  	[spmem:s2] =	stream.indirect.scatter.add.f32 [tilespmem:s18], [sflag:$0x7], $0x10, s10, s17, $0xb8;
	[tilespmem:$0xCE00] =	vst v63  }
0xcd: {  	_ =	swait.ge [sflag:s4], $0x800  }
0xce: {  	[sflag:s4] =	ssyncset.done $0x0  }
0xcf: {  	s13 =	simm.s32 $0x2580;
	[sflag:s4] =	ssyncadd.s32 $0xFFFFF800  }
0xd0: {  	[tilespmem:s25], [sflag:$0x4] =	stream.indirect.gather [spmem:s3], $0x10, s13, s17, $0xb8;
	[tilespmem:$0xCE00] =	vst v63  }
0xd1: {  	_ =	swait.ge [sflag:s26], $0x800  }
0xd2: {  	[sflag:s26] =	ssyncset.done $0x0  }
0xd3: {  	s16 =	simm.s32 $0x4C00;
	[sflag:s26] =	ssyncadd.s32 $0xFFFFF800  }
0xd4: {  	[spmem:s2] =	stream.indirect.scatter.add.f32 [tilespmem:s19], [sflag:$0x8], $0x10, s16, s17, $0xb8;
	[tilespmem:$0xCE00] =	vst v63  }
0xd5: {  	_ =	swait.ge [sflag:s5], $0x800  }
0xd6: {  	[sflag:s5] =	ssyncset.done $0x0  }
0xd7: {  	s11 =	simm.s32 $0x2600;
	[sflag:s5] =	ssyncadd.s32 $0xFFFFF800  }
0xd8: {  	[tilespmem:s30], [sflag:$0x5] =	stream.indirect.gather [spmem:s3], $0x10, s11, s17, $0xb8;
	[tilespmem:$0xCE00] =	vst v63  }
0xd9: {  	_ =	swait.ge [sflag:s31], $0x800  }
0xda: {  	[sflag:s31] =	ssyncset.done $0x0  }
0xdb: {  	s12 =	simm.s32 $0x4C80;
	[sflag:s31] =	ssyncadd.s32 $0xFFFFF800  }
0xdc: {  	[spmem:s2] =	stream.indirect.scatter.add.f32 [tilespmem:s21], [sflag:$0x9], $0x10, s12, s17, $0xb8;
	[tilespmem:$0xCE00] =	vst v63  }
0xdd: {  	_ =	swait.ge [sflag:s7], $0x800  }
0xde: {  	[sflag:s7] =	ssyncset.done $0x0  }
0xdf: {  	s13 =	simm.s32 $0x2680;
	[sflag:s7] =	ssyncadd.s32 $0xFFFFF800  }
0xe0: {  	[tilespmem:s20], [sflag:$0x6] =	stream.indirect.gather [spmem:s3], $0x10, s13, s17, $0xb8;
	[tilespmem:$0xCE00] =	vst v63  }
0xe1: {  	_ =	swait.ge [sflag:s23], $0x800  }
0xe2: {  	[sflag:s23] =	ssyncset.done $0x0  }
0xe3: {  	s16 =	simm.s32 $0x4D00;
	[sflag:s23] =	ssyncadd.s32 $0xFFFFF800  }
0xe4: {  	[spmem:s2] =	stream.indirect.scatter.add.f32 [tilespmem:s25], [sflag:$0xA], $0x10, s16, s17, $0xb8;
	[tilespmem:$0xCE00] =	vst v63  }
0xe5: {  	_ =	swait.ge [sflag:s1], $0x800  }
0xe6: {  	[sflag:s1] =	ssyncset.done $0x0  }
0xe7: {  	s11 =	simm.s32 $0x4D80;
	[sflag:s1] =	ssyncadd.s32 $0xFFFFF800  }
0xe8: {  	[spmem:s2] =	stream.indirect.scatter.add.f32 [tilespmem:s30], [sflag:$0xB], $0x10, s11, s17, $0xb8;
	[tilespmem:$0xCE00] =	vst v63  }
0xe9: {  	_ =	swait.ge [sflag:s0], $0x800  }
0xea: {  	[sflag:s0] =	ssyncset.done $0x0  }
0xeb: {  	s12 =	simm.s32 $0x4E00;
	[sflag:s0] =	ssyncadd.s32 $0xFFFFF800  }
0xec: {  	[spmem:s2] =	stream.indirect.scatter.add.f32 [tilespmem:s20], [sflag:$0xC], $0x10, s12, s17, $0xb8;
	[tilespmem:$0xCE00] =	vst v63  }
0xed: {  	_ =	swait.ge [sflag:s28], $0x800  }
0xee: {  	[sflag:s28] =	ssyncset.done $0x0  }
0xef: {  	[sflag:s28] =	ssyncadd.s32 $0xFFFFF800  }
0xf0: {  	_ =	swait.ge [sflag:s24], $0x800  }
0xf1: {  	[sflag:s24] =	ssyncset.done $0x0  }
0xf2: {  	[sflag:s24] =	ssyncadd.s32 $0xFFFFF800  }
0xf3: {  	_ =	swait.ge [sflag:s29], $0x800  }
0xf4: {  	[sflag:s29] =	ssyncset.done $0x0  }
0xf5: {  	[sflag:s29] =	ssyncadd.s32 $0xFFFFF800  }
0xf6: {  	_ =	swait.ge [sflag:s4], $0x800  }
0xf7: {  	[sflag:s4] =	ssyncset.done $0x0  }
0xf8: {  	[sflag:s4] =	ssyncadd.s32 $0xFFFFF800  }
0xf9: {  	_ =	swait.ge [sflag:s5], $0x800  }
0xfa: {  	[sflag:s5] =	ssyncset.done $0x0  }
0xfb: {  	[sflag:s5] =	ssyncadd.s32 $0xFFFFF800  }
0xfc: {  	_ =	swait.ge [sflag:s7], $0x800  }
0xfd: {  	s10 =	simm.s32 @!p0 $0x80;
	[sflag:s7] =	ssyncset.done $0x0  }
0xfe: {  	s11 =	simm.s32 @!p0 $0x2700;
	s12 =	simm.s32 @!p0 $0x4F00;
	[sflag:s7] =	ssyncadd.s32 $0xFFFFF800  }
0xff: {  	[tilespmem:s12], [sflag:$0xD] =	stream.indirect.gather @!p0 [spmem:s3], $0x10, s11, s10, $0xb8;
	[tilespmem:$0xCE00] =	vst v63  }
0x100: {  	s11 =	simm.s32 @!p0 $0xD  }
0x101: {  	_ =	swait.ge @!p0 [sflag:s11], $0x800  }
0x102: {  	[sflag:s11] =	ssyncset.done @!p0 $0x0  }
0x103: {  	s13 =	simm.s32 @!p0 $0x4E80;
	[sflag:s11] =	ssyncadd.s32 @!p0 $0xFFFFF800  }
0x104: {  	[spmem:s2] =	stream.indirect.scatter.add.f32 @!p0 [tilespmem:s12], [sflag:$0xD], $0x10, s13, s10, $0xb8;
	[tilespmem:$0xCE00] =	vst v63  }
0x105: {  	_ =	swait.ge @!p0 [sflag:s11], $0x800  }
0x106: {  	[sflag:s11] =	ssyncset.done @!p0 $0x0  }
0x107: {  	[sflag:s11] =	ssyncadd.s32 @!p0 $0xFFFFF800  }
0x108: {  	[bflag:$0x0] =	sbarrier.arrive $0xFFFF  }
0x109: {  	s13 =	rddreg [dreg:$0x9]  }
0x10a: {  	[hbm:s13], [sflag:s6] =	dma.local [spmem:s14], $0x4F0  }
0x10b: {  	_ =	swait.ge [sflag:s15], $0x4F0  }
0x10c: {  	s8 =	sadd.s32 $0x1, s8;
	s16 =	rddreg [dreg:$0xa]  }
0x10d: {  	p1 =	sne.s32 s8, s16  }
.Ltmp1:
0x10e: {  	_ = 	snop;
	(pc) =	sbr.rel @p1 .LBB2_1-.Ltmp1, $3  }
0x10f: {  	_ =	sdelay $0x1  }
0x110: {  	[sflag:s15] =	ssyncset.done $0x0  }
0x111: {  	[sflag:s15] =	ssyncadd.s32 $0xFFFFFB10  }
0x112: {  	_ =	sfence.sel $0x180000  }
0x113: {  	[bflag:$0x0] =	sbarrier.arrive $0xFFFF  }
0x114: {  	_ =	strace $0x9000004A  }
0x115: {  	s0 =	stileid.u32;
	[bflag:$0x2] =	sbarrier.arrive $0xFFFF  }
0x116: {  	p0 =	sne.s32 s0, $0x0;
	s0 =	rddreg [dreg:$0x3]  }
0x117: {  	s0 =	sadd.s32 @!p0 $0x100000, s0  }
0x118: {  	[sflag:s0] =	ssyncadd.tile.s32 @!p0 $0x1;
	_ =	shalt  }
.Lfunc_end2:
_tile_overlayer_lowered:
.L_overlay_start_2:
0x119: {  	(tag) =	ssettag $0x2  }
0x11a: {  	s0 =	rddreg [dreg:$0x0];
	s2 =	stileid.u32  }
0x11b: {  	s1 =	rddreg [dreg:$0x1];
	p0 =	sne.s32 s2, $0x0  }
0x11c: {  	s3 =	rddreg [dreg:$0x2];
	[bflag:$0x3] =	sbarrier.arrive $0xFFFF;
	s2 =	simm.s32 @!p0 $0x1C0D  }
0x11d: {  	[timem:s3], [sflag:s2] =	dma.local @!p0 [hbm:s0], s1  }
0x11e: {  	s0 =	simm.s32 @!p0 $0xD  }
0x11f: {  	_ =	swait.ge @!p0 [sflag:s0], s1  }
0x120: {  	s1 =	ssub.s32 @!p0 $0x0, s1;
	[sflag:s0] =	ssyncset.done @!p0 $0x0  }
0x121: {  	[sflag:s0] =	ssyncadd.s32 @!p0 s1  }
0x122: {  	[bflag:$0x3] =	sbarrier.arrive $0xFFFF  }
0x123: {  	_ =	shalt  }

// kernel: kernel.15.cloned.1.call-start
scs
__scs_entry_jumppad:
0x0: {  	(pc) =	sbr.rel $0x88, $3  }
0x1: {  	(tag) =	ssettag $0x0;
	lr =	simm.s32 $0x1  }
0x2: {  	[smem:$0x3F9B] =	sst lr;
	_ =	strace $0xD0000000  }
0x3: {  	_ = 	snop  }
0x4: {  	_ = 	snop  }
0x5: {  	_ = 	snop  }
0x6: {  	_ = 	snop  }
0x7: {  	_ = 	snop  }
__scs_overlays_trampoline_lowered:
0x8: {  	[smem:$0x3FAA] =	sst s0  }
0x9: {  	[smem:$0x3FAB] =	sst s1  }
0xa: {  	[smem:$0x3FAC] =	sst s2  }
0xb: {  	[smem:$0x3FAD] =	sst s3  }
0xc: {  	[smem:$0x3FAE] =	sst s4  }
0xd: {  	[smem:$0x3FAF] =	sst s5  }
0xe: {  	[smem:$0x3FB0] =	sst s6  }
0xf: {  	[smem:$0x3FB1] =	sst s7  }
0x10: {  	[smem:$0x3FB2] =	sst s8  }
0x11: {  	[smem:$0x3FB3] =	sst s9;
	s0 =	simm.s32 @!p0 $0x0  }
0x12: {  	s1 =	sld [smem:$0x3F99];
	s0 =	simm.s32 @p0 $0x1  }
0x13: {  	[smem:$0x3FB4] =	sst s0;
	s0 =	simm.s32 @!p1 $0x0  }
0x14: {  	s2 =	sld [smem:$0x3F98];
	s0 =	simm.s32 @p1 $0x1  }
0x15: {  	[smem:$0x3FB5] =	sst s0;
	s0 =	simm.s32 @!p2 $0x0  }
0x16: {  	s3 =	sld [smem:$0x3FDB];
	s0 =	simm.s32 @p2 $0x1  }
0x17: {  	s4 =	simm.s32 $0x1BF5;
	[smem:$0x3FB7] =	sst s0  }
0x18: {  	s0 =	sld [smem:$0x3F9A];
	_ =	swait.ge [sflag:s4], $0x0  }
0x19: {  	s7 =	sld [smem:$0x3F9B]  }
0x1a: {  	s8 =	sadd.s32 $0xFFFFE003, lr  }
0x1b: {  	s9 =	sadd.s32 $0xFFFFFEF7, lr;
	s5 =	simm.s32 $0xFFFFFFFF;
	p2 =	slt.u32 s8, $0xFFFFF086  }
0x1c: {  	p1 =	slt.u32 s9, $0xF7A;
	s5 =	simm.s32 @!p2 $0x0  }
0x1d: {  	s5 =	simm.s32 @p1 $0x1;
	p0 =	seq.s32 s7, s2  }
0x1e: {  	s7 =	smul.u32 @!p0 $0xF7A, s2;
	p2 =	seq.s32 @!p0 s5, $0x0  }
0x1f: {  	s9 =	smul.u32 $0xF7A, s1;
	s8 =	simm.s32 @!p0 $0x1BF5;
	p2 =	por !p2, p0  }
0x20: {  	[sflag:s8] =	ssyncset.s32 @!p0 $0xFFFFF086;
	s6 =	sadd.s32 @!p0 s3, s7;
	s7 =	simm.s32 @!p0 $0x108  }
0x21: {  	s3 =	sadd.s32 s3, s9;
	s6 =	sadd.s32 @!p0 $0x88, s6;
	s7 =	simm.s32 @p2 $0x1082  }
0x22: {  	[simem:s7], [sflag:s8] =	dma.local @!p0 [hbm:s6], $0xF7A  }
0x23: {  	s9 =	sor.u32 $0xD0000000, s2;
	s6 =	simm.s32 $0x108;
	_ =	swait.ge @!p0 [sflag:s8], $0x0  }
0x24: {  	s3 =	sadd.s32 $0x88, s3;
	s6 =	simm.s32 @!p1 $0x1082;
	[sflag:s4] =	ssyncset.s32 $0xFFFFF086  }
0x25: {  	[simem:s6], [sflag:s4] =	dma.local [hbm:s3], $0xF7A  }
0x26: {  	[smem:$0x3F9B] =	sst s1;
	(tag) =	ssettag s2;
	_ =	strace s9  }
0x27: {  	s1 =	sld [smem:$0x3FAB]  }
0x28: {  	s2 =	sld [smem:$0x3FAC]  }
0x29: {  	s4 =	sld [smem:$0x3FAE]  }
0x2a: {  	p0 =	seq.s32 s5, $0x0;
	s5 =	sld [smem:$0x3FAF]  }
0x2b: {  	s6 =	sld [smem:$0x3FB0]  }
0x2c: {  	s7 =	sld [smem:$0x3FB1]  }
0x2d: {  	s3 =	simm.s32 $0x108;
	s8 =	sld [smem:$0x3FB2]  }
0x2e: {  	s3 =	simm.s32 @!p0 $0x1082;
	s9 =	sld [smem:$0x3FB3]  }
0x2f: {  	lr =	sadd.s32 s0, s3;
	s0 =	sld [smem:$0x3FAA]  }
0x30: {  	s3 =	sld [smem:$0x3FAD]  }
0x31: {  	[smem:$0x3FB6] =	sst s10  }
0x32: {  	s10 =	sld [smem:$0x3FB4];
	_ =	sdelay $0x3  }
0x33: {  	p0 =	seq.s32 s10, $0x1;
	s10 =	sld [smem:$0x3FB6];
	_ =	sdelay $0x3  }
0x34: {  	[smem:$0x3FB6] =	sst s10  }
0x35: {  	s10 =	sld [smem:$0x3FB5];
	_ =	sdelay $0x3  }
0x36: {  	p1 =	seq.s32 s10, $0x1;
	s10 =	sld [smem:$0x3FB6];
	_ =	sdelay $0x3  }
0x37: {  	[smem:$0x3FB6] =	sst s10  }
0x38: {  	s10 =	sld [smem:$0x3FB7]  }
0x39: {  	_ = 	snop;
	(pc) =	sbr.ind lr, $3  }
0x3a: {  	_ = 	snop  }
0x3b: {  	_ = 	snop  }
0x3c: {  	p2 =	seq.s32 s10, $0x1;
	s10 =	sld [smem:$0x3FB6]  }
0x3d: {  	_ =	shalt  }
0x3e: {  	_ =	shalt  }
0x3f: {  	_ =	shalt  }
0x40: {  	_ =	shalt  }
0x41: {  	_ =	shalt  }
0x42: {  	_ =	shalt  }
0x43: {  	_ =	shalt  }
0x44: {  	_ =	shalt  }
0x45: {  	_ =	shalt  }
0x46: {  	_ =	shalt  }
0x47: {  	_ =	shalt  }
0x48: {  	_ =	shalt  }
0x49: {  	_ =	shalt  }
0x4a: {  	_ =	shalt  }
0x4b: {  	_ =	shalt  }
0x4c: {  	_ =	shalt  }
0x4d: {  	_ =	shalt  }
0x4e: {  	_ =	shalt  }
0x4f: {  	_ =	shalt  }
0x50: {  	_ =	shalt  }
0x51: {  	_ =	shalt  }
0x52: {  	_ =	shalt  }
0x53: {  	_ =	shalt  }
0x54: {  	_ =	shalt  }
0x55: {  	_ =	shalt  }
0x56: {  	_ =	shalt  }
0x57: {  	_ =	shalt  }
0x58: {  	_ =	shalt  }
0x59: {  	_ =	shalt  }
0x5a: {  	_ =	shalt  }
0x5b: {  	_ =	shalt  }
0x5c: {  	_ =	shalt  }
0x5d: {  	_ =	shalt  }
0x5e: {  	_ =	shalt  }
0x5f: {  	_ =	shalt  }
0x60: {  	_ =	shalt  }
0x61: {  	_ =	shalt  }
0x62: {  	_ =	shalt  }
0x63: {  	_ =	shalt  }
0x64: {  	_ =	shalt  }
0x65: {  	_ =	shalt  }
0x66: {  	_ =	shalt  }
0x67: {  	_ =	shalt  }
0x68: {  	_ =	shalt  }
0x69: {  	_ =	shalt  }
0x6a: {  	_ =	shalt  }
0x6b: {  	_ =	shalt  }
0x6c: {  	_ =	shalt  }
0x6d: {  	_ =	shalt  }
0x6e: {  	_ =	shalt  }
0x6f: {  	_ =	shalt  }
0x70: {  	_ =	shalt  }
0x71: {  	_ =	shalt  }
0x72: {  	_ =	shalt  }
0x73: {  	_ =	shalt  }
0x74: {  	_ =	shalt  }
0x75: {  	_ =	shalt  }
0x76: {  	_ =	shalt  }
0x77: {  	_ =	shalt  }
0x78: {  	_ =	shalt  }
0x79: {  	_ =	shalt  }
0x7a: {  	_ =	shalt  }
0x7b: {  	_ =	shalt  }
0x7c: {  	_ =	shalt  }
0x7d: {  	_ =	shalt  }
0x7e: {  	_ =	shalt  }
0x7f: {  	_ =	shalt  }
0x80: {  	_ =	shalt  }
0x81: {  	_ =	shalt  }
0x82: {  	_ =	shalt  }
0x83: {  	_ =	shalt  }
0x84: {  	_ =	shalt  }
0x85: {  	_ =	shalt  }
0x86: {  	_ =	shalt  }
0x87: {  	_ =	shalt  }
.Lfunc_end0:
.L_simem_size_0:
called_computation.2_lowered:
.L_overlay_start_0:
0x88: {  	s2 =	sld [smem:$0x3FD9]  }
0x89: {  	s3 =	sld [smem:$0x3FFE];
	_ =	sdelay $0x1  }
0x8a: {  	s1 =	srdreg.scid  }
0x8b: {  	s0 =	sand.u32 $0x1, s1  }
0x8c: {  	s16 =	sshll.u32 s0, $0xA;
	s2 =	sadd.s32 s3, s2  }
0x8d: {  	s2 =	sadd.s32 s2, s16  }
0x8e: {  	[smem:$0x3FC2] =	sst s2  }
0x8f: {  	_ = 	snop  }
0x90: {  	(tm) =	ssettm $0x1  }
0x91: {  	s17 =	sld [smem:$0x3FFB];
	_ =	sdelay $0x3  }
0x92: {  	_ =	strace s17  }
0x93: {  	s2 =	sld [smem:$0x3FFC];
	_ =	sdelay $0x3  }
0x94: {  	_ =	strace s2  }
0x95: {  	s2 =	sld [smem:$0x3FFD];
	_ =	sdelay $0x3  }
0x96: {  	_ =	strace s2  }
0x97: {  	_ =	strace $0x8FFFFFFF  }
0x98: {  	s18 =	sld [smem:$0x3FDB];
	_ =	sdelay $0x1  }
0x99: {  	s19 =	simm.s32 $_scs_section_size  }
0x9a: {  	s4 =	simm.s32 $_size__tile_overlayer_lowered;
	s5 =	simm.s32 $_tile_overlayer_lowered  }
0x9b: {  	s22 =	simm.s32 $0x1BFF;
	s21 =	sshll.u32 s5, $0x1;
	s2 =	sadd.s32 s19, s18  }
0x9c: {  	s6 =	simm.s32 $0x0;
	s20 =	sshll.u32 s4, $0x1;
	s4 =	sadd.s32 s21, s2  }
0x9d: {  	[timem:s6], [sflag:s22] =	dma.local [hbm:s4], s20  }
0x9e: {  	_ =	swait.ge [sflag:s22], s20  }
0x9f: {  	s3 =	ssub.s32 $0x0, s20;
	[sflag:s22] =	ssyncset.done $0x0  }
0xa0: {  	[sflag:s22] =	ssyncadd.s32 s3;
	_ =	sdelay $0x1  }
0xa1: {  	s23 =	simm.s32 $0x1B8B  }
0xa2: {  	_ =	swait.ge [sflag:s23], $0x1  }
0xa3: {  	[sflag:s23] =	ssyncset.done $0x0  }
0xa4: {  	s25 =	simm.s32 $0x1B8E;
	s24 =	sld [smem:$0x3FFE];
	[sflag:s23] =	ssyncadd.s32 $0xFFFFFFFF  }
0xa5: {  	s26 =	simm.s32 $execute0_lowered;
	[smem:$0x3FD2] =	sst s25  }
0xa6: {  	s4 =	sshll.u32 s26, $0x1;
	_ =	strace $0x8000004C;
	[dreg:$0x1] =	wrdreg $0xFFFFFFFF  }
0xa7: {  	s28 =	simm.s32 $_size_execute0_lowered;
	s2 =	sadd.s32 s2, s4;
	[dreg:$0x0] =	wrdreg $0x0  }
0xa8: {  	s4 =	sshll.u32 s28, $0x1;
	[dreg:$0x2] =	wrdreg s2  }
0xa9: {  	[dreg:$0x3] =	wrdreg s4  }
0xaa: {  	[dreg:$0x4] =	wrdreg $0xC0  }
0xab: {  	_ =	task [dreg:s6], $0x5FFFF  }
0xac: {  	[dreg:$0x1] =	wrdreg $0xFFFFFFFF  }
0xad: {  	[dreg:$0x0] =	wrdreg $0x60  }
0xae: {  	[dreg:$0x2] =	wrdreg s24  }
0xaf: {  	[dreg:$0x3] =	wrdreg $0x52000  }
0xb0: {  	[dreg:$0x4] =	wrdreg $0x54780  }
0xb1: {  	[dreg:$0x5] =	wrdreg $0x9  }
0xb2: {  	_ =	task.clear_ibuf [dreg:s6], $0x6FFFF;
	_ =	strace $0x9000004C  }
0xb3: {  	s29 =	simm.s32 $0x9;
	_ =	strace $0x8000004E  }
0xb4: {  	_ =	swait.ge [sflag:s29], $0x1  }
0xb5: {  	[sflag:s29] =	ssyncadd.s32 $0xFFFFFFFF  }
0xb6: {  	_ =	strace $0x9000004E  }
0xb7: {  	_ =	sfence  }
0xb8: {  	s30 =	sld [smem:$0x0];
	_ =	sdelay $0x2  }
0xb9: {  	s31 =	sshll.u32 s1, $0xD;
	s1 =	sshrl.u32 s1, $0x2  }
0xba: {  	s3 =	sand.u32 $0x4000, s31;
	s1 =	sadd.s32 s1, s30  }
0xbb: {  	s0 =	sor.u32 s3, s0;
	s1 =	sshll.u32 s1, $0x11  }
0xbc: {  	s0 =	sor.u32 s1, s0  }
0xbd: {  	s0 =	sadd.s32 $0x8F2B, s0  }
0xbe: {  	[sflag:s0] =	ssyncadd.remote.s32 $0x1  }
0xbf: {  	_ =	sfence.sel $0xFFFF  }
0xc0: {  	[dreg:$0x0] =	wrdreg $0xFFFFFFFF;
	(pc) =	sbr.abs _section_cstart, $3  }
0xc1: {  	[dreg:$0x1] =	wrdreg $0xFFFFFFFF  }
0xc2: {  	_ =	task.clear_ibuf [dreg:s6], $0x2FFFF;
	_ =	strace $0x9FFFFFFF  }
0xc3: {  	(tm) =	ssettm $0x7FFFFFFF  }
tec
execute0_lowered:
.L_overlay_start_1:
0x0: {  	(tag) =	ssettag $0x1  }
0x1: {  	s0 =	srdreg.scid;
	s1 =	rddreg [dreg:$0x0]  }
0x2: {  	s10 =	stileid.u32;
	s2 =	rddreg [dreg:$0x1]  }
0x3: {  	s6 =	simm.s32 $0x0;
	s15 =	simm.s32 $0xD;
	s17 =	simm.s32 $0x80  }
0x4: {  	s18 =	simm.s32 $0x4F00;
	s19 =	simm.s32 $0x4F80;
	s30 =	simm.s32 $0x5100  }
0x5: {  	s31 =	simm.s32 $0x3;
	s28 =	simm.s32 $0x7;
	s29 =	simm.s32 $0x9  }
0x6: {  	s0 =	sand.u32 $0x1, s0;
	s3 =	sshll.u32 s10, $0x1;
	s20 =	smul.u32 $0x278, s10  }
0x7: {  	[smem:$0x7FF] =	sst s6;
	s22 =	sshll.u32 s10, $0x6;
	p0 =	sgt.u32 s10, $0x1  }
0x8: {  	s4 =	sor.u32 s0, s3;
	s3 =	rddreg [dreg:$0x2];
	s21 =	smul.u32 $0x2780, s0  }
0x9: {  	_ =	strace $0x8000004D;
	s0 =	ssub.s32 $0x2, s0;
	s5 =	smul.u32 $0x4E, s4  }
0xa: {  	s4 =	smin.u32 s4, $0x4;
	s7 =	sshrl.u32 s20, $0x3;
	s8 =	sshrl.u32 s0, $0x1  }
0xb: {  	s23 =	sadd.s32 s20, s2;
	s6 =	sadd.s32 s20, s21;
	s7 =	sadd.s32 s7, s1  }
0xc: {  	s0 =	ssub.s32 s0, s8;
	s14 =	sshrl.u32 s23, $0x3;
	s21 =	simm.s32 $0x5000  }
0xd: {  	s23 =	simm.s32 $0x4;
	s8 =	simm.s32 $0x0;
	s4 =	sadd.s32 s4, s5  }
0xe: {  	s6 =	sshrl.u32 s6, $0x3;
	s9 =	sadd.s32 $0x15E00, s7;
	s5 =	sadd.s32 s20, s3  }
0xf: {  	s7 =	sadd.s32 $0x16400, s7;
	s0 =	smax.u32 s0, $0x1;
	[dreg:$0x4] =	wrdreg s9  }
0x10: {  	s20 =	simm.s32 $0x5180;
	s4 =	sshll.u32 s4, $0x4;
	[dreg:$0x5] =	wrdreg s7  }
0x11: {  	[dreg:$0xa] =	wrdreg s0;
	s26 =	sshrl.u32 s5, $0x3;
	s0 =	simm.s32 $0x6  }
0x12: {  	s5 =	simm.s32 $0xB;
	s7 =	simm.s32 $0xC;
	s4 =	sadd.s32 s4, s1  }
0x13: {  	s1 =	sadd.s32 s6, s1;
	[dreg:$0xb] =	wrdreg s26;
	s24 =	sadd.s32 $0x2400, s4  }
0x14: {  	s6 =	sor.u32 $0x1C0D, s22;
	s25 =	sadd.s32 $0x28E0, s4;
	[dreg:$0x6] =	wrdreg s24  }
0x15: {  	s9 =	sadd.s32 $0xC040, s4;
	s4 =	sadd.s32 $0xC520, s4;
	[dreg:$0x7] =	wrdreg s25  }
0x16: {  	s22 =	simm.s32 $0x1;
	s1 =	sadd.s32 $0x16A00, s1;
	[dreg:$0x8] =	wrdreg s4  }
0x17: {  	s26 =	simm.s32 $0x2;
	[dreg:$0x9] =	wrdreg s1;
	s25 =	simm.s32 $0x5080  }
0x18: {  	s1 =	simm.s32 $0x5;
	s24 =	simm.s32 $0x8;
	s4 =	simm.s32 $0xA  }
.LBB2_1:
0x19: {  	s10 =	rddreg [dreg:$0x4]  }
0x1a: {  	[spmem:s14], [sflag:s6] =	dma.local [hbm:s10], $0x4F  }
0x1b: {  	_ =	swait.ge [sflag:s15], $0x4F  }
0x1c: {  	[sflag:s15] =	ssyncset.done $0x0;
	s13 =	rddreg [dreg:$0x5]  }
0x1d: {  	s11 =	rddreg [dreg:$0xb];
	[sflag:s15] =	ssyncadd.s32 $0xFFFFFFB1  }
0x1e: {  	[spmem:s11], [sflag:s6] =	dma.local [hbm:s13], $0x4F  }
0x1f: {  	_ =	swait.ge [sflag:s15], $0x4F  }
0x20: {  	[sflag:s15] =	ssyncset.done $0x0  }
0x21: {  	s13 =	simm.s32 $0x0;
	s16 =	rddreg [dreg:$0x6];
	[sflag:s15] =	ssyncadd.s32 $0xFFFFFFB1  }
0x22: {  	[tilespmem:s13], [sflag:$0xD] =	stream.linear.gather [hbm4b:s16+s13], $0x2700, $0x38;
	[tilespmem:$0x56F0] =	vst v63  }
0x23: {  	_ =	swait.ge [sflag:s15], $0x2700  }
0x24: {  	[sflag:s15] =	ssyncset.done $0x0  }
0x25: {  	s10 =	simm.s32 @p0 $0x0;
	s11 =	simm.s32 @p0 $0x2780;
	[sflag:s15] =	ssyncadd.s32 $0xFFFFD900  }
0x26: {  	[tilespmem:s11], [sflag:$0xD] =	stream.linear.gather @p0 [hbm4b:s9+s10], $0x2700, $0x38;
	[tilespmem:$0x56F0] =	vst v63  }
0x27: {  	s10 =	simm.s32 @p0 $0xD  }
0x28: {  	_ =	swait.ge @p0 [sflag:s10], $0x2700  }
0x29: {  	s11 =	simm.s32 @!p0 $0x2700;
	[sflag:s10] =	ssyncset.done @p0 $0x0  }
0x2a: {  	s12 =	rddreg [dreg:$0x7];
	[sflag:s10] =	ssyncadd.s32 @p0 $0xFFFFD900;
	s10 =	simm.s32 @!p0 $0x0  }
0x2b: {  	[tilespmem:s11], [sflag:$0xD] =	stream.linear.gather @!p0 [hbm4b:s12+s10], $0x80, $0x38;
	[tilespmem:$0x56F0] =	vst v63  }
0x2c: {  	s11 =	simm.s32 @!p0 $0xD  }
0x2d: {  	_ =	swait.ge @!p0 [sflag:s11], $0x80  }
0x2e: {  	[sflag:s11] =	ssyncset.done @!p0 $0x0  }
0x2f: {  	s12 =	simm.s32 @!p0 $0x2780;
	[sflag:s11] =	ssyncadd.s32 @!p0 $0xFFFFFF80  }
0x30: {  	[tilespmem:s12], [sflag:$0xD] =	stream.linear.gather @!p0 [hbm4b:s9+s10], $0x2700, $0x38;
	[tilespmem:$0x56F0] =	vst v63  }
0x31: {  	_ =	swait.ge @!p0 [sflag:s11], $0x2700  }
0x32: {  	[sflag:s11] =	ssyncset.done @!p0 $0x0  }
0x33: {  	s12 =	simm.s32 @!p0 $0x4E80;
	s16 =	rddreg [dreg:$0x8];
	[sflag:s11] =	ssyncadd.s32 @!p0 $0xFFFFD900  }
0x34: {  	[tilespmem:s12], [sflag:$0xD] =	stream.linear.gather @!p0 [hbm4b:s16+s10], $0x80, $0x38;
	[tilespmem:$0x56F0] =	vst v63  }
0x35: {  	_ =	swait.ge @!p0 [sflag:s11], $0x80  }
0x36: {  	[sflag:s11] =	ssyncset.done @!p0 $0x0  }
0x37: {  	[sflag:s11] =	ssyncadd.s32 @!p0 $0xFFFFFF80  }
0x38: {  	[bflag:$0x0] =	sbarrier.arrive $0xFFFF  }
0x39: {  	[tilespmem:s18], [sflag:$0x1] =	stream.indirect.gather [spmem:s3], $0x1, s13, s17, $0xb8;
	[tilespmem:$0x56F0] =	vst v63  }
0x3a: {  	_ = 	snop  }
0x3b: {  	[tilespmem:s19], [sflag:$0x2] =	stream.indirect.gather [spmem:s3], $0x1, s17, s17, $0xb8;
	[tilespmem:$0x56F0] =	vst v63  }
0x3c: {  	s11 =	simm.s32 $0x100  }
0x3d: {  	[tilespmem:s21], [sflag:$0x3] =	stream.indirect.gather [spmem:s3], $0x1, s11, s17, $0xb8;
	[tilespmem:$0x56F0] =	vst v63  }
0x3e: {  	_ =	swait.ge [sflag:s22], $0x80  }
0x3f: {  	[sflag:s22] =	ssyncset.done $0x0  }
0x40: {  	s12 =	simm.s32 $0x2780;
	[sflag:s22] =	ssyncadd.s32 $0xFFFFFF80  }
0x41: {  	[spmem:s2] =	stream.indirect.scatter.add.f32 [tilespmem:s18], [sflag:$0x7], $0x1, s12, s17, $0xb8;
	[tilespmem:$0x56F0] =	vst v63  }
0x42: {  	s13 =	simm.s32 $0x180  }
0x43: {  	[tilespmem:s25], [sflag:$0x4] =	stream.indirect.gather [spmem:s3], $0x1, s13, s17, $0xb8;
	[tilespmem:$0x56F0] =	vst v63  }
0x44: {  	_ =	swait.ge [sflag:s26], $0x80  }
0x45: {  	[sflag:s26] =	ssyncset.done $0x0  }
0x46: {  	s16 =	simm.s32 $0x2800;
	[sflag:s26] =	ssyncadd.s32 $0xFFFFFF80  }
0x47: {  	[spmem:s2] =	stream.indirect.scatter.add.f32 [tilespmem:s19], [sflag:$0x8], $0x1, s16, s17, $0xb8;
	[tilespmem:$0x56F0] =	vst v63  }
0x48: {  	s11 =	simm.s32 $0x200  }
0x49: {  	[tilespmem:s30], [sflag:$0x5] =	stream.indirect.gather [spmem:s3], $0x1, s11, s17, $0xb8;
	[tilespmem:$0x56F0] =	vst v63  }
0x4a: {  	_ =	swait.ge [sflag:s31], $0x80  }
0x4b: {  	[sflag:s31] =	ssyncset.done $0x0  }
0x4c: {  	s12 =	simm.s32 $0x2880;
	[sflag:s31] =	ssyncadd.s32 $0xFFFFFF80  }
0x4d: {  	[spmem:s2] =	stream.indirect.scatter.add.f32 [tilespmem:s21], [sflag:$0x9], $0x1, s12, s17, $0xb8;
	[tilespmem:$0x56F0] =	vst v63  }
0x4e: {  	s13 =	simm.s32 $0x280  }
0x4f: {  	[tilespmem:s20], [sflag:$0x6] =	stream.indirect.gather [spmem:s3], $0x1, s13, s17, $0xb8;
	[tilespmem:$0x56F0] =	vst v63  }
0x50: {  	_ =	swait.ge [sflag:s23], $0x80  }
0x51: {  	[sflag:s23] =	ssyncset.done $0x0  }
0x52: {  	s16 =	simm.s32 $0x2900;
	[sflag:s23] =	ssyncadd.s32 $0xFFFFFF80  }
0x53: {  	[spmem:s2] =	stream.indirect.scatter.add.f32 [tilespmem:s25], [sflag:$0xA], $0x1, s16, s17, $0xb8;
	[tilespmem:$0x56F0] =	vst v63  }
0x54: {  	_ =	swait.ge [sflag:s28], $0x80  }
0x55: {  	[sflag:s28] =	ssyncset.done $0x0  }
0x56: {  	s11 =	simm.s32 $0x300;
	[sflag:s28] =	ssyncadd.s32 $0xFFFFFF80  }
0x57: {  	[tilespmem:s18], [sflag:$0x1] =	stream.indirect.gather [spmem:s3], $0x1, s11, s17, $0xb8;
	[tilespmem:$0x56F0] =	vst v63  }
0x58: {  	_ =	swait.ge [sflag:s1], $0x80  }
0x59: {  	[sflag:s1] =	ssyncset.done $0x0  }
0x5a: {  	s12 =	simm.s32 $0x2980;
	[sflag:s1] =	ssyncadd.s32 $0xFFFFFF80  }
0x5b: {  	[spmem:s2] =	stream.indirect.scatter.add.f32 [tilespmem:s30], [sflag:$0xB], $0x1, s12, s17, $0xb8;
	[tilespmem:$0x56F0] =	vst v63  }
0x5c: {  	_ =	swait.ge [sflag:s24], $0x80  }
0x5d: {  	[sflag:s24] =	ssyncset.done $0x0  }
0x5e: {  	s13 =	simm.s32 $0x380;
	[sflag:s24] =	ssyncadd.s32 $0xFFFFFF80  }
0x5f: {  	[tilespmem:s19], [sflag:$0x2] =	stream.indirect.gather [spmem:s3], $0x1, s13, s17, $0xb8;
	[tilespmem:$0x56F0] =	vst v63  }
0x60: {  	_ =	swait.ge [sflag:s0], $0x80  }
0x61: {  	[sflag:s0] =	ssyncset.done $0x0  }
0x62: {  	s16 =	simm.s32 $0x2A00;
	[sflag:s0] =	ssyncadd.s32 $0xFFFFFF80  }
0x63: {  	[spmem:s2] =	stream.indirect.scatter.add.f32 [tilespmem:s20], [sflag:$0xC], $0x1, s16, s17, $0xb8;
	[tilespmem:$0x56F0] =	vst v63  }
0x64: {  	_ =	swait.ge [sflag:s29], $0x80  }
0x65: {  	[sflag:s29] =	ssyncset.done $0x0  }
0x66: {  	s11 =	simm.s32 $0x400;
	[sflag:s29] =	ssyncadd.s32 $0xFFFFFF80  }
0x67: {  	[tilespmem:s21], [sflag:$0x3] =	stream.indirect.gather [spmem:s3], $0x1, s11, s17, $0xb8;
	[tilespmem:$0x56F0] =	vst v63  }
0x68: {  	_ =	swait.ge [sflag:s22], $0x80  }
0x69: {  	[sflag:s22] =	ssyncset.done $0x0  }
0x6a: {  	s12 =	simm.s32 $0x2A80;
	[sflag:s22] =	ssyncadd.s32 $0xFFFFFF80  }
0x6b: {  	[spmem:s2] =	stream.indirect.scatter.add.f32 [tilespmem:s18], [sflag:$0x7], $0x1, s12, s17, $0xb8;
	[tilespmem:$0x56F0] =	vst v63  }
0x6c: {  	_ =	swait.ge [sflag:s4], $0x80  }
0x6d: {  	[sflag:s4] =	ssyncset.done $0x0  }
0x6e: {  	s13 =	simm.s32 $0x480;
	[sflag:s4] =	ssyncadd.s32 $0xFFFFFF80  }
0x6f: {  	[tilespmem:s25], [sflag:$0x4] =	stream.indirect.gather [spmem:s3], $0x1, s13, s17, $0xb8;
	[tilespmem:$0x56F0] =	vst v63  }
0x70: {  	_ =	swait.ge [sflag:s26], $0x80  }
0x71: {  	[sflag:s26] =	ssyncset.done $0x0  }
0x72: {  	s16 =	simm.s32 $0x2B00;
	[sflag:s26] =	ssyncadd.s32 $0xFFFFFF80  }
0x73: {  	[spmem:s2] =	stream.indirect.scatter.add.f32 [tilespmem:s19], [sflag:$0x8], $0x1, s16, s17, $0xb8;
	[tilespmem:$0x56F0] =	vst v63  }
0x74: {  	_ =	swait.ge [sflag:s5], $0x80  }
0x75: {  	[sflag:s5] =	ssyncset.done $0x0  }
0x76: {  	s11 =	simm.s32 $0x500;
	[sflag:s5] =	ssyncadd.s32 $0xFFFFFF80  }
0x77: {  	[tilespmem:s30], [sflag:$0x5] =	stream.indirect.gather [spmem:s3], $0x1, s11, s17, $0xb8;
	[tilespmem:$0x56F0] =	vst v63  }
0x78: {  	_ =	swait.ge [sflag:s31], $0x80  }
0x79: {  	[sflag:s31] =	ssyncset.done $0x0  }
0x7a: {  	s12 =	simm.s32 $0x2B80;
	[sflag:s31] =	ssyncadd.s32 $0xFFFFFF80  }
0x7b: {  	[spmem:s2] =	stream.indirect.scatter.add.f32 [tilespmem:s21], [sflag:$0x9], $0x1, s12, s17, $0xb8;
	[tilespmem:$0x56F0] =	vst v63  }
0x7c: {  	_ =	swait.ge [sflag:s7], $0x80  }
0x7d: {  	[sflag:s7] =	ssyncset.done $0x0  }
0x7e: {  	s13 =	simm.s32 $0x580;
	[sflag:s7] =	ssyncadd.s32 $0xFFFFFF80  }
0x7f: {  	[tilespmem:s20], [sflag:$0x6] =	stream.indirect.gather [spmem:s3], $0x1, s13, s17, $0xb8;
	[tilespmem:$0x56F0] =	vst v63  }
0x80: {  	_ =	swait.ge [sflag:s23], $0x80  }
0x81: {  	[sflag:s23] =	ssyncset.done $0x0  }
0x82: {  	s16 =	simm.s32 $0x2C00;
	[sflag:s23] =	ssyncadd.s32 $0xFFFFFF80  }
0x83: {  	[spmem:s2] =	stream.indirect.scatter.add.f32 [tilespmem:s25], [sflag:$0xA], $0x1, s16, s17, $0xb8;
	[tilespmem:$0x56F0] =	vst v63  }
0x84: {  	_ =	swait.ge [sflag:s28], $0x80  }
0x85: {  	[sflag:s28] =	ssyncset.done $0x0  }
0x86: {  	s11 =	simm.s32 $0x600;
	[sflag:s28] =	ssyncadd.s32 $0xFFFFFF80  }
0x87: {  	[tilespmem:s18], [sflag:$0x1] =	stream.indirect.gather [spmem:s3], $0x1, s11, s17, $0xb8;
	[tilespmem:$0x56F0] =	vst v63  }
0x88: {  	_ =	swait.ge [sflag:s1], $0x80  }
0x89: {  	[sflag:s1] =	ssyncset.done $0x0  }
0x8a: {  	s12 =	simm.s32 $0x2C80;
	[sflag:s1] =	ssyncadd.s32 $0xFFFFFF80  }
0x8b: {  	[spmem:s2] =	stream.indirect.scatter.add.f32 [tilespmem:s30], [sflag:$0xB], $0x1, s12, s17, $0xb8;
	[tilespmem:$0x56F0] =	vst v63  }
0x8c: {  	_ =	swait.ge [sflag:s24], $0x80  }
0x8d: {  	[sflag:s24] =	ssyncset.done $0x0  }
0x8e: {  	s13 =	simm.s32 $0x680;
	[sflag:s24] =	ssyncadd.s32 $0xFFFFFF80  }
0x8f: {  	[tilespmem:s19], [sflag:$0x2] =	stream.indirect.gather [spmem:s3], $0x1, s13, s17, $0xb8;
	[tilespmem:$0x56F0] =	vst v63  }
0x90: {  	_ =	swait.ge [sflag:s0], $0x80  }
0x91: {  	[sflag:s0] =	ssyncset.done $0x0  }
0x92: {  	s16 =	simm.s32 $0x2D00;
	[sflag:s0] =	ssyncadd.s32 $0xFFFFFF80  }
0x93: {  	[spmem:s2] =	stream.indirect.scatter.add.f32 [tilespmem:s20], [sflag:$0xC], $0x1, s16, s17, $0xb8;
	[tilespmem:$0x56F0] =	vst v63  }
0x94: {  	_ =	swait.ge [sflag:s29], $0x80  }
0x95: {  	[sflag:s29] =	ssyncset.done $0x0  }
0x96: {  	s10 =	simm.s32 $0xC00;
	s11 =	simm.s32 $0x700;
	[sflag:s29] =	ssyncadd.s32 $0xFFFFFF80  }
.LBB2_2:
0x97: {  	[tilespmem:s21], [sflag:$0x3] =	stream.indirect.gather [spmem:s3], $0x1, s11, s17, $0xb8;
	[tilespmem:$0x56F0] =	vst v63  }
0x98: {  	s11 =	smov.u32 s10  }
0x99: {  	p1 =	sne.s32 s10, $0x7800;
	s10 =	sadd.s32 $0xC00, s10;
	_ =	swait.ge [sflag:s22], $0x80  }
0x9a: {  	s11 =	sshra.s32 s11, $0x2;
	[sflag:s22] =	ssyncset.done $0x0  }
0x9b: {  	s12 =	sadd.s32 $0x2A80, s11;
	[sflag:s22] =	ssyncadd.s32 $0xFFFFFF80  }
0x9c: {  	[spmem:s2] =	stream.indirect.scatter.add.f32 [tilespmem:s18], [sflag:$0x7], $0x1, s12, s17, $0xb8;
	[tilespmem:$0x56F0] =	vst v63  }
0x9d: {  	_ =	swait.ge [sflag:s4], $0x80  }
0x9e: {  	[sflag:s4] =	ssyncset.done $0x0  }
0x9f: {  	s12 =	sadd.s32 $0x480, s11;
	[sflag:s4] =	ssyncadd.s32 $0xFFFFFF80  }
0xa0: {  	[tilespmem:s25], [sflag:$0x4] =	stream.indirect.gather [spmem:s3], $0x1, s12, s17, $0xb8;
	[tilespmem:$0x56F0] =	vst v63  }
0xa1: {  	_ =	swait.ge [sflag:s26], $0x80  }
0xa2: {  	[sflag:s26] =	ssyncset.done $0x0  }
0xa3: {  	s12 =	sadd.s32 $0x2B00, s11;
	[sflag:s26] =	ssyncadd.s32 $0xFFFFFF80  }
0xa4: {  	[spmem:s2] =	stream.indirect.scatter.add.f32 [tilespmem:s19], [sflag:$0x8], $0x1, s12, s17, $0xb8;
	[tilespmem:$0x56F0] =	vst v63  }
0xa5: {  	_ =	swait.ge [sflag:s5], $0x80  }
0xa6: {  	[sflag:s5] =	ssyncset.done $0x0  }
0xa7: {  	s12 =	sadd.s32 $0x500, s11;
	[sflag:s5] =	ssyncadd.s32 $0xFFFFFF80  }
0xa8: {  	[tilespmem:s30], [sflag:$0x5] =	stream.indirect.gather [spmem:s3], $0x1, s12, s17, $0xb8;
	[tilespmem:$0x56F0] =	vst v63  }
0xa9: {  	_ =	swait.ge [sflag:s31], $0x80  }
0xaa: {  	[sflag:s31] =	ssyncset.done $0x0  }
0xab: {  	s12 =	sadd.s32 $0x2B80, s11;
	[sflag:s31] =	ssyncadd.s32 $0xFFFFFF80  }
0xac: {  	[spmem:s2] =	stream.indirect.scatter.add.f32 [tilespmem:s21], [sflag:$0x9], $0x1, s12, s17, $0xb8;
	[tilespmem:$0x56F0] =	vst v63  }
0xad: {  	_ =	swait.ge [sflag:s7], $0x80  }
0xae: {  	[sflag:s7] =	ssyncset.done $0x0  }
0xaf: {  	s12 =	sadd.s32 $0x580, s11;
	[sflag:s7] =	ssyncadd.s32 $0xFFFFFF80  }
0xb0: {  	[tilespmem:s20], [sflag:$0x6] =	stream.indirect.gather [spmem:s3], $0x1, s12, s17, $0xb8;
	[tilespmem:$0x56F0] =	vst v63  }
0xb1: {  	_ =	swait.ge [sflag:s23], $0x80  }
0xb2: {  	[sflag:s23] =	ssyncset.done $0x0  }
0xb3: {  	s12 =	sadd.s32 $0x2C00, s11;
	[sflag:s23] =	ssyncadd.s32 $0xFFFFFF80  }
0xb4: {  	[spmem:s2] =	stream.indirect.scatter.add.f32 [tilespmem:s25], [sflag:$0xA], $0x1, s12, s17, $0xb8;
	[tilespmem:$0x56F0] =	vst v63  }
0xb5: {  	_ =	swait.ge [sflag:s28], $0x80  }
0xb6: {  	[sflag:s28] =	ssyncset.done $0x0  }
0xb7: {  	s12 =	sadd.s32 $0x600, s11;
	[sflag:s28] =	ssyncadd.s32 $0xFFFFFF80  }
0xb8: {  	[tilespmem:s18], [sflag:$0x1] =	stream.indirect.gather [spmem:s3], $0x1, s12, s17, $0xb8;
	[tilespmem:$0x56F0] =	vst v63  }
0xb9: {  	_ =	swait.ge [sflag:s1], $0x80  }
0xba: {  	[sflag:s1] =	ssyncset.done $0x0  }
0xbb: {  	s12 =	sadd.s32 $0x2C80, s11;
	[sflag:s1] =	ssyncadd.s32 $0xFFFFFF80  }
0xbc: {  	[spmem:s2] =	stream.indirect.scatter.add.f32 [tilespmem:s30], [sflag:$0xB], $0x1, s12, s17, $0xb8;
	[tilespmem:$0x56F0] =	vst v63  }
0xbd: {  	_ =	swait.ge [sflag:s24], $0x80  }
0xbe: {  	[sflag:s24] =	ssyncset.done $0x0  }
0xbf: {  	s12 =	sadd.s32 $0x680, s11;
	[sflag:s24] =	ssyncadd.s32 $0xFFFFFF80  }
0xc0: {  	[tilespmem:s19], [sflag:$0x2] =	stream.indirect.gather [spmem:s3], $0x1, s12, s17, $0xb8;
	[tilespmem:$0x56F0] =	vst v63  }
0xc1: {  	_ =	swait.ge [sflag:s0], $0x80  }
0xc2: {  	[sflag:s0] =	ssyncset.done $0x0  }
.Ltmp0:
0xc3: {  	s12 =	sadd.s32 $0x2D00, s11;
	[sflag:s0] =	ssyncadd.s32 $0xFFFFFF80;
	(pc) =	sbr.rel @p1 .LBB2_2-.Ltmp0, $4  }
0xc4: {  	[spmem:s2] =	stream.indirect.scatter.add.f32 [tilespmem:s20], [sflag:$0xC], $0x1, s12, s17, $0xb8;
	[tilespmem:$0x56F0] =	vst v63  }
0xc5: {  	_ =	swait.ge [sflag:s29], $0x80  }
0xc6: {  	[sflag:s29] =	ssyncset.done $0x0  }
0xc7: {  	s11 =	sadd.s32 $0x700, s11;
	[sflag:s29] =	ssyncadd.s32 $0xFFFFFF80  }
0xc8: {  	[tilespmem:s21], [sflag:$0x3] =	stream.indirect.gather [spmem:s3], $0x1, s11, s17, $0xb8;
	[tilespmem:$0x56F0] =	vst v63  }
0xc9: {  	_ =	swait.ge [sflag:s22], $0x80  }
0xca: {  	[sflag:s22] =	ssyncset.done $0x0  }
0xcb: {  	s10 =	simm.s32 $0x4B80;
	[sflag:s22] =	ssyncadd.s32 $0xFFFFFF80  }
0xcc: {  	[spmem:s2] =	stream.indirect.scatter.add.f32 [tilespmem:s18], [sflag:$0x7], $0x1, s10, s17, $0xb8;
	[tilespmem:$0x56F0] =	vst v63  }
0xcd: {  	_ =	swait.ge [sflag:s4], $0x80  }
0xce: {  	[sflag:s4] =	ssyncset.done $0x0  }
0xcf: {  	s13 =	simm.s32 $0x2580;
	[sflag:s4] =	ssyncadd.s32 $0xFFFFFF80  }
0xd0: {  	[tilespmem:s25], [sflag:$0x4] =	stream.indirect.gather [spmem:s3], $0x1, s13, s17, $0xb8;
	[tilespmem:$0x56F0] =	vst v63  }
0xd1: {  	_ =	swait.ge [sflag:s26], $0x80  }
0xd2: {  	[sflag:s26] =	ssyncset.done $0x0  }
0xd3: {  	s16 =	simm.s32 $0x4C00;
	[sflag:s26] =	ssyncadd.s32 $0xFFFFFF80  }
0xd4: {  	[spmem:s2] =	stream.indirect.scatter.add.f32 [tilespmem:s19], [sflag:$0x8], $0x1, s16, s17, $0xb8;
	[tilespmem:$0x56F0] =	vst v63  }
0xd5: {  	_ =	swait.ge [sflag:s5], $0x80  }
0xd6: {  	[sflag:s5] =	ssyncset.done $0x0  }
0xd7: {  	s11 =	simm.s32 $0x2600;
	[sflag:s5] =	ssyncadd.s32 $0xFFFFFF80  }
0xd8: {  	[tilespmem:s30], [sflag:$0x5] =	stream.indirect.gather [spmem:s3], $0x1, s11, s17, $0xb8;
	[tilespmem:$0x56F0] =	vst v63  }
0xd9: {  	_ =	swait.ge [sflag:s31], $0x80  }
0xda: {  	[sflag:s31] =	ssyncset.done $0x0  }
0xdb: {  	s12 =	simm.s32 $0x4C80;
	[sflag:s31] =	ssyncadd.s32 $0xFFFFFF80  }
0xdc: {  	[spmem:s2] =	stream.indirect.scatter.add.f32 [tilespmem:s21], [sflag:$0x9], $0x1, s12, s17, $0xb8;
	[tilespmem:$0x56F0] =	vst v63  }
0xdd: {  	_ =	swait.ge [sflag:s7], $0x80  }
0xde: {  	[sflag:s7] =	ssyncset.done $0x0  }
0xdf: {  	s13 =	simm.s32 $0x2680;
	[sflag:s7] =	ssyncadd.s32 $0xFFFFFF80  }
0xe0: {  	[tilespmem:s20], [sflag:$0x6] =	stream.indirect.gather [spmem:s3], $0x1, s13, s17, $0xb8;
	[tilespmem:$0x56F0] =	vst v63  }
0xe1: {  	_ =	swait.ge [sflag:s23], $0x80  }
0xe2: {  	[sflag:s23] =	ssyncset.done $0x0  }
0xe3: {  	s16 =	simm.s32 $0x4D00;
	[sflag:s23] =	ssyncadd.s32 $0xFFFFFF80  }
0xe4: {  	[spmem:s2] =	stream.indirect.scatter.add.f32 [tilespmem:s25], [sflag:$0xA], $0x1, s16, s17, $0xb8;
	[tilespmem:$0x56F0] =	vst v63  }
0xe5: {  	_ =	swait.ge [sflag:s1], $0x80  }
0xe6: {  	[sflag:s1] =	ssyncset.done $0x0  }
0xe7: {  	s11 =	simm.s32 $0x4D80;
	[sflag:s1] =	ssyncadd.s32 $0xFFFFFF80  }
0xe8: {  	[spmem:s2] =	stream.indirect.scatter.add.f32 [tilespmem:s30], [sflag:$0xB], $0x1, s11, s17, $0xb8;
	[tilespmem:$0x56F0] =	vst v63  }
0xe9: {  	_ =	swait.ge [sflag:s0], $0x80  }
0xea: {  	[sflag:s0] =	ssyncset.done $0x0  }
0xeb: {  	s12 =	simm.s32 $0x4E00;
	[sflag:s0] =	ssyncadd.s32 $0xFFFFFF80  }
0xec: {  	[spmem:s2] =	stream.indirect.scatter.add.f32 [tilespmem:s20], [sflag:$0xC], $0x1, s12, s17, $0xb8;
	[tilespmem:$0x56F0] =	vst v63  }
0xed: {  	_ =	swait.ge [sflag:s28], $0x80  }
0xee: {  	[sflag:s28] =	ssyncset.done $0x0  }
0xef: {  	[sflag:s28] =	ssyncadd.s32 $0xFFFFFF80  }
0xf0: {  	_ =	swait.ge [sflag:s24], $0x80  }
0xf1: {  	[sflag:s24] =	ssyncset.done $0x0  }
0xf2: {  	[sflag:s24] =	ssyncadd.s32 $0xFFFFFF80  }
0xf3: {  	_ =	swait.ge [sflag:s29], $0x80  }
0xf4: {  	[sflag:s29] =	ssyncset.done $0x0  }
0xf5: {  	[sflag:s29] =	ssyncadd.s32 $0xFFFFFF80  }
0xf6: {  	_ =	swait.ge [sflag:s4], $0x80  }
0xf7: {  	[sflag:s4] =	ssyncset.done $0x0  }
0xf8: {  	[sflag:s4] =	ssyncadd.s32 $0xFFFFFF80  }
0xf9: {  	_ =	swait.ge [sflag:s5], $0x80  }
0xfa: {  	[sflag:s5] =	ssyncset.done $0x0  }
0xfb: {  	[sflag:s5] =	ssyncadd.s32 $0xFFFFFF80  }
0xfc: {  	_ =	swait.ge [sflag:s7], $0x80  }
0xfd: {  	s10 =	simm.s32 @!p0 $0x80;
	[sflag:s7] =	ssyncset.done $0x0  }
0xfe: {  	s11 =	simm.s32 @!p0 $0x2700;
	s12 =	simm.s32 @!p0 $0x4F00;
	[sflag:s7] =	ssyncadd.s32 $0xFFFFFF80  }
0xff: {  	[tilespmem:s12], [sflag:$0xD] =	stream.indirect.gather @!p0 [spmem:s3], $0x1, s11, s10, $0xb8;
	[tilespmem:$0x56F0] =	vst v63  }
0x100: {  	s11 =	simm.s32 @!p0 $0xD  }
0x101: {  	_ =	swait.ge @!p0 [sflag:s11], $0x80  }
0x102: {  	[sflag:s11] =	ssyncset.done @!p0 $0x0  }
0x103: {  	s13 =	simm.s32 @!p0 $0x4E80;
	[sflag:s11] =	ssyncadd.s32 @!p0 $0xFFFFFF80  }
0x104: {  	[spmem:s2] =	stream.indirect.scatter.add.f32 @!p0 [tilespmem:s12], [sflag:$0xD], $0x1, s13, s10, $0xb8;
	[tilespmem:$0x56F0] =	vst v63  }
0x105: {  	_ =	swait.ge @!p0 [sflag:s11], $0x80  }
0x106: {  	[sflag:s11] =	ssyncset.done @!p0 $0x0  }
0x107: {  	[sflag:s11] =	ssyncadd.s32 @!p0 $0xFFFFFF80  }
0x108: {  	[bflag:$0x0] =	sbarrier.arrive $0xFFFF  }
0x109: {  	s13 =	rddreg [dreg:$0x9]  }
0x10a: {  	[hbm:s13], [sflag:s6] =	dma.local [spmem:s14], $0x4F  }
0x10b: {  	_ =	swait.ge [sflag:s15], $0x4F  }
0x10c: {  	s8 =	sadd.s32 $0x1, s8;
	s16 =	rddreg [dreg:$0xa]  }
0x10d: {  	p1 =	sne.s32 s8, s16  }
.Ltmp1:
0x10e: {  	_ = 	snop;
	(pc) =	sbr.rel @p1 .LBB2_1-.Ltmp1, $3  }
0x10f: {  	_ =	sdelay $0x1  }
0x110: {  	[sflag:s15] =	ssyncset.done $0x0  }
0x111: {  	[sflag:s15] =	ssyncadd.s32 $0xFFFFFFB1  }
0x112: {  	_ =	sfence.sel $0x180000  }
0x113: {  	[bflag:$0x0] =	sbarrier.arrive $0xFFFF  }
0x114: {  	_ =	strace $0x9000004D  }
0x115: {  	s0 =	stileid.u32;
	[bflag:$0x2] =	sbarrier.arrive $0xFFFF  }
0x116: {  	p0 =	sne.s32 s0, $0x0;
	s0 =	rddreg [dreg:$0x3]  }
0x117: {  	s0 =	sadd.s32 @!p0 $0x100000, s0  }
0x118: {  	[sflag:s0] =	ssyncadd.tile.s32 @!p0 $0x1;
	_ =	shalt  }
.Lfunc_end2:
_tile_overlayer_lowered:
.L_overlay_start_2:
0x119: {  	(tag) =	ssettag $0x2  }
0x11a: {  	s0 =	rddreg [dreg:$0x0];
	s2 =	stileid.u32  }
0x11b: {  	s1 =	rddreg [dreg:$0x1];
	p0 =	sne.s32 s2, $0x0  }
0x11c: {  	s3 =	rddreg [dreg:$0x2];
	[bflag:$0x3] =	sbarrier.arrive $0xFFFF;
	s2 =	simm.s32 @!p0 $0x1C0D  }
0x11d: {  	[timem:s3], [sflag:s2] =	dma.local @!p0 [hbm:s0], s1  }
0x11e: {  	s0 =	simm.s32 @!p0 $0xD  }
0x11f: {  	_ =	swait.ge @!p0 [sflag:s0], s1  }
0x120: {  	s1 =	ssub.s32 @!p0 $0x0, s1;
	[sflag:s0] =	ssyncset.done @!p0 $0x0  }
0x121: {  	[sflag:s0] =	ssyncadd.s32 @!p0 s1  }
0x122: {  	[bflag:$0x3] =	sbarrier.arrive $0xFFFF  }
0x123: {  	_ =	shalt  }

// kernel: kernel.9.cloned.1.call-start
scs
__scs_entry_jumppad:
0x0: {  	(pc) =	sbr.rel $0x88, $3  }
0x1: {  	(tag) =	ssettag $0x0;
	lr =	simm.s32 $0x1  }
0x2: {  	[smem:$0x3F9B] =	sst lr;
	_ =	strace $0xD0000000  }
0x3: {  	_ = 	snop  }
0x4: {  	_ = 	snop  }
0x5: {  	_ = 	snop  }
0x6: {  	_ = 	snop  }
0x7: {  	_ = 	snop  }
__scs_overlays_trampoline_lowered:
0x8: {  	[smem:$0x3FAA] =	sst s0  }
0x9: {  	[smem:$0x3FAB] =	sst s1  }
0xa: {  	[smem:$0x3FAC] =	sst s2  }
0xb: {  	[smem:$0x3FAD] =	sst s3  }
0xc: {  	[smem:$0x3FAE] =	sst s4  }
0xd: {  	[smem:$0x3FAF] =	sst s5  }
0xe: {  	[smem:$0x3FB0] =	sst s6  }
0xf: {  	[smem:$0x3FB1] =	sst s7  }
0x10: {  	[smem:$0x3FB2] =	sst s8  }
0x11: {  	[smem:$0x3FB3] =	sst s9;
	s0 =	simm.s32 @!p0 $0x0  }
0x12: {  	s1 =	sld [smem:$0x3F99];
	s0 =	simm.s32 @p0 $0x1  }
0x13: {  	[smem:$0x3FB4] =	sst s0;
	s0 =	simm.s32 @!p1 $0x0  }
0x14: {  	s2 =	sld [smem:$0x3F98];
	s0 =	simm.s32 @p1 $0x1  }
0x15: {  	[smem:$0x3FB5] =	sst s0;
	s0 =	simm.s32 @!p2 $0x0  }
0x16: {  	s3 =	sld [smem:$0x3FDB];
	s0 =	simm.s32 @p2 $0x1  }
0x17: {  	s4 =	simm.s32 $0x1BF5;
	[smem:$0x3FB7] =	sst s0  }
0x18: {  	s0 =	sld [smem:$0x3F9A];
	_ =	swait.ge [sflag:s4], $0x0  }
0x19: {  	s7 =	sld [smem:$0x3F9B]  }
0x1a: {  	s8 =	sadd.s32 $0xFFFFE003, lr  }
0x1b: {  	s9 =	sadd.s32 $0xFFFFFEF7, lr;
	s5 =	simm.s32 $0xFFFFFFFF;
	p2 =	slt.u32 s8, $0xFFFFF086  }
0x1c: {  	p1 =	slt.u32 s9, $0xF7A;
	s5 =	simm.s32 @!p2 $0x0  }
0x1d: {  	s5 =	simm.s32 @p1 $0x1;
	p0 =	seq.s32 s7, s2  }
0x1e: {  	s7 =	smul.u32 @!p0 $0xF7A, s2;
	p2 =	seq.s32 @!p0 s5, $0x0  }
0x1f: {  	s9 =	smul.u32 $0xF7A, s1;
	s8 =	simm.s32 @!p0 $0x1BF5;
	p2 =	por !p2, p0  }
0x20: {  	[sflag:s8] =	ssyncset.s32 @!p0 $0xFFFFF086;
	s6 =	sadd.s32 @!p0 s3, s7;
	s7 =	simm.s32 @!p0 $0x108  }
0x21: {  	s3 =	sadd.s32 s3, s9;
	s6 =	sadd.s32 @!p0 $0x88, s6;
	s7 =	simm.s32 @p2 $0x1082  }
0x22: {  	[simem:s7], [sflag:s8] =	dma.local @!p0 [hbm:s6], $0xF7A  }
0x23: {  	s9 =	sor.u32 $0xD0000000, s2;
	s6 =	simm.s32 $0x108;
	_ =	swait.ge @!p0 [sflag:s8], $0x0  }
0x24: {  	s3 =	sadd.s32 $0x88, s3;
	s6 =	simm.s32 @!p1 $0x1082;
	[sflag:s4] =	ssyncset.s32 $0xFFFFF086  }
0x25: {  	[simem:s6], [sflag:s4] =	dma.local [hbm:s3], $0xF7A  }
0x26: {  	[smem:$0x3F9B] =	sst s1;
	(tag) =	ssettag s2;
	_ =	strace s9  }
0x27: {  	s1 =	sld [smem:$0x3FAB]  }
0x28: {  	s2 =	sld [smem:$0x3FAC]  }
0x29: {  	s4 =	sld [smem:$0x3FAE]  }
0x2a: {  	p0 =	seq.s32 s5, $0x0;
	s5 =	sld [smem:$0x3FAF]  }
0x2b: {  	s6 =	sld [smem:$0x3FB0]  }
0x2c: {  	s7 =	sld [smem:$0x3FB1]  }
0x2d: {  	s3 =	simm.s32 $0x108;
	s8 =	sld [smem:$0x3FB2]  }
0x2e: {  	s3 =	simm.s32 @!p0 $0x1082;
	s9 =	sld [smem:$0x3FB3]  }
0x2f: {  	lr =	sadd.s32 s0, s3;
	s0 =	sld [smem:$0x3FAA]  }
0x30: {  	s3 =	sld [smem:$0x3FAD]  }
0x31: {  	[smem:$0x3FB6] =	sst s10  }
0x32: {  	s10 =	sld [smem:$0x3FB4];
	_ =	sdelay $0x3  }
0x33: {  	p0 =	seq.s32 s10, $0x1;
	s10 =	sld [smem:$0x3FB6];
	_ =	sdelay $0x3  }
0x34: {  	[smem:$0x3FB6] =	sst s10  }
0x35: {  	s10 =	sld [smem:$0x3FB5];
	_ =	sdelay $0x3  }
0x36: {  	p1 =	seq.s32 s10, $0x1;
	s10 =	sld [smem:$0x3FB6];
	_ =	sdelay $0x3  }
0x37: {  	[smem:$0x3FB6] =	sst s10  }
0x38: {  	s10 =	sld [smem:$0x3FB7]  }
0x39: {  	_ = 	snop;
	(pc) =	sbr.ind lr, $3  }
0x3a: {  	_ = 	snop  }
0x3b: {  	_ = 	snop  }
0x3c: {  	p2 =	seq.s32 s10, $0x1;
	s10 =	sld [smem:$0x3FB6]  }
0x3d: {  	_ =	shalt  }
0x3e: {  	_ =	shalt  }
0x3f: {  	_ =	shalt  }
0x40: {  	_ =	shalt  }
0x41: {  	_ =	shalt  }
0x42: {  	_ =	shalt  }
0x43: {  	_ =	shalt  }
0x44: {  	_ =	shalt  }
0x45: {  	_ =	shalt  }
0x46: {  	_ =	shalt  }
0x47: {  	_ =	shalt  }
0x48: {  	_ =	shalt  }
0x49: {  	_ =	shalt  }
0x4a: {  	_ =	shalt  }
0x4b: {  	_ =	shalt  }
0x4c: {  	_ =	shalt  }
0x4d: {  	_ =	shalt  }
0x4e: {  	_ =	shalt  }
0x4f: {  	_ =	shalt  }
0x50: {  	_ =	shalt  }
0x51: {  	_ =	shalt  }
0x52: {  	_ =	shalt  }
0x53: {  	_ =	shalt  }
0x54: {  	_ =	shalt  }
0x55: {  	_ =	shalt  }
0x56: {  	_ =	shalt  }
0x57: {  	_ =	shalt  }
0x58: {  	_ =	shalt  }
0x59: {  	_ =	shalt  }
0x5a: {  	_ =	shalt  }
0x5b: {  	_ =	shalt  }
0x5c: {  	_ =	shalt  }
0x5d: {  	_ =	shalt  }
0x5e: {  	_ =	shalt  }
0x5f: {  	_ =	shalt  }
0x60: {  	_ =	shalt  }
0x61: {  	_ =	shalt  }
0x62: {  	_ =	shalt  }
0x63: {  	_ =	shalt  }
0x64: {  	_ =	shalt  }
0x65: {  	_ =	shalt  }
0x66: {  	_ =	shalt  }
0x67: {  	_ =	shalt  }
0x68: {  	_ =	shalt  }
0x69: {  	_ =	shalt  }
0x6a: {  	_ =	shalt  }
0x6b: {  	_ =	shalt  }
0x6c: {  	_ =	shalt  }
0x6d: {  	_ =	shalt  }
0x6e: {  	_ =	shalt  }
0x6f: {  	_ =	shalt  }
0x70: {  	_ =	shalt  }
0x71: {  	_ =	shalt  }
0x72: {  	_ =	shalt  }
0x73: {  	_ =	shalt  }
0x74: {  	_ =	shalt  }
0x75: {  	_ =	shalt  }
0x76: {  	_ =	shalt  }
0x77: {  	_ =	shalt  }
0x78: {  	_ =	shalt  }
0x79: {  	_ =	shalt  }
0x7a: {  	_ =	shalt  }
0x7b: {  	_ =	shalt  }
0x7c: {  	_ =	shalt  }
0x7d: {  	_ =	shalt  }
0x7e: {  	_ =	shalt  }
0x7f: {  	_ =	shalt  }
0x80: {  	_ =	shalt  }
0x81: {  	_ =	shalt  }
0x82: {  	_ =	shalt  }
0x83: {  	_ =	shalt  }
0x84: {  	_ =	shalt  }
0x85: {  	_ =	shalt  }
0x86: {  	_ =	shalt  }
0x87: {  	_ =	shalt  }
.Lfunc_end0:
.L_simem_size_0:
called_computation_lowered:
.L_overlay_start_0:
0x88: {  	s2 =	sld [smem:$0x3FD9]  }
0x89: {  	s3 =	sld [smem:$0x3FFE];
	_ =	sdelay $0x1  }
0x8a: {  	s1 =	srdreg.scid  }
0x8b: {  	s0 =	sand.u32 $0x1, s1  }
0x8c: {  	s17 =	sshll.u32 s0, $0xA;
	s2 =	sadd.s32 s3, s2  }
0x8d: {  	s2 =	sadd.s32 s2, s17  }
0x8e: {  	[smem:$0x3FC2] =	sst s2  }
0x8f: {  	_ = 	snop  }
0x90: {  	s2 =	sld [smem:$0x3FD0];
	(tm) =	ssettm $0x1  }
0x91: {  	s18 =	sld [smem:$0x3FFB];
	_ =	sdelay $0x3  }
0x92: {  	_ =	strace s18  }
0x93: {  	s3 =	sld [smem:$0x3FFC];
	_ =	sdelay $0x3  }
0x94: {  	_ =	strace s3  }
0x95: {  	s3 =	sld [smem:$0x3FFD];
	_ =	sdelay $0x3  }
0x96: {  	_ =	strace s3  }
0x97: {  	_ =	strace $0x8FFFFFFF  }
0x98: {  	s19 =	sld [smem:$0x3FDB];
	_ =	sdelay $0x1  }
0x99: {  	s4 =	simm.s32 $_scs_section_size  }
0x9a: {  	s5 =	simm.s32 $_size__tile_overlayer_lowered;
	s6 =	simm.s32 $_tile_overlayer_lowered  }
0x9b: {  	s22 =	simm.s32 $0x1BFF;
	s21 =	sshll.u32 s6, $0x1;
	s3 =	sadd.s32 s4, s19  }
0x9c: {  	s7 =	simm.s32 $0x0;
	s20 =	sshll.u32 s5, $0x1;
	s5 =	sadd.s32 s21, s3  }
0x9d: {  	[timem:s7], [sflag:s22] =	dma.local [hbm:s5], s20  }
0x9e: {  	_ =	swait.ge [sflag:s22], s20  }
0x9f: {  	s4 =	ssub.s32 $0x0, s20;
	[sflag:s22] =	ssyncset.done $0x0  }
0xa0: {  	[sflag:s22] =	ssyncadd.s32 s4;
	_ =	sdelay $0x1  }
0xa1: {  	s23 =	simm.s32 $0x1B8B  }
0xa2: {  	_ =	swait.ge [sflag:s23], $0x1  }
0xa3: {  	[sflag:s23] =	ssyncset.done $0x0  }
0xa4: {  	s25 =	simm.s32 $0x1B8E;
	s24 =	sld [smem:$0x3FFE];
	[sflag:s23] =	ssyncadd.s32 $0xFFFFFFFF  }
0xa5: {  	s26 =	simm.s32 $execute0_lowered;
	[smem:$0x3FD2] =	sst s25  }
0xa6: {  	s5 =	sshll.u32 s26, $0x1;
	_ =	strace $0x80000046;
	[dreg:$0x1] =	wrdreg $0xFFFFFFFF  }
0xa7: {  	s28 =	simm.s32 $_size_execute0_lowered;
	s3 =	sadd.s32 s3, s5;
	[dreg:$0x0] =	wrdreg $0x0  }
0xa8: {  	s5 =	sshll.u32 s28, $0x1;
	[dreg:$0x2] =	wrdreg s3  }
0xa9: {  	[dreg:$0x3] =	wrdreg s5  }
0xaa: {  	[dreg:$0x4] =	wrdreg $0xC0  }
0xab: {  	_ =	task [dreg:s7], $0x5FFFF  }
0xac: {  	[dreg:$0x1] =	wrdreg $0xFFFFFFFF  }
0xad: {  	[dreg:$0x0] =	wrdreg $0x60  }
0xae: {  	[dreg:$0x2] =	wrdreg s24  }
0xaf: {  	[dreg:$0x3] =	wrdreg s2  }
0xb0: {  	[dreg:$0x4] =	wrdreg $0x28000  }
0xb1: {  	[dreg:$0x5] =	wrdreg $0x9  }
0xb2: {  	_ =	task.clear_ibuf [dreg:s7], $0x6FFFF;
	_ =	strace $0x90000046  }
0xb3: {  	s29 =	simm.s32 $0x9;
	_ =	strace $0x80000048  }
0xb4: {  	_ =	swait.ge [sflag:s29], $0x1  }
0xb5: {  	[sflag:s29] =	ssyncadd.s32 $0xFFFFFFFF  }
0xb6: {  	_ =	strace $0x90000048  }
0xb7: {  	_ =	sfence  }
0xb8: {  	s30 =	sld [smem:$0x0];
	_ =	sdelay $0x2  }
0xb9: {  	s31 =	sshll.u32 s1, $0xD;
	s1 =	sshrl.u32 s1, $0x2  }
0xba: {  	s3 =	sand.u32 $0x4000, s31;
	s1 =	sadd.s32 s1, s30  }
0xbb: {  	s0 =	sor.u32 s3, s0;
	s1 =	sshll.u32 s1, $0x11  }
0xbc: {  	s0 =	sor.u32 s1, s0  }
0xbd: {  	s0 =	sadd.s32 $0x8F2B, s0  }
0xbe: {  	[sflag:s0] =	ssyncadd.remote.s32 $0x1  }
0xbf: {  	_ =	sfence.sel $0xFFFF  }
0xc0: {  	[dreg:$0x0] =	wrdreg $0xFFFFFFFF;
	(pc) =	sbr.abs _section_cstart, $3  }
0xc1: {  	[dreg:$0x1] =	wrdreg $0xFFFFFFFF  }
0xc2: {  	_ =	task.clear_ibuf [dreg:s7], $0x2FFFF;
	_ =	strace $0x9FFFFFFF  }
0xc3: {  	(tm) =	ssettm $0x7FFFFFFF  }
tec
execute0_lowered:
.L_overlay_start_1:
0x0: {  	(tag) =	ssettag $0x1  }
0x1: {  	s5 =	rddreg [dreg:$0x0]  }
0x2: {  	s1 =	srdreg.scid;
	s2 =	rddreg [dreg:$0x1]  }
0x3: {  	s0 =	stileid.u32;
	s3 =	rddreg [dreg:$0x2];
	s4 =	simm.s32 $0x0  }
0x4: {  	s14 =	simm.s32 $0x80;
	s15 =	simm.s32 $0x1;
	s16 =	simm.s32 $0x0  }
0x5: {  	s6 =	sand.u32 $0x1, s1;
	s26 =	sshll.u32 s0, $0x1;
	s1 =	rddreg [dreg:$0x3]  }
0x6: {  	s9 =	smul.u32 $0x278, s0;
	[smem:$0x7FF] =	sst s4;
	s31 =	sshll.u32 s0, $0x6  }
0x7: {  	p0 =	sgt.u32 s0, $0x1;
	s7 =	sor.u32 s6, s26;
	s28 =	smul.u32 $0x2780, s6  }
0x8: {  	_ =	strace $0x80000047;
	s6 =	ssub.s32 $0x2, s6;
	s8 =	smul.u32 $0x4E, s7  }
0x9: {  	s7 =	smin.u32 s7, $0x4;
	s30 =	sshrl.u32 s9, $0x3;
	s11 =	sshrl.u32 s6, $0x1  }
0xa: {  	s13 =	sadd.s32 s9, s3;
	s29 =	sadd.s32 s9, s28;
	s7 =	sadd.s32 s7, s8  }
0xb: {  	s11 =	ssub.s32 s6, s11;
	s6 =	sor.u32 $0x1C02, s31;
	s7 =	sshll.u32 s7, $0x4  }
0xc: {  	s8 =	sadd.s32 s30, s5;
	s10 =	sadd.s32 s7, s5;
	s7 =	sshrl.u32 s29, $0x3  }
0xd: {  	s12 =	sadd.s32 s7, s5;
	s5 =	sadd.s32 $0x15E00, s8;
	s7 =	sadd.s32 $0xC040, s10  }
0xe: {  	s8 =	sadd.s32 $0xC520, s10;
	s10 =	smax.u32 s11, $0x1;
	s11 =	sshrl.u32 s13, $0x3  }
0xf: {  	s13 =	simm.s32 $0x2780;
	s9 =	sadd.s32 $0x16400, s12;
	s12 =	simm.s32 $0x2  }
.LBB2_1:
0x10: {  	[spmem:s11], [sflag:s6] =	dma.local [hbm:s5], $0x4F  }
0x11: {  	_ =	swait.ge [sflag:s12], $0x4F  }
0x12: {  	[sflag:s12] =	ssyncset.done $0x0  }
0x13: {  	[sflag:s12] =	ssyncadd.s32 $0xFFFFFFB1  }
0x14: {  	[tilespmem:s4], [sflag:$0x2] =	stream.linear.gather [hbm4b:s7+s4], $0x2700, $0x38;
	[tilespmem:$0x2A78] =	vst v63  }
0x15: {  	_ =	swait.ge [sflag:s12], $0x2700  }
0x16: {  	[sflag:s12] =	ssyncset.done $0x0  }
0x17: {  	s17 =	simm.s32 @!p0 $0x0;
	s18 =	simm.s32 @!p0 $0x2700;
	[sflag:s12] =	ssyncadd.s32 $0xFFFFD900  }
0x18: {  	[tilespmem:s18], [sflag:$0x2] =	stream.linear.gather @!p0 [hbm4b:s8+s17], $0x80, $0x38;
	[tilespmem:$0x2A78] =	vst v63  }
0x19: {  	s17 =	simm.s32 @!p0 $0x2  }
0x1a: {  	_ =	swait.ge @!p0 [sflag:s17], $0x80  }
0x1b: {  	[sflag:s17] =	ssyncset.done @!p0 $0x0  }
0x1c: {  	[sflag:s17] =	ssyncadd.s32 @!p0 $0xFFFFFF80  }
0x1d: {  	[tilespmem:s13], [sflag:$0x2] =	stream.linear.gather [hbm4b:s2+s4], $0x80, $0x38;
	[tilespmem:$0x2A78] =	vst v63  }
0x1e: {  	_ =	swait.ge [sflag:s12], $0x80  }
0x1f: {  	[sflag:s12] =	ssyncset.done $0x0  }
0x20: {  	[sflag:s12] =	ssyncadd.s32 $0xFFFFFF80  }
0x21: {  	s25 =	simm.s32 $0x0;
	[bflag:$0x0] =	sbarrier.arrive $0xFFFF  }
0x22: {  	[spmem:s3] =	stream.indirect.scatter.add.f32 [tilespmem:s13], [sflag:$0x1], $0x1, s25, s14, $0xb8;
	[tilespmem:$0x2A78] =	vst v63  }
0x23: {  	s26 =	simm.s32 $0x80  }
0x24: {  	[spmem:s3] =	stream.indirect.scatter.add.f32 [tilespmem:s13], [sflag:$0x1], $0x1, s26, s14, $0xb8;
	[tilespmem:$0x2A78] =	vst v63  }
0x25: {  	s28 =	simm.s32 $0x100  }
0x26: {  	[spmem:s3] =	stream.indirect.scatter.add.f32 [tilespmem:s13], [sflag:$0x1], $0x1, s28, s14, $0xb8;
	[tilespmem:$0x2A78] =	vst v63  }
0x27: {  	s29 =	simm.s32 $0x180  }
0x28: {  	[spmem:s3] =	stream.indirect.scatter.add.f32 [tilespmem:s13], [sflag:$0x1], $0x1, s29, s14, $0xb8;
	[tilespmem:$0x2A78] =	vst v63  }
0x29: {  	s30 =	simm.s32 $0x200  }
0x2a: {  	[spmem:s3] =	stream.indirect.scatter.add.f32 [tilespmem:s13], [sflag:$0x1], $0x1, s30, s14, $0xb8;
	[tilespmem:$0x2A78] =	vst v63  }
0x2b: {  	s31 =	simm.s32 $0x280  }
0x2c: {  	[spmem:s3] =	stream.indirect.scatter.add.f32 [tilespmem:s13], [sflag:$0x1], $0x1, s31, s14, $0xb8;
	[tilespmem:$0x2A78] =	vst v63  }
0x2d: {  	_ =	swait.ge [sflag:s15], $0x80  }
0x2e: {  	[sflag:s15] =	ssyncset.done $0x0  }
0x2f: {  	[sflag:s15] =	ssyncadd.s32 $0xFFFFFF80  }
0x30: {  	_ =	swait.ge [sflag:s15], $0x80  }
0x31: {  	[sflag:s15] =	ssyncset.done $0x0  }
0x32: {  	[sflag:s15] =	ssyncadd.s32 $0xFFFFFF80  }
0x33: {  	_ =	swait.ge [sflag:s15], $0x80  }
0x34: {  	[sflag:s15] =	ssyncset.done $0x0  }
0x35: {  	[sflag:s15] =	ssyncadd.s32 $0xFFFFFF80  }
0x36: {  	_ =	swait.ge [sflag:s15], $0x80  }
0x37: {  	[sflag:s15] =	ssyncset.done $0x0  }
0x38: {  	[sflag:s15] =	ssyncadd.s32 $0xFFFFFF80  }
0x39: {  	_ =	swait.ge [sflag:s15], $0x80  }
0x3a: {  	[sflag:s15] =	ssyncset.done $0x0  }
0x3b: {  	[sflag:s15] =	ssyncadd.s32 $0xFFFFFF80  }
0x3c: {  	_ =	swait.ge [sflag:s15], $0x80  }
0x3d: {  	s18 =	simm.s32 $0x1800;
	s17 =	simm.s32 $0xC00;
	[sflag:s15] =	ssyncset.done $0x0  }
.LBB2_2:
0x3e: {  	s19 =	sshra.s32 s17, $0x2  }
0x3f: {  	[sflag:s15] =	ssyncadd.s32 $0xFFFFFF80;
	s17 =	smov.u32 s18;
	s20 =	sadd.s32 $0xC00, s18  }
0x40: {  	[spmem:s3] =	stream.indirect.scatter.add.f32 [tilespmem:s13], [sflag:$0x1], $0x1, s19, s14, $0xb8;
	[tilespmem:$0x2A78] =	vst v63  }
0x41: {  	p1 =	sne.s32 s18, $0x9000;
	s18 =	sadd.s32 $0x80, s19  }
0x42: {  	[spmem:s3] =	stream.indirect.scatter.add.f32 [tilespmem:s13], [sflag:$0x1], $0x1, s18, s14, $0xb8;
	[tilespmem:$0x2A78] =	vst v63  }
0x43: {  	s18 =	sadd.s32 $0x100, s19  }
0x44: {  	[spmem:s3] =	stream.indirect.scatter.add.f32 [tilespmem:s13], [sflag:$0x1], $0x1, s18, s14, $0xb8;
	[tilespmem:$0x2A78] =	vst v63  }
0x45: {  	s18 =	sadd.s32 $0x180, s19  }
0x46: {  	[spmem:s3] =	stream.indirect.scatter.add.f32 [tilespmem:s13], [sflag:$0x1], $0x1, s18, s14, $0xb8;
	[tilespmem:$0x2A78] =	vst v63  }
0x47: {  	s18 =	sadd.s32 $0x200, s19  }
0x48: {  	[spmem:s3] =	stream.indirect.scatter.add.f32 [tilespmem:s13], [sflag:$0x1], $0x1, s18, s14, $0xb8;
	[tilespmem:$0x2A78] =	vst v63  }
0x49: {  	s18 =	sadd.s32 $0x280, s19  }
0x4a: {  	[spmem:s3] =	stream.indirect.scatter.add.f32 [tilespmem:s13], [sflag:$0x1], $0x1, s18, s14, $0xb8;
	[tilespmem:$0x2A78] =	vst v63  }
0x4b: {  	_ =	swait.ge [sflag:s15], $0x80  }
0x4c: {  	[sflag:s15] =	ssyncset.done $0x0  }
0x4d: {  	[sflag:s15] =	ssyncadd.s32 $0xFFFFFF80  }
0x4e: {  	_ =	swait.ge [sflag:s15], $0x80  }
0x4f: {  	[sflag:s15] =	ssyncset.done $0x0  }
0x50: {  	[sflag:s15] =	ssyncadd.s32 $0xFFFFFF80  }
0x51: {  	_ =	swait.ge [sflag:s15], $0x80  }
0x52: {  	[sflag:s15] =	ssyncset.done $0x0  }
0x53: {  	[sflag:s15] =	ssyncadd.s32 $0xFFFFFF80  }
0x54: {  	_ =	swait.ge [sflag:s15], $0x80  }
0x55: {  	[sflag:s15] =	ssyncset.done $0x0  }
0x56: {  	[sflag:s15] =	ssyncadd.s32 $0xFFFFFF80  }
.Ltmp0:
0x57: {  	_ =	swait.ge [sflag:s15], $0x80;
	(pc) =	sbr.rel @p1 .LBB2_2-.Ltmp0, $4  }
0x58: {  	[sflag:s15] =	ssyncset.done $0x0  }
0x59: {  	[sflag:s15] =	ssyncadd.s32 $0xFFFFFF80  }
0x5a: {  	_ =	swait.ge [sflag:s15], $0x80  }
0x5b: {  	s18 =	smov.u32 s20;
	[sflag:s15] =	ssyncset.done $0x0  }
0x5c: {  	s17 =	sshra.s32 s17, $0x2;
	[sflag:s15] =	ssyncadd.s32 $0xFFFFFF80  }
0x5d: {  	[spmem:s3] =	stream.indirect.scatter.add.f32 [tilespmem:s13], [sflag:$0x1], $0x1, s17, s14, $0xb8;
	[tilespmem:$0x2A78] =	vst v63  }
0x5e: {  	s18 =	sadd.s32 $0x80, s17  }
0x5f: {  	[spmem:s3] =	stream.indirect.scatter.add.f32 [tilespmem:s13], [sflag:$0x1], $0x1, s18, s14, $0xb8;
	[tilespmem:$0x2A78] =	vst v63  }
0x60: {  	s29 =	sadd.s32 $0x100, s17  }
0x61: {  	[spmem:s3] =	stream.indirect.scatter.add.f32 [tilespmem:s13], [sflag:$0x1], $0x1, s29, s14, $0xb8;
	[tilespmem:$0x2A78] =	vst v63  }
0x62: {  	s30 =	sadd.s32 $0x180, s17  }
0x63: {  	[spmem:s3] =	stream.indirect.scatter.add.f32 [tilespmem:s13], [sflag:$0x1], $0x1, s30, s14, $0xb8;
	[tilespmem:$0x2A78] =	vst v63  }
0x64: {  	s31 =	sadd.s32 $0x200, s17  }
0x65: {  	[spmem:s3] =	stream.indirect.scatter.add.f32 [tilespmem:s13], [sflag:$0x1], $0x1, s31, s14, $0xb8;
	[tilespmem:$0x2A78] =	vst v63  }
0x66: {  	s17 =	sadd.s32 $0x280, s17  }
0x67: {  	[spmem:s3] =	stream.indirect.scatter.add.f32 [tilespmem:s13], [sflag:$0x1], $0x1, s17, s14, $0xb8;
	[tilespmem:$0x2A78] =	vst v63  }
0x68: {  	_ =	swait.ge [sflag:s15], $0x80  }
0x69: {  	[sflag:s15] =	ssyncset.done $0x0  }
0x6a: {  	[sflag:s15] =	ssyncadd.s32 $0xFFFFFF80  }
0x6b: {  	_ =	swait.ge [sflag:s15], $0x80  }
0x6c: {  	[sflag:s15] =	ssyncset.done $0x0  }
0x6d: {  	[sflag:s15] =	ssyncadd.s32 $0xFFFFFF80  }
0x6e: {  	_ =	swait.ge [sflag:s15], $0x80  }
0x6f: {  	[sflag:s15] =	ssyncset.done $0x0  }
0x70: {  	[sflag:s15] =	ssyncadd.s32 $0xFFFFFF80  }
0x71: {  	_ =	swait.ge [sflag:s15], $0x80  }
0x72: {  	[sflag:s15] =	ssyncset.done $0x0  }
0x73: {  	[sflag:s15] =	ssyncadd.s32 $0xFFFFFF80  }
0x74: {  	_ =	swait.ge [sflag:s15], $0x80  }
0x75: {  	[sflag:s15] =	ssyncset.done $0x0  }
0x76: {  	[sflag:s15] =	ssyncadd.s32 $0xFFFFFF80  }
0x77: {  	_ =	swait.ge [sflag:s15], $0x80  }
0x78: {  	s19 =	simm.s32 @!p0 $0x2780;
	[sflag:s15] =	ssyncset.done $0x0  }
0x79: {  	s18 =	simm.s32 @!p0 $0x2700;
	s17 =	simm.s32 @!p0 $0x80;
	[sflag:s15] =	ssyncadd.s32 $0xFFFFFF80  }
0x7a: {  	[spmem:s3] =	stream.indirect.scatter.add.f32 @!p0 [tilespmem:s19], [sflag:$0x2], $0x1, s18, s17, $0xb8;
	[tilespmem:$0x2A78] =	vst v63  }
0x7b: {  	s17 =	simm.s32 @!p0 $0x2  }
0x7c: {  	_ =	swait.ge @!p0 [sflag:s17], $0x80  }
0x7d: {  	s16 =	sadd.s32 $0x1, s16;
	[sflag:s17] =	ssyncset.done @!p0 $0x0  }
0x7e: {  	p1 =	sne.s32 s16, s10;
	[sflag:s17] =	ssyncadd.s32 @!p0 $0xFFFFFF80  }
.Ltmp1:
0x7f: {  	[bflag:$0x0] =	sbarrier.arrive $0xFFFF;
	(pc) =	sbr.rel @p1 .LBB2_1-.Ltmp1, $4  }
0x80: {  	[hbm:s9], [sflag:s6] =	dma.local [spmem:s11], $0x4F  }
0x81: {  	_ =	swait.ge [sflag:s12], $0x4F  }
0x82: {  	[sflag:s12] =	ssyncset.done $0x0  }
0x83: {  	[sflag:s12] =	ssyncadd.s32 $0xFFFFFFB1  }
0x84: {  	_ =	sfence.sel $0x180000  }
0x85: {  	[bflag:$0x0] =	sbarrier.arrive $0xFFFF  }
0x86: {  	p0 =	sne.s32 s0, $0x0;
	_ =	strace $0x90000047  }
0x87: {  	s0 =	sadd.s32 @!p0 $0x100000, s1;
	[bflag:$0x2] =	sbarrier.arrive $0xFFFF  }
0x88: {  	[sflag:s0] =	ssyncadd.tile.s32 @!p0 $0x1;
	_ =	shalt  }
.Lfunc_end2:
_tile_overlayer_lowered:
.L_overlay_start_2:
0x89: {  	(tag) =	ssettag $0x2  }
0x8a: {  	s0 =	rddreg [dreg:$0x0];
	s2 =	stileid.u32  }
0x8b: {  	s1 =	rddreg [dreg:$0x1];
	p0 =	sne.s32 s2, $0x0  }
0x8c: {  	s3 =	rddreg [dreg:$0x2];
	[bflag:$0x3] =	sbarrier.arrive $0xFFFF;
	s2 =	simm.s32 @!p0 $0x1C02  }
0x8d: {  	[timem:s3], [sflag:s2] =	dma.local @!p0 [hbm:s0], s1  }
0x8e: {  	s0 =	simm.s32 @!p0 $0x2  }
0x8f: {  	_ =	swait.ge @!p0 [sflag:s0], s1  }
0x90: {  	s1 =	ssub.s32 @!p0 $0x0, s1;
	[sflag:s0] =	ssyncset.done @!p0 $0x0  }
0x91: {  	[sflag:s0] =	ssyncadd.s32 @!p0 s1  }
0x92: {  	[bflag:$0x3] =	sbarrier.arrive $0xFFFF  }
0x93: {  	_ =	shalt  }

</sc_bundles>
